<compile_context>
chip_gen: v7x
topology: tpu7x:2x2x1
jax: 0.10.2.dev20260603
libtpu: 0.0.44.dev20260713+nightly
codegen_flags: <defaults>
</compile_context>

<pallas_src>
import functools
import math

import jax
import jax.numpy as jnp
from jax import lax
from jax.experimental import pallas as pl
from jax.experimental.pallas import tpu as pltpu
from jax.experimental.pallas import tpu_sc as plsc

D = 64
SCALE = math.sqrt(D)
V = 1000000

_info = plsc.get_sparse_core_info()
NC, NS, L = _info.num_cores, _info.num_subcores, _info.num_lanes
NW = NC * NS

BW = 128
NBLK = V // BW
TAIL0 = NBLK * BW
PNB = 2


def _iota16():
    return lax.iota(jnp.int32, L)


def _splat(v):
    return jnp.full((L,), v, jnp.int32)


def _transpose_scaled(src2d, dst1d, rows, cols, scale, b=None):
    iot = _iota16()
    lead = [] if b is None else [_splat(b)]

    @plsc.parallel_loop(0, L, unroll=2)
    def _(d):
        dm = (iot + d) & (L - 1)
        sd = dm * rows + iot
        for kb in range(rows // L):
            k0 = kb * L
            ridx = iot + k0
            for cb in range(cols // L):
                c0 = cb * L
                vals = plsc.load_gather(src2d, lead + [ridx, dm + c0])
                if scale is not None:
                    vals = vals * scale
                plsc.store_scatter(dst1d, lead + [sd + (c0 * rows + k0)], vals)


@jax.jit
def _table_prep(lut_t, tail_t):
    mesh = plsc.VectorSubcoreMesh(core_axis_name="c", subcore_axis_name="s")

    @functools.partial(
        pl.kernel,
        mesh=mesh,
        compiler_params=pltpu.CompilerParams(needs_layout_passes=False),
        out_type=jax.ShapeDtypeStruct((V * D,), jnp.float32),
        scratch_types=[
            pltpu.VMEM((PNB, D, BW), jnp.float32),
            pltpu.VMEM((PNB, D * BW), jnp.float32),
            pltpu.VMEM((D, D), jnp.float32),
            pltpu.VMEM((D * D,), jnp.float32),
        ]
        + [pltpu.SemaphoreType.DMA] * (2 * PNB),
    )
    def body(src, tail, dst, vbuf, obuf, tin, tout, *sems):
        isems, osems = sems[:PNB], sems[PNB:]
        wid = lax.axis_index("s") * NC + lax.axis_index("c")

        def start_in(t, b):
            c0 = (wid + NW * t) * BW
            pltpu.make_async_copy(
                src.at[:, pl.ds(c0, BW)], vbuf.at[b], isems[b]
            ).start()

        def wait_in(t, b):
            c0 = (wid + NW * t) * BW
            pltpu.make_async_copy(
                src.at[:, pl.ds(c0, BW)], vbuf.at[b], isems[b]
            ).wait()

        def start_out(t, b):
            e0 = (wid + NW * t) * (BW * D)
            pltpu.make_async_copy(
                obuf.at[b], dst.at[pl.ds(e0, BW * D)], osems[b]
            ).start()

        def wait_out(t, b):
            e0 = (wid + NW * t) * (BW * D)
            pltpu.make_async_copy(
                obuf.at[b], dst.at[pl.ds(e0, BW * D)], osems[b]
            ).wait()

        for b in range(PNB):
            @pl.when(wid + NW * b < NBLK)
            def _():
                start_in(b, b)

        def group(tt, _):
            for b in range(PNB):
                t = PNB * tt + b
                blk = wid + NW * t

                @pl.when(blk < NBLK)
                def _():
                    wait_in(t, b)

                    @pl.when(t >= PNB)
                    def _():
                        wait_out(t - PNB, b)

                    _transpose_scaled(vbuf, obuf, D, BW, SCALE, b=b)
                    start_out(t, b)

                    @pl.when(wid + NW * (t + PNB) < NBLK)
                    def _():
                        start_in(t + PNB, b)

            return 0

        lax.fori_loop(0, 123, group, 0)

        nblk_w = (NBLK - wid + NW - 1) // NW
        for b in range(PNB):
            @pl.when(nblk_w > b)
            def _():
                t_b = ((nblk_w - 1 - b) // PNB) * PNB + b
                wait_out(t_b, b)

        @pl.when(wid == 0)
        def _():
            pltpu.sync_copy(tail, tin)
            _transpose_scaled(tin, tout, D, D, SCALE)
            pltpu.sync_copy(tout, dst.at[pl.ds(TAIL0 * D, D * D)])

    return body(lut_t, tail_t)


NB = 4
TPW = 200


@jax.jit
def _gather_tr(tbl, xv):
    mesh = plsc.VectorSubcoreMesh(core_axis_name="c", subcore_axis_name="s")

    @functools.partial(
        pl.kernel,
        mesh=mesh,
        compiler_params=pltpu.CompilerParams(
            use_tc_tiling_on_sc=False, needs_layout_passes=False
        ),
        out_type=jax.ShapeDtypeStruct((200 * 8 * 32 * 8 * 128,), jnp.float32),
        scratch_types=[
            pltpu.VMEM((25, 8, 128), jnp.int32),
            pltpu.VMEM((NB, 128, D), jnp.float32),
            pltpu.VMEM((NB, 128 * D), jnp.float32),
        ]
        + [pltpu.SemaphoreType.DMA] * (2 * NB),
    )
    def body(tbl_hbm, xv_hbm, out_hbm, idx_v, rows_v, tbuf, *sems):
        gsems, wsems = sems[:NB], sems[NB:]
        wid = lax.axis_index("s") * NC + lax.axis_index("c")

        pltpu.sync_copy(xv_hbm.at[pl.ds(wid * 25, 25)], idx_v)

        def task_coords(t):
            lg, jl = t // 8, t % 8
            g = wid * 25 + lg
            jh, ih = g // 32, g % 32
            return lg, jl, jh * 8 + jl, ih

        def start_gather(t, b):
            lg, jl, _, _ = task_coords(t)
            pltpu.make_async_copy(
                tbl_hbm.at[idx_v.at[lg, jl]], rows_v.at[b], gsems[b]
            ).start()

        def wait_gather(t, b):
            lg, jl, _, _ = task_coords(t)
            pltpu.make_async_copy(
                tbl_hbm.at[idx_v.at[lg, jl]], rows_v.at[b], gsems[b]
            ).wait()

        def start_write(t, b):
            _, _, j, ih = task_coords(t)
            for kh in range(8):
                off = ((j * 8 + kh) * 32 + ih) * 1024
                pltpu.make_async_copy(
                    tbuf.at[b, pl.ds(kh * 1024, 1024)],
                    out_hbm.at[pl.ds(off, 1024)],
                    wsems[b],
                ).start()

        def wait_write(t, b):
            _, _, j, ih = task_coords(t)
            for kh in range(8):
                off = ((j * 8 + kh) * 32 + ih) * 1024
                pltpu.make_async_copy(
                    tbuf.at[b, pl.ds(kh * 1024, 1024)],
                    out_hbm.at[pl.ds(off, 1024)],
                    wsems[b],
                ).wait()

        for b in range(NB):
            start_gather(b, b)

        def group(tt, _):
            for b in range(NB):
                t = NB * tt + b

                @pl.when(t < TPW)
                def _():
                    wait_gather(t, b)

                    @pl.when(t >= NB)
                    def _():
                        wait_write(t - NB, b)

                    _transpose_scaled(rows_v, tbuf, 128, D, None, b=b)
                    start_write(t, b)

                    @pl.when(t + NB < TPW)
                    def _():
                        start_gather(t + NB, b)

            return 0

        lax.fori_loop(0, (TPW + NB - 1) // NB, group, 0)

        for b in range(NB):
            wait_write(TPW - NB + b, b)

    return body(tbl, xv)


def kernel(x, lut):
    xi = x.astype(jnp.int32)
    tbl_flat = _table_prep(lut.T, lut[TAIL0:].T)
    tbl = tbl_flat.reshape(V, D)
    xv = xi.reshape(32, 128, 25, 8).transpose(2, 0, 3, 1).reshape(800, 8, 128)
    out5 = _gather_tr(tbl, xv).reshape(200, 8, 32, 8, 128)
    return out5.transpose(2, 4, 0, 1, 3).reshape(4096, 200, D)

# --- scband reference (transcript-rebuilt; emitter-appended) ---
"""Pipeline reference for scband-embeddings-72980084293695 (READ-ONLY COPY).

The authoritative reference and input builder live on the scoring server;
editing this copy changes nothing except your own understanding.
"""

import jax, jax.numpy as jnp
import numpy as np
import math

D_MODEL = 64
VOCAB = 1000000

def setup_inputs(seed: int = 0) -> dict:
    key = jax.random.key(seed)
    k1, k2 = jax.random.split(key)
    x = jax.random.randint(k1, (4096, 200), 0, VOCAB, dtype=jnp.int64) if jax.config.jax_enable_x64 else jax.random.randint(k1, (4096, 200), 0, VOCAB, dtype=jnp.int32)
    lut = jax.random.normal(k2, (VOCAB, D_MODEL), dtype=jnp.float32)
    return {"x": x, "lut": lut}

def reference(x, lut):
    # Faithful to: self.lut(x) * math.sqrt(self.d_model)
    emb = jnp.take(lut, x, axis=0)
    return emb * math.sqrt(D_MODEL)

if __name__ == "__main__":
    import jax
    _d = setup_inputs()
    print(jax.jit(kernel)(*tuple(_d.values())))

</pallas_src>

<mosaic_0001>
#map = affine_map<(d0, d1) -> (0, 0)>
#map1 = affine_map<(d0, d1) -> (0)>
module attributes {stable_mosaic.version = 14 : i64} {
  func.func @body(%arg0: i32, %arg1: i32, %arg2: memref<64x1000000xf32, #tpu.memory_space<hbm>>, %arg3: memref<64x64xf32, #tpu.memory_space<hbm>>, %arg4: memref<64000000xf32, #tpu.memory_space<hbm>>, %arg5: memref<2x64x128xf32, #tpu.memory_space<vmem>>, %arg6: memref<2x8192xf32, #tpu.memory_space<vmem>>, %arg7: memref<64x64xf32, #tpu.memory_space<vmem>>, %arg8: memref<4096xf32, #tpu.memory_space<vmem>>, %arg9: memref<!tpu.dma_semaphore, #tpu.memory_space<semaphore_mem>>, %arg10: memref<!tpu.dma_semaphore, #tpu.memory_space<semaphore_mem>>, %arg11: memref<!tpu.dma_semaphore, #tpu.memory_space<semaphore_mem>>, %arg12: memref<!tpu.dma_semaphore, #tpu.memory_space<semaphore_mem>>) attributes {dimension_semantics = [#tpu.dimension_semantics<core_parallel>, #tpu.dimension_semantics<subcore_parallel>], iteration_bounds = array<i64: 2, 16>, scalar_prefetch = 0 : i64, scratch_operands = 8 : i64, tpu.core_type = #tpu.core_type<sc_vector_subcore>, window_params = [{transform_indices = #map}, {transform_indices = #map}, {transform_indices = #map1}]} {
    %mul3A = arith.constant 2 : i32
    %mul3A_0 = arith.muli %arg1, %mul3A : i32
    %add3A = arith.addi %mul3A_0, %arg0 : i32
    %add3A_1 = arith.constant 0 : i32
    %add3A_2 = arith.addi %add3A, %add3A_1 : i32
    %lt3A = arith.constant 7812 : i32
    %lt3A_3 = arith.cmpi slt, %add3A_2, %lt3A : i32
    %convert_element_type3A = arith.extui %lt3A_3 : i1 to i32
    %cond3A = arith.constant 0 : i32
    %cond3A_4 = arith.cmpi ne, %convert_element_type3A, %cond3A : i32
    scf.if %cond3A_4 {
      %add3A_53 = arith.constant 0 : i32
      %add3A_54 = arith.addi %add3A, %add3A_53 : i32
      %mul3A_55 = arith.constant 128 : i32
      %mul3A_56 = arith.muli %add3A_54, %mul3A_55 : i32
      %dma_start3A = arith.constant 0 : i32
      %dma_start3A_57 = arith.constant 0 : i32
      %dma_start3A_58 = arith.constant 0 : i32
      %dma_start3A_59 = tpu.memref_slice %arg5[%dma_start3A, %dma_start3A_57, %dma_start3A_58] : memref<2x64x128xf32, #tpu.memory_space<vmem>> -> memref<1x64x128xf32, #tpu.memory_space<vmem>>
      %dma_start3A_60 = tpu.memref_squeeze %dma_start3A_59 : memref<1x64x128xf32, #tpu.memory_space<vmem>> -> memref<64x128xf32, #tpu.memory_space<vmem>>
      %dma_start3A_61 = arith.constant 0 : i32
      %dma_start3A_62 = tpu.memref_slice %arg2[%dma_start3A_61, %mul3A_56] : memref<64x1000000xf32, #tpu.memory_space<hbm>> -> memref<64x128xf32, #tpu.memory_space<hbm>>
      %dma_start3A_63 = arith.constant 0 : i32
      %dma_start3A_64 = arith.constant 0 : i32
      %dma_start3A_65 = tpu.memref_slice %arg5[%dma_start3A, %dma_start3A_63, %dma_start3A_64] : memref<2x64x128xf32, #tpu.memory_space<vmem>> -> memref<1x64x128xf32, #tpu.memory_space<vmem>>
      %dma_start3A_66 = tpu.memref_squeeze %dma_start3A_65 : memref<1x64x128xf32, #tpu.memory_space<vmem>> -> memref<64x128xf32, #tpu.memory_space<vmem>>
      %dma_start3A_67 = arith.constant 0 : i32
      %dma_start3A_68 = tpu.memref_slice %arg2[%dma_start3A_67, %mul3A_56] : memref<64x1000000xf32, #tpu.memory_space<hbm>> -> memref<64x128xf32, #tpu.memory_space<hbm>>
      tpu.enqueue_dma source(%dma_start3A_68 : memref<64x128xf32, #tpu.memory_space<hbm>>) target(%dma_start3A_66 : memref<64x128xf32, #tpu.memory_space<vmem>>) target_semaphore(%arg9 : memref<!tpu.dma_semaphore, #tpu.memory_space<semaphore_mem>>)
    } else {
    }
    %add3A_5 = arith.constant 32 : i32
    %add3A_6 = arith.addi %add3A, %add3A_5 : i32
    %lt3A_7 = arith.constant 7812 : i32
    %lt3A_8 = arith.cmpi slt, %add3A_6, %lt3A_7 : i32
    %convert_element_type3A_9 = arith.extui %lt3A_8 : i1 to i32
    %cond3A_10 = arith.constant 0 : i32
    %cond3A_11 = arith.cmpi ne, %convert_element_type3A_9, %cond3A_10 : i32
    scf.if %cond3A_11 {
      %add3A_53 = arith.constant 32 : i32
      %add3A_54 = arith.addi %add3A, %add3A_53 : i32
      %mul3A_55 = arith.constant 128 : i32
      %mul3A_56 = arith.muli %add3A_54, %mul3A_55 : i32
      %dma_start3A = arith.constant 1 : i32
      %dma_start3A_57 = arith.constant 0 : i32
      %dma_start3A_58 = arith.constant 0 : i32
      %dma_start3A_59 = tpu.memref_slice %arg5[%dma_start3A, %dma_start3A_57, %dma_start3A_58] : memref<2x64x128xf32, #tpu.memory_space<vmem>> -> memref<1x64x128xf32, #tpu.memory_space<vmem>>
      %dma_start3A_60 = tpu.memref_squeeze %dma_start3A_59 : memref<1x64x128xf32, #tpu.memory_space<vmem>> -> memref<64x128xf32, #tpu.memory_space<vmem>>
      %dma_start3A_61 = arith.constant 0 : i32
      %dma_start3A_62 = tpu.memref_slice %arg2[%dma_start3A_61, %mul3A_56] : memref<64x1000000xf32, #tpu.memory_space<hbm>> -> memref<64x128xf32, #tpu.memory_space<hbm>>
      %dma_start3A_63 = arith.constant 0 : i32
      %dma_start3A_64 = arith.constant 0 : i32
      %dma_start3A_65 = tpu.memref_slice %arg5[%dma_start3A, %dma_start3A_63, %dma_start3A_64] : memref<2x64x128xf32, #tpu.memory_space<vmem>> -> memref<1x64x128xf32, #tpu.memory_space<vmem>>
      %dma_start3A_66 = tpu.memref_squeeze %dma_start3A_65 : memref<1x64x128xf32, #tpu.memory_space<vmem>> -> memref<64x128xf32, #tpu.memory_space<vmem>>
      %dma_start3A_67 = arith.constant 0 : i32
      %dma_start3A_68 = tpu.memref_slice %arg2[%dma_start3A_67, %mul3A_56] : memref<64x1000000xf32, #tpu.memory_space<hbm>> -> memref<64x128xf32, #tpu.memory_space<hbm>>
      tpu.enqueue_dma source(%dma_start3A_68 : memref<64x128xf32, #tpu.memory_space<hbm>>) target(%dma_start3A_66 : memref<64x128xf32, #tpu.memory_space<vmem>>) target_semaphore(%arg10 : memref<!tpu.dma_semaphore, #tpu.memory_space<semaphore_mem>>)
    } else {
    }
    %scan3A = arith.constant 0 : i32
    %scan3A_12 = arith.constant 0 : i32
    %scan3A_13 = arith.constant 123 : i32
    %scan3A_14 = arith.addi %scan3A_12, %scan3A_13 : i32
    %scan3A_15 = arith.constant 1 : i32
    %scan3A_16 = scf.for %scan3A_53 = %scan3A_12 to %scan3A_14 step %scan3A_15 iter_args(%scan3A_54 = %scan3A) -> (i32)  : i32 {
      %mul3A_55 = arith.constant 2 : i32
      %mul3A_56 = arith.muli %mul3A_55, %scan3A_53 : i32
      %add3A_57 = arith.constant 0 : i32
      %add3A_58 = arith.addi %mul3A_56, %add3A_57 : i32
      %mul3A_59 = arith.constant 32 : i32
      %mul3A_60 = arith.muli %mul3A_59, %add3A_58 : i32
      %add3A_61 = arith.addi %add3A, %mul3A_60 : i32
      %lt3A_62 = arith.constant 7812 : i32
      %lt3A_63 = arith.cmpi slt, %add3A_61, %lt3A_62 : i32
      %convert_element_type3A_64 = arith.extui %lt3A_63 : i1 to i32
      %cond3A_65 = arith.constant 0 : i32
      %cond3A_66 = arith.cmpi ne, %convert_element_type3A_64, %cond3A_65 : i32
      scf.if %cond3A_66 {
        %mul3A_80 = arith.constant 32 : i32
        %mul3A_81 = arith.muli %mul3A_80, %add3A_58 : i32
        %add3A_82 = arith.addi %add3A, %mul3A_81 : i32
        %mul3A_83 = arith.constant 128 : i32
        %mul3A_84 = arith.muli %add3A_82, %mul3A_83 : i32
        %dma_wait3A = arith.constant 0 : i32
        %dma_wait3A_85 = arith.constant 0 : i32
        %dma_wait3A_86 = arith.constant 0 : i32
        %dma_wait3A_87 = tpu.memref_slice %arg5[%dma_wait3A, %dma_wait3A_85, %dma_wait3A_86] : memref<2x64x128xf32, #tpu.memory_space<vmem>> -> memref<1x64x128xf32, #tpu.memory_space<vmem>>
        %dma_wait3A_88 = tpu.memref_squeeze %dma_wait3A_87 : memref<1x64x128xf32, #tpu.memory_space<vmem>> -> memref<64x128xf32, #tpu.memory_space<vmem>>
        %dma_wait3A_89 = arith.constant 0 : i32
        %dma_wait3A_90 = tpu.memref_slice %arg2[%dma_wait3A_89, %mul3A_84] : memref<64x1000000xf32, #tpu.memory_space<hbm>> -> memref<64x128xf32, #tpu.memory_space<hbm>>
        %dma_wait3A_91 = arith.constant 0 : i32
        %dma_wait3A_92 = arith.constant 0 : i32
        %dma_wait3A_93 = tpu.memref_slice %arg5[%dma_wait3A, %dma_wait3A_91, %dma_wait3A_92] : memref<2x64x128xf32, #tpu.memory_space<vmem>> -> memref<1x64x128xf32, #tpu.memory_space<vmem>>
        %dma_wait3A_94 = tpu.memref_squeeze %dma_wait3A_93 : memref<1x64x128xf32, #tpu.memory_space<vmem>> -> memref<64x128xf32, #tpu.memory_space<vmem>>
        %dma_wait3A_95 = arith.constant 0 : i32
        %dma_wait3A_96 = tpu.memref_slice %arg2[%dma_wait3A_95, %mul3A_84] : memref<64x1000000xf32, #tpu.memory_space<hbm>> -> memref<64x128xf32, #tpu.memory_space<hbm>>
        tpu.wait_dma2 semaphore(%arg9 : memref<!tpu.dma_semaphore, #tpu.memory_space<semaphore_mem>>) src(%dma_wait3A_96 : memref<64x128xf32, #tpu.memory_space<hbm>>) dst(%dma_wait3A_94 : memref<64x128xf32, #tpu.memory_space<vmem>>)
        %ge3A = arith.constant 2 : i32
        %ge3A_97 = arith.cmpi sge, %add3A_58, %ge3A : i32
        %convert_element_type3A_98 = arith.extui %ge3A_97 : i1 to i32
        %cond3A_99 = arith.constant 0 : i32
        %cond3A_100 = arith.cmpi ne, %convert_element_type3A_98, %cond3A_99 : i32
        scf.if %cond3A_100 {
          %sub3A_127 = arith.constant 2 : i32
          %sub3A_128 = arith.subi %add3A_58, %sub3A_127 : i32
          %mul3A_129 = arith.constant 32 : i32
          %mul3A_130 = arith.muli %mul3A_129, %sub3A_128 : i32
          %add3A_131 = arith.addi %add3A, %mul3A_130 : i32
          %mul3A_132 = arith.constant 8192 : i32
          %mul3A_133 = arith.muli %add3A_131, %mul3A_132 : i32
          %dma_wait3A_134 = arith.constant 0 : i32
          %dma_wait3A_135 = arith.constant 0 : i32
          %dma_wait3A_136 = tpu.memref_slice %arg6[%dma_wait3A_134, %dma_wait3A_135] : memref<2x8192xf32, #tpu.memory_space<vmem>> -> memref<1x8192xf32, #tpu.memory_space<vmem>>
          %dma_wait3A_137 = tpu.memref_squeeze %dma_wait3A_136 : memref<1x8192xf32, #tpu.memory_space<vmem>> -> memref<8192xf32, #tpu.memory_space<vmem>>
          %dma_wait3A_138 = tpu.memref_slice %arg4[%mul3A_133] : memref<64000000xf32, #tpu.memory_space<hbm>> -> memref<8192xf32, #tpu.memory_space<hbm>>
          %dma_wait3A_139 = tpu.memref_slice %arg4[%mul3A_133] : memref<64000000xf32, #tpu.memory_space<hbm>> -> memref<8192xf32, #tpu.memory_space<hbm>>
          %dma_wait3A_140 = arith.constant 0 : i32
          %dma_wait3A_141 = tpu.memref_slice %arg6[%dma_wait3A_134, %dma_wait3A_140] : memref<2x8192xf32, #tpu.memory_space<vmem>> -> memref<1x8192xf32, #tpu.memory_space<vmem>>
          %dma_wait3A_142 = tpu.memref_squeeze %dma_wait3A_141 : memref<1x8192xf32, #tpu.memory_space<vmem>> -> memref<8192xf32, #tpu.memory_space<vmem>>
          tpu.wait_dma2 semaphore(%arg11 : memref<!tpu.dma_semaphore, #tpu.memory_space<semaphore_mem>>) src(%dma_wait3A_142 : memref<8192xf32, #tpu.memory_space<vmem>>) dst(%dma_wait3A_139 : memref<8192xf32, #tpu.memory_space<hbm>>)
        } else {
        }
        %iota3A = tpu.iota {dimensions = array<i32: 0>} : vector<16xi32>
        %broadcast_in_dim3A = arith.constant 0 : i32
        %broadcast_in_dim3A_101 = vector.broadcast %broadcast_in_dim3A : i32 to vector<16xi32>
        %parallel_loop3A = arith.constant 0 : i32
        %parallel_loop3A_102 = arith.constant 16 : i32
        %parallel_loop3A_103 = arith.constant 1 : i32
        scf.for %parallel_loop3A_127 = %parallel_loop3A to %parallel_loop3A_102 step %parallel_loop3A_103  : i32 {
          %parallel_loop3A_128 = vector.broadcast %parallel_loop3A_127 : i32 to vector<16xi32>
          %parallel_loop3A_129 = arith.addi %iota3A, %parallel_loop3A_128 : vector<16xi32>
          %parallel_loop3A_130 = arith.constant 15 : i32
          %parallel_loop3A_131 = vector.broadcast %parallel_loop3A_130 : i32 to vector<16xi32>
          %parallel_loop3A_132 = arith.andi %parallel_loop3A_129, %parallel_loop3A_131 : vector<16xi32>
          %parallel_loop3A_133 = arith.constant 64 : i32
          %parallel_loop3A_134 = vector.broadcast %parallel_loop3A_133 : i32 to vector<16xi32>
          %parallel_loop3A_135 = arith.muli %parallel_loop3A_132, %parallel_loop3A_134 : vector<16xi32>
          %parallel_loop3A_136 = arith.addi %parallel_loop3A_135, %iota3A : vector<16xi32>
          %parallel_loop3A_137 = arith.constant 0 : i32
          %parallel_loop3A_138 = vector.broadcast %parallel_loop3A_137 : i32 to vector<16xi32>
          %parallel_loop3A_139 = arith.addi %iota3A, %parallel_loop3A_138 : vector<16xi32>
          %parallel_loop3A_140 = arith.constant 0 : i32
          %parallel_loop3A_141 = vector.broadcast %parallel_loop3A_140 : i32 to vector<16xi32>
          %parallel_loop3A_142 = arith.addi %parallel_loop3A_132, %parallel_loop3A_141 : vector<16xi32>
          %parallel_loop3A_143 = tpu.vector_load_idx %arg5[%broadcast_in_dim3A_101, %parallel_loop3A_139, %parallel_loop3A_142] : memref<2x64x128xf32, #tpu.memory_space<vmem>>[vector<16xi32>, vector<16xi32>, vector<16xi32>], vector<16xf32>,
          %parallel_loop3A_144 = arith.constant 8.000000e+00 : f32
          %parallel_loop3A_145 = vector.broadcast %parallel_loop3A_144 : f32 to vector<16xf32>
          %parallel_loop3A_146 = arith.mulf %parallel_loop3A_143, %parallel_loop3A_145 : vector<16xf32>
          %parallel_loop3A_147 = arith.constant 0 : i32
          %parallel_loop3A_148 = vector.broadcast %parallel_loop3A_147 : i32 to vector<16xi32>
          %parallel_loop3A_149 = arith.addi %parallel_loop3A_136, %parallel_loop3A_148 : vector<16xi32>
          tpu.vector_store_idx %arg6[%broadcast_in_dim3A_101, %parallel_loop3A_149], %parallel_loop3A_146 : memref<2x8192xf32, #tpu.memory_space<vmem>>[vector<16xi32>, vector<16xi32>], vector<16xf32>,
          %parallel_loop3A_150 = arith.constant 16 : i32
          %parallel_loop3A_151 = vector.broadcast %parallel_loop3A_150 : i32 to vector<16xi32>
          %parallel_loop3A_152 = arith.addi %parallel_loop3A_132, %parallel_loop3A_151 : vector<16xi32>
          %parallel_loop3A_153 = tpu.vector_load_idx %arg5[%broadcast_in_dim3A_101, %parallel_loop3A_139, %parallel_loop3A_152] : memref<2x64x128xf32, #tpu.memory_space<vmem>>[vector<16xi32>, vector<16xi32>, vector<16xi32>], vector<16xf32>,
          %parallel_loop3A_154 = arith.constant 8.000000e+00 : f32
          %parallel_loop3A_155 = vector.broadcast %parallel_loop3A_154 : f32 to vector<16xf32>
          %parallel_loop3A_156 = arith.mulf %parallel_loop3A_153, %parallel_loop3A_155 : vector<16xf32>
          %parallel_loop3A_157 = arith.constant 1024 : i32
          %parallel_loop3A_158 = vector.broadcast %parallel_loop3A_157 : i32 to vector<16xi32>
          %parallel_loop3A_159 = arith.addi %parallel_loop3A_136, %parallel_loop3A_158 : vector<16xi32>
          tpu.vector_store_idx %arg6[%broadcast_in_dim3A_101, %parallel_loop3A_159], %parallel_loop3A_156 : memref<2x8192xf32, #tpu.memory_space<vmem>>[vector<16xi32>, vector<16xi32>], vector<16xf32>,
          %parallel_loop3A_160 = arith.constant 32 : i32
          %parallel_loop3A_161 = vector.broadcast %parallel_loop3A_160 : i32 to vector<16xi32>
          %parallel_loop3A_162 = arith.addi %parallel_loop3A_132, %parallel_loop3A_161 : vector<16xi32>
          %parallel_loop3A_163 = tpu.vector_load_idx %arg5[%broadcast_in_dim3A_101, %parallel_loop3A_139, %parallel_loop3A_162] : memref<2x64x128xf32, #tpu.memory_space<vmem>>[vector<16xi32>, vector<16xi32>, vector<16xi32>], vector<16xf32>,
          %parallel_loop3A_164 = arith.constant 8.000000e+00 : f32
          %parallel_loop3A_165 = vector.broadcast %parallel_loop3A_164 : f32 to vector<16xf32>
          %parallel_loop3A_166 = arith.mulf %parallel_loop3A_163, %parallel_loop3A_165 : vector<16xf32>
          %parallel_loop3A_167 = arith.constant 2048 : i32
          %parallel_loop3A_168 = vector.broadcast %parallel_loop3A_167 : i32 to vector<16xi32>
          %parallel_loop3A_169 = arith.addi %parallel_loop3A_136, %parallel_loop3A_168 : vector<16xi32>
          tpu.vector_store_idx %arg6[%broadcast_in_dim3A_101, %parallel_loop3A_169], %parallel_loop3A_166 : memref<2x8192xf32, #tpu.memory_space<vmem>>[vector<16xi32>, vector<16xi32>], vector<16xf32>,
          %parallel_loop3A_170 = arith.constant 48 : i32
          %parallel_loop3A_171 = vector.broadcast %parallel_loop3A_170 : i32 to vector<16xi32>
          %parallel_loop3A_172 = arith.addi %parallel_loop3A_132, %parallel_loop3A_171 : vector<16xi32>
          %parallel_loop3A_173 = tpu.vector_load_idx %arg5[%broadcast_in_dim3A_101, %parallel_loop3A_139, %parallel_loop3A_172] : memref<2x64x128xf32, #tpu.memory_space<vmem>>[vector<16xi32>, vector<16xi32>, vector<16xi32>], vector<16xf32>,
          %parallel_loop3A_174 = arith.constant 8.000000e+00 : f32
          %parallel_loop3A_175 = vector.broadcast %parallel_loop3A_174 : f32 to vector<16xf32>
          %parallel_loop3A_176 = arith.mulf %parallel_loop3A_173, %parallel_loop3A_175 : vector<16xf32>
          %parallel_loop3A_177 = arith.constant 3072 : i32
          %parallel_loop3A_178 = vector.broadcast %parallel_loop3A_177 : i32 to vector<16xi32>
          %parallel_loop3A_179 = arith.addi %parallel_loop3A_136, %parallel_loop3A_178 : vector<16xi32>
          tpu.vector_store_idx %arg6[%broadcast_in_dim3A_101, %parallel_loop3A_179], %parallel_loop3A_176 : memref<2x8192xf32, #tpu.memory_space<vmem>>[vector<16xi32>, vector<16xi32>], vector<16xf32>,
          %parallel_loop3A_180 = arith.constant 64 : i32
          %parallel_loop3A_181 = vector.broadcast %parallel_loop3A_180 : i32 to vector<16xi32>
          %parallel_loop3A_182 = arith.addi %parallel_loop3A_132, %parallel_loop3A_181 : vector<16xi32>
          %parallel_loop3A_183 = tpu.vector_load_idx %arg5[%broadcast_in_dim3A_101, %parallel_loop3A_139, %parallel_loop3A_182] : memref<2x64x128xf32, #tpu.memory_space<vmem>>[vector<16xi32>, vector<16xi32>, vector<16xi32>], vector<16xf32>,
          %parallel_loop3A_184 = arith.constant 8.000000e+00 : f32
          %parallel_loop3A_185 = vector.broadcast %parallel_loop3A_184 : f32 to vector<16xf32>
          %parallel_loop3A_186 = arith.mulf %parallel_loop3A_183, %parallel_loop3A_185 : vector<16xf32>
          %parallel_loop3A_187 = arith.constant 4096 : i32
          %parallel_loop3A_188 = vector.broadcast %parallel_loop3A_187 : i32 to vector<16xi32>
          %parallel_loop3A_189 = arith.addi %parallel_loop3A_136, %parallel_loop3A_188 : vector<16xi32>
          tpu.vector_store_idx %arg6[%broadcast_in_dim3A_101, %parallel_loop3A_189], %parallel_loop3A_186 : memref<2x8192xf32, #tpu.memory_space<vmem>>[vector<16xi32>, vector<16xi32>], vector<16xf32>,
          %parallel_loop3A_190 = arith.constant 80 : i32
          %parallel_loop3A_191 = vector.broadcast %parallel_loop3A_190 : i32 to vector<16xi32>
          %parallel_loop3A_192 = arith.addi %parallel_loop3A_132, %parallel_loop3A_191 : vector<16xi32>
          %parallel_loop3A_193 = tpu.vector_load_idx %arg5[%broadcast_in_dim3A_101, %parallel_loop3A_139, %parallel_loop3A_192] : memref<2x64x128xf32, #tpu.memory_space<vmem>>[vector<16xi32>, vector<16xi32>, vector<16xi32>], vector<16xf32>,
          %parallel_loop3A_194 = arith.constant 8.000000e+00 : f32
          %parallel_loop3A_195 = vector.broadcast %parallel_loop3A_194 : f32 to vector<16xf32>
          %parallel_loop3A_196 = arith.mulf %parallel_loop3A_193, %parallel_loop3A_195 : vector<16xf32>
          %parallel_loop3A_197 = arith.constant 5120 : i32
          %parallel_loop3A_198 = vector.broadcast %parallel_loop3A_197 : i32 to vector<16xi32>
          %parallel_loop3A_199 = arith.addi %parallel_loop3A_136, %parallel_loop3A_198 : vector<16xi32>
          tpu.vector_store_idx %arg6[%broadcast_in_dim3A_101, %parallel_loop3A_199], %parallel_loop3A_196 : memref<2x8192xf32, #tpu.memory_space<vmem>>[vector<16xi32>, vector<16xi32>], vector<16xf32>,
          %parallel_loop3A_200 = arith.constant 96 : i32
          %parallel_loop3A_201 = vector.broadcast %parallel_loop3A_200 : i32 to vector<16xi32>
          %parallel_loop3A_202 = arith.addi %parallel_loop3A_132, %parallel_loop3A_201 : vector<16xi32>
          %parallel_loop3A_203 = tpu.vector_load_idx %arg5[%broadcast_in_dim3A_101, %parallel_loop3A_139, %parallel_loop3A_202] : memref<2x64x128xf32, #tpu.memory_space<vmem>>[vector<16xi32>, vector<16xi32>, vector<16xi32>], vector<16xf32>,
          %parallel_loop3A_204 = arith.constant 8.000000e+00 : f32
          %parallel_loop3A_205 = vector.broadcast %parallel_loop3A_204 : f32 to vector<16xf32>
          %parallel_loop3A_206 = arith.mulf %parallel_loop3A_203, %parallel_loop3A_205 : vector<16xf32>
          %parallel_loop3A_207 = arith.constant 6144 : i32
          %parallel_loop3A_208 = vector.broadcast %parallel_loop3A_207 : i32 to vector<16xi32>
          %parallel_loop3A_209 = arith.addi %parallel_loop3A_136, %parallel_loop3A_208 : vector<16xi32>
          tpu.vector_store_idx %arg6[%broadcast_in_dim3A_101, %parallel_loop3A_209], %parallel_loop3A_206 : memref<2x8192xf32, #tpu.memory_space<vmem>>[vector<16xi32>, vector<16xi32>], vector<16xf32>,
          %parallel_loop3A_210 = arith.constant 112 : i32
          %parallel_loop3A_211 = vector.broadcast %parallel_loop3A_210 : i32 to vector<16xi32>
          %parallel_loop3A_212 = arith.addi %parallel_loop3A_132, %parallel_loop3A_211 : vector<16xi32>
          %parallel_loop3A_213 = tpu.vector_load_idx %arg5[%broadcast_in_dim3A_101, %parallel_loop3A_139, %parallel_loop3A_212] : memref<2x64x128xf32, #tpu.memory_space<vmem>>[vector<16xi32>, vector<16xi32>, vector<16xi32>], vector<16xf32>,
          %parallel_loop3A_214 = arith.constant 8.000000e+00 : f32
          %parallel_loop3A_215 = vector.broadcast %parallel_loop3A_214 : f32 to vector<16xf32>
          %parallel_loop3A_216 = arith.mulf %parallel_loop3A_213, %parallel_loop3A_215 : vector<16xf32>
          %parallel_loop3A_217 = arith.constant 7168 : i32
          %parallel_loop3A_218 = vector.broadcast %parallel_loop3A_217 : i32 to vector<16xi32>
          %parallel_loop3A_219 = arith.addi %parallel_loop3A_136, %parallel_loop3A_218 : vector<16xi32>
          tpu.vector_store_idx %arg6[%broadcast_in_dim3A_101, %parallel_loop3A_219], %parallel_loop3A_216 : memref<2x8192xf32, #tpu.memory_space<vmem>>[vector<16xi32>, vector<16xi32>], vector<16xf32>,
          %parallel_loop3A_220 = arith.constant 16 : i32
          %parallel_loop3A_221 = vector.broadcast %parallel_loop3A_220 : i32 to vector<16xi32>
          %parallel_loop3A_222 = arith.addi %iota3A, %parallel_loop3A_221 : vector<16xi32>
          %parallel_loop3A_223 = arith.constant 0 : i32
          %parallel_loop3A_224 = vector.broadcast %parallel_loop3A_223 : i32 to vector<16xi32>
          %parallel_loop3A_225 = arith.addi %parallel_loop3A_132, %parallel_loop3A_224 : vector<16xi32>
          %parallel_loop3A_226 = tpu.vector_load_idx %arg5[%broadcast_in_dim3A_101, %parallel_loop3A_222, %parallel_loop3A_225] : memref<2x64x128xf32, #tpu.memory_space<vmem>>[vector<16xi32>, vector<16xi32>, vector<16xi32>], vector<16xf32>,
          %parallel_loop3A_227 = arith.constant 8.000000e+00 : f32
          %parallel_loop3A_228 = vector.broadcast %parallel_loop3A_227 : f32 to vector<16xf32>
          %parallel_loop3A_229 = arith.mulf %parallel_loop3A_226, %parallel_loop3A_228 : vector<16xf32>
          %parallel_loop3A_230 = arith.constant 16 : i32
          %parallel_loop3A_231 = vector.broadcast %parallel_loop3A_230 : i32 to vector<16xi32>
          %parallel_loop3A_232 = arith.addi %parallel_loop3A_136, %parallel_loop3A_231 : vector<16xi32>
          tpu.vector_store_idx %arg6[%broadcast_in_dim3A_101, %parallel_loop3A_232], %parallel_loop3A_229 : memref<2x8192xf32, #tpu.memory_space<vmem>>[vector<16xi32>, vector<16xi32>], vector<16xf32>,
          %parallel_loop3A_233 = arith.constant 16 : i32
          %parallel_loop3A_234 = vector.broadcast %parallel_loop3A_233 : i32 to vector<16xi32>
          %parallel_loop3A_235 = arith.addi %parallel_loop3A_132, %parallel_loop3A_234 : vector<16xi32>
          %parallel_loop3A_236 = tpu.vector_load_idx %arg5[%broadcast_in_dim3A_101, %parallel_loop3A_222, %parallel_loop3A_235] : memref<2x64x128xf32, #tpu.memory_space<vmem>>[vector<16xi32>, vector<16xi32>, vector<16xi32>], vector<16xf32>,
          %parallel_loop3A_237 = arith.constant 8.000000e+00 : f32
          %parallel_loop3A_238 = vector.broadcast %parallel_loop3A_237 : f32 to vector<16xf32>
          %parallel_loop3A_239 = arith.mulf %parallel_loop3A_236, %parallel_loop3A_238 : vector<16xf32>
          %parallel_loop3A_240 = arith.constant 1040 : i32
          %parallel_loop3A_241 = vector.broadcast %parallel_loop3A_240 : i32 to vector<16xi32>
          %parallel_loop3A_242 = arith.addi %parallel_loop3A_136, %parallel_loop3A_241 : vector<16xi32>
          tpu.vector_store_idx %arg6[%broadcast_in_dim3A_101, %parallel_loop3A_242], %parallel_loop3A_239 : memref<2x8192xf32, #tpu.memory_space<vmem>>[vector<16xi32>, vector<16xi32>], vector<16xf32>,
          %parallel_loop3A_243 = arith.constant 32 : i32
          %parallel_loop3A_244 = vector.broadcast %parallel_loop3A_243 : i32 to vector<16xi32>
          %parallel_loop3A_245 = arith.addi %parallel_loop3A_132, %parallel_loop3A_244 : vector<16xi32>
          %parallel_loop3A_246 = tpu.vector_load_idx %arg5[%broadcast_in_dim3A_101, %parallel_loop3A_222, %parallel_loop3A_245] : memref<2x64x128xf32, #tpu.memory_space<vmem>>[vector<16xi32>, vector<16xi32>, vector<16xi32>], vector<16xf32>,
          %parallel_loop3A_247 = arith.constant 8.000000e+00 : f32
          %parallel_loop3A_248 = vector.broadcast %parallel_loop3A_247 : f32 to vector<16xf32>
          %parallel_loop3A_249 = arith.mulf %parallel_loop3A_246, %parallel_loop3A_248 : vector<16xf32>
          %parallel_loop3A_250 = arith.constant 2064 : i32
          %parallel_loop3A_251 = vector.broadcast %parallel_loop3A_250 : i32 to vector<16xi32>
          %parallel_loop3A_252 = arith.addi %parallel_loop3A_136, %parallel_loop3A_251 : vector<16xi32>
          tpu.vector_store_idx %arg6[%broadcast_in_dim3A_101, %parallel_loop3A_252], %parallel_loop3A_249 : memref<2x8192xf32, #tpu.memory_space<vmem>>[vector<16xi32>, vector<16xi32>], vector<16xf32>,
          %parallel_loop3A_253 = arith.constant 48 : i32
          %parallel_loop3A_254 = vector.broadcast %parallel_loop3A_253 : i32 to vector<16xi32>
          %parallel_loop3A_255 = arith.addi %parallel_loop3A_132, %parallel_loop3A_254 : vector<16xi32>
          %parallel_loop3A_256 = tpu.vector_load_idx %arg5[%broadcast_in_dim3A_101, %parallel_loop3A_222, %parallel_loop3A_255] : memref<2x64x128xf32, #tpu.memory_space<vmem>>[vector<16xi32>, vector<16xi32>, vector<16xi32>], vector<16xf32>,
          %parallel_loop3A_257 = arith.constant 8.000000e+00 : f32
          %parallel_loop3A_258 = vector.broadcast %parallel_loop3A_257 : f32 to vector<16xf32>
          %parallel_loop3A_259 = arith.mulf %parallel_loop3A_256, %parallel_loop3A_258 : vector<16xf32>
          %parallel_loop3A_260 = arith.constant 3088 : i32
          %parallel_loop3A_261 = vector.broadcast %parallel_loop3A_260 : i32 to vector<16xi32>
          %parallel_loop3A_262 = arith.addi %parallel_loop3A_136, %parallel_loop3A_261 : vector<16xi32>
          tpu.vector_store_idx %arg6[%broadcast_in_dim3A_101, %parallel_loop3A_262], %parallel_loop3A_259 : memref<2x8192xf32, #tpu.memory_space<vmem>>[vector<16xi32>, vector<16xi32>], vector<16xf32>,
          %parallel_loop3A_263 = arith.constant 64 : i32
          %parallel_loop3A_264 = vector.broadcast %parallel_loop3A_263 : i32 to vector<16xi32>
          %parallel_loop3A_265 = arith.addi %parallel_loop3A_132, %parallel_loop3A_264 : vector<16xi32>
          %parallel_loop3A_266 = tpu.vector_load_idx %arg5[%broadcast_in_dim3A_101, %parallel_loop3A_222, %parallel_loop3A_265] : memref<2x64x128xf32, #tpu.memory_space<vmem>>[vector<16xi32>, vector<16xi32>, vector<16xi32>], vector<16xf32>,
          %parallel_loop3A_267 = arith.constant 8.000000e+00 : f32
          %parallel_loop3A_268 = vector.broadcast %parallel_loop3A_267 : f32 to vector<16xf32>
          %parallel_loop3A_269 = arith.mulf %parallel_loop3A_266, %parallel_loop3A_268 : vector<16xf32>
          %parallel_loop3A_270 = arith.constant 4112 : i32
          %parallel_loop3A_271 = vector.broadcast %parallel_loop3A_270 : i32 to vector<16xi32>
          %parallel_loop3A_272 = arith.addi %parallel_loop3A_136, %parallel_loop3A_271 : vector<16xi32>
          tpu.vector_store_idx %arg6[%broadcast_in_dim3A_101, %parallel_loop3A_272], %parallel_loop3A_269 : memref<2x8192xf32, #tpu.memory_space<vmem>>[vector<16xi32>, vector<16xi32>], vector<16xf32>,
          %parallel_loop3A_273 = arith.constant 80 : i32
          %parallel_loop3A_274 = vector.broadcast %parallel_loop3A_273 : i32 to vector<16xi32>
          %parallel_loop3A_275 = arith.addi %parallel_loop3A_132, %parallel_loop3A_274 : vector<16xi32>
          %parallel_loop3A_276 = tpu.vector_load_idx %arg5[%broadcast_in_dim3A_101, %parallel_loop3A_222, %parallel_loop3A_275] : memref<2x64x128xf32, #tpu.memory_space<vmem>>[vector<16xi32>, vector<16xi32>, vector<16xi32>], vector<16xf32>,
          %parallel_loop3A_277 = arith.constant 8.000000e+00 : f32
          %parallel_loop3A_278 = vector.broadcast %parallel_loop3A_277 : f32 to vector<16xf32>
          %parallel_loop3A_279 = arith.mulf %parallel_loop3A_276, %parallel_loop3A_278 : vector<16xf32>
          %parallel_loop3A_280 = arith.constant 5136 : i32
          %parallel_loop3A_281 = vector.broadcast %parallel_loop3A_280 : i32 to vector<16xi32>
          %parallel_loop3A_282 = arith.addi %parallel_loop3A_136, %parallel_loop3A_281 : vector<16xi32>
          tpu.vector_store_idx %arg6[%broadcast_in_dim3A_101, %parallel_loop3A_282], %parallel_loop3A_279 : memref<2x8192xf32, #tpu.memory_space<vmem>>[vector<16xi32>, vector<16xi32>], vector<16xf32>,
          %parallel_loop3A_283 = arith.constant 96 : i32
          %parallel_loop3A_284 = vector.broadcast %parallel_loop3A_283 : i32 to vector<16xi32>
          %parallel_loop3A_285 = arith.addi %parallel_loop3A_132, %parallel_loop3A_284 : vector<16xi32>
          %parallel_loop3A_286 = tpu.vector_load_idx %arg5[%broadcast_in_dim3A_101, %parallel_loop3A_222, %parallel_loop3A_285] : memref<2x64x128xf32, #tpu.memory_space<vmem>>[vector<16xi32>, vector<16xi32>, vector<16xi32>], vector<16xf32>,
          %parallel_loop3A_287 = arith.constant 8.000000e+00 : f32
          %parallel_loop3A_288 = vector.broadcast %parallel_loop3A_287 : f32 to vector<16xf32>
          %parallel_loop3A_289 = arith.mulf %parallel_loop3A_286, %parallel_loop3A_288 : vector<16xf32>
          %parallel_loop3A_290 = arith.constant 6160 : i32
          %parallel_loop3A_291 = vector.broadcast %parallel_loop3A_290 : i32 to vector<16xi32>
          %parallel_loop3A_292 = arith.addi %parallel_loop3A_136, %parallel_loop3A_291 : vector<16xi32>
          tpu.vector_store_idx %arg6[%broadcast_in_dim3A_101, %parallel_loop3A_292], %parallel_loop3A_289 : memref<2x8192xf32, #tpu.memory_space<vmem>>[vector<16xi32>, vector<16xi32>], vector<16xf32>,
          %parallel_loop3A_293 = arith.constant 112 : i32
          %parallel_loop3A_294 = vector.broadcast %parallel_loop3A_293 : i32 to vector<16xi32>
          %parallel_loop3A_295 = arith.addi %parallel_loop3A_132, %parallel_loop3A_294 : vector<16xi32>
          %parallel_loop3A_296 = tpu.vector_load_idx %arg5[%broadcast_in_dim3A_101, %parallel_loop3A_222, %parallel_loop3A_295] : memref<2x64x128xf32, #tpu.memory_space<vmem>>[vector<16xi32>, vector<16xi32>, vector<16xi32>], vector<16xf32>,
          %parallel_loop3A_297 = arith.constant 8.000000e+00 : f32
          %parallel_loop3A_298 = vector.broadcast %parallel_loop3A_297 : f32 to vector<16xf32>
          %parallel_loop3A_299 = arith.mulf %parallel_loop3A_296, %parallel_loop3A_298 : vector<16xf32>
          %parallel_loop3A_300 = arith.constant 7184 : i32
          %parallel_loop3A_301 = vector.broadcast %parallel_loop3A_300 : i32 to vector<16xi32>
          %parallel_loop3A_302 = arith.addi %parallel_loop3A_136, %parallel_loop3A_301 : vector<16xi32>
          tpu.vector_store_idx %arg6[%broadcast_in_dim3A_101, %parallel_loop3A_302], %parallel_loop3A_299 : memref<2x8192xf32, #tpu.memory_space<vmem>>[vector<16xi32>, vector<16xi32>], vector<16xf32>,
          %parallel_loop3A_303 = arith.constant 32 : i32
          %parallel_loop3A_304 = vector.broadcast %parallel_loop3A_303 : i32 to vector<16xi32>
          %parallel_loop3A_305 = arith.addi %iota3A, %parallel_loop3A_304 : vector<16xi32>
          %parallel_loop3A_306 = arith.constant 0 : i32
          %parallel_loop3A_307 = vector.broadcast %parallel_loop3A_306 : i32 to vector<16xi32>
          %parallel_loop3A_308 = arith.addi %parallel_loop3A_132, %parallel_loop3A_307 : vector<16xi32>
          %parallel_loop3A_309 = tpu.vector_load_idx %arg5[%broadcast_in_dim3A_101, %parallel_loop3A_305, %parallel_loop3A_308] : memref<2x64x128xf32, #tpu.memory_space<vmem>>[vector<16xi32>, vector<16xi32>, vector<16xi32>], vector<16xf32>,
          %parallel_loop3A_310 = arith.constant 8.000000e+00 : f32
          %parallel_loop3A_311 = vector.broadcast %parallel_loop3A_310 : f32 to vector<16xf32>
          %parallel_loop3A_312 = arith.mulf %parallel_loop3A_309, %parallel_loop3A_311 : vector<16xf32>
          %parallel_loop3A_313 = arith.constant 32 : i32
          %parallel_loop3A_314 = vector.broadcast %parallel_loop3A_313 : i32 to vector<16xi32>
          %parallel_loop3A_315 = arith.addi %parallel_loop3A_136, %parallel_loop3A_314 : vector<16xi32>
          tpu.vector_store_idx %arg6[%broadcast_in_dim3A_101, %parallel_loop3A_315], %parallel_loop3A_312 : memref<2x8192xf32, #tpu.memory_space<vmem>>[vector<16xi32>, vector<16xi32>], vector<16xf32>,
          %parallel_loop3A_316 = arith.constant 16 : i32
          %parallel_loop3A_317 = vector.broadcast %parallel_loop3A_316 : i32 to vector<16xi32>
          %parallel_loop3A_318 = arith.addi %parallel_loop3A_132, %parallel_loop3A_317 : vector<16xi32>
          %parallel_loop3A_319 = tpu.vector_load_idx %arg5[%broadcast_in_dim3A_101, %parallel_loop3A_305, %parallel_loop3A_318] : memref<2x64x128xf32, #tpu.memory_space<vmem>>[vector<16xi32>, vector<16xi32>, vector<16xi32>], vector<16xf32>,
          %parallel_loop3A_320 = arith.constant 8.000000e+00 : f32
          %parallel_loop3A_321 = vector.broadcast %parallel_loop3A_320 : f32 to vector<16xf32>
          %parallel_loop3A_322 = arith.mulf %parallel_loop3A_319, %parallel_loop3A_321 : vector<16xf32>
          %parallel_loop3A_323 = arith.constant 1056 : i32
          %parallel_loop3A_324 = vector.broadcast %parallel_loop3A_323 : i32 to vector<16xi32>
          %parallel_loop3A_325 = arith.addi %parallel_loop3A_136, %parallel_loop3A_324 : vector<16xi32>
          tpu.vector_store_idx %arg6[%broadcast_in_dim3A_101, %parallel_loop3A_325], %parallel_loop3A_322 : memref<2x8192xf32, #tpu.memory_space<vmem>>[vector<16xi32>, vector<16xi32>], vector<16xf32>,
          %parallel_loop3A_326 = arith.constant 32 : i32
          %parallel_loop3A_327 = vector.broadcast %parallel_loop3A_326 : i32 to vector<16xi32>
          %parallel_loop3A_328 = arith.addi %parallel_loop3A_132, %parallel_loop3A_327 : vector<16xi32>
          %parallel_loop3A_329 = tpu.vector_load_idx %arg5[%broadcast_in_dim3A_101, %parallel_loop3A_305, %parallel_loop3A_328] : memref<2x64x128xf32, #tpu.memory_space<vmem>>[vector<16xi32>, vector<16xi32>, vector<16xi32>], vector<16xf32>,
          %parallel_loop3A_330 = arith.constant 8.000000e+00 : f32
          %parallel_loop3A_331 = vector.broadcast %parallel_loop3A_330 : f32 to vector<16xf32>
          %parallel_loop3A_332 = arith.mulf %parallel_loop3A_329, %parallel_loop3A_331 : vector<16xf32>
          %parallel_loop3A_333 = arith.constant 2080 : i32
          %parallel_loop3A_334 = vector.broadcast %parallel_loop3A_333 : i32 to vector<16xi32>
          %parallel_loop3A_335 = arith.addi %parallel_loop3A_136, %parallel_loop3A_334 : vector<16xi32>
          tpu.vector_store_idx %arg6[%broadcast_in_dim3A_101, %parallel_loop3A_335], %parallel_loop3A_332 : memref<2x8192xf32, #tpu.memory_space<vmem>>[vector<16xi32>, vector<16xi32>], vector<16xf32>,
          %parallel_loop3A_336 = arith.constant 48 : i32
          %parallel_loop3A_337 = vector.broadcast %parallel_loop3A_336 : i32 to vector<16xi32>
          %parallel_loop3A_338 = arith.addi %parallel_loop3A_132, %parallel_loop3A_337 : vector<16xi32>
          %parallel_loop3A_339 = tpu.vector_load_idx %arg5[%broadcast_in_dim3A_101, %parallel_loop3A_305, %parallel_loop3A_338] : memref<2x64x128xf32, #tpu.memory_space<vmem>>[vector<16xi32>, vector<16xi32>, vector<16xi32>], vector<16xf32>,
          %parallel_loop3A_340 = arith.constant 8.000000e+00 : f32
          %parallel_loop3A_341 = vector.broadcast %parallel_loop3A_340 : f32 to vector<16xf32>
          %parallel_loop3A_342 = arith.mulf %parallel_loop3A_339, %parallel_loop3A_341 : vector<16xf32>
          %parallel_loop3A_343 = arith.constant 3104 : i32
          %parallel_loop3A_344 = vector.broadcast %parallel_loop3A_343 : i32 to vector<16xi32>
          %parallel_loop3A_345 = arith.addi %parallel_loop3A_136, %parallel_loop3A_344 : vector<16xi32>
          tpu.vector_store_idx %arg6[%broadcast_in_dim3A_101, %parallel_loop3A_345], %parallel_loop3A_342 : memref<2x8192xf32, #tpu.memory_space<vmem>>[vector<16xi32>, vector<16xi32>], vector<16xf32>,
          %parallel_loop3A_346 = arith.constant 64 : i32
          %parallel_loop3A_347 = vector.broadcast %parallel_loop3A_346 : i32 to vector<16xi32>
          %parallel_loop3A_348 = arith.addi %parallel_loop3A_132, %parallel_loop3A_347 : vector<16xi32>
          %parallel_loop3A_349 = tpu.vector_load_idx %arg5[%broadcast_in_dim3A_101, %parallel_loop3A_305, %parallel_loop3A_348] : memref<2x64x128xf32, #tpu.memory_space<vmem>>[vector<16xi32>, vector<16xi32>, vector<16xi32>], vector<16xf32>,
          %parallel_loop3A_350 = arith.constant 8.000000e+00 : f32
          %parallel_loop3A_351 = vector.broadcast %parallel_loop3A_350 : f32 to vector<16xf32>
          %parallel_loop3A_352 = arith.mulf %parallel_loop3A_349, %parallel_loop3A_351 : vector<16xf32>
          %parallel_loop3A_353 = arith.constant 4128 : i32
          %parallel_loop3A_354 = vector.broadcast %parallel_loop3A_353 : i32 to vector<16xi32>
          %parallel_loop3A_355 = arith.addi %parallel_loop3A_136, %parallel_loop3A_354 : vector<16xi32>
          tpu.vector_store_idx %arg6[%broadcast_in_dim3A_101, %parallel_loop3A_355], %parallel_loop3A_352 : memref<2x8192xf32, #tpu.memory_space<vmem>>[vector<16xi32>, vector<16xi32>], vector<16xf32>,
          %parallel_loop3A_356 = arith.constant 80 : i32
          %parallel_loop3A_357 = vector.broadcast %parallel_loop3A_356 : i32 to vector<16xi32>
          %parallel_loop3A_358 = arith.addi %parallel_loop3A_132, %parallel_loop3A_357 : vector<16xi32>
          %parallel_loop3A_359 = tpu.vector_load_idx %arg5[%broadcast_in_dim3A_101, %parallel_loop3A_305, %parallel_loop3A_358] : memref<2x64x128xf32, #tpu.memory_space<vmem>>[vector<16xi32>, vector<16xi32>, vector<16xi32>], vector<16xf32>,
          %parallel_loop3A_360 = arith.constant 8.000000e+00 : f32
          %parallel_loop3A_361 = vector.broadcast %parallel_loop3A_360 : f32 to vector<16xf32>
          %parallel_loop3A_362 = arith.mulf %parallel_loop3A_359, %parallel_loop3A_361 : vector<16xf32>
          %parallel_loop3A_363 = arith.constant 5152 : i32
          %parallel_loop3A_364 = vector.broadcast %parallel_loop3A_363 : i32 to vector<16xi32>
          %parallel_loop3A_365 = arith.addi %parallel_loop3A_136, %parallel_loop3A_364 : vector<16xi32>
          tpu.vector_store_idx %arg6[%broadcast_in_dim3A_101, %parallel_loop3A_365], %parallel_loop3A_362 : memref<2x8192xf32, #tpu.memory_space<vmem>>[vector<16xi32>, vector<16xi32>], vector<16xf32>,
          %parallel_loop3A_366 = arith.constant 96 : i32
          %parallel_loop3A_367 = vector.broadcast %parallel_loop3A_366 : i32 to vector<16xi32>
          %parallel_loop3A_368 = arith.addi %parallel_loop3A_132, %parallel_loop3A_367 : vector<16xi32>
          %parallel_loop3A_369 = tpu.vector_load_idx %arg5[%broadcast_in_dim3A_101, %parallel_loop3A_305, %parallel_loop3A_368] : memref<2x64x128xf32, #tpu.memory_space<vmem>>[vector<16xi32>, vector<16xi32>, vector<16xi32>], vector<16xf32>,
          %parallel_loop3A_370 = arith.constant 8.000000e+00 : f32
          %parallel_loop3A_371 = vector.broadcast %parallel_loop3A_370 : f32 to vector<16xf32>
          %parallel_loop3A_372 = arith.mulf %parallel_loop3A_369, %parallel_loop3A_371 : vector<16xf32>
          %parallel_loop3A_373 = arith.constant 6176 : i32
          %parallel_loop3A_374 = vector.broadcast %parallel_loop3A_373 : i32 to vector<16xi32>
          %parallel_loop3A_375 = arith.addi %parallel_loop3A_136, %parallel_loop3A_374 : vector<16xi32>
          tpu.vector_store_idx %arg6[%broadcast_in_dim3A_101, %parallel_loop3A_375], %parallel_loop3A_372 : memref<2x8192xf32, #tpu.memory_space<vmem>>[vector<16xi32>, vector<16xi32>], vector<16xf32>,
          %parallel_loop3A_376 = arith.constant 112 : i32
          %parallel_loop3A_377 = vector.broadcast %parallel_loop3A_376 : i32 to vector<16xi32>
          %parallel_loop3A_378 = arith.addi %parallel_loop3A_132, %parallel_loop3A_377 : vector<16xi32>
          %parallel_loop3A_379 = tpu.vector_load_idx %arg5[%broadcast_in_dim3A_101, %parallel_loop3A_305, %parallel_loop3A_378] : memref<2x64x128xf32, #tpu.memory_space<vmem>>[vector<16xi32>, vector<16xi32>, vector<16xi32>], vector<16xf32>,
          %parallel_loop3A_380 = arith.constant 8.000000e+00 : f32
          %parallel_loop3A_381 = vector.broadcast %parallel_loop3A_380 : f32 to vector<16xf32>
          %parallel_loop3A_382 = arith.mulf %parallel_loop3A_379, %parallel_loop3A_381 : vector<16xf32>
          %parallel_loop3A_383 = arith.constant 7200 : i32
          %parallel_loop3A_384 = vector.broadcast %parallel_loop3A_383 : i32 to vector<16xi32>
          %parallel_loop3A_385 = arith.addi %parallel_loop3A_136, %parallel_loop3A_384 : vector<16xi32>
          tpu.vector_store_idx %arg6[%broadcast_in_dim3A_101, %parallel_loop3A_385], %parallel_loop3A_382 : memref<2x8192xf32, #tpu.memory_space<vmem>>[vector<16xi32>, vector<16xi32>], vector<16xf32>,
          %parallel_loop3A_386 = arith.constant 48 : i32
          %parallel_loop3A_387 = vector.broadcast %parallel_loop3A_386 : i32 to vector<16xi32>
          %parallel_loop3A_388 = arith.addi %iota3A, %parallel_loop3A_387 : vector<16xi32>
          %parallel_loop3A_389 = arith.constant 0 : i32
          %parallel_loop3A_390 = vector.broadcast %parallel_loop3A_389 : i32 to vector<16xi32>
          %parallel_loop3A_391 = arith.addi %parallel_loop3A_132, %parallel_loop3A_390 : vector<16xi32>
          %parallel_loop3A_392 = tpu.vector_load_idx %arg5[%broadcast_in_dim3A_101, %parallel_loop3A_388, %parallel_loop3A_391] : memref<2x64x128xf32, #tpu.memory_space<vmem>>[vector<16xi32>, vector<16xi32>, vector<16xi32>], vector<16xf32>,
          %parallel_loop3A_393 = arith.constant 8.000000e+00 : f32
          %parallel_loop3A_394 = vector.broadcast %parallel_loop3A_393 : f32 to vector<16xf32>
          %parallel_loop3A_395 = arith.mulf %parallel_loop3A_392, %parallel_loop3A_394 : vector<16xf32>
          %parallel_loop3A_396 = arith.constant 48 : i32
          %parallel_loop3A_397 = vector.broadcast %parallel_loop3A_396 : i32 to vector<16xi32>
          %parallel_loop3A_398 = arith.addi %parallel_loop3A_136, %parallel_loop3A_397 : vector<16xi32>
          tpu.vector_store_idx %arg6[%broadcast_in_dim3A_101, %parallel_loop3A_398], %parallel_loop3A_395 : memref<2x8192xf32, #tpu.memory_space<vmem>>[vector<16xi32>, vector<16xi32>], vector<16xf32>,
          %parallel_loop3A_399 = arith.constant 16 : i32
          %parallel_loop3A_400 = vector.broadcast %parallel_loop3A_399 : i32 to vector<16xi32>
          %parallel_loop3A_401 = arith.addi %parallel_loop3A_132, %parallel_loop3A_400 : vector<16xi32>
          %parallel_loop3A_402 = tpu.vector_load_idx %arg5[%broadcast_in_dim3A_101, %parallel_loop3A_388, %parallel_loop3A_401] : memref<2x64x128xf32, #tpu.memory_space<vmem>>[vector<16xi32>, vector<16xi32>, vector<16xi32>], vector<16xf32>,
          %parallel_loop3A_403 = arith.constant 8.000000e+00 : f32
          %parallel_loop3A_404 = vector.broadcast %parallel_loop3A_403 : f32 to vector<16xf32>
          %parallel_loop3A_405 = arith.mulf %parallel_loop3A_402, %parallel_loop3A_404 : vector<16xf32>
          %parallel_loop3A_406 = arith.constant 1072 : i32
          %parallel_loop3A_407 = vector.broadcast %parallel_loop3A_406 : i32 to vector<16xi32>
          %parallel_loop3A_408 = arith.addi %parallel_loop3A_136, %parallel_loop3A_407 : vector<16xi32>
          tpu.vector_store_idx %arg6[%broadcast_in_dim3A_101, %parallel_loop3A_408], %parallel_loop3A_405 : memref<2x8192xf32, #tpu.memory_space<vmem>>[vector<16xi32>, vector<16xi32>], vector<16xf32>,
          %parallel_loop3A_409 = arith.constant 32 : i32
          %parallel_loop3A_410 = vector.broadcast %parallel_loop3A_409 : i32 to vector<16xi32>
          %parallel_loop3A_411 = arith.addi %parallel_loop3A_132, %parallel_loop3A_410 : vector<16xi32>
          %parallel_loop3A_412 = tpu.vector_load_idx %arg5[%broadcast_in_dim3A_101, %parallel_loop3A_388, %parallel_loop3A_411] : memref<2x64x128xf32, #tpu.memory_space<vmem>>[vector<16xi32>, vector<16xi32>, vector<16xi32>], vector<16xf32>,
          %parallel_loop3A_413 = arith.constant 8.000000e+00 : f32
          %parallel_loop3A_414 = vector.broadcast %parallel_loop3A_413 : f32 to vector<16xf32>
          %parallel_loop3A_415 = arith.mulf %parallel_loop3A_412, %parallel_loop3A_414 : vector<16xf32>
          %parallel_loop3A_416 = arith.constant 2096 : i32
          %parallel_loop3A_417 = vector.broadcast %parallel_loop3A_416 : i32 to vector<16xi32>
          %parallel_loop3A_418 = arith.addi %parallel_loop3A_136, %parallel_loop3A_417 : vector<16xi32>
          tpu.vector_store_idx %arg6[%broadcast_in_dim3A_101, %parallel_loop3A_418], %parallel_loop3A_415 : memref<2x8192xf32, #tpu.memory_space<vmem>>[vector<16xi32>, vector<16xi32>], vector<16xf32>,
          %parallel_loop3A_419 = arith.constant 48 : i32
          %parallel_loop3A_420 = vector.broadcast %parallel_loop3A_419 : i32 to vector<16xi32>
          %parallel_loop3A_421 = arith.addi %parallel_loop3A_132, %parallel_loop3A_420 : vector<16xi32>
          %parallel_loop3A_422 = tpu.vector_load_idx %arg5[%broadcast_in_dim3A_101, %parallel_loop3A_388, %parallel_loop3A_421] : memref<2x64x128xf32, #tpu.memory_space<vmem>>[vector<16xi32>, vector<16xi32>, vector<16xi32>], vector<16xf32>,
          %parallel_loop3A_423 = arith.constant 8.000000e+00 : f32
          %parallel_loop3A_424 = vector.broadcast %parallel_loop3A_423 : f32 to vector<16xf32>
          %parallel_loop3A_425 = arith.mulf %parallel_loop3A_422, %parallel_loop3A_424 : vector<16xf32>
          %parallel_loop3A_426 = arith.constant 3120 : i32
          %parallel_loop3A_427 = vector.broadcast %parallel_loop3A_426 : i32 to vector<16xi32>
          %parallel_loop3A_428 = arith.addi %parallel_loop3A_136, %parallel_loop3A_427 : vector<16xi32>
          tpu.vector_store_idx %arg6[%broadcast_in_dim3A_101, %parallel_loop3A_428], %parallel_loop3A_425 : memref<2x8192xf32, #tpu.memory_space<vmem>>[vector<16xi32>, vector<16xi32>], vector<16xf32>,
          %parallel_loop3A_429 = arith.constant 64 : i32
          %parallel_loop3A_430 = vector.broadcast %parallel_loop3A_429 : i32 to vector<16xi32>
          %parallel_loop3A_431 = arith.addi %parallel_loop3A_132, %parallel_loop3A_430 : vector<16xi32>
          %parallel_loop3A_432 = tpu.vector_load_idx %arg5[%broadcast_in_dim3A_101, %parallel_loop3A_388, %parallel_loop3A_431] : memref<2x64x128xf32, #tpu.memory_space<vmem>>[vector<16xi32>, vector<16xi32>, vector<16xi32>], vector<16xf32>,
          %parallel_loop3A_433 = arith.constant 8.000000e+00 : f32
          %parallel_loop3A_434 = vector.broadcast %parallel_loop3A_433 : f32 to vector<16xf32>
          %parallel_loop3A_435 = arith.mulf %parallel_loop3A_432, %parallel_loop3A_434 : vector<16xf32>
          %parallel_loop3A_436 = arith.constant 4144 : i32
          %parallel_loop3A_437 = vector.broadcast %parallel_loop3A_436 : i32 to vector<16xi32>
          %parallel_loop3A_438 = arith.addi %parallel_loop3A_136, %parallel_loop3A_437 : vector<16xi32>
          tpu.vector_store_idx %arg6[%broadcast_in_dim3A_101, %parallel_loop3A_438], %parallel_loop3A_435 : memref<2x8192xf32, #tpu.memory_space<vmem>>[vector<16xi32>, vector<16xi32>], vector<16xf32>,
          %parallel_loop3A_439 = arith.constant 80 : i32
          %parallel_loop3A_440 = vector.broadcast %parallel_loop3A_439 : i32 to vector<16xi32>
          %parallel_loop3A_441 = arith.addi %parallel_loop3A_132, %parallel_loop3A_440 : vector<16xi32>
          %parallel_loop3A_442 = tpu.vector_load_idx %arg5[%broadcast_in_dim3A_101, %parallel_loop3A_388, %parallel_loop3A_441] : memref<2x64x128xf32, #tpu.memory_space<vmem>>[vector<16xi32>, vector<16xi32>, vector<16xi32>], vector<16xf32>,
          %parallel_loop3A_443 = arith.constant 8.000000e+00 : f32
          %parallel_loop3A_444 = vector.broadcast %parallel_loop3A_443 : f32 to vector<16xf32>
          %parallel_loop3A_445 = arith.mulf %parallel_loop3A_442, %parallel_loop3A_444 : vector<16xf32>
          %parallel_loop3A_446 = arith.constant 5168 : i32
          %parallel_loop3A_447 = vector.broadcast %parallel_loop3A_446 : i32 to vector<16xi32>
          %parallel_loop3A_448 = arith.addi %parallel_loop3A_136, %parallel_loop3A_447 : vector<16xi32>
          tpu.vector_store_idx %arg6[%broadcast_in_dim3A_101, %parallel_loop3A_448], %parallel_loop3A_445 : memref<2x8192xf32, #tpu.memory_space<vmem>>[vector<16xi32>, vector<16xi32>], vector<16xf32>,
          %parallel_loop3A_449 = arith.constant 96 : i32
          %parallel_loop3A_450 = vector.broadcast %parallel_loop3A_449 : i32 to vector<16xi32>
          %parallel_loop3A_451 = arith.addi %parallel_loop3A_132, %parallel_loop3A_450 : vector<16xi32>
          %parallel_loop3A_452 = tpu.vector_load_idx %arg5[%broadcast_in_dim3A_101, %parallel_loop3A_388, %parallel_loop3A_451] : memref<2x64x128xf32, #tpu.memory_space<vmem>>[vector<16xi32>, vector<16xi32>, vector<16xi32>], vector<16xf32>,
          %parallel_loop3A_453 = arith.constant 8.000000e+00 : f32
          %parallel_loop3A_454 = vector.broadcast %parallel_loop3A_453 : f32 to vector<16xf32>
          %parallel_loop3A_455 = arith.mulf %parallel_loop3A_452, %parallel_loop3A_454 : vector<16xf32>
          %parallel_loop3A_456 = arith.constant 6192 : i32
          %parallel_loop3A_457 = vector.broadcast %parallel_loop3A_456 : i32 to vector<16xi32>
          %parallel_loop3A_458 = arith.addi %parallel_loop3A_136, %parallel_loop3A_457 : vector<16xi32>
          tpu.vector_store_idx %arg6[%broadcast_in_dim3A_101, %parallel_loop3A_458], %parallel_loop3A_455 : memref<2x8192xf32, #tpu.memory_space<vmem>>[vector<16xi32>, vector<16xi32>], vector<16xf32>,
          %parallel_loop3A_459 = arith.constant 112 : i32
          %parallel_loop3A_460 = vector.broadcast %parallel_loop3A_459 : i32 to vector<16xi32>
          %parallel_loop3A_461 = arith.addi %parallel_loop3A_132, %parallel_loop3A_460 : vector<16xi32>
          %parallel_loop3A_462 = tpu.vector_load_idx %arg5[%broadcast_in_dim3A_101, %parallel_loop3A_388, %parallel_loop3A_461] : memref<2x64x128xf32, #tpu.memory_space<vmem>>[vector<16xi32>, vector<16xi32>, vector<16xi32>], vector<16xf32>,
          %parallel_loop3A_463 = arith.constant 8.000000e+00 : f32
          %parallel_loop3A_464 = vector.broadcast %parallel_loop3A_463 : f32 to vector<16xf32>
          %parallel_loop3A_465 = arith.mulf %parallel_loop3A_462, %parallel_loop3A_464 : vector<16xf32>
          %parallel_loop3A_466 = arith.constant 7216 : i32
          %parallel_loop3A_467 = vector.broadcast %parallel_loop3A_466 : i32 to vector<16xi32>
          %parallel_loop3A_468 = arith.addi %parallel_loop3A_136, %parallel_loop3A_467 : vector<16xi32>
          tpu.vector_store_idx %arg6[%broadcast_in_dim3A_101, %parallel_loop3A_468], %parallel_loop3A_465 : memref<2x8192xf32, #tpu.memory_space<vmem>>[vector<16xi32>, vector<16xi32>], vector<16xf32>,
        } {sc.loop_unroll_factor = 2 : i64, sc.parallel_access}
        %mul3A_104 = arith.constant 32 : i32
        %mul3A_105 = arith.muli %mul3A_104, %add3A_58 : i32
        %add3A_106 = arith.addi %add3A, %mul3A_105 : i32
        %mul3A_107 = arith.constant 8192 : i32
        %mul3A_108 = arith.muli %add3A_106, %mul3A_107 : i32
        %dma_start3A = arith.constant 0 : i32
        %dma_start3A_109 = arith.constant 0 : i32
        %dma_start3A_110 = tpu.memref_slice %arg6[%dma_start3A, %dma_start3A_109] : memref<2x8192xf32, #tpu.memory_space<vmem>> -> memref<1x8192xf32, #tpu.memory_space<vmem>>
        %dma_start3A_111 = tpu.memref_squeeze %dma_start3A_110 : memref<1x8192xf32, #tpu.memory_space<vmem>> -> memref<8192xf32, #tpu.memory_space<vmem>>
        %dma_start3A_112 = tpu.memref_slice %arg4[%mul3A_108] : memref<64000000xf32, #tpu.memory_space<hbm>> -> memref<8192xf32, #tpu.memory_space<hbm>>
        %dma_start3A_113 = tpu.memref_slice %arg4[%mul3A_108] : memref<64000000xf32, #tpu.memory_space<hbm>> -> memref<8192xf32, #tpu.memory_space<hbm>>
        %dma_start3A_114 = arith.constant 0 : i32
        %dma_start3A_115 = tpu.memref_slice %arg6[%dma_start3A, %dma_start3A_114] : memref<2x8192xf32, #tpu.memory_space<vmem>> -> memref<1x8192xf32, #tpu.memory_space<vmem>>
        %dma_start3A_116 = tpu.memref_squeeze %dma_start3A_115 : memref<1x8192xf32, #tpu.memory_space<vmem>> -> memref<8192xf32, #tpu.memory_space<vmem>>
        tpu.enqueue_dma source(%dma_start3A_116 : memref<8192xf32, #tpu.memory_space<vmem>>) target(%dma_start3A_113 : memref<8192xf32, #tpu.memory_space<hbm>>) target_semaphore(%arg11 : memref<!tpu.dma_semaphore, #tpu.memory_space<semaphore_mem>>)
        %add3A_117 = arith.constant 2 : i32
        %add3A_118 = arith.addi %add3A_58, %add3A_117 : i32
        %mul3A_119 = arith.constant 32 : i32
        %mul3A_120 = arith.muli %mul3A_119, %add3A_118 : i32
        %add3A_121 = arith.addi %add3A, %mul3A_120 : i32
        %lt3A_122 = arith.constant 7812 : i32
        %lt3A_123 = arith.cmpi slt, %add3A_121, %lt3A_122 : i32
        %convert_element_type3A_124 = arith.extui %lt3A_123 : i1 to i32
        %cond3A_125 = arith.constant 0 : i32
        %cond3A_126 = arith.cmpi ne, %convert_element_type3A_124, %cond3A_125 : i32
        scf.if %cond3A_126 {
          %add3A_127 = arith.constant 2 : i32
          %add3A_128 = arith.addi %add3A_58, %add3A_127 : i32
          %mul3A_129 = arith.constant 32 : i32
          %mul3A_130 = arith.muli %mul3A_129, %add3A_128 : i32
          %add3A_131 = arith.addi %add3A, %mul3A_130 : i32
          %mul3A_132 = arith.constant 128 : i32
          %mul3A_133 = arith.muli %add3A_131, %mul3A_132 : i32
          %dma_start3A_134 = arith.constant 0 : i32
          %dma_start3A_135 = arith.constant 0 : i32
          %dma_start3A_136 = arith.constant 0 : i32
          %dma_start3A_137 = tpu.memref_slice %arg5[%dma_start3A_134, %dma_start3A_135, %dma_start3A_136] : memref<2x64x128xf32, #tpu.memory_space<vmem>> -> memref<1x64x128xf32, #tpu.memory_space<vmem>>
          %dma_start3A_138 = tpu.memref_squeeze %dma_start3A_137 : memref<1x64x128xf32, #tpu.memory_space<vmem>> -> memref<64x128xf32, #tpu.memory_space<vmem>>
          %dma_start3A_139 = arith.constant 0 : i32
          %dma_start3A_140 = tpu.memref_slice %arg2[%dma_start3A_139, %mul3A_133] : memref<64x1000000xf32, #tpu.memory_space<hbm>> -> memref<64x128xf32, #tpu.memory_space<hbm>>
          %dma_start3A_141 = arith.constant 0 : i32
          %dma_start3A_142 = arith.constant 0 : i32
          %dma_start3A_143 = tpu.memref_slice %arg5[%dma_start3A_134, %dma_start3A_141, %dma_start3A_142] : memref<2x64x128xf32, #tpu.memory_space<vmem>> -> memref<1x64x128xf32, #tpu.memory_space<vmem>>
          %dma_start3A_144 = tpu.memref_squeeze %dma_start3A_143 : memref<1x64x128xf32, #tpu.memory_space<vmem>> -> memref<64x128xf32, #tpu.memory_space<vmem>>
          %dma_start3A_145 = arith.constant 0 : i32
          %dma_start3A_146 = tpu.memref_slice %arg2[%dma_start3A_145, %mul3A_133] : memref<64x1000000xf32, #tpu.memory_space<hbm>> -> memref<64x128xf32, #tpu.memory_space<hbm>>
          tpu.enqueue_dma source(%dma_start3A_146 : memref<64x128xf32, #tpu.memory_space<hbm>>) target(%dma_start3A_144 : memref<64x128xf32, #tpu.memory_space<vmem>>) target_semaphore(%arg9 : memref<!tpu.dma_semaphore, #tpu.memory_space<semaphore_mem>>)
        } else {
        }
      } else {
      }
      %mul3A_67 = arith.constant 2 : i32
      %mul3A_68 = arith.muli %mul3A_67, %scan3A_53 : i32
      %add3A_69 = arith.constant 1 : i32
      %add3A_70 = arith.addi %mul3A_68, %add3A_69 : i32
      %mul3A_71 = arith.constant 32 : i32
      %mul3A_72 = arith.muli %mul3A_71, %add3A_70 : i32
      %add3A_73 = arith.addi %add3A, %mul3A_72 : i32
      %lt3A_74 = arith.constant 7812 : i32
      %lt3A_75 = arith.cmpi slt, %add3A_73, %lt3A_74 : i32
      %convert_element_type3A_76 = arith.extui %lt3A_75 : i1 to i32
      %cond3A_77 = arith.constant 0 : i32
      %cond3A_78 = arith.cmpi ne, %convert_element_type3A_76, %cond3A_77 : i32
      scf.if %cond3A_78 {
        %mul3A_80 = arith.constant 32 : i32
        %mul3A_81 = arith.muli %mul3A_80, %add3A_70 : i32
        %add3A_82 = arith.addi %add3A, %mul3A_81 : i32
        %mul3A_83 = arith.constant 128 : i32
        %mul3A_84 = arith.muli %add3A_82, %mul3A_83 : i32
        %dma_wait3A = arith.constant 1 : i32
        %dma_wait3A_85 = arith.constant 0 : i32
        %dma_wait3A_86 = arith.constant 0 : i32
        %dma_wait3A_87 = tpu.memref_slice %arg5[%dma_wait3A, %dma_wait3A_85, %dma_wait3A_86] : memref<2x64x128xf32, #tpu.memory_space<vmem>> -> memref<1x64x128xf32, #tpu.memory_space<vmem>>
        %dma_wait3A_88 = tpu.memref_squeeze %dma_wait3A_87 : memref<1x64x128xf32, #tpu.memory_space<vmem>> -> memref<64x128xf32, #tpu.memory_space<vmem>>
        %dma_wait3A_89 = arith.constant 0 : i32
        %dma_wait3A_90 = tpu.memref_slice %arg2[%dma_wait3A_89, %mul3A_84] : memref<64x1000000xf32, #tpu.memory_space<hbm>> -> memref<64x128xf32, #tpu.memory_space<hbm>>
        %dma_wait3A_91 = arith.constant 0 : i32
        %dma_wait3A_92 = arith.constant 0 : i32
        %dma_wait3A_93 = tpu.memref_slice %arg5[%dma_wait3A, %dma_wait3A_91, %dma_wait3A_92] : memref<2x64x128xf32, #tpu.memory_space<vmem>> -> memref<1x64x128xf32, #tpu.memory_space<vmem>>
        %dma_wait3A_94 = tpu.memref_squeeze %dma_wait3A_93 : memref<1x64x128xf32, #tpu.memory_space<vmem>> -> memref<64x128xf32, #tpu.memory_space<vmem>>
        %dma_wait3A_95 = arith.constant 0 : i32
        %dma_wait3A_96 = tpu.memref_slice %arg2[%dma_wait3A_95, %mul3A_84] : memref<64x1000000xf32, #tpu.memory_space<hbm>> -> memref<64x128xf32, #tpu.memory_space<hbm>>
        tpu.wait_dma2 semaphore(%arg10 : memref<!tpu.dma_semaphore, #tpu.memory_space<semaphore_mem>>) src(%dma_wait3A_96 : memref<64x128xf32, #tpu.memory_space<hbm>>) dst(%dma_wait3A_94 : memref<64x128xf32, #tpu.memory_space<vmem>>)
        %ge3A = arith.constant 2 : i32
        %ge3A_97 = arith.cmpi sge, %add3A_70, %ge3A : i32
        %convert_element_type3A_98 = arith.extui %ge3A_97 : i1 to i32
        %cond3A_99 = arith.constant 0 : i32
        %cond3A_100 = arith.cmpi ne, %convert_element_type3A_98, %cond3A_99 : i32
        scf.if %cond3A_100 {
          %sub3A_127 = arith.constant 2 : i32
          %sub3A_128 = arith.subi %add3A_70, %sub3A_127 : i32
          %mul3A_129 = arith.constant 32 : i32
          %mul3A_130 = arith.muli %mul3A_129, %sub3A_128 : i32
          %add3A_131 = arith.addi %add3A, %mul3A_130 : i32
          %mul3A_132 = arith.constant 8192 : i32
          %mul3A_133 = arith.muli %add3A_131, %mul3A_132 : i32
          %dma_wait3A_134 = arith.constant 1 : i32
          %dma_wait3A_135 = arith.constant 0 : i32
          %dma_wait3A_136 = tpu.memref_slice %arg6[%dma_wait3A_134, %dma_wait3A_135] : memref<2x8192xf32, #tpu.memory_space<vmem>> -> memref<1x8192xf32, #tpu.memory_space<vmem>>
          %dma_wait3A_137 = tpu.memref_squeeze %dma_wait3A_136 : memref<1x8192xf32, #tpu.memory_space<vmem>> -> memref<8192xf32, #tpu.memory_space<vmem>>
          %dma_wait3A_138 = tpu.memref_slice %arg4[%mul3A_133] : memref<64000000xf32, #tpu.memory_space<hbm>> -> memref<8192xf32, #tpu.memory_space<hbm>>
          %dma_wait3A_139 = tpu.memref_slice %arg4[%mul3A_133] : memref<64000000xf32, #tpu.memory_space<hbm>> -> memref<8192xf32, #tpu.memory_space<hbm>>
          %dma_wait3A_140 = arith.constant 0 : i32
          %dma_wait3A_141 = tpu.memref_slice %arg6[%dma_wait3A_134, %dma_wait3A_140] : memref<2x8192xf32, #tpu.memory_space<vmem>> -> memref<1x8192xf32, #tpu.memory_space<vmem>>
          %dma_wait3A_142 = tpu.memref_squeeze %dma_wait3A_141 : memref<1x8192xf32, #tpu.memory_space<vmem>> -> memref<8192xf32, #tpu.memory_space<vmem>>
          tpu.wait_dma2 semaphore(%arg12 : memref<!tpu.dma_semaphore, #tpu.memory_space<semaphore_mem>>) src(%dma_wait3A_142 : memref<8192xf32, #tpu.memory_space<vmem>>) dst(%dma_wait3A_139 : memref<8192xf32, #tpu.memory_space<hbm>>)
        } else {
        }
        %iota3A = tpu.iota {dimensions = array<i32: 0>} : vector<16xi32>
        %broadcast_in_dim3A = arith.constant 1 : i32
        %broadcast_in_dim3A_101 = vector.broadcast %broadcast_in_dim3A : i32 to vector<16xi32>
        %parallel_loop3A = arith.constant 0 : i32
        %parallel_loop3A_102 = arith.constant 16 : i32
        %parallel_loop3A_103 = arith.constant 1 : i32
        scf.for %parallel_loop3A_127 = %parallel_loop3A to %parallel_loop3A_102 step %parallel_loop3A_103  : i32 {
          %parallel_loop3A_128 = vector.broadcast %parallel_loop3A_127 : i32 to vector<16xi32>
          %parallel_loop3A_129 = arith.addi %iota3A, %parallel_loop3A_128 : vector<16xi32>
          %parallel_loop3A_130 = arith.constant 15 : i32
          %parallel_loop3A_131 = vector.broadcast %parallel_loop3A_130 : i32 to vector<16xi32>
          %parallel_loop3A_132 = arith.andi %parallel_loop3A_129, %parallel_loop3A_131 : vector<16xi32>
          %parallel_loop3A_133 = arith.constant 64 : i32
          %parallel_loop3A_134 = vector.broadcast %parallel_loop3A_133 : i32 to vector<16xi32>
          %parallel_loop3A_135 = arith.muli %parallel_loop3A_132, %parallel_loop3A_134 : vector<16xi32>
          %parallel_loop3A_136 = arith.addi %parallel_loop3A_135, %iota3A : vector<16xi32>
          %parallel_loop3A_137 = arith.constant 0 : i32
          %parallel_loop3A_138 = vector.broadcast %parallel_loop3A_137 : i32 to vector<16xi32>
          %parallel_loop3A_139 = arith.addi %iota3A, %parallel_loop3A_138 : vector<16xi32>
          %parallel_loop3A_140 = arith.constant 0 : i32
          %parallel_loop3A_141 = vector.broadcast %parallel_loop3A_140 : i32 to vector<16xi32>
          %parallel_loop3A_142 = arith.addi %parallel_loop3A_132, %parallel_loop3A_141 : vector<16xi32>
          %parallel_loop3A_143 = tpu.vector_load_idx %arg5[%broadcast_in_dim3A_101, %parallel_loop3A_139, %parallel_loop3A_142] : memref<2x64x128xf32, #tpu.memory_space<vmem>>[vector<16xi32>, vector<16xi32>, vector<16xi32>], vector<16xf32>,
          %parallel_loop3A_144 = arith.constant 8.000000e+00 : f32
          %parallel_loop3A_145 = vector.broadcast %parallel_loop3A_144 : f32 to vector<16xf32>
          %parallel_loop3A_146 = arith.mulf %parallel_loop3A_143, %parallel_loop3A_145 : vector<16xf32>
          %parallel_loop3A_147 = arith.constant 0 : i32
          %parallel_loop3A_148 = vector.broadcast %parallel_loop3A_147 : i32 to vector<16xi32>
          %parallel_loop3A_149 = arith.addi %parallel_loop3A_136, %parallel_loop3A_148 : vector<16xi32>
          tpu.vector_store_idx %arg6[%broadcast_in_dim3A_101, %parallel_loop3A_149], %parallel_loop3A_146 : memref<2x8192xf32, #tpu.memory_space<vmem>>[vector<16xi32>, vector<16xi32>], vector<16xf32>,
          %parallel_loop3A_150 = arith.constant 16 : i32
          %parallel_loop3A_151 = vector.broadcast %parallel_loop3A_150 : i32 to vector<16xi32>
          %parallel_loop3A_152 = arith.addi %parallel_loop3A_132, %parallel_loop3A_151 : vector<16xi32>
          %parallel_loop3A_153 = tpu.vector_load_idx %arg5[%broadcast_in_dim3A_101, %parallel_loop3A_139, %parallel_loop3A_152] : memref<2x64x128xf32, #tpu.memory_space<vmem>>[vector<16xi32>, vector<16xi32>, vector<16xi32>], vector<16xf32>,
          %parallel_loop3A_154 = arith.constant 8.000000e+00 : f32
          %parallel_loop3A_155 = vector.broadcast %parallel_loop3A_154 : f32 to vector<16xf32>
          %parallel_loop3A_156 = arith.mulf %parallel_loop3A_153, %parallel_loop3A_155 : vector<16xf32>
          %parallel_loop3A_157 = arith.constant 1024 : i32
          %parallel_loop3A_158 = vector.broadcast %parallel_loop3A_157 : i32 to vector<16xi32>
          %parallel_loop3A_159 = arith.addi %parallel_loop3A_136, %parallel_loop3A_158 : vector<16xi32>
          tpu.vector_store_idx %arg6[%broadcast_in_dim3A_101, %parallel_loop3A_159], %parallel_loop3A_156 : memref<2x8192xf32, #tpu.memory_space<vmem>>[vector<16xi32>, vector<16xi32>], vector<16xf32>,
          %parallel_loop3A_160 = arith.constant 32 : i32
          %parallel_loop3A_161 = vector.broadcast %parallel_loop3A_160 : i32 to vector<16xi32>
          %parallel_loop3A_162 = arith.addi %parallel_loop3A_132, %parallel_loop3A_161 : vector<16xi32>
          %parallel_loop3A_163 = tpu.vector_load_idx %arg5[%broadcast_in_dim3A_101, %parallel_loop3A_139, %parallel_loop3A_162] : memref<2x64x128xf32, #tpu.memory_space<vmem>>[vector<16xi32>, vector<16xi32>, vector<16xi32>], vector<16xf32>,
          %parallel_loop3A_164 = arith.constant 8.000000e+00 : f32
          %parallel_loop3A_165 = vector.broadcast %parallel_loop3A_164 : f32 to vector<16xf32>
          %parallel_loop3A_166 = arith.mulf %parallel_loop3A_163, %parallel_loop3A_165 : vector<16xf32>
          %parallel_loop3A_167 = arith.constant 2048 : i32
          %parallel_loop3A_168 = vector.broadcast %parallel_loop3A_167 : i32 to vector<16xi32>
          %parallel_loop3A_169 = arith.addi %parallel_loop3A_136, %parallel_loop3A_168 : vector<16xi32>
          tpu.vector_store_idx %arg6[%broadcast_in_dim3A_101, %parallel_loop3A_169], %parallel_loop3A_166 : memref<2x8192xf32, #tpu.memory_space<vmem>>[vector<16xi32>, vector<16xi32>], vector<16xf32>,
          %parallel_loop3A_170 = arith.constant 48 : i32
          %parallel_loop3A_171 = vector.broadcast %parallel_loop3A_170 : i32 to vector<16xi32>
          %parallel_loop3A_172 = arith.addi %parallel_loop3A_132, %parallel_loop3A_171 : vector<16xi32>
          %parallel_loop3A_173 = tpu.vector_load_idx %arg5[%broadcast_in_dim3A_101, %parallel_loop3A_139, %parallel_loop3A_172] : memref<2x64x128xf32, #tpu.memory_space<vmem>>[vector<16xi32>, vector<16xi32>, vector<16xi32>], vector<16xf32>,
          %parallel_loop3A_174 = arith.constant 8.000000e+00 : f32
          %parallel_loop3A_175 = vector.broadcast %parallel_loop3A_174 : f32 to vector<16xf32>
          %parallel_loop3A_176 = arith.mulf %parallel_loop3A_173, %parallel_loop3A_175 : vector<16xf32>
          %parallel_loop3A_177 = arith.constant 3072 : i32
          %parallel_loop3A_178 = vector.broadcast %parallel_loop3A_177 : i32 to vector<16xi32>
          %parallel_loop3A_179 = arith.addi %parallel_loop3A_136, %parallel_loop3A_178 : vector<16xi32>
          tpu.vector_store_idx %arg6[%broadcast_in_dim3A_101, %parallel_loop3A_179], %parallel_loop3A_176 : memref<2x8192xf32, #tpu.memory_space<vmem>>[vector<16xi32>, vector<16xi32>], vector<16xf32>,
          %parallel_loop3A_180 = arith.constant 64 : i32
          %parallel_loop3A_181 = vector.broadcast %parallel_loop3A_180 : i32 to vector<16xi32>
          %parallel_loop3A_182 = arith.addi %parallel_loop3A_132, %parallel_loop3A_181 : vector<16xi32>
          %parallel_loop3A_183 = tpu.vector_load_idx %arg5[%broadcast_in_dim3A_101, %parallel_loop3A_139, %parallel_loop3A_182] : memref<2x64x128xf32, #tpu.memory_space<vmem>>[vector<16xi32>, vector<16xi32>, vector<16xi32>], vector<16xf32>,
          %parallel_loop3A_184 = arith.constant 8.000000e+00 : f32
          %parallel_loop3A_185 = vector.broadcast %parallel_loop3A_184 : f32 to vector<16xf32>
          %parallel_loop3A_186 = arith.mulf %parallel_loop3A_183, %parallel_loop3A_185 : vector<16xf32>
          %parallel_loop3A_187 = arith.constant 4096 : i32
          %parallel_loop3A_188 = vector.broadcast %parallel_loop3A_187 : i32 to vector<16xi32>
          %parallel_loop3A_189 = arith.addi %parallel_loop3A_136, %parallel_loop3A_188 : vector<16xi32>
          tpu.vector_store_idx %arg6[%broadcast_in_dim3A_101, %parallel_loop3A_189], %parallel_loop3A_186 : memref<2x8192xf32, #tpu.memory_space<vmem>>[vector<16xi32>, vector<16xi32>], vector<16xf32>,
          %parallel_loop3A_190 = arith.constant 80 : i32
          %parallel_loop3A_191 = vector.broadcast %parallel_loop3A_190 : i32 to vector<16xi32>
          %parallel_loop3A_192 = arith.addi %parallel_loop3A_132, %parallel_loop3A_191 : vector<16xi32>
          %parallel_loop3A_193 = tpu.vector_load_idx %arg5[%broadcast_in_dim3A_101, %parallel_loop3A_139, %parallel_loop3A_192] : memref<2x64x128xf32, #tpu.memory_space<vmem>>[vector<16xi32>, vector<16xi32>, vector<16xi32>], vector<16xf32>,
          %parallel_loop3A_194 = arith.constant 8.000000e+00 : f32
          %parallel_loop3A_195 = vector.broadcast %parallel_loop3A_194 : f32 to vector<16xf32>
          %parallel_loop3A_196 = arith.mulf %parallel_loop3A_193, %parallel_loop3A_195 : vector<16xf32>
          %parallel_loop3A_197 = arith.constant 5120 : i32
          %parallel_loop3A_198 = vector.broadcast %parallel_loop3A_197 : i32 to vector<16xi32>
          %parallel_loop3A_199 = arith.addi %parallel_loop3A_136, %parallel_loop3A_198 : vector<16xi32>
          tpu.vector_store_idx %arg6[%broadcast_in_dim3A_101, %parallel_loop3A_199], %parallel_loop3A_196 : memref<2x8192xf32, #tpu.memory_space<vmem>>[vector<16xi32>, vector<16xi32>], vector<16xf32>,
          %parallel_loop3A_200 = arith.constant 96 : i32
          %parallel_loop3A_201 = vector.broadcast %parallel_loop3A_200 : i32 to vector<16xi32>
          %parallel_loop3A_202 = arith.addi %parallel_loop3A_132, %parallel_loop3A_201 : vector<16xi32>
          %parallel_loop3A_203 = tpu.vector_load_idx %arg5[%broadcast_in_dim3A_101, %parallel_loop3A_139, %parallel_loop3A_202] : memref<2x64x128xf32, #tpu.memory_space<vmem>>[vector<16xi32>, vector<16xi32>, vector<16xi32>], vector<16xf32>,
          %parallel_loop3A_204 = arith.constant 8.000000e+00 : f32
          %parallel_loop3A_205 = vector.broadcast %parallel_loop3A_204 : f32 to vector<16xf32>
          %parallel_loop3A_206 = arith.mulf %parallel_loop3A_203, %parallel_loop3A_205 : vector<16xf32>
          %parallel_loop3A_207 = arith.constant 6144 : i32
          %parallel_loop3A_208 = vector.broadcast %parallel_loop3A_207 : i32 to vector<16xi32>
          %parallel_loop3A_209 = arith.addi %parallel_loop3A_136, %parallel_loop3A_208 : vector<16xi32>
          tpu.vector_store_idx %arg6[%broadcast_in_dim3A_101, %parallel_loop3A_209], %parallel_loop3A_206 : memref<2x8192xf32, #tpu.memory_space<vmem>>[vector<16xi32>, vector<16xi32>], vector<16xf32>,
          %parallel_loop3A_210 = arith.constant 112 : i32
          %parallel_loop3A_211 = vector.broadcast %parallel_loop3A_210 : i32 to vector<16xi32>
          %parallel_loop3A_212 = arith.addi %parallel_loop3A_132, %parallel_loop3A_211 : vector<16xi32>
          %parallel_loop3A_213 = tpu.vector_load_idx %arg5[%broadcast_in_dim3A_101, %parallel_loop3A_139, %parallel_loop3A_212] : memref<2x64x128xf32, #tpu.memory_space<vmem>>[vector<16xi32>, vector<16xi32>, vector<16xi32>], vector<16xf32>,
          %parallel_loop3A_214 = arith.constant 8.000000e+00 : f32
          %parallel_loop3A_215 = vector.broadcast %parallel_loop3A_214 : f32 to vector<16xf32>
          %parallel_loop3A_216 = arith.mulf %parallel_loop3A_213, %parallel_loop3A_215 : vector<16xf32>
          %parallel_loop3A_217 = arith.constant 7168 : i32
          %parallel_loop3A_218 = vector.broadcast %parallel_loop3A_217 : i32 to vector<16xi32>
          %parallel_loop3A_219 = arith.addi %parallel_loop3A_136, %parallel_loop3A_218 : vector<16xi32>
          tpu.vector_store_idx %arg6[%broadcast_in_dim3A_101, %parallel_loop3A_219], %parallel_loop3A_216 : memref<2x8192xf32, #tpu.memory_space<vmem>>[vector<16xi32>, vector<16xi32>], vector<16xf32>,
          %parallel_loop3A_220 = arith.constant 16 : i32
          %parallel_loop3A_221 = vector.broadcast %parallel_loop3A_220 : i32 to vector<16xi32>
          %parallel_loop3A_222 = arith.addi %iota3A, %parallel_loop3A_221 : vector<16xi32>
          %parallel_loop3A_223 = arith.constant 0 : i32
          %parallel_loop3A_224 = vector.broadcast %parallel_loop3A_223 : i32 to vector<16xi32>
          %parallel_loop3A_225 = arith.addi %parallel_loop3A_132, %parallel_loop3A_224 : vector<16xi32>
          %parallel_loop3A_226 = tpu.vector_load_idx %arg5[%broadcast_in_dim3A_101, %parallel_loop3A_222, %parallel_loop3A_225] : memref<2x64x128xf32, #tpu.memory_space<vmem>>[vector<16xi32>, vector<16xi32>, vector<16xi32>], vector<16xf32>,
          %parallel_loop3A_227 = arith.constant 8.000000e+00 : f32
          %parallel_loop3A_228 = vector.broadcast %parallel_loop3A_227 : f32 to vector<16xf32>
          %parallel_loop3A_229 = arith.mulf %parallel_loop3A_226, %parallel_loop3A_228 : vector<16xf32>
          %parallel_loop3A_230 = arith.constant 16 : i32
          %parallel_loop3A_231 = vector.broadcast %parallel_loop3A_230 : i32 to vector<16xi32>
          %parallel_loop3A_232 = arith.addi %parallel_loop3A_136, %parallel_loop3A_231 : vector<16xi32>
          tpu.vector_store_idx %arg6[%broadcast_in_dim3A_101, %parallel_loop3A_232], %parallel_loop3A_229 : memref<2x8192xf32, #tpu.memory_space<vmem>>[vector<16xi32>, vector<16xi32>], vector<16xf32>,
          %parallel_loop3A_233 = arith.constant 16 : i32
          %parallel_loop3A_234 = vector.broadcast %parallel_loop3A_233 : i32 to vector<16xi32>
          %parallel_loop3A_235 = arith.addi %parallel_loop3A_132, %parallel_loop3A_234 : vector<16xi32>
          %parallel_loop3A_236 = tpu.vector_load_idx %arg5[%broadcast_in_dim3A_101, %parallel_loop3A_222, %parallel_loop3A_235] : memref<2x64x128xf32, #tpu.memory_space<vmem>>[vector<16xi32>, vector<16xi32>, vector<16xi32>], vector<16xf32>,
          %parallel_loop3A_237 = arith.constant 8.000000e+00 : f32
          %parallel_loop3A_238 = vector.broadcast %parallel_loop3A_237 : f32 to vector<16xf32>
          %parallel_loop3A_239 = arith.mulf %parallel_loop3A_236, %parallel_loop3A_238 : vector<16xf32>
          %parallel_loop3A_240 = arith.constant 1040 : i32
          %parallel_loop3A_241 = vector.broadcast %parallel_loop3A_240 : i32 to vector<16xi32>
          %parallel_loop3A_242 = arith.addi %parallel_loop3A_136, %parallel_loop3A_241 : vector<16xi32>
          tpu.vector_store_idx %arg6[%broadcast_in_dim3A_101, %parallel_loop3A_242], %parallel_loop3A_239 : memref<2x8192xf32, #tpu.memory_space<vmem>>[vector<16xi32>, vector<16xi32>], vector<16xf32>,
          %parallel_loop3A_243 = arith.constant 32 : i32
          %parallel_loop3A_244 = vector.broadcast %parallel_loop3A_243 : i32 to vector<16xi32>
          %parallel_loop3A_245 = arith.addi %parallel_loop3A_132, %parallel_loop3A_244 : vector<16xi32>
          %parallel_loop3A_246 = tpu.vector_load_idx %arg5[%broadcast_in_dim3A_101, %parallel_loop3A_222, %parallel_loop3A_245] : memref<2x64x128xf32, #tpu.memory_space<vmem>>[vector<16xi32>, vector<16xi32>, vector<16xi32>], vector<16xf32>,
          %parallel_loop3A_247 = arith.constant 8.000000e+00 : f32
          %parallel_loop3A_248 = vector.broadcast %parallel_loop3A_247 : f32 to vector<16xf32>
          %parallel_loop3A_249 = arith.mulf %parallel_loop3A_246, %parallel_loop3A_248 : vector<16xf32>
          %parallel_loop3A_250 = arith.constant 2064 : i32
          %parallel_loop3A_251 = vector.broadcast %parallel_loop3A_250 : i32 to vector<16xi32>
          %parallel_loop3A_252 = arith.addi %parallel_loop3A_136, %parallel_loop3A_251 : vector<16xi32>
          tpu.vector_store_idx %arg6[%broadcast_in_dim3A_101, %parallel_loop3A_252], %parallel_loop3A_249 : memref<2x8192xf32, #tpu.memory_space<vmem>>[vector<16xi32>, vector<16xi32>], vector<16xf32>,
          %parallel_loop3A_253 = arith.constant 48 : i32
          %parallel_loop3A_254 = vector.broadcast %parallel_loop3A_253 : i32 to vector<16xi32>
          %parallel_loop3A_255 = arith.addi %parallel_loop3A_132, %parallel_loop3A_254 : vector<16xi32>
          %parallel_loop3A_256 = tpu.vector_load_idx %arg5[%broadcast_in_dim3A_101, %parallel_loop3A_222, %parallel_loop3A_255] : memref<2x64x128xf32, #tpu.memory_space<vmem>>[vector<16xi32>, vector<16xi32>, vector<16xi32>], vector<16xf32>,
          %parallel_loop3A_257 = arith.constant 8.000000e+00 : f32
          %parallel_loop3A_258 = vector.broadcast %parallel_loop3A_257 : f32 to vector<16xf32>
          %parallel_loop3A_259 = arith.mulf %parallel_loop3A_256, %parallel_loop3A_258 : vector<16xf32>
          %parallel_loop3A_260 = arith.constant 3088 : i32
          %parallel_loop3A_261 = vector.broadcast %parallel_loop3A_260 : i32 to vector<16xi32>
          %parallel_loop3A_262 = arith.addi %parallel_loop3A_136, %parallel_loop3A_261 : vector<16xi32>
          tpu.vector_store_idx %arg6[%broadcast_in_dim3A_101, %parallel_loop3A_262], %parallel_loop3A_259 : memref<2x8192xf32, #tpu.memory_space<vmem>>[vector<16xi32>, vector<16xi32>], vector<16xf32>,
          %parallel_loop3A_263 = arith.constant 64 : i32
          %parallel_loop3A_264 = vector.broadcast %parallel_loop3A_263 : i32 to vector<16xi32>
          %parallel_loop3A_265 = arith.addi %parallel_loop3A_132, %parallel_loop3A_264 : vector<16xi32>
          %parallel_loop3A_266 = tpu.vector_load_idx %arg5[%broadcast_in_dim3A_101, %parallel_loop3A_222, %parallel_loop3A_265] : memref<2x64x128xf32, #tpu.memory_space<vmem>>[vector<16xi32>, vector<16xi32>, vector<16xi32>], vector<16xf32>,
          %parallel_loop3A_267 = arith.constant 8.000000e+00 : f32
          %parallel_loop3A_268 = vector.broadcast %parallel_loop3A_267 : f32 to vector<16xf32>
          %parallel_loop3A_269 = arith.mulf %parallel_loop3A_266, %parallel_loop3A_268 : vector<16xf32>
          %parallel_loop3A_270 = arith.constant 4112 : i32
          %parallel_loop3A_271 = vector.broadcast %parallel_loop3A_270 : i32 to vector<16xi32>
          %parallel_loop3A_272 = arith.addi %parallel_loop3A_136, %parallel_loop3A_271 : vector<16xi32>
          tpu.vector_store_idx %arg6[%broadcast_in_dim3A_101, %parallel_loop3A_272], %parallel_loop3A_269 : memref<2x8192xf32, #tpu.memory_space<vmem>>[vector<16xi32>, vector<16xi32>], vector<16xf32>,
          %parallel_loop3A_273 = arith.constant 80 : i32
          %parallel_loop3A_274 = vector.broadcast %parallel_loop3A_273 : i32 to vector<16xi32>
          %parallel_loop3A_275 = arith.addi %parallel_loop3A_132, %parallel_loop3A_274 : vector<16xi32>
          %parallel_loop3A_276 = tpu.vector_load_idx %arg5[%broadcast_in_dim3A_101, %parallel_loop3A_222, %parallel_loop3A_275] : memref<2x64x128xf32, #tpu.memory_space<vmem>>[vector<16xi32>, vector<16xi32>, vector<16xi32>], vector<16xf32>,
          %parallel_loop3A_277 = arith.constant 8.000000e+00 : f32
          %parallel_loop3A_278 = vector.broadcast %parallel_loop3A_277 : f32 to vector<16xf32>
          %parallel_loop3A_279 = arith.mulf %parallel_loop3A_276, %parallel_loop3A_278 : vector<16xf32>
          %parallel_loop3A_280 = arith.constant 5136 : i32
          %parallel_loop3A_281 = vector.broadcast %parallel_loop3A_280 : i32 to vector<16xi32>
          %parallel_loop3A_282 = arith.addi %parallel_loop3A_136, %parallel_loop3A_281 : vector<16xi32>
          tpu.vector_store_idx %arg6[%broadcast_in_dim3A_101, %parallel_loop3A_282], %parallel_loop3A_279 : memref<2x8192xf32, #tpu.memory_space<vmem>>[vector<16xi32>, vector<16xi32>], vector<16xf32>,
          %parallel_loop3A_283 = arith.constant 96 : i32
          %parallel_loop3A_284 = vector.broadcast %parallel_loop3A_283 : i32 to vector<16xi32>
          %parallel_loop3A_285 = arith.addi %parallel_loop3A_132, %parallel_loop3A_284 : vector<16xi32>
          %parallel_loop3A_286 = tpu.vector_load_idx %arg5[%broadcast_in_dim3A_101, %parallel_loop3A_222, %parallel_loop3A_285] : memref<2x64x128xf32, #tpu.memory_space<vmem>>[vector<16xi32>, vector<16xi32>, vector<16xi32>], vector<16xf32>,
          %parallel_loop3A_287 = arith.constant 8.000000e+00 : f32
          %parallel_loop3A_288 = vector.broadcast %parallel_loop3A_287 : f32 to vector<16xf32>
          %parallel_loop3A_289 = arith.mulf %parallel_loop3A_286, %parallel_loop3A_288 : vector<16xf32>
          %parallel_loop3A_290 = arith.constant 6160 : i32
          %parallel_loop3A_291 = vector.broadcast %parallel_loop3A_290 : i32 to vector<16xi32>
          %parallel_loop3A_292 = arith.addi %parallel_loop3A_136, %parallel_loop3A_291 : vector<16xi32>
          tpu.vector_store_idx %arg6[%broadcast_in_dim3A_101, %parallel_loop3A_292], %parallel_loop3A_289 : memref<2x8192xf32, #tpu.memory_space<vmem>>[vector<16xi32>, vector<16xi32>], vector<16xf32>,
          %parallel_loop3A_293 = arith.constant 112 : i32
          %parallel_loop3A_294 = vector.broadcast %parallel_loop3A_293 : i32 to vector<16xi32>
          %parallel_loop3A_295 = arith.addi %parallel_loop3A_132, %parallel_loop3A_294 : vector<16xi32>
          %parallel_loop3A_296 = tpu.vector_load_idx %arg5[%broadcast_in_dim3A_101, %parallel_loop3A_222, %parallel_loop3A_295] : memref<2x64x128xf32, #tpu.memory_space<vmem>>[vector<16xi32>, vector<16xi32>, vector<16xi32>], vector<16xf32>,
          %parallel_loop3A_297 = arith.constant 8.000000e+00 : f32
          %parallel_loop3A_298 = vector.broadcast %parallel_loop3A_297 : f32 to vector<16xf32>
          %parallel_loop3A_299 = arith.mulf %parallel_loop3A_296, %parallel_loop3A_298 : vector<16xf32>
          %parallel_loop3A_300 = arith.constant 7184 : i32
          %parallel_loop3A_301 = vector.broadcast %parallel_loop3A_300 : i32 to vector<16xi32>
          %parallel_loop3A_302 = arith.addi %parallel_loop3A_136, %parallel_loop3A_301 : vector<16xi32>
          tpu.vector_store_idx %arg6[%broadcast_in_dim3A_101, %parallel_loop3A_302], %parallel_loop3A_299 : memref<2x8192xf32, #tpu.memory_space<vmem>>[vector<16xi32>, vector<16xi32>], vector<16xf32>,
          %parallel_loop3A_303 = arith.constant 32 : i32
          %parallel_loop3A_304 = vector.broadcast %parallel_loop3A_303 : i32 to vector<16xi32>
          %parallel_loop3A_305 = arith.addi %iota3A, %parallel_loop3A_304 : vector<16xi32>
          %parallel_loop3A_306 = arith.constant 0 : i32
          %parallel_loop3A_307 = vector.broadcast %parallel_loop3A_306 : i32 to vector<16xi32>
          %parallel_loop3A_308 = arith.addi %parallel_loop3A_132, %parallel_loop3A_307 : vector<16xi32>
          %parallel_loop3A_309 = tpu.vector_load_idx %arg5[%broadcast_in_dim3A_101, %parallel_loop3A_305, %parallel_loop3A_308] : memref<2x64x128xf32, #tpu.memory_space<vmem>>[vector<16xi32>, vector<16xi32>, vector<16xi32>], vector<16xf32>,
          %parallel_loop3A_310 = arith.constant 8.000000e+00 : f32
          %parallel_loop3A_311 = vector.broadcast %parallel_loop3A_310 : f32 to vector<16xf32>
          %parallel_loop3A_312 = arith.mulf %parallel_loop3A_309, %parallel_loop3A_311 : vector<16xf32>
          %parallel_loop3A_313 = arith.constant 32 : i32
          %parallel_loop3A_314 = vector.broadcast %parallel_loop3A_313 : i32 to vector<16xi32>
          %parallel_loop3A_315 = arith.addi %parallel_loop3A_136, %parallel_loop3A_314 : vector<16xi32>
          tpu.vector_store_idx %arg6[%broadcast_in_dim3A_101, %parallel_loop3A_315], %parallel_loop3A_312 : memref<2x8192xf32, #tpu.memory_space<vmem>>[vector<16xi32>, vector<16xi32>], vector<16xf32>,
          %parallel_loop3A_316 = arith.constant 16 : i32
          %parallel_loop3A_317 = vector.broadcast %parallel_loop3A_316 : i32 to vector<16xi32>
          %parallel_loop3A_318 = arith.addi %parallel_loop3A_132, %parallel_loop3A_317 : vector<16xi32>
          %parallel_loop3A_319 = tpu.vector_load_idx %arg5[%broadcast_in_dim3A_101, %parallel_loop3A_305, %parallel_loop3A_318] : memref<2x64x128xf32, #tpu.memory_space<vmem>>[vector<16xi32>, vector<16xi32>, vector<16xi32>], vector<16xf32>,
          %parallel_loop3A_320 = arith.constant 8.000000e+00 : f32
          %parallel_loop3A_321 = vector.broadcast %parallel_loop3A_320 : f32 to vector<16xf32>
          %parallel_loop3A_322 = arith.mulf %parallel_loop3A_319, %parallel_loop3A_321 : vector<16xf32>
          %parallel_loop3A_323 = arith.constant 1056 : i32
          %parallel_loop3A_324 = vector.broadcast %parallel_loop3A_323 : i32 to vector<16xi32>
          %parallel_loop3A_325 = arith.addi %parallel_loop3A_136, %parallel_loop3A_324 : vector<16xi32>
          tpu.vector_store_idx %arg6[%broadcast_in_dim3A_101, %parallel_loop3A_325], %parallel_loop3A_322 : memref<2x8192xf32, #tpu.memory_space<vmem>>[vector<16xi32>, vector<16xi32>], vector<16xf32>,
          %parallel_loop3A_326 = arith.constant 32 : i32
          %parallel_loop3A_327 = vector.broadcast %parallel_loop3A_326 : i32 to vector<16xi32>
          %parallel_loop3A_328 = arith.addi %parallel_loop3A_132, %parallel_loop3A_327 : vector<16xi32>
          %parallel_loop3A_329 = tpu.vector_load_idx %arg5[%broadcast_in_dim3A_101, %parallel_loop3A_305, %parallel_loop3A_328] : memref<2x64x128xf32, #tpu.memory_space<vmem>>[vector<16xi32>, vector<16xi32>, vector<16xi32>], vector<16xf32>,
          %parallel_loop3A_330 = arith.constant 8.000000e+00 : f32
          %parallel_loop3A_331 = vector.broadcast %parallel_loop3A_330 : f32 to vector<16xf32>
          %parallel_loop3A_332 = arith.mulf %parallel_loop3A_329, %parallel_loop3A_331 : vector<16xf32>
          %parallel_loop3A_333 = arith.constant 2080 : i32
          %parallel_loop3A_334 = vector.broadcast %parallel_loop3A_333 : i32 to vector<16xi32>
          %parallel_loop3A_335 = arith.addi %parallel_loop3A_136, %parallel_loop3A_334 : vector<16xi32>
          tpu.vector_store_idx %arg6[%broadcast_in_dim3A_101, %parallel_loop3A_335], %parallel_loop3A_332 : memref<2x8192xf32, #tpu.memory_space<vmem>>[vector<16xi32>, vector<16xi32>], vector<16xf32>,
          %parallel_loop3A_336 = arith.constant 48 : i32
          %parallel_loop3A_337 = vector.broadcast %parallel_loop3A_336 : i32 to vector<16xi32>
          %parallel_loop3A_338 = arith.addi %parallel_loop3A_132, %parallel_loop3A_337 : vector<16xi32>
          %parallel_loop3A_339 = tpu.vector_load_idx %arg5[%broadcast_in_dim3A_101, %parallel_loop3A_305, %parallel_loop3A_338] : memref<2x64x128xf32, #tpu.memory_space<vmem>>[vector<16xi32>, vector<16xi32>, vector<16xi32>], vector<16xf32>,
          %parallel_loop3A_340 = arith.constant 8.000000e+00 : f32
          %parallel_loop3A_341 = vector.broadcast %parallel_loop3A_340 : f32 to vector<16xf32>
          %parallel_loop3A_342 = arith.mulf %parallel_loop3A_339, %parallel_loop3A_341 : vector<16xf32>
          %parallel_loop3A_343 = arith.constant 3104 : i32
          %parallel_loop3A_344 = vector.broadcast %parallel_loop3A_343 : i32 to vector<16xi32>
          %parallel_loop3A_345 = arith.addi %parallel_loop3A_136, %parallel_loop3A_344 : vector<16xi32>
          tpu.vector_store_idx %arg6[%broadcast_in_dim3A_101, %parallel_loop3A_345], %parallel_loop3A_342 : memref<2x8192xf32, #tpu.memory_space<vmem>>[vector<16xi32>, vector<16xi32>], vector<16xf32>,
          %parallel_loop3A_346 = arith.constant 64 : i32
          %parallel_loop3A_347 = vector.broadcast %parallel_loop3A_346 : i32 to vector<16xi32>
          %parallel_loop3A_348 = arith.addi %parallel_loop3A_132, %parallel_loop3A_347 : vector<16xi32>
          %parallel_loop3A_349 = tpu.vector_load_idx %arg5[%broadcast_in_dim3A_101, %parallel_loop3A_305, %parallel_loop3A_348] : memref<2x64x128xf32, #tpu.memory_space<vmem>>[vector<16xi32>, vector<16xi32>, vector<16xi32>], vector<16xf32>,
          %parallel_loop3A_350 = arith.constant 8.000000e+00 : f32
          %parallel_loop3A_351 = vector.broadcast %parallel_loop3A_350 : f32 to vector<16xf32>
          %parallel_loop3A_352 = arith.mulf %parallel_loop3A_349, %parallel_loop3A_351 : vector<16xf32>
          %parallel_loop3A_353 = arith.constant 4128 : i32
          %parallel_loop3A_354 = vector.broadcast %parallel_loop3A_353 : i32 to vector<16xi32>
          %parallel_loop3A_355 = arith.addi %parallel_loop3A_136, %parallel_loop3A_354 : vector<16xi32>
          tpu.vector_store_idx %arg6[%broadcast_in_dim3A_101, %parallel_loop3A_355], %parallel_loop3A_352 : memref<2x8192xf32, #tpu.memory_space<vmem>>[vector<16xi32>, vector<16xi32>], vector<16xf32>,
          %parallel_loop3A_356 = arith.constant 80 : i32
          %parallel_loop3A_357 = vector.broadcast %parallel_loop3A_356 : i32 to vector<16xi32>
          %parallel_loop3A_358 = arith.addi %parallel_loop3A_132, %parallel_loop3A_357 : vector<16xi32>
          %parallel_loop3A_359 = tpu.vector_load_idx %arg5[%broadcast_in_dim3A_101, %parallel_loop3A_305, %parallel_loop3A_358] : memref<2x64x128xf32, #tpu.memory_space<vmem>>[vector<16xi32>, vector<16xi32>, vector<16xi32>], vector<16xf32>,
          %parallel_loop3A_360 = arith.constant 8.000000e+00 : f32
          %parallel_loop3A_361 = vector.broadcast %parallel_loop3A_360 : f32 to vector<16xf32>
          %parallel_loop3A_362 = arith.mulf %parallel_loop3A_359, %parallel_loop3A_361 : vector<16xf32>
          %parallel_loop3A_363 = arith.constant 5152 : i32
          %parallel_loop3A_364 = vector.broadcast %parallel_loop3A_363 : i32 to vector<16xi32>
          %parallel_loop3A_365 = arith.addi %parallel_loop3A_136, %parallel_loop3A_364 : vector<16xi32>
          tpu.vector_store_idx %arg6[%broadcast_in_dim3A_101, %parallel_loop3A_365], %parallel_loop3A_362 : memref<2x8192xf32, #tpu.memory_space<vmem>>[vector<16xi32>, vector<16xi32>], vector<16xf32>,
          %parallel_loop3A_366 = arith.constant 96 : i32
          %parallel_loop3A_367 = vector.broadcast %parallel_loop3A_366 : i32 to vector<16xi32>
          %parallel_loop3A_368 = arith.addi %parallel_loop3A_132, %parallel_loop3A_367 : vector<16xi32>
          %parallel_loop3A_369 = tpu.vector_load_idx %arg5[%broadcast_in_dim3A_101, %parallel_loop3A_305, %parallel_loop3A_368] : memref<2x64x128xf32, #tpu.memory_space<vmem>>[vector<16xi32>, vector<16xi32>, vector<16xi32>], vector<16xf32>,
          %parallel_loop3A_370 = arith.constant 8.000000e+00 : f32
          %parallel_loop3A_371 = vector.broadcast %parallel_loop3A_370 : f32 to vector<16xf32>
          %parallel_loop3A_372 = arith.mulf %parallel_loop3A_369, %parallel_loop3A_371 : vector<16xf32>
          %parallel_loop3A_373 = arith.constant 6176 : i32
          %parallel_loop3A_374 = vector.broadcast %parallel_loop3A_373 : i32 to vector<16xi32>
          %parallel_loop3A_375 = arith.addi %parallel_loop3A_136, %parallel_loop3A_374 : vector<16xi32>
          tpu.vector_store_idx %arg6[%broadcast_in_dim3A_101, %parallel_loop3A_375], %parallel_loop3A_372 : memref<2x8192xf32, #tpu.memory_space<vmem>>[vector<16xi32>, vector<16xi32>], vector<16xf32>,
          %parallel_loop3A_376 = arith.constant 112 : i32
          %parallel_loop3A_377 = vector.broadcast %parallel_loop3A_376 : i32 to vector<16xi32>
          %parallel_loop3A_378 = arith.addi %parallel_loop3A_132, %parallel_loop3A_377 : vector<16xi32>
          %parallel_loop3A_379 = tpu.vector_load_idx %arg5[%broadcast_in_dim3A_101, %parallel_loop3A_305, %parallel_loop3A_378] : memref<2x64x128xf32, #tpu.memory_space<vmem>>[vector<16xi32>, vector<16xi32>, vector<16xi32>], vector<16xf32>,
          %parallel_loop3A_380 = arith.constant 8.000000e+00 : f32
          %parallel_loop3A_381 = vector.broadcast %parallel_loop3A_380 : f32 to vector<16xf32>
          %parallel_loop3A_382 = arith.mulf %parallel_loop3A_379, %parallel_loop3A_381 : vector<16xf32>
          %parallel_loop3A_383 = arith.constant 7200 : i32
          %parallel_loop3A_384 = vector.broadcast %parallel_loop3A_383 : i32 to vector<16xi32>
          %parallel_loop3A_385 = arith.addi %parallel_loop3A_136, %parallel_loop3A_384 : vector<16xi32>
          tpu.vector_store_idx %arg6[%broadcast_in_dim3A_101, %parallel_loop3A_385], %parallel_loop3A_382 : memref<2x8192xf32, #tpu.memory_space<vmem>>[vector<16xi32>, vector<16xi32>], vector<16xf32>,
          %parallel_loop3A_386 = arith.constant 48 : i32
          %parallel_loop3A_387 = vector.broadcast %parallel_loop3A_386 : i32 to vector<16xi32>
          %parallel_loop3A_388 = arith.addi %iota3A, %parallel_loop3A_387 : vector<16xi32>
          %parallel_loop3A_389 = arith.constant 0 : i32
          %parallel_loop3A_390 = vector.broadcast %parallel_loop3A_389 : i32 to vector<16xi32>
          %parallel_loop3A_391 = arith.addi %parallel_loop3A_132, %parallel_loop3A_390 : vector<16xi32>
          %parallel_loop3A_392 = tpu.vector_load_idx %arg5[%broadcast_in_dim3A_101, %parallel_loop3A_388, %parallel_loop3A_391] : memref<2x64x128xf32, #tpu.memory_space<vmem>>[vector<16xi32>, vector<16xi32>, vector<16xi32>], vector<16xf32>,
          %parallel_loop3A_393 = arith.constant 8.000000e+00 : f32
          %parallel_loop3A_394 = vector.broadcast %parallel_loop3A_393 : f32 to vector<16xf32>
          %parallel_loop3A_395 = arith.mulf %parallel_loop3A_392, %parallel_loop3A_394 : vector<16xf32>
          %parallel_loop3A_396 = arith.constant 48 : i32
          %parallel_loop3A_397 = vector.broadcast %parallel_loop3A_396 : i32 to vector<16xi32>
          %parallel_loop3A_398 = arith.addi %parallel_loop3A_136, %parallel_loop3A_397 : vector<16xi32>
          tpu.vector_store_idx %arg6[%broadcast_in_dim3A_101, %parallel_loop3A_398], %parallel_loop3A_395 : memref<2x8192xf32, #tpu.memory_space<vmem>>[vector<16xi32>, vector<16xi32>], vector<16xf32>,
          %parallel_loop3A_399 = arith.constant 16 : i32
          %parallel_loop3A_400 = vector.broadcast %parallel_loop3A_399 : i32 to vector<16xi32>
          %parallel_loop3A_401 = arith.addi %parallel_loop3A_132, %parallel_loop3A_400 : vector<16xi32>
          %parallel_loop3A_402 = tpu.vector_load_idx %arg5[%broadcast_in_dim3A_101, %parallel_loop3A_388, %parallel_loop3A_401] : memref<2x64x128xf32, #tpu.memory_space<vmem>>[vector<16xi32>, vector<16xi32>, vector<16xi32>], vector<16xf32>,
          %parallel_loop3A_403 = arith.constant 8.000000e+00 : f32
          %parallel_loop3A_404 = vector.broadcast %parallel_loop3A_403 : f32 to vector<16xf32>
          %parallel_loop3A_405 = arith.mulf %parallel_loop3A_402, %parallel_loop3A_404 : vector<16xf32>
          %parallel_loop3A_406 = arith.constant 1072 : i32
          %parallel_loop3A_407 = vector.broadcast %parallel_loop3A_406 : i32 to vector<16xi32>
          %parallel_loop3A_408 = arith.addi %parallel_loop3A_136, %parallel_loop3A_407 : vector<16xi32>
          tpu.vector_store_idx %arg6[%broadcast_in_dim3A_101, %parallel_loop3A_408], %parallel_loop3A_405 : memref<2x8192xf32, #tpu.memory_space<vmem>>[vector<16xi32>, vector<16xi32>], vector<16xf32>,
          %parallel_loop3A_409 = arith.constant 32 : i32
          %parallel_loop3A_410 = vector.broadcast %parallel_loop3A_409 : i32 to vector<16xi32>
          %parallel_loop3A_411 = arith.addi %parallel_loop3A_132, %parallel_loop3A_410 : vector<16xi32>
          %parallel_loop3A_412 = tpu.vector_load_idx %arg5[%broadcast_in_dim3A_101, %parallel_loop3A_388, %parallel_loop3A_411] : memref<2x64x128xf32, #tpu.memory_space<vmem>>[vector<16xi32>, vector<16xi32>, vector<16xi32>], vector<16xf32>,
          %parallel_loop3A_413 = arith.constant 8.000000e+00 : f32
          %parallel_loop3A_414 = vector.broadcast %parallel_loop3A_413 : f32 to vector<16xf32>
          %parallel_loop3A_415 = arith.mulf %parallel_loop3A_412, %parallel_loop3A_414 : vector<16xf32>
          %parallel_loop3A_416 = arith.constant 2096 : i32
          %parallel_loop3A_417 = vector.broadcast %parallel_loop3A_416 : i32 to vector<16xi32>
          %parallel_loop3A_418 = arith.addi %parallel_loop3A_136, %parallel_loop3A_417 : vector<16xi32>
          tpu.vector_store_idx %arg6[%broadcast_in_dim3A_101, %parallel_loop3A_418], %parallel_loop3A_415 : memref<2x8192xf32, #tpu.memory_space<vmem>>[vector<16xi32>, vector<16xi32>], vector<16xf32>,
          %parallel_loop3A_419 = arith.constant 48 : i32
          %parallel_loop3A_420 = vector.broadcast %parallel_loop3A_419 : i32 to vector<16xi32>
          %parallel_loop3A_421 = arith.addi %parallel_loop3A_132, %parallel_loop3A_420 : vector<16xi32>
          %parallel_loop3A_422 = tpu.vector_load_idx %arg5[%broadcast_in_dim3A_101, %parallel_loop3A_388, %parallel_loop3A_421] : memref<2x64x128xf32, #tpu.memory_space<vmem>>[vector<16xi32>, vector<16xi32>, vector<16xi32>], vector<16xf32>,
          %parallel_loop3A_423 = arith.constant 8.000000e+00 : f32
          %parallel_loop3A_424 = vector.broadcast %parallel_loop3A_423 : f32 to vector<16xf32>
          %parallel_loop3A_425 = arith.mulf %parallel_loop3A_422, %parallel_loop3A_424 : vector<16xf32>
          %parallel_loop3A_426 = arith.constant 3120 : i32
          %parallel_loop3A_427 = vector.broadcast %parallel_loop3A_426 : i32 to vector<16xi32>
          %parallel_loop3A_428 = arith.addi %parallel_loop3A_136, %parallel_loop3A_427 : vector<16xi32>
          tpu.vector_store_idx %arg6[%broadcast_in_dim3A_101, %parallel_loop3A_428], %parallel_loop3A_425 : memref<2x8192xf32, #tpu.memory_space<vmem>>[vector<16xi32>, vector<16xi32>], vector<16xf32>,
          %parallel_loop3A_429 = arith.constant 64 : i32
          %parallel_loop3A_430 = vector.broadcast %parallel_loop3A_429 : i32 to vector<16xi32>
          %parallel_loop3A_431 = arith.addi %parallel_loop3A_132, %parallel_loop3A_430 : vector<16xi32>
          %parallel_loop3A_432 = tpu.vector_load_idx %arg5[%broadcast_in_dim3A_101, %parallel_loop3A_388, %parallel_loop3A_431] : memref<2x64x128xf32, #tpu.memory_space<vmem>>[vector<16xi32>, vector<16xi32>, vector<16xi32>], vector<16xf32>,
          %parallel_loop3A_433 = arith.constant 8.000000e+00 : f32
          %parallel_loop3A_434 = vector.broadcast %parallel_loop3A_433 : f32 to vector<16xf32>
          %parallel_loop3A_435 = arith.mulf %parallel_loop3A_432, %parallel_loop3A_434 : vector<16xf32>
          %parallel_loop3A_436 = arith.constant 4144 : i32
          %parallel_loop3A_437 = vector.broadcast %parallel_loop3A_436 : i32 to vector<16xi32>
          %parallel_loop3A_438 = arith.addi %parallel_loop3A_136, %parallel_loop3A_437 : vector<16xi32>
          tpu.vector_store_idx %arg6[%broadcast_in_dim3A_101, %parallel_loop3A_438], %parallel_loop3A_435 : memref<2x8192xf32, #tpu.memory_space<vmem>>[vector<16xi32>, vector<16xi32>], vector<16xf32>,
          %parallel_loop3A_439 = arith.constant 80 : i32
          %parallel_loop3A_440 = vector.broadcast %parallel_loop3A_439 : i32 to vector<16xi32>
          %parallel_loop3A_441 = arith.addi %parallel_loop3A_132, %parallel_loop3A_440 : vector<16xi32>
          %parallel_loop3A_442 = tpu.vector_load_idx %arg5[%broadcast_in_dim3A_101, %parallel_loop3A_388, %parallel_loop3A_441] : memref<2x64x128xf32, #tpu.memory_space<vmem>>[vector<16xi32>, vector<16xi32>, vector<16xi32>], vector<16xf32>,
          %parallel_loop3A_443 = arith.constant 8.000000e+00 : f32
          %parallel_loop3A_444 = vector.broadcast %parallel_loop3A_443 : f32 to vector<16xf32>
          %parallel_loop3A_445 = arith.mulf %parallel_loop3A_442, %parallel_loop3A_444 : vector<16xf32>
          %parallel_loop3A_446 = arith.constant 5168 : i32
          %parallel_loop3A_447 = vector.broadcast %parallel_loop3A_446 : i32 to vector<16xi32>
          %parallel_loop3A_448 = arith.addi %parallel_loop3A_136, %parallel_loop3A_447 : vector<16xi32>
          tpu.vector_store_idx %arg6[%broadcast_in_dim3A_101, %parallel_loop3A_448], %parallel_loop3A_445 : memref<2x8192xf32, #tpu.memory_space<vmem>>[vector<16xi32>, vector<16xi32>], vector<16xf32>,
          %parallel_loop3A_449 = arith.constant 96 : i32
          %parallel_loop3A_450 = vector.broadcast %parallel_loop3A_449 : i32 to vector<16xi32>
          %parallel_loop3A_451 = arith.addi %parallel_loop3A_132, %parallel_loop3A_450 : vector<16xi32>
          %parallel_loop3A_452 = tpu.vector_load_idx %arg5[%broadcast_in_dim3A_101, %parallel_loop3A_388, %parallel_loop3A_451] : memref<2x64x128xf32, #tpu.memory_space<vmem>>[vector<16xi32>, vector<16xi32>, vector<16xi32>], vector<16xf32>,
          %parallel_loop3A_453 = arith.constant 8.000000e+00 : f32
          %parallel_loop3A_454 = vector.broadcast %parallel_loop3A_453 : f32 to vector<16xf32>
          %parallel_loop3A_455 = arith.mulf %parallel_loop3A_452, %parallel_loop3A_454 : vector<16xf32>
          %parallel_loop3A_456 = arith.constant 6192 : i32
          %parallel_loop3A_457 = vector.broadcast %parallel_loop3A_456 : i32 to vector<16xi32>
          %parallel_loop3A_458 = arith.addi %parallel_loop3A_136, %parallel_loop3A_457 : vector<16xi32>
          tpu.vector_store_idx %arg6[%broadcast_in_dim3A_101, %parallel_loop3A_458], %parallel_loop3A_455 : memref<2x8192xf32, #tpu.memory_space<vmem>>[vector<16xi32>, vector<16xi32>], vector<16xf32>,
          %parallel_loop3A_459 = arith.constant 112 : i32
          %parallel_loop3A_460 = vector.broadcast %parallel_loop3A_459 : i32 to vector<16xi32>
          %parallel_loop3A_461 = arith.addi %parallel_loop3A_132, %parallel_loop3A_460 : vector<16xi32>
          %parallel_loop3A_462 = tpu.vector_load_idx %arg5[%broadcast_in_dim3A_101, %parallel_loop3A_388, %parallel_loop3A_461] : memref<2x64x128xf32, #tpu.memory_space<vmem>>[vector<16xi32>, vector<16xi32>, vector<16xi32>], vector<16xf32>,
          %parallel_loop3A_463 = arith.constant 8.000000e+00 : f32
          %parallel_loop3A_464 = vector.broadcast %parallel_loop3A_463 : f32 to vector<16xf32>
          %parallel_loop3A_465 = arith.mulf %parallel_loop3A_462, %parallel_loop3A_464 : vector<16xf32>
          %parallel_loop3A_466 = arith.constant 7216 : i32
          %parallel_loop3A_467 = vector.broadcast %parallel_loop3A_466 : i32 to vector<16xi32>
          %parallel_loop3A_468 = arith.addi %parallel_loop3A_136, %parallel_loop3A_467 : vector<16xi32>
          tpu.vector_store_idx %arg6[%broadcast_in_dim3A_101, %parallel_loop3A_468], %parallel_loop3A_465 : memref<2x8192xf32, #tpu.memory_space<vmem>>[vector<16xi32>, vector<16xi32>], vector<16xf32>,
        } {sc.loop_unroll_factor = 2 : i64, sc.parallel_access}
        %mul3A_104 = arith.constant 32 : i32
        %mul3A_105 = arith.muli %mul3A_104, %add3A_70 : i32
        %add3A_106 = arith.addi %add3A, %mul3A_105 : i32
        %mul3A_107 = arith.constant 8192 : i32
        %mul3A_108 = arith.muli %add3A_106, %mul3A_107 : i32
        %dma_start3A = arith.constant 1 : i32
        %dma_start3A_109 = arith.constant 0 : i32
        %dma_start3A_110 = tpu.memref_slice %arg6[%dma_start3A, %dma_start3A_109] : memref<2x8192xf32, #tpu.memory_space<vmem>> -> memref<1x8192xf32, #tpu.memory_space<vmem>>
        %dma_start3A_111 = tpu.memref_squeeze %dma_start3A_110 : memref<1x8192xf32, #tpu.memory_space<vmem>> -> memref<8192xf32, #tpu.memory_space<vmem>>
        %dma_start3A_112 = tpu.memref_slice %arg4[%mul3A_108] : memref<64000000xf32, #tpu.memory_space<hbm>> -> memref<8192xf32, #tpu.memory_space<hbm>>
        %dma_start3A_113 = tpu.memref_slice %arg4[%mul3A_108] : memref<64000000xf32, #tpu.memory_space<hbm>> -> memref<8192xf32, #tpu.memory_space<hbm>>
        %dma_start3A_114 = arith.constant 0 : i32
        %dma_start3A_115 = tpu.memref_slice %arg6[%dma_start3A, %dma_start3A_114] : memref<2x8192xf32, #tpu.memory_space<vmem>> -> memref<1x8192xf32, #tpu.memory_space<vmem>>
        %dma_start3A_116 = tpu.memref_squeeze %dma_start3A_115 : memref<1x8192xf32, #tpu.memory_space<vmem>> -> memref<8192xf32, #tpu.memory_space<vmem>>
        tpu.enqueue_dma source(%dma_start3A_116 : memref<8192xf32, #tpu.memory_space<vmem>>) target(%dma_start3A_113 : memref<8192xf32, #tpu.memory_space<hbm>>) target_semaphore(%arg12 : memref<!tpu.dma_semaphore, #tpu.memory_space<semaphore_mem>>)
        %add3A_117 = arith.constant 2 : i32
        %add3A_118 = arith.addi %add3A_70, %add3A_117 : i32
        %mul3A_119 = arith.constant 32 : i32
        %mul3A_120 = arith.muli %mul3A_119, %add3A_118 : i32
        %add3A_121 = arith.addi %add3A, %mul3A_120 : i32
        %lt3A_122 = arith.constant 7812 : i32
        %lt3A_123 = arith.cmpi slt, %add3A_121, %lt3A_122 : i32
        %convert_element_type3A_124 = arith.extui %lt3A_123 : i1 to i32
        %cond3A_125 = arith.constant 0 : i32
        %cond3A_126 = arith.cmpi ne, %convert_element_type3A_124, %cond3A_125 : i32
        scf.if %cond3A_126 {
          %add3A_127 = arith.constant 2 : i32
          %add3A_128 = arith.addi %add3A_70, %add3A_127 : i32
          %mul3A_129 = arith.constant 32 : i32
          %mul3A_130 = arith.muli %mul3A_129, %add3A_128 : i32
          %add3A_131 = arith.addi %add3A, %mul3A_130 : i32
          %mul3A_132 = arith.constant 128 : i32
          %mul3A_133 = arith.muli %add3A_131, %mul3A_132 : i32
          %dma_start3A_134 = arith.constant 1 : i32
          %dma_start3A_135 = arith.constant 0 : i32
          %dma_start3A_136 = arith.constant 0 : i32
          %dma_start3A_137 = tpu.memref_slice %arg5[%dma_start3A_134, %dma_start3A_135, %dma_start3A_136] : memref<2x64x128xf32, #tpu.memory_space<vmem>> -> memref<1x64x128xf32, #tpu.memory_space<vmem>>
          %dma_start3A_138 = tpu.memref_squeeze %dma_start3A_137 : memref<1x64x128xf32, #tpu.memory_space<vmem>> -> memref<64x128xf32, #tpu.memory_space<vmem>>
          %dma_start3A_139 = arith.constant 0 : i32
          %dma_start3A_140 = tpu.memref_slice %arg2[%dma_start3A_139, %mul3A_133] : memref<64x1000000xf32, #tpu.memory_space<hbm>> -> memref<64x128xf32, #tpu.memory_space<hbm>>
          %dma_start3A_141 = arith.constant 0 : i32
          %dma_start3A_142 = arith.constant 0 : i32
          %dma_start3A_143 = tpu.memref_slice %arg5[%dma_start3A_134, %dma_start3A_141, %dma_start3A_142] : memref<2x64x128xf32, #tpu.memory_space<vmem>> -> memref<1x64x128xf32, #tpu.memory_space<vmem>>
          %dma_start3A_144 = tpu.memref_squeeze %dma_start3A_143 : memref<1x64x128xf32, #tpu.memory_space<vmem>> -> memref<64x128xf32, #tpu.memory_space<vmem>>
          %dma_start3A_145 = arith.constant 0 : i32
          %dma_start3A_146 = tpu.memref_slice %arg2[%dma_start3A_145, %mul3A_133] : memref<64x1000000xf32, #tpu.memory_space<hbm>> -> memref<64x128xf32, #tpu.memory_space<hbm>>
          tpu.enqueue_dma source(%dma_start3A_146 : memref<64x128xf32, #tpu.memory_space<hbm>>) target(%dma_start3A_144 : memref<64x128xf32, #tpu.memory_space<vmem>>) target_semaphore(%arg10 : memref<!tpu.dma_semaphore, #tpu.memory_space<semaphore_mem>>)
        } else {
        }
      } else {
      }
      %scan3A_79 = arith.constant 0 : i32
      scf.yield %scan3A_79 : i32
    }
    %scan3A_17 = arith.constant 123 : i32
    %sub3A = arith.constant 7812 : i32
    %sub3A_18 = arith.subi %sub3A, %add3A : i32
    %add3A_19 = arith.constant 32 : i32
    %add3A_20 = arith.addi %sub3A_18, %add3A_19 : i32
    %sub3A_21 = arith.constant 1 : i32
    %sub3A_22 = arith.subi %add3A_20, %sub3A_21 : i32
    %jit3A = arith.constant 32 : i32
    %div3A = arith.divsi %sub3A_22, %jit3A : i32
    %sign3A = arith.constant 0 : i32
    %sign3A_23 = arith.cmpi sgt, %sub3A_22, %sign3A : i32
    %sign3A_24 = arith.extui %sign3A_23 : i1 to i32
    %sign3A_25 = arith.constant 0 : i32
    %sign3A_26 = arith.cmpi slt, %sub3A_22, %sign3A_25 : i32
    %sign3A_27 = arith.extui %sign3A_26 : i1 to i32
    %sign3A_28 = arith.subi %sign3A_24, %sign3A_27 : i32
    %sign3A_29 = arith.constant 0 : i32
    %sign3A_30 = arith.cmpi sgt, %jit3A, %sign3A_29 : i32
    %sign3A_31 = arith.extui %sign3A_30 : i1 to i32
    %sign3A_32 = arith.constant 0 : i32
    %sign3A_33 = arith.cmpi slt, %jit3A, %sign3A_32 : i32
    %sign3A_34 = arith.extui %sign3A_33 : i1 to i32
    %sign3A_35 = arith.subi %sign3A_31, %sign3A_34 : i32
    %ne3A = arith.cmpi ne, %sign3A_28, %sign3A_35 : i32
    %rem3A = arith.remsi %sub3A_22, %jit3A : i32
    %ne3A_36 = arith.constant 0 : i32
    %ne3A_37 = arith.cmpi ne, %rem3A, %ne3A_36 : i32
    %and3A = arith.andi %ne3A, %ne3A_37 : i1
    %sub3A_38 = arith.constant 1 : i32
    %sub3A_39 = arith.subi %div3A, %sub3A_38 : i32
    %select_n3A = arith.select %and3A, %sub3A_39, %div3A : i32
    %gt3A = arith.constant 0 : i32
    %gt3A_40 = arith.cmpi sgt, %select_n3A, %gt3A : i32
    %convert_element_type3A_41 = arith.extui %gt3A_40 : i1 to i32
    %cond3A_42 = arith.constant 0 : i32
    %cond3A_43 = arith.cmpi ne, %convert_element_type3A_41, %cond3A_42 : i32
    scf.if %cond3A_43 {
      %sub3A_53 = arith.constant 1 : i32
      %sub3A_54 = arith.subi %select_n3A, %sub3A_53 : i32
      %sub3A_55 = arith.constant 0 : i32
      %sub3A_56 = arith.subi %sub3A_54, %sub3A_55 : i32
      %jit3A_57 = arith.constant 2 : i32
      %div3A_58 = arith.divsi %sub3A_56, %jit3A_57 : i32
      %sign3A_59 = arith.constant 0 : i32
      %sign3A_60 = arith.cmpi sgt, %sub3A_56, %sign3A_59 : i32
      %sign3A_61 = arith.extui %sign3A_60 : i1 to i32
      %sign3A_62 = arith.constant 0 : i32
      %sign3A_63 = arith.cmpi slt, %sub3A_56, %sign3A_62 : i32
      %sign3A_64 = arith.extui %sign3A_63 : i1 to i32
      %sign3A_65 = arith.subi %sign3A_61, %sign3A_64 : i32
      %sign3A_66 = arith.constant 0 : i32
      %sign3A_67 = arith.cmpi sgt, %jit3A_57, %sign3A_66 : i32
      %sign3A_68 = arith.extui %sign3A_67 : i1 to i32
      %sign3A_69 = arith.constant 0 : i32
      %sign3A_70 = arith.cmpi slt, %jit3A_57, %sign3A_69 : i32
      %sign3A_71 = arith.extui %sign3A_70 : i1 to i32
      %sign3A_72 = arith.subi %sign3A_68, %sign3A_71 : i32
      %ne3A_73 = arith.cmpi ne, %sign3A_65, %sign3A_72 : i32
      %rem3A_74 = arith.remsi %sub3A_56, %jit3A_57 : i32
      %ne3A_75 = arith.constant 0 : i32
      %ne3A_76 = arith.cmpi ne, %rem3A_74, %ne3A_75 : i32
      %and3A_77 = arith.andi %ne3A_73, %ne3A_76 : i1
      %sub3A_78 = arith.constant 1 : i32
      %sub3A_79 = arith.subi %div3A_58, %sub3A_78 : i32
      %select_n3A_80 = arith.select %and3A_77, %sub3A_79, %div3A_58 : i32
      %mul3A_81 = arith.constant 2 : i32
      %mul3A_82 = arith.muli %select_n3A_80, %mul3A_81 : i32
      %add3A_83 = arith.constant 0 : i32
      %add3A_84 = arith.addi %mul3A_82, %add3A_83 : i32
      %mul3A_85 = arith.constant 32 : i32
      %mul3A_86 = arith.muli %mul3A_85, %add3A_84 : i32
      %add3A_87 = arith.addi %add3A, %mul3A_86 : i32
      %mul3A_88 = arith.constant 8192 : i32
      %mul3A_89 = arith.muli %add3A_87, %mul3A_88 : i32
      %dma_wait3A = arith.constant 0 : i32
      %dma_wait3A_90 = arith.constant 0 : i32
      %dma_wait3A_91 = tpu.memref_slice %arg6[%dma_wait3A, %dma_wait3A_90] : memref<2x8192xf32, #tpu.memory_space<vmem>> -> memref<1x8192xf32, #tpu.memory_space<vmem>>
      %dma_wait3A_92 = tpu.memref_squeeze %dma_wait3A_91 : memref<1x8192xf32, #tpu.memory_space<vmem>> -> memref<8192xf32, #tpu.memory_space<vmem>>
      %dma_wait3A_93 = tpu.memref_slice %arg4[%mul3A_89] : memref<64000000xf32, #tpu.memory_space<hbm>> -> memref<8192xf32, #tpu.memory_space<hbm>>
      %dma_wait3A_94 = tpu.memref_slice %arg4[%mul3A_89] : memref<64000000xf32, #tpu.memory_space<hbm>> -> memref<8192xf32, #tpu.memory_space<hbm>>
      %dma_wait3A_95 = arith.constant 0 : i32
      %dma_wait3A_96 = tpu.memref_slice %arg6[%dma_wait3A, %dma_wait3A_95] : memref<2x8192xf32, #tpu.memory_space<vmem>> -> memref<1x8192xf32, #tpu.memory_space<vmem>>
      %dma_wait3A_97 = tpu.memref_squeeze %dma_wait3A_96 : memref<1x8192xf32, #tpu.memory_space<vmem>> -> memref<8192xf32, #tpu.memory_space<vmem>>
      tpu.wait_dma2 semaphore(%arg11 : memref<!tpu.dma_semaphore, #tpu.memory_space<semaphore_mem>>) src(%dma_wait3A_97 : memref<8192xf32, #tpu.memory_space<vmem>>) dst(%dma_wait3A_94 : memref<8192xf32, #tpu.memory_space<hbm>>)
    } else {
    }
    %gt3A_44 = arith.constant 1 : i32
    %gt3A_45 = arith.cmpi sgt, %select_n3A, %gt3A_44 : i32
    %convert_element_type3A_46 = arith.extui %gt3A_45 : i1 to i32
    %cond3A_47 = arith.constant 0 : i32
    %cond3A_48 = arith.cmpi ne, %convert_element_type3A_46, %cond3A_47 : i32
    scf.if %cond3A_48 {
      %sub3A_53 = arith.constant 1 : i32
      %sub3A_54 = arith.subi %select_n3A, %sub3A_53 : i32
      %sub3A_55 = arith.constant 1 : i32
      %sub3A_56 = arith.subi %sub3A_54, %sub3A_55 : i32
      %jit3A_57 = arith.constant 2 : i32
      %div3A_58 = arith.divsi %sub3A_56, %jit3A_57 : i32
      %sign3A_59 = arith.constant 0 : i32
      %sign3A_60 = arith.cmpi sgt, %sub3A_56, %sign3A_59 : i32
      %sign3A_61 = arith.extui %sign3A_60 : i1 to i32
      %sign3A_62 = arith.constant 0 : i32
      %sign3A_63 = arith.cmpi slt, %sub3A_56, %sign3A_62 : i32
      %sign3A_64 = arith.extui %sign3A_63 : i1 to i32
      %sign3A_65 = arith.subi %sign3A_61, %sign3A_64 : i32
      %sign3A_66 = arith.constant 0 : i32
      %sign3A_67 = arith.cmpi sgt, %jit3A_57, %sign3A_66 : i32
      %sign3A_68 = arith.extui %sign3A_67 : i1 to i32
      %sign3A_69 = arith.constant 0 : i32
      %sign3A_70 = arith.cmpi slt, %jit3A_57, %sign3A_69 : i32
      %sign3A_71 = arith.extui %sign3A_70 : i1 to i32
      %sign3A_72 = arith.subi %sign3A_68, %sign3A_71 : i32
      %ne3A_73 = arith.cmpi ne, %sign3A_65, %sign3A_72 : i32
      %rem3A_74 = arith.remsi %sub3A_56, %jit3A_57 : i32
      %ne3A_75 = arith.constant 0 : i32
      %ne3A_76 = arith.cmpi ne, %rem3A_74, %ne3A_75 : i32
      %and3A_77 = arith.andi %ne3A_73, %ne3A_76 : i1
      %sub3A_78 = arith.constant 1 : i32
      %sub3A_79 = arith.subi %div3A_58, %sub3A_78 : i32
      %select_n3A_80 = arith.select %and3A_77, %sub3A_79, %div3A_58 : i32
      %mul3A_81 = arith.constant 2 : i32
      %mul3A_82 = arith.muli %select_n3A_80, %mul3A_81 : i32
      %add3A_83 = arith.constant 1 : i32
      %add3A_84 = arith.addi %mul3A_82, %add3A_83 : i32
      %mul3A_85 = arith.constant 32 : i32
      %mul3A_86 = arith.muli %mul3A_85, %add3A_84 : i32
      %add3A_87 = arith.addi %add3A, %mul3A_86 : i32
      %mul3A_88 = arith.constant 8192 : i32
      %mul3A_89 = arith.muli %add3A_87, %mul3A_88 : i32
      %dma_wait3A = arith.constant 1 : i32
      %dma_wait3A_90 = arith.constant 0 : i32
      %dma_wait3A_91 = tpu.memref_slice %arg6[%dma_wait3A, %dma_wait3A_90] : memref<2x8192xf32, #tpu.memory_space<vmem>> -> memref<1x8192xf32, #tpu.memory_space<vmem>>
      %dma_wait3A_92 = tpu.memref_squeeze %dma_wait3A_91 : memref<1x8192xf32, #tpu.memory_space<vmem>> -> memref<8192xf32, #tpu.memory_space<vmem>>
      %dma_wait3A_93 = tpu.memref_slice %arg4[%mul3A_89] : memref<64000000xf32, #tpu.memory_space<hbm>> -> memref<8192xf32, #tpu.memory_space<hbm>>
      %dma_wait3A_94 = tpu.memref_slice %arg4[%mul3A_89] : memref<64000000xf32, #tpu.memory_space<hbm>> -> memref<8192xf32, #tpu.memory_space<hbm>>
      %dma_wait3A_95 = arith.constant 0 : i32
      %dma_wait3A_96 = tpu.memref_slice %arg6[%dma_wait3A, %dma_wait3A_95] : memref<2x8192xf32, #tpu.memory_space<vmem>> -> memref<1x8192xf32, #tpu.memory_space<vmem>>
      %dma_wait3A_97 = tpu.memref_squeeze %dma_wait3A_96 : memref<1x8192xf32, #tpu.memory_space<vmem>> -> memref<8192xf32, #tpu.memory_space<vmem>>
      tpu.wait_dma2 semaphore(%arg12 : memref<!tpu.dma_semaphore, #tpu.memory_space<semaphore_mem>>) src(%dma_wait3A_97 : memref<8192xf32, #tpu.memory_space<vmem>>) dst(%dma_wait3A_94 : memref<8192xf32, #tpu.memory_space<hbm>>)
    } else {
    }
    %eq3A = arith.constant 0 : i32
    %eq3A_49 = arith.cmpi eq, %add3A, %eq3A : i32
    %convert_element_type3A_50 = arith.extui %eq3A_49 : i1 to i32
    %cond3A_51 = arith.constant 0 : i32
    %cond3A_52 = arith.cmpi ne, %convert_element_type3A_50, %cond3A_51 : i32
    scf.if %cond3A_52 {
      "tpu.region"() ({
        %run_scoped3A = tpu.sem_alloc : memref<!tpu.dma_semaphore, #tpu.memory_space<semaphore_mem>>
        tpu.enqueue_dma source(%arg3 : memref<64x64xf32, #tpu.memory_space<hbm>>) target(%arg7 : memref<64x64xf32, #tpu.memory_space<vmem>>) target_semaphore(%run_scoped3A : memref<!tpu.dma_semaphore, #tpu.memory_space<semaphore_mem>>)
        tpu.wait_dma2 semaphore(%run_scoped3A : memref<!tpu.dma_semaphore, #tpu.memory_space<semaphore_mem>>) src(%arg3 : memref<64x64xf32, #tpu.memory_space<hbm>>) dst(%arg7 : memref<64x64xf32, #tpu.memory_space<vmem>>)
        tpu.yield
      }) : () -> ()
      %iota3A = tpu.iota {dimensions = array<i32: 0>} : vector<16xi32>
      %parallel_loop3A = arith.constant 0 : i32
      %parallel_loop3A_53 = arith.constant 16 : i32
      %parallel_loop3A_54 = arith.constant 1 : i32
      scf.for %parallel_loop3A_55 = %parallel_loop3A to %parallel_loop3A_53 step %parallel_loop3A_54  : i32 {
        %parallel_loop3A_56 = vector.broadcast %parallel_loop3A_55 : i32 to vector<16xi32>
        %parallel_loop3A_57 = arith.addi %iota3A, %parallel_loop3A_56 : vector<16xi32>
        %parallel_loop3A_58 = arith.constant 15 : i32
        %parallel_loop3A_59 = vector.broadcast %parallel_loop3A_58 : i32 to vector<16xi32>
        %parallel_loop3A_60 = arith.andi %parallel_loop3A_57, %parallel_loop3A_59 : vector<16xi32>
        %parallel_loop3A_61 = arith.constant 64 : i32
        %parallel_loop3A_62 = vector.broadcast %parallel_loop3A_61 : i32 to vector<16xi32>
        %parallel_loop3A_63 = arith.muli %parallel_loop3A_60, %parallel_loop3A_62 : vector<16xi32>
        %parallel_loop3A_64 = arith.addi %parallel_loop3A_63, %iota3A : vector<16xi32>
        %parallel_loop3A_65 = arith.constant 0 : i32
        %parallel_loop3A_66 = vector.broadcast %parallel_loop3A_65 : i32 to vector<16xi32>
        %parallel_loop3A_67 = arith.addi %iota3A, %parallel_loop3A_66 : vector<16xi32>
        %parallel_loop3A_68 = arith.constant 0 : i32
        %parallel_loop3A_69 = vector.broadcast %parallel_loop3A_68 : i32 to vector<16xi32>
        %parallel_loop3A_70 = arith.addi %parallel_loop3A_60, %parallel_loop3A_69 : vector<16xi32>
        %parallel_loop3A_71 = tpu.vector_load_idx %arg7[%parallel_loop3A_67, %parallel_loop3A_70] : memref<64x64xf32, #tpu.memory_space<vmem>>[vector<16xi32>, vector<16xi32>], vector<16xf32>,
        %parallel_loop3A_72 = arith.constant 8.000000e+00 : f32
        %parallel_loop3A_73 = vector.broadcast %parallel_loop3A_72 : f32 to vector<16xf32>
        %parallel_loop3A_74 = arith.mulf %parallel_loop3A_71, %parallel_loop3A_73 : vector<16xf32>
        %parallel_loop3A_75 = arith.constant 0 : i32
        %parallel_loop3A_76 = vector.broadcast %parallel_loop3A_75 : i32 to vector<16xi32>
        %parallel_loop3A_77 = arith.addi %parallel_loop3A_64, %parallel_loop3A_76 : vector<16xi32>
        tpu.vector_store_idx %arg8[%parallel_loop3A_77], %parallel_loop3A_74 : memref<4096xf32, #tpu.memory_space<vmem>>[vector<16xi32>], vector<16xf32>,
        %parallel_loop3A_78 = arith.constant 16 : i32
        %parallel_loop3A_79 = vector.broadcast %parallel_loop3A_78 : i32 to vector<16xi32>
        %parallel_loop3A_80 = arith.addi %parallel_loop3A_60, %parallel_loop3A_79 : vector<16xi32>
        %parallel_loop3A_81 = tpu.vector_load_idx %arg7[%parallel_loop3A_67, %parallel_loop3A_80] : memref<64x64xf32, #tpu.memory_space<vmem>>[vector<16xi32>, vector<16xi32>], vector<16xf32>,
        %parallel_loop3A_82 = arith.constant 8.000000e+00 : f32
        %parallel_loop3A_83 = vector.broadcast %parallel_loop3A_82 : f32 to vector<16xf32>
        %parallel_loop3A_84 = arith.mulf %parallel_loop3A_81, %parallel_loop3A_83 : vector<16xf32>
        %parallel_loop3A_85 = arith.constant 1024 : i32
        %parallel_loop3A_86 = vector.broadcast %parallel_loop3A_85 : i32 to vector<16xi32>
        %parallel_loop3A_87 = arith.addi %parallel_loop3A_64, %parallel_loop3A_86 : vector<16xi32>
        tpu.vector_store_idx %arg8[%parallel_loop3A_87], %parallel_loop3A_84 : memref<4096xf32, #tpu.memory_space<vmem>>[vector<16xi32>], vector<16xf32>,
        %parallel_loop3A_88 = arith.constant 32 : i32
        %parallel_loop3A_89 = vector.broadcast %parallel_loop3A_88 : i32 to vector<16xi32>
        %parallel_loop3A_90 = arith.addi %parallel_loop3A_60, %parallel_loop3A_89 : vector<16xi32>
        %parallel_loop3A_91 = tpu.vector_load_idx %arg7[%parallel_loop3A_67, %parallel_loop3A_90] : memref<64x64xf32, #tpu.memory_space<vmem>>[vector<16xi32>, vector<16xi32>], vector<16xf32>,
        %parallel_loop3A_92 = arith.constant 8.000000e+00 : f32
        %parallel_loop3A_93 = vector.broadcast %parallel_loop3A_92 : f32 to vector<16xf32>
        %parallel_loop3A_94 = arith.mulf %parallel_loop3A_91, %parallel_loop3A_93 : vector<16xf32>
        %parallel_loop3A_95 = arith.constant 2048 : i32
        %parallel_loop3A_96 = vector.broadcast %parallel_loop3A_95 : i32 to vector<16xi32>
        %parallel_loop3A_97 = arith.addi %parallel_loop3A_64, %parallel_loop3A_96 : vector<16xi32>
        tpu.vector_store_idx %arg8[%parallel_loop3A_97], %parallel_loop3A_94 : memref<4096xf32, #tpu.memory_space<vmem>>[vector<16xi32>], vector<16xf32>,
        %parallel_loop3A_98 = arith.constant 48 : i32
        %parallel_loop3A_99 = vector.broadcast %parallel_loop3A_98 : i32 to vector<16xi32>
        %parallel_loop3A_100 = arith.addi %parallel_loop3A_60, %parallel_loop3A_99 : vector<16xi32>
        %parallel_loop3A_101 = tpu.vector_load_idx %arg7[%parallel_loop3A_67, %parallel_loop3A_100] : memref<64x64xf32, #tpu.memory_space<vmem>>[vector<16xi32>, vector<16xi32>], vector<16xf32>,
        %parallel_loop3A_102 = arith.constant 8.000000e+00 : f32
        %parallel_loop3A_103 = vector.broadcast %parallel_loop3A_102 : f32 to vector<16xf32>
        %parallel_loop3A_104 = arith.mulf %parallel_loop3A_101, %parallel_loop3A_103 : vector<16xf32>
        %parallel_loop3A_105 = arith.constant 3072 : i32
        %parallel_loop3A_106 = vector.broadcast %parallel_loop3A_105 : i32 to vector<16xi32>
        %parallel_loop3A_107 = arith.addi %parallel_loop3A_64, %parallel_loop3A_106 : vector<16xi32>
        tpu.vector_store_idx %arg8[%parallel_loop3A_107], %parallel_loop3A_104 : memref<4096xf32, #tpu.memory_space<vmem>>[vector<16xi32>], vector<16xf32>,
        %parallel_loop3A_108 = arith.constant 16 : i32
        %parallel_loop3A_109 = vector.broadcast %parallel_loop3A_108 : i32 to vector<16xi32>
        %parallel_loop3A_110 = arith.addi %iota3A, %parallel_loop3A_109 : vector<16xi32>
        %parallel_loop3A_111 = arith.constant 0 : i32
        %parallel_loop3A_112 = vector.broadcast %parallel_loop3A_111 : i32 to vector<16xi32>
        %parallel_loop3A_113 = arith.addi %parallel_loop3A_60, %parallel_loop3A_112 : vector<16xi32>
        %parallel_loop3A_114 = tpu.vector_load_idx %arg7[%parallel_loop3A_110, %parallel_loop3A_113] : memref<64x64xf32, #tpu.memory_space<vmem>>[vector<16xi32>, vector<16xi32>], vector<16xf32>,
        %parallel_loop3A_115 = arith.constant 8.000000e+00 : f32
        %parallel_loop3A_116 = vector.broadcast %parallel_loop3A_115 : f32 to vector<16xf32>
        %parallel_loop3A_117 = arith.mulf %parallel_loop3A_114, %parallel_loop3A_116 : vector<16xf32>
        %parallel_loop3A_118 = arith.constant 16 : i32
        %parallel_loop3A_119 = vector.broadcast %parallel_loop3A_118 : i32 to vector<16xi32>
        %parallel_loop3A_120 = arith.addi %parallel_loop3A_64, %parallel_loop3A_119 : vector<16xi32>
        tpu.vector_store_idx %arg8[%parallel_loop3A_120], %parallel_loop3A_117 : memref<4096xf32, #tpu.memory_space<vmem>>[vector<16xi32>], vector<16xf32>,
        %parallel_loop3A_121 = arith.constant 16 : i32
        %parallel_loop3A_122 = vector.broadcast %parallel_loop3A_121 : i32 to vector<16xi32>
        %parallel_loop3A_123 = arith.addi %parallel_loop3A_60, %parallel_loop3A_122 : vector<16xi32>
        %parallel_loop3A_124 = tpu.vector_load_idx %arg7[%parallel_loop3A_110, %parallel_loop3A_123] : memref<64x64xf32, #tpu.memory_space<vmem>>[vector<16xi32>, vector<16xi32>], vector<16xf32>,
        %parallel_loop3A_125 = arith.constant 8.000000e+00 : f32
        %parallel_loop3A_126 = vector.broadcast %parallel_loop3A_125 : f32 to vector<16xf32>
        %parallel_loop3A_127 = arith.mulf %parallel_loop3A_124, %parallel_loop3A_126 : vector<16xf32>
        %parallel_loop3A_128 = arith.constant 1040 : i32
        %parallel_loop3A_129 = vector.broadcast %parallel_loop3A_128 : i32 to vector<16xi32>
        %parallel_loop3A_130 = arith.addi %parallel_loop3A_64, %parallel_loop3A_129 : vector<16xi32>
        tpu.vector_store_idx %arg8[%parallel_loop3A_130], %parallel_loop3A_127 : memref<4096xf32, #tpu.memory_space<vmem>>[vector<16xi32>], vector<16xf32>,
        %parallel_loop3A_131 = arith.constant 32 : i32
        %parallel_loop3A_132 = vector.broadcast %parallel_loop3A_131 : i32 to vector<16xi32>
        %parallel_loop3A_133 = arith.addi %parallel_loop3A_60, %parallel_loop3A_132 : vector<16xi32>
        %parallel_loop3A_134 = tpu.vector_load_idx %arg7[%parallel_loop3A_110, %parallel_loop3A_133] : memref<64x64xf32, #tpu.memory_space<vmem>>[vector<16xi32>, vector<16xi32>], vector<16xf32>,
        %parallel_loop3A_135 = arith.constant 8.000000e+00 : f32
        %parallel_loop3A_136 = vector.broadcast %parallel_loop3A_135 : f32 to vector<16xf32>
        %parallel_loop3A_137 = arith.mulf %parallel_loop3A_134, %parallel_loop3A_136 : vector<16xf32>
        %parallel_loop3A_138 = arith.constant 2064 : i32
        %parallel_loop3A_139 = vector.broadcast %parallel_loop3A_138 : i32 to vector<16xi32>
        %parallel_loop3A_140 = arith.addi %parallel_loop3A_64, %parallel_loop3A_139 : vector<16xi32>
        tpu.vector_store_idx %arg8[%parallel_loop3A_140], %parallel_loop3A_137 : memref<4096xf32, #tpu.memory_space<vmem>>[vector<16xi32>], vector<16xf32>,
        %parallel_loop3A_141 = arith.constant 48 : i32
        %parallel_loop3A_142 = vector.broadcast %parallel_loop3A_141 : i32 to vector<16xi32>
        %parallel_loop3A_143 = arith.addi %parallel_loop3A_60, %parallel_loop3A_142 : vector<16xi32>
        %parallel_loop3A_144 = tpu.vector_load_idx %arg7[%parallel_loop3A_110, %parallel_loop3A_143] : memref<64x64xf32, #tpu.memory_space<vmem>>[vector<16xi32>, vector<16xi32>], vector<16xf32>,
        %parallel_loop3A_145 = arith.constant 8.000000e+00 : f32
        %parallel_loop3A_146 = vector.broadcast %parallel_loop3A_145 : f32 to vector<16xf32>
        %parallel_loop3A_147 = arith.mulf %parallel_loop3A_144, %parallel_loop3A_146 : vector<16xf32>
        %parallel_loop3A_148 = arith.constant 3088 : i32
        %parallel_loop3A_149 = vector.broadcast %parallel_loop3A_148 : i32 to vector<16xi32>
        %parallel_loop3A_150 = arith.addi %parallel_loop3A_64, %parallel_loop3A_149 : vector<16xi32>
        tpu.vector_store_idx %arg8[%parallel_loop3A_150], %parallel_loop3A_147 : memref<4096xf32, #tpu.memory_space<vmem>>[vector<16xi32>], vector<16xf32>,
        %parallel_loop3A_151 = arith.constant 32 : i32
        %parallel_loop3A_152 = vector.broadcast %parallel_loop3A_151 : i32 to vector<16xi32>
        %parallel_loop3A_153 = arith.addi %iota3A, %parallel_loop3A_152 : vector<16xi32>
        %parallel_loop3A_154 = arith.constant 0 : i32
        %parallel_loop3A_155 = vector.broadcast %parallel_loop3A_154 : i32 to vector<16xi32>
        %parallel_loop3A_156 = arith.addi %parallel_loop3A_60, %parallel_loop3A_155 : vector<16xi32>
        %parallel_loop3A_157 = tpu.vector_load_idx %arg7[%parallel_loop3A_153, %parallel_loop3A_156] : memref<64x64xf32, #tpu.memory_space<vmem>>[vector<16xi32>, vector<16xi32>], vector<16xf32>,
        %parallel_loop3A_158 = arith.constant 8.000000e+00 : f32
        %parallel_loop3A_159 = vector.broadcast %parallel_loop3A_158 : f32 to vector<16xf32>
        %parallel_loop3A_160 = arith.mulf %parallel_loop3A_157, %parallel_loop3A_159 : vector<16xf32>
        %parallel_loop3A_161 = arith.constant 32 : i32
        %parallel_loop3A_162 = vector.broadcast %parallel_loop3A_161 : i32 to vector<16xi32>
        %parallel_loop3A_163 = arith.addi %parallel_loop3A_64, %parallel_loop3A_162 : vector<16xi32>
        tpu.vector_store_idx %arg8[%parallel_loop3A_163], %parallel_loop3A_160 : memref<4096xf32, #tpu.memory_space<vmem>>[vector<16xi32>], vector<16xf32>,
        %parallel_loop3A_164 = arith.constant 16 : i32
        %parallel_loop3A_165 = vector.broadcast %parallel_loop3A_164 : i32 to vector<16xi32>
        %parallel_loop3A_166 = arith.addi %parallel_loop3A_60, %parallel_loop3A_165 : vector<16xi32>
        %parallel_loop3A_167 = tpu.vector_load_idx %arg7[%parallel_loop3A_153, %parallel_loop3A_166] : memref<64x64xf32, #tpu.memory_space<vmem>>[vector<16xi32>, vector<16xi32>], vector<16xf32>,
        %parallel_loop3A_168 = arith.constant 8.000000e+00 : f32
        %parallel_loop3A_169 = vector.broadcast %parallel_loop3A_168 : f32 to vector<16xf32>
        %parallel_loop3A_170 = arith.mulf %parallel_loop3A_167, %parallel_loop3A_169 : vector<16xf32>
        %parallel_loop3A_171 = arith.constant 1056 : i32
        %parallel_loop3A_172 = vector.broadcast %parallel_loop3A_171 : i32 to vector<16xi32>
        %parallel_loop3A_173 = arith.addi %parallel_loop3A_64, %parallel_loop3A_172 : vector<16xi32>
        tpu.vector_store_idx %arg8[%parallel_loop3A_173], %parallel_loop3A_170 : memref<4096xf32, #tpu.memory_space<vmem>>[vector<16xi32>], vector<16xf32>,
        %parallel_loop3A_174 = arith.constant 32 : i32
        %parallel_loop3A_175 = vector.broadcast %parallel_loop3A_174 : i32 to vector<16xi32>
        %parallel_loop3A_176 = arith.addi %parallel_loop3A_60, %parallel_loop3A_175 : vector<16xi32>
        %parallel_loop3A_177 = tpu.vector_load_idx %arg7[%parallel_loop3A_153, %parallel_loop3A_176] : memref<64x64xf32, #tpu.memory_space<vmem>>[vector<16xi32>, vector<16xi32>], vector<16xf32>,
        %parallel_loop3A_178 = arith.constant 8.000000e+00 : f32
        %parallel_loop3A_179 = vector.broadcast %parallel_loop3A_178 : f32 to vector<16xf32>
        %parallel_loop3A_180 = arith.mulf %parallel_loop3A_177, %parallel_loop3A_179 : vector<16xf32>
        %parallel_loop3A_181 = arith.constant 2080 : i32
        %parallel_loop3A_182 = vector.broadcast %parallel_loop3A_181 : i32 to vector<16xi32>
        %parallel_loop3A_183 = arith.addi %parallel_loop3A_64, %parallel_loop3A_182 : vector<16xi32>
        tpu.vector_store_idx %arg8[%parallel_loop3A_183], %parallel_loop3A_180 : memref<4096xf32, #tpu.memory_space<vmem>>[vector<16xi32>], vector<16xf32>,
        %parallel_loop3A_184 = arith.constant 48 : i32
        %parallel_loop3A_185 = vector.broadcast %parallel_loop3A_184 : i32 to vector<16xi32>
        %parallel_loop3A_186 = arith.addi %parallel_loop3A_60, %parallel_loop3A_185 : vector<16xi32>
        %parallel_loop3A_187 = tpu.vector_load_idx %arg7[%parallel_loop3A_153, %parallel_loop3A_186] : memref<64x64xf32, #tpu.memory_space<vmem>>[vector<16xi32>, vector<16xi32>], vector<16xf32>,
        %parallel_loop3A_188 = arith.constant 8.000000e+00 : f32
        %parallel_loop3A_189 = vector.broadcast %parallel_loop3A_188 : f32 to vector<16xf32>
        %parallel_loop3A_190 = arith.mulf %parallel_loop3A_187, %parallel_loop3A_189 : vector<16xf32>
        %parallel_loop3A_191 = arith.constant 3104 : i32
        %parallel_loop3A_192 = vector.broadcast %parallel_loop3A_191 : i32 to vector<16xi32>
        %parallel_loop3A_193 = arith.addi %parallel_loop3A_64, %parallel_loop3A_192 : vector<16xi32>
        tpu.vector_store_idx %arg8[%parallel_loop3A_193], %parallel_loop3A_190 : memref<4096xf32, #tpu.memory_space<vmem>>[vector<16xi32>], vector<16xf32>,
        %parallel_loop3A_194 = arith.constant 48 : i32
        %parallel_loop3A_195 = vector.broadcast %parallel_loop3A_194 : i32 to vector<16xi32>
        %parallel_loop3A_196 = arith.addi %iota3A, %parallel_loop3A_195 : vector<16xi32>
        %parallel_loop3A_197 = arith.constant 0 : i32
        %parallel_loop3A_198 = vector.broadcast %parallel_loop3A_197 : i32 to vector<16xi32>
        %parallel_loop3A_199 = arith.addi %parallel_loop3A_60, %parallel_loop3A_198 : vector<16xi32>
        %parallel_loop3A_200 = tpu.vector_load_idx %arg7[%parallel_loop3A_196, %parallel_loop3A_199] : memref<64x64xf32, #tpu.memory_space<vmem>>[vector<16xi32>, vector<16xi32>], vector<16xf32>,
        %parallel_loop3A_201 = arith.constant 8.000000e+00 : f32
        %parallel_loop3A_202 = vector.broadcast %parallel_loop3A_201 : f32 to vector<16xf32>
        %parallel_loop3A_203 = arith.mulf %parallel_loop3A_200, %parallel_loop3A_202 : vector<16xf32>
        %parallel_loop3A_204 = arith.constant 48 : i32
        %parallel_loop3A_205 = vector.broadcast %parallel_loop3A_204 : i32 to vector<16xi32>
        %parallel_loop3A_206 = arith.addi %parallel_loop3A_64, %parallel_loop3A_205 : vector<16xi32>
        tpu.vector_store_idx %arg8[%parallel_loop3A_206], %parallel_loop3A_203 : memref<4096xf32, #tpu.memory_space<vmem>>[vector<16xi32>], vector<16xf32>,
        %parallel_loop3A_207 = arith.constant 16 : i32
        %parallel_loop3A_208 = vector.broadcast %parallel_loop3A_207 : i32 to vector<16xi32>
        %parallel_loop3A_209 = arith.addi %parallel_loop3A_60, %parallel_loop3A_208 : vector<16xi32>
        %parallel_loop3A_210 = tpu.vector_load_idx %arg7[%parallel_loop3A_196, %parallel_loop3A_209] : memref<64x64xf32, #tpu.memory_space<vmem>>[vector<16xi32>, vector<16xi32>], vector<16xf32>,
        %parallel_loop3A_211 = arith.constant 8.000000e+00 : f32
        %parallel_loop3A_212 = vector.broadcast %parallel_loop3A_211 : f32 to vector<16xf32>
        %parallel_loop3A_213 = arith.mulf %parallel_loop3A_210, %parallel_loop3A_212 : vector<16xf32>
        %parallel_loop3A_214 = arith.constant 1072 : i32
        %parallel_loop3A_215 = vector.broadcast %parallel_loop3A_214 : i32 to vector<16xi32>
        %parallel_loop3A_216 = arith.addi %parallel_loop3A_64, %parallel_loop3A_215 : vector<16xi32>
        tpu.vector_store_idx %arg8[%parallel_loop3A_216], %parallel_loop3A_213 : memref<4096xf32, #tpu.memory_space<vmem>>[vector<16xi32>], vector<16xf32>,
        %parallel_loop3A_217 = arith.constant 32 : i32
        %parallel_loop3A_218 = vector.broadcast %parallel_loop3A_217 : i32 to vector<16xi32>
        %parallel_loop3A_219 = arith.addi %parallel_loop3A_60, %parallel_loop3A_218 : vector<16xi32>
        %parallel_loop3A_220 = tpu.vector_load_idx %arg7[%parallel_loop3A_196, %parallel_loop3A_219] : memref<64x64xf32, #tpu.memory_space<vmem>>[vector<16xi32>, vector<16xi32>], vector<16xf32>,
        %parallel_loop3A_221 = arith.constant 8.000000e+00 : f32
        %parallel_loop3A_222 = vector.broadcast %parallel_loop3A_221 : f32 to vector<16xf32>
        %parallel_loop3A_223 = arith.mulf %parallel_loop3A_220, %parallel_loop3A_222 : vector<16xf32>
        %parallel_loop3A_224 = arith.constant 2096 : i32
        %parallel_loop3A_225 = vector.broadcast %parallel_loop3A_224 : i32 to vector<16xi32>
        %parallel_loop3A_226 = arith.addi %parallel_loop3A_64, %parallel_loop3A_225 : vector<16xi32>
        tpu.vector_store_idx %arg8[%parallel_loop3A_226], %parallel_loop3A_223 : memref<4096xf32, #tpu.memory_space<vmem>>[vector<16xi32>], vector<16xf32>,
        %parallel_loop3A_227 = arith.constant 48 : i32
        %parallel_loop3A_228 = vector.broadcast %parallel_loop3A_227 : i32 to vector<16xi32>
        %parallel_loop3A_229 = arith.addi %parallel_loop3A_60, %parallel_loop3A_228 : vector<16xi32>
        %parallel_loop3A_230 = tpu.vector_load_idx %arg7[%parallel_loop3A_196, %parallel_loop3A_229] : memref<64x64xf32, #tpu.memory_space<vmem>>[vector<16xi32>, vector<16xi32>], vector<16xf32>,
        %parallel_loop3A_231 = arith.constant 8.000000e+00 : f32
        %parallel_loop3A_232 = vector.broadcast %parallel_loop3A_231 : f32 to vector<16xf32>
        %parallel_loop3A_233 = arith.mulf %parallel_loop3A_230, %parallel_loop3A_232 : vector<16xf32>
        %parallel_loop3A_234 = arith.constant 3120 : i32
        %parallel_loop3A_235 = vector.broadcast %parallel_loop3A_234 : i32 to vector<16xi32>
        %parallel_loop3A_236 = arith.addi %parallel_loop3A_64, %parallel_loop3A_235 : vector<16xi32>
        tpu.vector_store_idx %arg8[%parallel_loop3A_236], %parallel_loop3A_233 : memref<4096xf32, #tpu.memory_space<vmem>>[vector<16xi32>], vector<16xf32>,
      } {sc.loop_unroll_factor = 2 : i64, sc.parallel_access}
      "tpu.region"() ({
        %run_scoped3A = tpu.sem_alloc : memref<!tpu.dma_semaphore, #tpu.memory_space<semaphore_mem>>
        %dma_start3A = arith.constant 63995904 : i32
        %dma_start3A_55 = tpu.memref_slice %arg4[%dma_start3A] : memref<64000000xf32, #tpu.memory_space<hbm>> -> memref<4096xf32, #tpu.memory_space<hbm>>
        %dma_start3A_56 = arith.constant 63995904 : i32
        %dma_start3A_57 = tpu.memref_slice %arg4[%dma_start3A_56] : memref<64000000xf32, #tpu.memory_space<hbm>> -> memref<4096xf32, #tpu.memory_space<hbm>>
        tpu.enqueue_dma source(%arg8 : memref<4096xf32, #tpu.memory_space<vmem>>) target(%dma_start3A_57 : memref<4096xf32, #tpu.memory_space<hbm>>) target_semaphore(%run_scoped3A : memref<!tpu.dma_semaphore, #tpu.memory_space<semaphore_mem>>)
        %dma_wait3A = arith.constant 63995904 : i32
        %dma_wait3A_58 = tpu.memref_slice %arg4[%dma_wait3A] : memref<64000000xf32, #tpu.memory_space<hbm>> -> memref<4096xf32, #tpu.memory_space<hbm>>
        %dma_wait3A_59 = arith.constant 63995904 : i32
        %dma_wait3A_60 = tpu.memref_slice %arg4[%dma_wait3A_59] : memref<64000000xf32, #tpu.memory_space<hbm>> -> memref<4096xf32, #tpu.memory_space<hbm>>
        tpu.wait_dma2 semaphore(%run_scoped3A : memref<!tpu.dma_semaphore, #tpu.memory_space<semaphore_mem>>) src(%arg8 : memref<4096xf32, #tpu.memory_space<vmem>>) dst(%dma_wait3A_60 : memref<4096xf32, #tpu.memory_space<hbm>>)
        tpu.yield
      }) : () -> ()
    } else {
    }
    return
  }
}

</mosaic_0001>

<sc_bundles>
// kernel: _table_prep.3.cloned.1.call-start
scs
__scs_entry_jumppad:
0x0: {  	(pc) =	sbr.rel $0x88, $3  }
0x1: {  	(tag) =	ssettag $0x0;
	lr =	simm.s32 $0x1  }
0x2: {  	[smem:$0x3F9F] =	sst lr;
	_ =	strace $0xD0000000  }
0x3: {  	_ = 	snop  }
0x4: {  	_ = 	snop  }
0x5: {  	_ = 	snop  }
0x6: {  	_ = 	snop  }
0x7: {  	_ = 	snop  }
__scs_overlays_trampoline_lowered:
0x8: {  	[smem:$0x3FAE] =	sst s0  }
0x9: {  	[smem:$0x3FAF] =	sst s1  }
0xa: {  	[smem:$0x3FB0] =	sst s2  }
0xb: {  	[smem:$0x3FB1] =	sst s3  }
0xc: {  	[smem:$0x3FB2] =	sst s4  }
0xd: {  	[smem:$0x3FB3] =	sst s5  }
0xe: {  	[smem:$0x3FB4] =	sst s6  }
0xf: {  	[smem:$0x3FB5] =	sst s7  }
0x10: {  	[smem:$0x3FB6] =	sst s8  }
0x11: {  	[smem:$0x3FB7] =	sst s9;
	s0 =	simm.s32 @!p0 $0x0  }
0x12: {  	s1 =	sld [smem:$0x3F9D];
	s0 =	simm.s32 @p0 $0x1  }
0x13: {  	[smem:$0x3FB8] =	sst s0;
	s0 =	simm.s32 @!p1 $0x0  }
0x14: {  	s2 =	sld [smem:$0x3F9C];
	s0 =	simm.s32 @p1 $0x1  }
0x15: {  	[smem:$0x3FB9] =	sst s0;
	s0 =	simm.s32 @!p2 $0x0  }
0x16: {  	s3 =	sld [smem:$0x3FDB];
	s0 =	simm.s32 @p2 $0x1  }
0x17: {  	s4 =	simm.s32 $0x1BF5;
	[smem:$0x3FBB] =	sst s0  }
0x18: {  	s0 =	sld [smem:$0x3F9E];
	_ =	swait.ge [sflag:s4], $0x0  }
0x19: {  	s7 =	sld [smem:$0x3F9F]  }
0x1a: {  	s8 =	sadd.s32 $0xFFFFE003, lr  }
0x1b: {  	s9 =	sadd.s32 $0xFFFFFEF7, lr;
	s5 =	simm.s32 $0xFFFFFFFF;
	p2 =	slt.u32 s8, $0xFFFFF086  }
0x1c: {  	p1 =	slt.u32 s9, $0xF7A;
	s5 =	simm.s32 @!p2 $0x0  }
0x1d: {  	s5 =	simm.s32 @p1 $0x1;
	p0 =	seq.s32 s7, s2  }
0x1e: {  	s7 =	smul.u32 @!p0 $0xF7A, s2;
	p2 =	seq.s32 @!p0 s5, $0x0  }
0x1f: {  	s9 =	smul.u32 $0xF7A, s1;
	s8 =	simm.s32 @!p0 $0x1BF5;
	p2 =	por !p2, p0  }
0x20: {  	[sflag:s8] =	ssyncset.s32 @!p0 $0xFFFFF086;
	s6 =	sadd.s32 @!p0 s3, s7;
	s7 =	simm.s32 @!p0 $0x108  }
0x21: {  	s3 =	sadd.s32 s3, s9;
	s6 =	sadd.s32 @!p0 $0x88, s6;
	s7 =	simm.s32 @p2 $0x1082  }
0x22: {  	[simem:s7], [sflag:s8] =	dma.local @!p0 [hbm:s6], $0xF7A  }
0x23: {  	s9 =	sor.u32 $0xD0000000, s2;
	s6 =	simm.s32 $0x108;
	_ =	swait.ge @!p0 [sflag:s8], $0x0  }
0x24: {  	s3 =	sadd.s32 $0x88, s3;
	s6 =	simm.s32 @!p1 $0x1082;
	[sflag:s4] =	ssyncset.s32 $0xFFFFF086  }
0x25: {  	[simem:s6], [sflag:s4] =	dma.local [hbm:s3], $0xF7A  }
0x26: {  	[smem:$0x3F9F] =	sst s1;
	(tag) =	ssettag s2;
	_ =	strace s9  }
0x27: {  	s1 =	sld [smem:$0x3FAF]  }
0x28: {  	s2 =	sld [smem:$0x3FB0]  }
0x29: {  	s4 =	sld [smem:$0x3FB2]  }
0x2a: {  	p0 =	seq.s32 s5, $0x0;
	s5 =	sld [smem:$0x3FB3]  }
0x2b: {  	s6 =	sld [smem:$0x3FB4]  }
0x2c: {  	s7 =	sld [smem:$0x3FB5]  }
0x2d: {  	s3 =	simm.s32 $0x108;
	s8 =	sld [smem:$0x3FB6]  }
0x2e: {  	s3 =	simm.s32 @!p0 $0x1082;
	s9 =	sld [smem:$0x3FB7]  }
0x2f: {  	lr =	sadd.s32 s0, s3;
	s0 =	sld [smem:$0x3FAE]  }
0x30: {  	s3 =	sld [smem:$0x3FB1]  }
0x31: {  	[smem:$0x3FBA] =	sst s10  }
0x32: {  	s10 =	sld [smem:$0x3FB8];
	_ =	sdelay $0x3  }
0x33: {  	p0 =	seq.s32 s10, $0x1;
	s10 =	sld [smem:$0x3FBA];
	_ =	sdelay $0x3  }
0x34: {  	[smem:$0x3FBA] =	sst s10  }
0x35: {  	s10 =	sld [smem:$0x3FB9];
	_ =	sdelay $0x3  }
0x36: {  	p1 =	seq.s32 s10, $0x1;
	s10 =	sld [smem:$0x3FBA];
	_ =	sdelay $0x3  }
0x37: {  	[smem:$0x3FBA] =	sst s10  }
0x38: {  	s10 =	sld [smem:$0x3FBB]  }
0x39: {  	_ = 	snop;
	(pc) =	sbr.ind lr, $3  }
0x3a: {  	_ = 	snop  }
0x3b: {  	_ = 	snop  }
0x3c: {  	p2 =	seq.s32 s10, $0x1;
	s10 =	sld [smem:$0x3FBA]  }
0x3d: {  	_ =	shalt  }
0x3e: {  	_ =	shalt  }
0x3f: {  	_ =	shalt  }
0x40: {  	_ =	shalt  }
0x41: {  	_ =	shalt  }
0x42: {  	_ =	shalt  }
0x43: {  	_ =	shalt  }
0x44: {  	_ =	shalt  }
0x45: {  	_ =	shalt  }
0x46: {  	_ =	shalt  }
0x47: {  	_ =	shalt  }
0x48: {  	_ =	shalt  }
0x49: {  	_ =	shalt  }
0x4a: {  	_ =	shalt  }
0x4b: {  	_ =	shalt  }
0x4c: {  	_ =	shalt  }
0x4d: {  	_ =	shalt  }
0x4e: {  	_ =	shalt  }
0x4f: {  	_ =	shalt  }
0x50: {  	_ =	shalt  }
0x51: {  	_ =	shalt  }
0x52: {  	_ =	shalt  }
0x53: {  	_ =	shalt  }
0x54: {  	_ =	shalt  }
0x55: {  	_ =	shalt  }
0x56: {  	_ =	shalt  }
0x57: {  	_ =	shalt  }
0x58: {  	_ =	shalt  }
0x59: {  	_ =	shalt  }
0x5a: {  	_ =	shalt  }
0x5b: {  	_ =	shalt  }
0x5c: {  	_ =	shalt  }
0x5d: {  	_ =	shalt  }
0x5e: {  	_ =	shalt  }
0x5f: {  	_ =	shalt  }
0x60: {  	_ =	shalt  }
0x61: {  	_ =	shalt  }
0x62: {  	_ =	shalt  }
0x63: {  	_ =	shalt  }
0x64: {  	_ =	shalt  }
0x65: {  	_ =	shalt  }
0x66: {  	_ =	shalt  }
0x67: {  	_ =	shalt  }
0x68: {  	_ =	shalt  }
0x69: {  	_ =	shalt  }
0x6a: {  	_ =	shalt  }
0x6b: {  	_ =	shalt  }
0x6c: {  	_ =	shalt  }
0x6d: {  	_ =	shalt  }
0x6e: {  	_ =	shalt  }
0x6f: {  	_ =	shalt  }
0x70: {  	_ =	shalt  }
0x71: {  	_ =	shalt  }
0x72: {  	_ =	shalt  }
0x73: {  	_ =	shalt  }
0x74: {  	_ =	shalt  }
0x75: {  	_ =	shalt  }
0x76: {  	_ =	shalt  }
0x77: {  	_ =	shalt  }
0x78: {  	_ =	shalt  }
0x79: {  	_ =	shalt  }
0x7a: {  	_ =	shalt  }
0x7b: {  	_ =	shalt  }
0x7c: {  	_ =	shalt  }
0x7d: {  	_ =	shalt  }
0x7e: {  	_ =	shalt  }
0x7f: {  	_ =	shalt  }
0x80: {  	_ =	shalt  }
0x81: {  	_ =	shalt  }
0x82: {  	_ =	shalt  }
0x83: {  	_ =	shalt  }
0x84: {  	_ =	shalt  }
0x85: {  	_ =	shalt  }
0x86: {  	_ =	shalt  }
0x87: {  	_ =	shalt  }
.Lfunc_end0:
.L_simem_size_0:
called_computation_lowered:
.L_overlay_start_0:
0x88: {  	s2 =	sld [smem:$0x3FD9]  }
0x89: {  	s3 =	sld [smem:$0x3FFE];
	_ =	sdelay $0x1  }
0x8a: {  	s1 =	srdreg.scid  }
0x8b: {  	s0 =	sand.u32 $0x1, s1  }
0x8c: {  	s18 =	sshll.u32 s0, $0xA;
	s2 =	sadd.s32 s3, s2  }
0x8d: {  	s2 =	sadd.s32 s2, s18  }
0x8e: {  	[smem:$0x3FC6] =	sst s2  }
0x8f: {  	_ = 	snop  }
0x90: {  	s2 =	sld [smem:$0x3FC9]  }
0x91: {  	s19 =	sld [smem:$0x3FC8]  }
0x92: {  	s4 =	sld [smem:$0x3FD0];
	(tm) =	ssettm $0x1  }
0x93: {  	s5 =	sld [smem:$0x3FFB];
	_ =	sdelay $0x3  }
0x94: {  	_ =	strace s5  }
0x95: {  	s5 =	sld [smem:$0x3FFC];
	_ =	sdelay $0x3  }
0x96: {  	_ =	strace s5  }
0x97: {  	s5 =	sld [smem:$0x3FFD];
	_ =	sdelay $0x3  }
0x98: {  	_ =	strace s5  }
0x99: {  	_ =	strace $0x8FFFFFFF  }
0x9a: {  	s20 =	sld [smem:$0x3FDB];
	_ =	sdelay $0x1  }
0x9b: {  	s6 =	simm.s32 $_scs_section_size  }
0x9c: {  	s7 =	simm.s32 $_size__tile_overlayer_lowered;
	s8 =	simm.s32 $_tile_overlayer_lowered  }
0x9d: {  	s23 =	simm.s32 $0x1BFF;
	s22 =	sshll.u32 s8, $0x1;
	s5 =	sadd.s32 s6, s20  }
0x9e: {  	s9 =	simm.s32 $0x0;
	s21 =	sshll.u32 s7, $0x1;
	s7 =	sadd.s32 s22, s5  }
0x9f: {  	[timem:s9], [sflag:s23] =	dma.local [hbm:s7], s21  }
0xa0: {  	_ =	swait.ge [sflag:s23], s21  }
0xa1: {  	s6 =	ssub.s32 $0x0, s21;
	[sflag:s23] =	ssyncset.done $0x0  }
0xa2: {  	[sflag:s23] =	ssyncadd.s32 s6;
	_ =	sdelay $0x1  }
0xa3: {  	s24 =	simm.s32 $0x1B8B  }
0xa4: {  	_ =	swait.ge [sflag:s24], $0x1  }
0xa5: {  	[sflag:s24] =	ssyncset.done $0x0  }
0xa6: {  	s25 =	simm.s32 $0x1B8E;
	[sflag:s24] =	ssyncadd.s32 $0xFFFFFFFF  }
0xa7: {  	s26 =	simm.s32 $execute0_lowered;
	[smem:$0x3FD2] =	sst s25  }
0xa8: {  	s6 =	sshll.u32 s26, $0x1;
	_ =	strace $0x80000046;
	[dreg:$0x1] =	wrdreg $0xFFFFFFFF  }
0xa9: {  	s28 =	simm.s32 $_size_execute0_lowered;
	s5 =	sadd.s32 s5, s6;
	[dreg:$0x0] =	wrdreg $0x0  }
0xaa: {  	s6 =	sshll.u32 s28, $0x1;
	[dreg:$0x2] =	wrdreg s5  }
0xab: {  	[dreg:$0x3] =	wrdreg s6  }
0xac: {  	[dreg:$0x4] =	wrdreg $0xC0  }
0xad: {  	_ =	task [dreg:s9], $0x5FFFF  }
0xae: {  	[dreg:$0x1] =	wrdreg $0xFFFFFFFF  }
0xaf: {  	[dreg:$0x0] =	wrdreg $0x60  }
0xb0: {  	[dreg:$0x2] =	wrdreg s2  }
0xb1: {  	[dreg:$0x3] =	wrdreg s19  }
0xb2: {  	[dreg:$0x4] =	wrdreg s4  }
0xb3: {  	[dreg:$0x5] =	wrdreg $0x9  }
0xb4: {  	_ =	task.clear_ibuf [dreg:s9], $0x6FFFF;
	_ =	strace $0x90000046  }
0xb5: {  	s29 =	simm.s32 $0x9;
	_ =	strace $0x80000048  }
0xb6: {  	_ =	swait.ge [sflag:s29], $0x1  }
0xb7: {  	[sflag:s29] =	ssyncadd.s32 $0xFFFFFFFF  }
0xb8: {  	_ =	strace $0x90000048  }
0xb9: {  	_ =	sfence  }
0xba: {  	s30 =	sld [smem:$0x0];
	_ =	sdelay $0x2  }
0xbb: {  	s31 =	sshll.u32 s1, $0xD;
	s1 =	sshrl.u32 s1, $0x2  }
0xbc: {  	s3 =	sand.u32 $0x4000, s31;
	s1 =	sadd.s32 s1, s30  }
0xbd: {  	s0 =	sor.u32 s3, s0;
	s1 =	sshll.u32 s1, $0x11  }
0xbe: {  	s0 =	sor.u32 s1, s0  }
0xbf: {  	s0 =	sadd.s32 $0x8F2B, s0  }
0xc0: {  	[sflag:s0] =	ssyncadd.remote.s32 $0x1  }
0xc1: {  	_ =	sfence.sel $0xFFFF  }
0xc2: {  	[dreg:$0x0] =	wrdreg $0xFFFFFFFF;
	(pc) =	sbr.abs _section_cstart, $3  }
0xc3: {  	[dreg:$0x1] =	wrdreg $0xFFFFFFFF  }
0xc4: {  	_ =	task.clear_ibuf [dreg:s9], $0x2FFFF;
	_ =	strace $0x9FFFFFFF  }
0xc5: {  	(tm) =	ssettm $0x7FFFFFFF  }
tec
execute0_lowered:
.L_overlay_start_1:
0x0: {  	(tag) =	ssettag $0x1  }
0x1: {  	v27 =	vlaneseq.u32  }
0x2: {  	v21 =	vmul.u32 $0x80, v27;
	_ =	sdelay $0x1  }
0x3: {  	v0 =	vor.u32 $0x1000, v21  }
0x4: {  	v52 =	vor.u32 $0x1010, v21;
	[tilespmem:$0x1FC10] =	vst v0  }
0x5: {  	s0 =	rddreg [dreg:$0x0];
	v60 =	vor.u32 $0x1020, v21;
	[tilespmem:$0x1FC20] =	vst v52  }
0x6: {  	s1 =	rddreg [dreg:$0x1];
	s5 =	simm.s32 $0x0;
	v61 =	vor.u32 $0x1030, v21;
	[tilespmem:$0x1FC30] =	vst v60  }
0x7: {  	[smem:$0x7FF] =	sst s5;
	v48 =	vor.u32 $0x1800, v21;
	[tilespmem:$0x1FC40] =	vst v61  }
0x8: {  	s2 =	rddreg [dreg:$0x2];
	v9 =	vor.u32 $0x840, v21;
	_ =	strace $0x80000047;
	[tilespmem:$0x1FC50] =	vst v48  }
0x9: {  	v35 =	vor.u32 $0x1010, v27;
	[tilespmem:$0x1FC70] =	vst v9  }
0xa: {  	v33 =	vor.u32 $0x850, v21;
	[tilespmem:$0x1FC80] =	vst v35  }
0xb: {  	v34 =	vor.u32 $0x1410, v27;
	[tilespmem:$0x1FC90] =	vst v33  }
0xc: {  	v58 =	vor.u32 $0x860, v21;
	[tilespmem:$0x1FCA0] =	vst v34  }
0xd: {  	v63 =	vor.u32 $0x1810, v27;
	[tilespmem:$0x1FCB0] =	vst v58  }
0xe: {  	v54 =	vor.u32 $0x870, v21;
	[tilespmem:$0x1FCC0] =	vst v63  }
0xf: {  	v29 =	vor.u32 $0x1C10, v27;
	[tilespmem:$0x1FCD0] =	vst v54  }
0x10: {  	v17 =	vor.u32 $0x1070, v21;
	[tilespmem:$0x1FCE0] =	vst v29  }
0x11: {  	v3 =	vor.u32 $0x1840, v21;
	[tilespmem:$0x1FCF0] =	vst v17  }
0x12: {  	v11 =	vor.u32 $0x1850, v21;
	[tilespmem:$0x1FD00] =	vst v3  }
0x13: {  	v25 =	vor.u32 $0x1860, v21;
	[tilespmem:$0x1FD10] =	vst v11  }
0x14: {  	v13 =	vor.u32 $0x1870, v21;
	[tilespmem:$0x1FD20] =	vst v25  }
0x15: {  	[tilespmem:$0x1FD30] =	vst v13  }
0x16: {  	v45 =	vor.u32 $0x10, v21;
	[tilespmem:$0x1FD40] =	vst v21  }
0x17: {  	v50 =	vor.u32 $0x20, v21;
	[tilespmem:$0x1FD50] =	vst v45  }
0x18: {  	v44 =	vor.u32 $0x30, v21;
	[tilespmem:$0x1FD60] =	vst v50  }
0x19: {  	v20 =	vor.u32 $0x40, v21;
	[tilespmem:$0x1FD70] =	vst v44  }
0x1a: {  	v56 =	vor.u32 $0x50, v21;
	[tilespmem:$0x1FD80] =	vst v20  }
0x1b: {  	v59 =	vor.u32 $0x60, v21;
	[tilespmem:$0x1FD90] =	vst v56  }
0x1c: {  	v23 =	vor.u32 $0x70, v21;
	[tilespmem:$0x1FDA0] =	vst v59  }
0x1d: {  	v62 =	vor.u32 $0x800, v21;
	[tilespmem:$0x1FDB0] =	vst v23  }
0x1e: {  	v38 =	vor.u32 $0x810, v21;
	[tilespmem:$0x1FDC0] =	vst v62  }
0x1f: {  	v37 =	vor.u32 $0x820, v21;
	[tilespmem:$0x1FDD0] =	vst v38  }
0x20: {  	v36 =	vor.u32 $0x1C00, v27;
	[tilespmem:$0x1FDE0] =	vst v37  }
0x21: {  	v40 =	vor.u32 $0x830, v21;
	[tilespmem:$0x1FDF0] =	vst v36  }
0x22: {  	v39 =	vor.u32 $0x10, v27;
	[tilespmem:$0x1FE00] =	vst v40  }
0x23: {  	v1 =	vor.u32 $0x1040, v21;
	[tilespmem:$0x1FE10] =	vst v39  }
0x24: {  	v15 =	vor.u32 $0x1050, v21;
	[tilespmem:$0x1FE20] =	vst v1  }
0x25: {  	v2 =	vor.u32 $0x1060, v21;
	[tilespmem:$0x1FE30] =	vst v15  }
0x26: {  	v10 =	vor.u32 $0x1810, v21;
	[tilespmem:$0x1FE40] =	vst v2  }
0x27: {  	v28 =	vor.u32 $0x1820, v21;
	[tilespmem:$0x1FE50] =	vst v10  }
0x28: {  	v31 =	vor.u32 $0x1830, v21;
	[tilespmem:$0x1FE60] =	vst v28  }
0x29: {  	v7 =	vor.u32 $0x1030, v27;
	[tilespmem:$0x1FE70] =	vst v31  }
0x2a: {  	v18 =	vor.u32 $0x20, v27;
	[tilespmem:$0x1FE80] =	vst v7  }
0x2b: {  	v8 =	vor.u32 $0x1430, v27;
	[tilespmem:$0x1FE90] =	vst v18  }
0x2c: {  	v16 =	vor.u32 $0x1C30, v27;
	[tilespmem:$0x1FEA0] =	vst v8  }
0x2d: {  	v43 =	vor.u32 $0x400, v27;
	[tilespmem:$0x1FEB0] =	vst v16  }
0x2e: {  	v47 =	vor.u32 $0x800, v27;
	[tilespmem:$0x1FEC0] =	vst v43  }
0x2f: {  	v42 =	vor.u32 $0xC00, v27;
	[tilespmem:$0x1FED0] =	vst v47  }
0x30: {  	v41 =	vor.u32 $0x1000, v27;
	[tilespmem:$0x1FEE0] =	vst v42  }
0x31: {  	v53 =	vor.u32 $0x1400, v27;
	[tilespmem:$0x1FEF0] =	vst v41  }
0x32: {  	v55 =	vor.u32 $0x1800, v27;
	[tilespmem:$0x1FF00] =	vst v53  }
0x33: {  	v22 =	vor.u32 $0x1830, v27;
	[tilespmem:$0x1FF10] =	vst v55  }
0x34: {  	v57 =	vor.u32 $0xC10, v27;
	[tilespmem:$0x1FF20] =	vst v22  }
0x35: {  	v46 =	vor.u32 $0x810, v27;
	[tilespmem:$0x1FF30] =	vst v57  }
0x36: {  	v19 =	vor.u32 $0x1420, v27;
	[tilespmem:$0x1FF40] =	vst v46  }
0x37: {  	v61 =	vor.u32 $0x1C20, v27;
	[tilespmem:$0x1FF50] =	vst v19  }
0x38: {  	v52 =	vor.u32 $0x1020, v27;
	[tilespmem:$0x1FF60] =	vst v61  }
0x39: {  	s3 =	srdreg.scid;
	s4 =	stileid.u32;
	v49 =	vor.u32 $0x1820, v27;
	[tilespmem:$0x1FF70] =	vst v52  }
0x3a: {  	s13 =	simm.s32 $0x400;
	s14 =	simm.s32 $0x7A1400;
	s15 =	simm.s32 $0x2000;
	v5 =	vor.u32 $0xC30, v27;
	[tilespmem:$0x1FF80] =	vst v49  }
0x3b: {  	s16 =	simm.s32 $0x1;
	s17 =	simm.s32 $0x4000;
	s18 =	simm.s32 $0x2;
	v51 =	vor.u32 $0xC20, v27;
	[tilespmem:$0x1FF90] =	vst v5  }
0x3c: {  	s19 =	simm.s32 $0x3;
	s20 =	simm.s32 $0x4;
	s21 =	simm.s32 $0x8000;
	v60 =	vor.u32 $0x820, v27;
	[tilespmem:$0x1FFA0] =	vst v51  }
0x3d: {  	s22 =	simm.s32 $0x5;
	s23 =	simm.s32 $0xA000;
	s24 =	simm.s32 $0x0;
	v4 =	vor.u32 $0x430, v27;
	[tilespmem:$0x1FFC0] =	vst v60  }
.Ltmp0:
0x3e: {  	s3 =	sand.u32 $0x1, s3;
	s4 =	sshll.u32 s4, $0x1;
	v6 =	vor.u32 $0x420, v27;
	[tilespmem:$0x1FFD0] =	vst v4;
	(pc) =	sbr.rel .LBB2_1-.Ltmp0, $4  }
0x3f: {  	v32 =	vor.u32 $0x410, v27;
	s11 =	sadd.s32 $0x7A1000, s2;
	s7 =	ssub.s32 $0x2, s3;
	s6 =	sor.u32 s3, s4;
	[tilespmem:$0x1FFE0] =	vst v6  }
0x40: {  	s31 =	sshrl.u32 s7, $0x1;
	s4 =	sshll.u32 s6, $0x7;
	s9 =	sor.u32 $0x40, s6;
	v48 =	vor.u32 $0x30, v27;
	[tilespmem:$0x1FFF0] =	vst v32  }
0x41: {  	s10 =	sor.u32 $0x60, s6;
	s3 =	ssub.s32 s7, s31;
	s7 =	sadd.s32 s0, s4;
	[tilespmem:$0x1FC60] =	vst v48;
	v48 =	vor.u32 $0x830, v27  }
0x42: {  	p0 =	sne.s32 s6, $0x0;
	s8 =	sadd.s32 $0x1000, s7;
	s12 =	smax.u32 s3, $0x1;
	[tilespmem:$0x1FFB0] =	vst v48  }
.LBB2_15:
0x43: {  	_ =	swait.ge [sflag:s19], $0x2000  }
.Ltmp1:
0x44: {  	[sflag:s19] =	ssyncset.done $0x0;
	(pc) =	sbr.rel @!p0 .LBB2_16-.Ltmp1, $4  }
0x45: {  	[sflag:s19] =	ssyncadd.s32 $0xFFFFE000  }
0x46: {  	_ =	swait.ge [sflag:s20], $0x2000  }
0x47: {  	[sflag:s20] =	ssyncset.done $0x0  }
0x48: {  	[sflag:s20] =	ssyncadd.s32 $0xFFFFE000  }
.LBB2_19:
0x49: {  	s24 =	sadd.s32 $0x1, s24  }
0x4a: {  	p1 =	sne.s32 s24, s12  }
.Ltmp2:
0x4b: {  	_ = 	snop;
	(pc) =	sbr.rel @!p1 .LBB2_20-.Ltmp2, $1  }
0x4c: {  	_ =	sdelay $0x3  }
.LBB2_1:
.Ltmp3:
0x4d: {  	(pc) =	sbr.rel .LBB2_2-.Ltmp3, $4  }
0x4e: {  	_ = 	snop  }
0x4f: {  	[tilespmem:s5], [sflag:$0x1] =	stream.strided.gather [hbm4b:s7+s13], $0x2000, s14, s13, $0x38;
	[tilespmem:$0xB000] =	vst v63  }
0x50: {  	s25 =	simm.s32 $0x0  }
0x51: {  	[tilespmem:s15], [sflag:$0x2] =	stream.strided.gather [hbm4b:s8+s13], $0x2000, s14, s13, $0x38;
	[tilespmem:$0xB000] =	vst v63  }
.LBB2_14:
0x52: {  	s25 =	sadd.s32 $0x1, s25  }
0x53: {  	p1 =	sne.s32 s25, $0x7B  }
.Ltmp4:
0x54: {  	_ = 	snop;
	(pc) =	sbr.rel @!p1 .LBB2_15-.Ltmp4, $1  }
0x55: {  	_ =	sdelay $0x3  }
.LBB2_2:
0x56: {  	s26 =	sshll.u32 s25, $0x6  }
0x57: {  	s28 =	sor.u32 s6, s26  }
0x58: {  	p2 =	sgt.u32 s28, $0x1E83  }
.Ltmp5:
0x59: {  	_ = 	snop;
	(pc) =	sbr.rel @p2 .LBB2_8-.Ltmp5, $2  }
0x5a: {  	_ =	sdelay $0x2  }
0x5b: {  	p1 =	seq.s32 s25, $0x0  }
0x5c: {  	s3 =	simm.s32 $0x0  }
0x5d: {  	s30 =	simm.s32 $0x1;
	v26 =	vadd.s32 s3, v27  }
0x5e: {  	_ =	swait.ge [sflag:s16], $0x2000;
	v8 =	vadd.s32 s30, v27;
	v24 =	vand.u32 $0xF, v26  }
0x5f: {  	[sflag:s16] =	ssyncset.done $0x0;
	v14 =	vand.u32 $0xF, v8;
	v0 =	vor.u32 v21, v24  }
0x60: {  	s3 =	simm.s32 @!p1 $0x3;
	[sflag:s16] =	ssyncadd.s32 $0xFFFFE000;
	v1 =	vor.u32 v21, v14  }
0x61: {  	_ =	swait.ge @!p1 [sflag:s3], $0x2000  }
0x62: {  	[sflag:s3] =	ssyncset.done @!p1 $0x0  }
0x63: {  	v2 =	vshll.u32 v26, $0x7;
	v12 =	vshll.u32 v24, $0x6;
	[sflag:s3] =	ssyncadd.s32 @!p1 $0xFFFFE000  }
0x64: {  	v28 =	vand.u32 $0x700, v2;
	v10 =	vshll.u32 v14, $0x6;
	v2 =	vor.u32 v27, v12;
	v0 =	vld.idx.msk [tilespmem:v0+s5+$0x0], $0xffff  }
0x65: {  	v4 =	vshll.u32 v8, $0x7;
	v3 =	vor.u32 v27, v10;
	v2 =	vand.u32 $0x4F, v2;
	v1 =	vld.idx.msk [tilespmem:v1+s5+$0x0], $0xffff  }
0x66: {  	v30 =	vand.u32 $0x700, v4;
	v3 =	vand.u32 $0x4F, v3;
	v2 =	vor.u32 v28, v2  }
0x67: {  	v4 =	vor.u32 v45, v26;
	v3 =	vor.u32 v30, v3  }
0x68: {  	v5 =	vor.u32 v45, v8  }
0x69: {  	v0 =	vmul.f32 $8.000000000e+00, v0  }
0x6a: {  	v1 =	vmul.f32 $8.000000000e+00, v1  }
0x6b: {  	[tilespmem:v2+s17+$0x0] =	vst.idx.msk $0xffff, v0;
	v0 =	vor.u32 v43, v12  }
0x6c: {  	[tilespmem:v3+s17+$0x0] =	vst.idx.msk $0xffff, v1;
	v1 =	vor.u32 v43, v10;
	v2 =	vld.idx.msk [tilespmem:v4+s5+$0x0], $0xffff;
	v4 =	vshll.u32 v0, $0x1  }
0x6d: {  	v0 =	vand.u32 $0x4F, v0;
	v3 =	vand.u32 $0xF00, v4;
	v4 =	vld.idx.msk [tilespmem:v5+s5+$0x0], $0xffff;
	v5 =	vshll.u32 v1, $0x1  }
0x6e: {  	v1 =	vand.u32 $0x4F, v1;
	v0 =	vor.u32 v0, v3;
	v3 =	vand.u32 $0xF00, v5  }
0x6f: {  	v5 =	vor.u32 v50, v24;
	v1 =	vor.u32 v1, v3  }
0x70: {  	v3 =	vor.u32 v50, v14  }
0x71: {  	v2 =	vmul.f32 $8.000000000e+00, v2  }
0x72: {  	v4 =	vmul.f32 $8.000000000e+00, v4  }
0x73: {  	[tilespmem:v0+s17+$0x0] =	vst.idx.msk $0xffff, v2;
	v0 =	vor.u32 v47, v12  }
0x74: {  	v2 =	vld.idx.msk [tilespmem:v5+s5+$0x0], $0xffff;
	v5 =	vshll.u32 v0, $0x1;
	[tilespmem:v1+s17+$0x0] =	vst.idx.msk $0xffff, v4;
	v1 =	vor.u32 v47, v10  }
0x75: {  	v0 =	vand.u32 $0x4F, v0;
	v4 =	vand.u32 $0x1700, v5;
	v3 =	vld.idx.msk [tilespmem:v3+s5+$0x0], $0xffff;
	v5 =	vshll.u32 v1, $0x1  }
0x76: {  	v1 =	vand.u32 $0x4F, v1;
	v0 =	vor.u32 v0, v4;
	v4 =	vand.u32 $0x1700, v5  }
0x77: {  	v5 =	vor.u32 v44, v26;
	v1 =	vor.u32 v1, v4  }
0x78: {  	v4 =	vor.u32 v44, v8  }
0x79: {  	v2 =	vmul.f32 $8.000000000e+00, v2  }
0x7a: {  	v3 =	vmul.f32 $8.000000000e+00, v3  }
0x7b: {  	[tilespmem:v0+s17+$0x0] =	vst.idx.msk $0xffff, v2;
	v0 =	vor.u32 v42, v12  }
0x7c: {  	v2 =	vld.idx.msk [tilespmem:v5+s5+$0x0], $0xffff;
	v5 =	vshll.u32 v0, $0x1;
	[tilespmem:v1+s17+$0x0] =	vst.idx.msk $0xffff, v3;
	v1 =	vor.u32 v42, v10  }
0x7d: {  	v0 =	vand.u32 $0x4F, v0;
	v3 =	vand.u32 $0x1F00, v5;
	v4 =	vld.idx.msk [tilespmem:v4+s5+$0x0], $0xffff;
	v5 =	vshll.u32 v1, $0x1  }
0x7e: {  	v1 =	vand.u32 $0x4F, v1;
	v0 =	vor.u32 v0, v3;
	v3 =	vand.u32 $0x1F00, v5  }
0x7f: {  	v5 =	vor.u32 v20, v24;
	v1 =	vor.u32 v1, v3  }
0x80: {  	v3 =	vor.u32 v20, v14  }
0x81: {  	v2 =	vmul.f32 $8.000000000e+00, v2  }
0x82: {  	v4 =	vmul.f32 $8.000000000e+00, v4  }
0x83: {  	[tilespmem:v0+s17+$0x0] =	vst.idx.msk $0xffff, v2;
	v0 =	vor.u32 v41, v12  }
0x84: {  	v2 =	vld.idx.msk [tilespmem:v5+s5+$0x0], $0xffff;
	v5 =	vshll.u32 v0, $0x1;
	[tilespmem:v1+s17+$0x0] =	vst.idx.msk $0xffff, v4;
	v1 =	vor.u32 v41, v10  }
0x85: {  	v0 =	vand.u32 $0x4F, v0;
	v4 =	vand.u32 $0x2700, v5;
	v3 =	vld.idx.msk [tilespmem:v3+s5+$0x0], $0xffff;
	v5 =	vshll.u32 v1, $0x1  }
0x86: {  	v1 =	vand.u32 $0x4F, v1;
	v0 =	vor.u32 v0, v4;
	v4 =	vand.u32 $0x2700, v5  }
0x87: {  	v5 =	vor.u32 v56, v26;
	v1 =	vor.u32 v1, v4  }
0x88: {  	v4 =	vor.u32 v56, v8  }
0x89: {  	v2 =	vmul.f32 $8.000000000e+00, v2  }
0x8a: {  	v3 =	vmul.f32 $8.000000000e+00, v3  }
0x8b: {  	[tilespmem:v0+s17+$0x0] =	vst.idx.msk $0xffff, v2;
	v0 =	vor.u32 v53, v12  }
0x8c: {  	v2 =	vld.idx.msk [tilespmem:v5+s5+$0x0], $0xffff;
	v5 =	vshll.u32 v0, $0x1;
	[tilespmem:v1+s17+$0x0] =	vst.idx.msk $0xffff, v3;
	v1 =	vor.u32 v53, v10  }
0x8d: {  	v0 =	vand.u32 $0x4F, v0;
	v3 =	vand.u32 $0x2F00, v5;
	v4 =	vld.idx.msk [tilespmem:v4+s5+$0x0], $0xffff;
	v5 =	vshll.u32 v1, $0x1  }
0x8e: {  	v1 =	vand.u32 $0x4F, v1;
	v0 =	vor.u32 v0, v3;
	v3 =	vand.u32 $0x2F00, v5  }
0x8f: {  	v5 =	vor.u32 v59, v24;
	v1 =	vor.u32 v1, v3  }
0x90: {  	v3 =	vor.u32 v59, v14  }
0x91: {  	v2 =	vmul.f32 $8.000000000e+00, v2  }
0x92: {  	v4 =	vmul.f32 $8.000000000e+00, v4  }
0x93: {  	[tilespmem:v0+s17+$0x0] =	vst.idx.msk $0xffff, v2;
	v0 =	vor.u32 v55, v12  }
0x94: {  	v2 =	vld.idx.msk [tilespmem:v5+s5+$0x0], $0xffff;
	v5 =	vshll.u32 v0, $0x1;
	[tilespmem:v1+s17+$0x0] =	vst.idx.msk $0xffff, v4;
	v1 =	vor.u32 v55, v10  }
0x95: {  	v0 =	vand.u32 $0x4F, v0;
	v4 =	vand.u32 $0x3700, v5;
	v3 =	vld.idx.msk [tilespmem:v3+s5+$0x0], $0xffff;
	v5 =	vshll.u32 v1, $0x1  }
0x96: {  	v1 =	vand.u32 $0x4F, v1;
	v0 =	vor.u32 v0, v4;
	v4 =	vand.u32 $0x3700, v5  }
0x97: {  	v5 =	vor.u32 v23, v26;
	v1 =	vor.u32 v1, v4  }
0x98: {  	v4 =	vor.u32 v23, v8  }
0x99: {  	v2 =	vmul.f32 $8.000000000e+00, v2  }
0x9a: {  	v3 =	vmul.f32 $8.000000000e+00, v3  }
0x9b: {  	[tilespmem:v0+s17+$0x0] =	vst.idx.msk $0xffff, v2;
	v0 =	vor.u32 v36, v12  }
0x9c: {  	v2 =	vld.idx.msk [tilespmem:v5+s5+$0x0], $0xffff;
	[tilespmem:v1+s17+$0x0] =	vst.idx.msk $0xffff, v3;
	v1 =	vshll.u32 v0, $0x1;
	v3 =	vor.u32 v36, v10  }
0x9d: {  	v0 =	vand.u32 $0x4F, v0;
	v4 =	vld.idx.msk [tilespmem:v4+s5+$0x0], $0xffff;
	v1 =	vand.u32 $0x3F00, v1;
	v5 =	vshll.u32 v3, $0x1  }
0x9e: {  	v0 =	vor.u32 v0, v1;
	v1 =	vand.u32 $0x4F, v3;
	v3 =	vand.u32 $0x3F00, v5  }
0x9f: {  	v5 =	vor.u32 v62, v24;
	v1 =	vor.u32 v1, v3  }
0xa0: {  	v3 =	vor.u32 v62, v14  }
0xa1: {  	v2 =	vmul.f32 $8.000000000e+00, v2  }
0xa2: {  	v4 =	vmul.f32 $8.000000000e+00, v4  }
0xa3: {  	[tilespmem:v0+s17+$0x0] =	vst.idx.msk $0xffff, v2  }
0xa4: {  	v0 =	vld.idx.msk [tilespmem:v5+s5+$0x0], $0xffff;
	[tilespmem:v1+s17+$0x0] =	vst.idx.msk $0xffff, v4;
	v1 =	vor.u32 v39, v12  }
0xa5: {  	v2 =	vld.idx.msk [tilespmem:v3+s5+$0x0], $0xffff;
	v1 =	vand.u32 $0x5F, v1;
	v3 =	vor.u32 v39, v10  }
0xa6: {  	v1 =	vor.u32 v28, v1;
	v3 =	vand.u32 $0x5F, v3  }
0xa7: {  	v4 =	vor.u32 v38, v26;
	v3 =	vor.u32 v30, v3  }
0xa8: {  	v5 =	vor.u32 v38, v8  }
0xa9: {  	v0 =	vmul.f32 $8.000000000e+00, v0  }
0xaa: {  	v2 =	vmul.f32 $8.000000000e+00, v2  }
0xab: {  	[tilespmem:v1+s17+$0x0] =	vst.idx.msk $0xffff, v0;
	v0 =	vor.u32 v32, v12  }
0xac: {  	v1 =	vld.idx.msk [tilespmem:v4+s5+$0x0], $0xffff;
	v4 =	vshll.u32 v0, $0x1;
	[tilespmem:v3+s17+$0x0] =	vst.idx.msk $0xffff, v2;
	v2 =	vor.u32 v32, v10  }
0xad: {  	v0 =	vand.u32 $0x5F, v0;
	v3 =	vand.u32 $0xF00, v4;
	v4 =	vld.idx.msk [tilespmem:v5+s5+$0x0], $0xffff;
	v5 =	vshll.u32 v2, $0x1  }
0xae: {  	v2 =	vand.u32 $0x5F, v2;
	v0 =	vor.u32 v0, v3;
	v3 =	vand.u32 $0xF00, v5  }
0xaf: {  	v5 =	vor.u32 v37, v24;
	v2 =	vor.u32 v2, v3  }
0xb0: {  	v3 =	vor.u32 v37, v14  }
0xb1: {  	v1 =	vmul.f32 $8.000000000e+00, v1  }
0xb2: {  	v4 =	vmul.f32 $8.000000000e+00, v4  }
0xb3: {  	[tilespmem:v0+s17+$0x0] =	vst.idx.msk $0xffff, v1;
	v0 =	vor.u32 v46, v12  }
0xb4: {  	v1 =	vld.idx.msk [tilespmem:v5+s5+$0x0], $0xffff;
	v5 =	vshll.u32 v0, $0x1;
	[tilespmem:v2+s17+$0x0] =	vst.idx.msk $0xffff, v4;
	v2 =	vor.u32 v46, v10  }
0xb5: {  	v0 =	vand.u32 $0x5F, v0;
	v4 =	vand.u32 $0x1700, v5;
	v3 =	vld.idx.msk [tilespmem:v3+s5+$0x0], $0xffff;
	v5 =	vshll.u32 v2, $0x1  }
0xb6: {  	v2 =	vand.u32 $0x5F, v2;
	v0 =	vor.u32 v0, v4;
	v4 =	vand.u32 $0x1700, v5  }
0xb7: {  	v5 =	vor.u32 v40, v26;
	v2 =	vor.u32 v2, v4  }
0xb8: {  	v4 =	vor.u32 v40, v8  }
0xb9: {  	v1 =	vmul.f32 $8.000000000e+00, v1  }
0xba: {  	v3 =	vmul.f32 $8.000000000e+00, v3  }
0xbb: {  	[tilespmem:v0+s17+$0x0] =	vst.idx.msk $0xffff, v1;
	v0 =	vor.u32 v57, v12  }
0xbc: {  	v1 =	vld.idx.msk [tilespmem:v5+s5+$0x0], $0xffff;
	v5 =	vshll.u32 v0, $0x1;
	[tilespmem:v2+s17+$0x0] =	vst.idx.msk $0xffff, v3;
	v2 =	vor.u32 v57, v10  }
0xbd: {  	v0 =	vand.u32 $0x5F, v0;
	v3 =	vand.u32 $0x1F00, v5;
	v4 =	vld.idx.msk [tilespmem:v4+s5+$0x0], $0xffff;
	v5 =	vshll.u32 v2, $0x1  }
0xbe: {  	v2 =	vand.u32 $0x5F, v2;
	v0 =	vor.u32 v0, v3;
	v3 =	vand.u32 $0x1F00, v5  }
0xbf: {  	v5 =	vor.u32 v9, v24;
	v2 =	vor.u32 v2, v3  }
0xc0: {  	v3 =	vor.u32 v9, v14  }
0xc1: {  	v1 =	vmul.f32 $8.000000000e+00, v1  }
0xc2: {  	v4 =	vmul.f32 $8.000000000e+00, v4  }
0xc3: {  	[tilespmem:v0+s17+$0x0] =	vst.idx.msk $0xffff, v1;
	v0 =	vor.u32 v35, v12  }
0xc4: {  	v1 =	vld.idx.msk [tilespmem:v5+s5+$0x0], $0xffff;
	v5 =	vshll.u32 v0, $0x1;
	[tilespmem:v2+s17+$0x0] =	vst.idx.msk $0xffff, v4;
	v2 =	vor.u32 v35, v10  }
0xc5: {  	v0 =	vand.u32 $0x5F, v0;
	v4 =	vand.u32 $0x2700, v5;
	v3 =	vld.idx.msk [tilespmem:v3+s5+$0x0], $0xffff;
	v5 =	vshll.u32 v2, $0x1  }
0xc6: {  	v2 =	vand.u32 $0x5F, v2;
	v0 =	vor.u32 v0, v4;
	v4 =	vand.u32 $0x2700, v5  }
0xc7: {  	v5 =	vor.u32 v33, v26;
	v2 =	vor.u32 v2, v4  }
0xc8: {  	v4 =	vor.u32 v33, v8  }
0xc9: {  	v1 =	vmul.f32 $8.000000000e+00, v1  }
0xca: {  	v3 =	vmul.f32 $8.000000000e+00, v3  }
0xcb: {  	[tilespmem:v0+s17+$0x0] =	vst.idx.msk $0xffff, v1;
	v0 =	vor.u32 v34, v12  }
0xcc: {  	v1 =	vld.idx.msk [tilespmem:v5+s5+$0x0], $0xffff;
	v5 =	vshll.u32 v0, $0x1;
	[tilespmem:v2+s17+$0x0] =	vst.idx.msk $0xffff, v3;
	v2 =	vor.u32 v34, v10  }
0xcd: {  	v0 =	vand.u32 $0x5F, v0;
	v3 =	vand.u32 $0x2F00, v5;
	v4 =	vld.idx.msk [tilespmem:v4+s5+$0x0], $0xffff;
	v5 =	vshll.u32 v2, $0x1  }
0xce: {  	v2 =	vand.u32 $0x5F, v2;
	v0 =	vor.u32 v0, v3;
	v3 =	vand.u32 $0x2F00, v5  }
0xcf: {  	v5 =	vor.u32 v58, v24;
	v2 =	vor.u32 v2, v3  }
0xd0: {  	v3 =	vor.u32 v58, v14  }
0xd1: {  	v1 =	vmul.f32 $8.000000000e+00, v1  }
0xd2: {  	v4 =	vmul.f32 $8.000000000e+00, v4  }
0xd3: {  	[tilespmem:v0+s17+$0x0] =	vst.idx.msk $0xffff, v1;
	v0 =	vor.u32 v63, v12  }
0xd4: {  	v1 =	vld.idx.msk [tilespmem:v5+s5+$0x0], $0xffff;
	v5 =	vshll.u32 v0, $0x1;
	[tilespmem:v2+s17+$0x0] =	vst.idx.msk $0xffff, v4;
	v2 =	vor.u32 v63, v10  }
0xd5: {  	v0 =	vand.u32 $0x5F, v0;
	v4 =	vand.u32 $0x3700, v5;
	v3 =	vld.idx.msk [tilespmem:v3+s5+$0x0], $0xffff;
	v5 =	vshll.u32 v2, $0x1  }
0xd6: {  	v2 =	vand.u32 $0x5F, v2;
	v0 =	vor.u32 v0, v4;
	v4 =	vand.u32 $0x3700, v5  }
0xd7: {  	v2 =	vor.u32 v2, v4;
	_ =	sdelay $0x1  }
0xd8: {  	v5 =	vor.u32 v54, v26;
	v1 =	vmul.f32 $8.000000000e+00, v1  }
0xd9: {  	v4 =	vor.u32 v54, v8;
	v3 =	vmul.f32 $8.000000000e+00, v3  }
0xda: {  	[tilespmem:v0+s17+$0x0] =	vst.idx.msk $0xffff, v1  }
0xdb: {  	[tilespmem:v2+s17+$0x0] =	vst.idx.msk $0xffff, v3  }
0xdc: {  	v9 =	vld [tilespmem:$0x1FC10]  }
0xdd: {  	v0 =	vor.u32 v29, v12;
	v1 =	vld.idx.msk [tilespmem:v5+s5+$0x0], $0xffff  }
0xde: {  	v53 =	vmovc v42;
	v42 =	vor.u32 v11, v26;
	v3 =	vshll.u32 v0, $0x1;
	v5 =	vor.u32 v29, v10;
	v4 =	vld.idx.msk [tilespmem:v4+s5+$0x0], $0xffff  }
0xdf: {  	v0 =	vand.u32 $0x5F, v0;
	v3 =	vand.u32 $0x3F00, v3;
	v6 =	vshll.u32 v5, $0x1;
	v62 =	vld [tilespmem:$0x1FC20]  }
0xe0: {  	s31 =	simm.s32 $0x2;
	v19 =	vld [tilespmem:$0x1FC40];
	v7 =	vor.u32 v0, v3;
	v0 =	vand.u32 $0x5F, v5;
	v3 =	vand.u32 $0x3F00, v6  }
0xe1: {  	v2 =	vadd.s32 s31, v27;
	v6 =	vor.u32 v0, v3;
	v5 =	vor.u32 v9, v24  }
0xe2: {  	v49 =	vmovc v40;
	v40 =	vor.u32 v13, v26;
	v16 =	vor.u32 v56, v2;
	v20 =	vor.u32 v45, v2  }
0xe3: {  	v61 =	vmovc v46;
	v48 =	vmovc v45;
	v0 =	vor.u32 v31, v26;
	v3 =	vor.u32 v17, v26;
	v1 =	vmul.f32 $8.000000000e+00, v1  }
0xe4: {  	v39 =	vmovc v55;
	v46 =	vmovc v37;
	v18 =	vor.u32 v9, v14;
	v9 =	vor.u32 v15, v26;
	v4 =	vmul.f32 $8.000000000e+00, v4  }
0xe5: {  	v54 =	vmov v57;
	v17 =	vor.u32 v62, v26;
	v15 =	vor.u32 v19, v26;
	[tilespmem:v7+s17+$0x0] =	vst.idx.msk $0xffff, v1  }
0xe6: {  	s4 =	simm.s32 $0x3;
	s29 =	simm.s32 $0x4;
	v19 =	vor.u32 v44, v2;
	v62 =	vmov v44;
	v44 =	vand.u32 $0xF, v2;
	[tilespmem:v6+s17+$0x0] =	vst.idx.msk $0xffff, v4;
	v1 =	vld.idx.msk [tilespmem:v5+s5+$0x0], $0xffff  }
.LBB2_4:
0xe7: {  	v11 =	vld [tilespmem:$0x1FE90];
	_ =	sdelay $0x2  }
0xe8: {  	v5 =	vor.u32 v21, v44;
	v57 =	vld [tilespmem:$0x1FC20]  }
0xe9: {  	v4 =	vadd.s32 s4, v27;
	v33 =	vlaneseq.u32;
	v34 =	vld [tilespmem:$0x1FFE0]  }
0xea: {  	v13 =	vld.idx.msk [tilespmem:v18+s5+$0x0], $0xffff;
	v41 =	vor.u32 v50, v44;
	v7 =	vand.u32 $0xF, v4;
	v6 =	vor.u32 v11, v12  }
0xeb: {  	v18 =	vor.u32 v21, v7;
	v11 =	vor.u32 v11, v10;
	v6 =	vand.u32 $0x6F, v6  }
0xec: {  	v55 =	vmovc v21;
	v1 =	vmul.f32 $8.000000000e+00, v1;
	v21 =	vor.u32 v28, v6;
	v6 =	vand.u32 $0x6F, v11  }
0xed: {  	v25 =	vor.u32 v57, v8;
	v31 =	vld.idx.msk [tilespmem:v5+s5+$0x0], $0xffff;
	v23 =	vor.u32 v30, v6;
	v6 =	vshll.u32 v44, $0x6  }
0xee: {  	v29 =	vor.u32 v34, v12;
	v11 =	vshll.u32 v2, $0x7;
	v27 =	vor.u32 v33, v6  }
0xef: {  	v35 =	vld [tilespmem:$0x1FC30];
	v13 =	vmul.f32 $8.000000000e+00, v13;
	v11 =	vand.u32 $0x700, v11;
	v5 =	vand.u32 $0x4F, v27  }
0xf0: {  	v37 =	vld [tilespmem:$0x1FFC0];
	v27 =	vand.u32 $0x6F, v29;
	v60 =	vor.u32 v11, v5;
	v5 =	vshll.u32 v7, $0x6  }
0xf1: {  	v18 =	vld.idx.msk [tilespmem:v18+s5+$0x0], $0xffff;
	[tilespmem:v21+s17+$0x0] =	vst.idx.msk $0xffff, v1;
	v1 =	vshll.u32 v29, $0x1;
	v21 =	vor.u32 v33, v5;
	v29 =	vshll.u32 v4, $0x7  }
0xf2: {  	v31 =	vmul.f32 $8.000000000e+00, v31;
	v17 =	vld.idx.msk [tilespmem:v17+s5+$0x0], $0xffff;
	[tilespmem:v23+s17+$0x0] =	vst.idx.msk $0xffff, v13;
	v21 =	vand.u32 $0x4F, v21;
	v13 =	vand.u32 $0x700, v29  }
0xf3: {  	v1 =	vand.u32 $0xF00, v1;
	v23 =	vld.idx.msk [tilespmem:v25+s5+$0x0], $0xffff;
	v25 =	vor.u32 v34, v10;
	v21 =	vor.u32 v13, v21  }
0xf4: {  	v29 =	vor.u32 v48, v4;
	v1 =	vor.u32 v27, v1;
	v27 =	vshll.u32 v25, $0x1  }
0xf5: {  	v22 =	vor.u32 v35, v24;
	v25 =	vand.u32 $0x6F, v25;
	v27 =	vand.u32 $0xF00, v27  }
0xf6: {  	v51 =	vld [tilespmem:$0x1FFA0];
	v18 =	vmul.f32 $8.000000000e+00, v18;
	[tilespmem:v60+s17+$0x0] =	vst.idx.msk $0xffff, v31;
	v31 =	vor.u32 v43, v6;
	v25 =	vor.u32 v25, v27  }
0xf7: {  	v27 =	vor.u32 v37, v12;
	v20 =	vld.idx.msk [tilespmem:v20+s5+$0x0], $0xffff;
	v59 =	vshll.u32 v31, $0x1;
	v17 =	vmul.f32 $8.000000000e+00, v17  }
0xf8: {  	v56 =	vand.u32 $0x6F, v27;
	[tilespmem:v21+s17+$0x0] =	vst.idx.msk $0xffff, v18;
	v18 =	vshll.u32 v27, $0x1;
	v27 =	vand.u32 $0xF00, v59;
	v59 =	vld [tilespmem:$0x1FE20]  }
0xf9: {  	v52 =	vor.u32 v35, v14;
	v21 =	vmul.f32 $8.000000000e+00, v23;
	v23 =	vand.u32 $0x4F, v31;
	v29 =	vld.idx.msk [tilespmem:v29+s5+$0x0], $0xffff;
	[tilespmem:v1+s17+$0x0] =	vst.idx.msk $0xffff, v17  }
0xfa: {  	v31 =	vor.u32 v43, v5;
	v1 =	vor.u32 v23, v27;
	v18 =	vand.u32 $0x1700, v18;
	v22 =	vld.idx.msk [tilespmem:v22+s5+$0x0], $0xffff  }
0xfb: {  	v17 =	vshll.u32 v31, $0x1;
	v27 =	vor.u32 v50, v7;
	v18 =	vor.u32 v56, v18;
	v56 =	vld [tilespmem:$0x1FC40]  }
0xfc: {  	v17 =	vand.u32 $0xF00, v17;
	[tilespmem:v25+s17+$0x0] =	vst.idx.msk $0xffff, v21;
	v21 =	vand.u32 $0x4F, v31;
	v25 =	vor.u32 v37, v10  }
0xfd: {  	v20 =	vmul.f32 $8.000000000e+00, v20;
	v17 =	vor.u32 v21, v17;
	v21 =	vshll.u32 v25, $0x1  }
0xfe: {  	v23 =	vld.idx.msk [tilespmem:v52+s5+$0x0], $0xffff;
	v25 =	vand.u32 $0x6F, v25;
	v21 =	vand.u32 $0x1700, v21;
	v31 =	vor.u32 v59, v24  }
0xff: {  	v52 =	vld [tilespmem:$0x1FD80];
	v21 =	vor.u32 v25, v21;
	v25 =	vmul.f32 $8.000000000e+00, v29;
	v29 =	vor.u32 v51, v12  }
0x100: {  	[tilespmem:v1+s17+$0x0] =	vst.idx.msk $0xffff, v20;
	v1 =	vor.u32 v47, v6;
	v60 =	vor.u32 v56, v8;
	v20 =	vmul.f32 $8.000000000e+00, v22  }
0x101: {  	v22 =	vand.u32 $0x6F, v29;
	v33 =	vld.idx.msk [tilespmem:v41+s5+$0x0], $0xffff;
	v37 =	vshll.u32 v1, $0x1;
	v1 =	vand.u32 $0x4F, v1  }
0x102: {  	v41 =	vld [tilespmem:$0x1FF70];
	[tilespmem:v17+s17+$0x0] =	vst.idx.msk $0xffff, v25;
	v17 =	vshll.u32 v29, $0x1;
	v25 =	vand.u32 $0x1700, v37;
	v29 =	vor.u32 v47, v5  }
0x103: {  	v23 =	vmul.f32 $8.000000000e+00, v23;
	[tilespmem:v18+s17+$0x0] =	vst.idx.msk $0xffff, v20;
	v27 =	vld.idx.msk [tilespmem:v27+s5+$0x0], $0xffff;
	v1 =	vor.u32 v1, v25;
	v18 =	vshll.u32 v29, $0x1  }
0x104: {  	v15 =	vld.idx.msk [tilespmem:v15+s5+$0x0], $0xffff;
	v17 =	vand.u32 $0x1F00, v17;
	v20 =	vand.u32 $0x4F, v29;
	v29 =	vor.u32 v52, v44  }
0x105: {  	[tilespmem:v21+s17+$0x0] =	vst.idx.msk $0xffff, v23;
	v18 =	vand.u32 $0x1700, v18;
	v23 =	vor.u32 v51, v10;
	v17 =	vor.u32 v22, v17  }
0x106: {  	v22 =	vor.u32 v62, v4;
	v21 =	vld.idx.msk [tilespmem:v60+s5+$0x0], $0xffff;
	v18 =	vor.u32 v20, v18;
	v20 =	vshll.u32 v23, $0x1  }
0x107: {  	v23 =	vand.u32 $0x6F, v23;
	v25 =	vmul.f32 $8.000000000e+00, v33;
	v20 =	vand.u32 $0x1F00, v20  }
0x108: {  	v37 =	vld [tilespmem:$0x1FF50];
	v51 =	vor.u32 v59, v14;
	v20 =	vor.u32 v23, v20;
	v23 =	vmul.f32 $8.000000000e+00, v27  }
0x109: {  	v60 =	vld [tilespmem:$0x1FEF0];
	v27 =	vor.u32 v41, v12;
	[tilespmem:v1+s17+$0x0] =	vst.idx.msk $0xffff, v25;
	v1 =	vor.u32 v53, v6;
	v15 =	vmul.f32 $8.000000000e+00, v15  }
0x10a: {  	v25 =	vand.u32 $0x6F, v27;
	v19 =	vld.idx.msk [tilespmem:v19+s5+$0x0], $0xffff;
	v59 =	vshll.u32 v1, $0x1;
	v1 =	vand.u32 $0x4F, v1  }
0x10b: {  	[tilespmem:v18+s17+$0x0] =	vst.idx.msk $0xffff, v23;
	v18 =	vshll.u32 v27, $0x1;
	v21 =	vmul.f32 $8.000000000e+00, v21;
	v23 =	vand.u32 $0x1F00, v59;
	v59 =	vld [tilespmem:$0x1FE30]  }
0x10c: {  	v27 =	vor.u32 v53, v5;
	[tilespmem:v17+s17+$0x0] =	vst.idx.msk $0xffff, v15;
	v22 =	vld.idx.msk [tilespmem:v22+s5+$0x0], $0xffff;
	v1 =	vor.u32 v1, v23  }
0x10d: {  	v15 =	vshll.u32 v27, $0x1;
	v17 =	vld.idx.msk [tilespmem:v31+s5+$0x0], $0xffff;
	v18 =	vand.u32 $0x2700, v18;
	v23 =	vor.u32 v41, v10  }
0x10e: {  	v41 =	vld [tilespmem:$0x1FE40];
	[tilespmem:v20+s17+$0x0] =	vst.idx.msk $0xffff, v21;
	v20 =	vand.u32 $0x4F, v27;
	v15 =	vand.u32 $0x1F00, v15;
	v18 =	vor.u32 v25, v18  }
0x10f: {  	v15 =	vor.u32 v20, v15;
	v20 =	vshll.u32 v23, $0x1;
	v19 =	vmul.f32 $8.000000000e+00, v19  }
0x110: {  	v25 =	vor.u32 v52, v7;
	v21 =	vld.idx.msk [tilespmem:v51+s5+$0x0], $0xffff;
	v23 =	vand.u32 $0x6F, v23;
	v20 =	vand.u32 $0x2700, v20  }
0x111: {  	v20 =	vor.u32 v23, v20;
	[tilespmem:v1+s17+$0x0] =	vst.idx.msk $0xffff, v19  }
0x112: {  	v23 =	vor.u32 v37, v12;
	v31 =	vor.u32 v59, v8;
	v22 =	vmul.f32 $8.000000000e+00, v22;
	v29 =	vld.idx.msk [tilespmem:v29+s5+$0x0], $0xffff  }
0x113: {  	v27 =	vor.u32 v41, v24;
	v1 =	vor.u32 v60, v6;
	v17 =	vmul.f32 $8.000000000e+00, v17  }
0x114: {  	v45 =	vmovc v32;
	v51 =	vld [tilespmem:$0x1FD90];
	v19 =	vand.u32 $0x6F, v23;
	v32 =	vshll.u32 v1, $0x1;
	v1 =	vand.u32 $0x4F, v1;
	[tilespmem:v15+s17+$0x0] =	vst.idx.msk $0xffff, v22  }
0x115: {  	v15 =	vshll.u32 v23, $0x1;
	v21 =	vmul.f32 $8.000000000e+00, v21;
	v22 =	vand.u32 $0x2700, v32;
	[tilespmem:v18+s17+$0x0] =	vst.idx.msk $0xffff, v17;
	v23 =	vld.idx.msk [tilespmem:v25+s5+$0x0], $0xffff  }
0x116: {  	v25 =	vor.u32 v60, v5;
	v1 =	vor.u32 v1, v22;
	v9 =	vld.idx.msk [tilespmem:v9+s5+$0x0], $0xffff;
	v15 =	vand.u32 $0x2F00, v15  }
0x117: {  	v17 =	vshll.u32 v25, $0x1;
	v22 =	vmul.f32 $8.000000000e+00, v29;
	v29 =	vor.u32 v41, v14;
	v41 =	vld [tilespmem:$0x1FF00]  }
0x118: {  	v60 =	vld [tilespmem:$0x1FDA0];
	v18 =	vand.u32 $0x4F, v25;
	v15 =	vor.u32 v19, v15;
	v17 =	vand.u32 $0x2700, v17  }
0x119: {  	[tilespmem:v20+s17+$0x0] =	vst.idx.msk $0xffff, v21;
	v21 =	vor.u32 v37, v10;
	v37 =	vld [tilespmem:$0x1FF80];
	v17 =	vor.u32 v18, v17  }
0x11a: {  	v19 =	vor.u32 v51, v4;
	v18 =	vshll.u32 v21, $0x1  }
0x11b: {  	v20 =	vld.idx.msk [tilespmem:v31+s5+$0x0], $0xffff;
	v21 =	vand.u32 $0x6F, v21;
	v18 =	vand.u32 $0x2F00, v18;
	v9 =	vmul.f32 $8.000000000e+00, v9  }
0x11c: {  	v18 =	vor.u32 v21, v18;
	v21 =	vmul.f32 $8.000000000e+00, v23;
	[tilespmem:v1+s17+$0x0] =	vst.idx.msk $0xffff, v22;
	v1 =	vor.u32 v41, v6  }
0x11d: {  	v25 =	vor.u32 v60, v44;
	v16 =	vld.idx.msk [tilespmem:v16+s5+$0x0], $0xffff;
	[tilespmem:v15+s17+$0x0] =	vst.idx.msk $0xffff, v9;
	v31 =	vshll.u32 v1, $0x1  }
0x11e: {  	v52 =	vld [tilespmem:$0x1FCF0];
	v23 =	vor.u32 v37, v12;
	[tilespmem:v17+s17+$0x0] =	vst.idx.msk $0xffff, v21;
	v1 =	vand.u32 $0x4F, v1;
	v21 =	vand.u32 $0x2F00, v31  }
0x11f: {  	v22 =	vand.u32 $0x6F, v23;
	v17 =	vshll.u32 v23, $0x1;
	v15 =	vld.idx.msk [tilespmem:v27+s5+$0x0], $0xffff;
	v1 =	vor.u32 v1, v21  }
0x120: {  	v20 =	vmul.f32 $8.000000000e+00, v20;
	v23 =	vor.u32 v41, v5;
	v19 =	vld.idx.msk [tilespmem:v19+s5+$0x0], $0xffff;
	v17 =	vand.u32 $0x3700, v17  }
0x121: {  	v9 =	vshll.u32 v23, $0x1;
	v17 =	vor.u32 v22, v17;
	v22 =	vor.u32 v60, v7;
	v60 =	vld [tilespmem:$0x1FF60]  }
0x122: {  	[tilespmem:v18+s17+$0x0] =	vst.idx.msk $0xffff, v20;
	v18 =	vand.u32 $0x4F, v23;
	v9 =	vand.u32 $0x2F00, v9;
	v31 =	vld [tilespmem:$0x1FDB0];
	v16 =	vmul.f32 $8.000000000e+00, v16  }
0x123: {  	v20 =	vld.idx.msk [tilespmem:v29+s5+$0x0], $0xffff;
	v21 =	vor.u32 v37, v10;
	v9 =	vor.u32 v18, v9  }
0x124: {  	v27 =	vor.u32 v52, v8;
	v18 =	vshll.u32 v21, $0x1;
	[tilespmem:v1+s17+$0x0] =	vst.idx.msk $0xffff, v16  }
0x125: {  	v21 =	vand.u32 $0x6F, v21;
	v18 =	vand.u32 $0x3700, v18;
	v15 =	vmul.f32 $8.000000000e+00, v15;
	v25 =	vld.idx.msk [tilespmem:v25+s5+$0x0], $0xffff  }
0x126: {  	v18 =	vor.u32 v21, v18;
	v19 =	vmul.f32 $8.000000000e+00, v19;
	v21 =	vor.u32 v60, v12  }
0x127: {  	v23 =	vor.u32 v31, v2;
	v1 =	vor.u32 v39, v6;
	v16 =	vand.u32 $0x6F, v21  }
0x128: {  	[tilespmem:v9+s17+$0x0] =	vst.idx.msk $0xffff, v19;
	v9 =	vshll.u32 v21, $0x1;
	v19 =	vmul.f32 $8.000000000e+00, v20;
	v29 =	vshll.u32 v1, $0x1  }
0x129: {  	v1 =	vand.u32 $0x4F, v1;
	v21 =	vld.idx.msk [tilespmem:v22+s5+$0x0], $0xffff;
	v22 =	vor.u32 v39, v5;
	v20 =	vand.u32 $0x3700, v29  }
0x12a: {  	[tilespmem:v17+s17+$0x0] =	vst.idx.msk $0xffff, v15;
	v15 =	vshll.u32 v22, $0x1;
	v1 =	vor.u32 v1, v20;
	v20 =	vmul.f32 $8.000000000e+00, v25;
	v25 =	vld [tilespmem:$0x1FC50]  }
0x12b: {  	v33 =	vld [tilespmem:$0x1FC90];
	v9 =	vand.u32 $0x3F00, v9;
	v17 =	vand.u32 $0x4F, v22;
	v15 =	vand.u32 $0x3700, v15  }
0x12c: {  	v3 =	vld.idx.msk [tilespmem:v3+s5+$0x0], $0xffff;
	[tilespmem:v18+s17+$0x0] =	vst.idx.msk $0xffff, v19;
	v19 =	vor.u32 v60, v10;
	v15 =	vor.u32 v17, v15  }
0x12d: {  	v9 =	vor.u32 v16, v9;
	v18 =	vld.idx.msk [tilespmem:v27+s5+$0x0], $0xffff;
	v16 =	vshll.u32 v19, $0x1;
	v17 =	vor.u32 v31, v4  }
0x12e: {  	v29 =	vld [tilespmem:$0x1FE50];
	v19 =	vand.u32 $0x6F, v19;
	v16 =	vand.u32 $0x3F00, v16  }
0x12f: {  	v27 =	vld [tilespmem:$0x1FDC0];
	v16 =	vor.u32 v19, v16;
	v19 =	vmul.f32 $8.000000000e+00, v21;
	v22 =	vor.u32 v25, v24  }
0x130: {  	v31 =	vld [tilespmem:$0x1FC60];
	[tilespmem:v1+s17+$0x0] =	vst.idx.msk $0xffff, v20;
	v25 =	vor.u32 v25, v14  }
0x131: {  	v1 =	vmul.f32 $8.000000000e+00, v3;
	v3 =	vld.idx.msk [tilespmem:v23+s5+$0x0], $0xffff;
	[tilespmem:v15+s17+$0x0] =	vst.idx.msk $0xffff, v19  }
0x132: {  	v23 =	vor.u32 v36, v6;
	v15 =	vmul.f32 $8.000000000e+00, v18;
	v17 =	vld.idx.msk [tilespmem:v17+s5+$0x0], $0xffff  }
0x133: {  	v19 =	vor.u32 v36, v5;
	v18 =	vshll.u32 v23, $0x1;
	[tilespmem:v9+s17+$0x0] =	vst.idx.msk $0xffff, v1;
	v1 =	vand.u32 $0x4F, v23;
	v23 =	vld [tilespmem:$0x1FFD0]  }
0x134: {  	v21 =	vor.u32 v29, v26;
	v9 =	vand.u32 $0x3F00, v18;
	v18 =	vshll.u32 v19, $0x1;
	[tilespmem:v16+s17+$0x0] =	vst.idx.msk $0xffff, v15;
	v22 =	vld.idx.msk [tilespmem:v22+s5+$0x0], $0xffff  }
0x135: {  	v9 =	vor.u32 v1, v9;
	v1 =	vand.u32 $0x4F, v19;
	v15 =	vand.u32 $0x3F00, v18;
	v16 =	vld.idx.msk [tilespmem:v25+s5+$0x0], $0xffff  }
0x136: {  	v26 =	vmovc v2;
	v20 =	vor.u32 v27, v44;
	v2 =	vor.u32 v31, v12;
	v15 =	vor.u32 v1, v15;
	v25 =	vld [tilespmem:$0x1FE60]  }
0x137: {  	v18 =	vor.u32 v27, v7;
	v27 =	vld [tilespmem:$0x1FE10];
	v1 =	vand.u32 $0x7F, v2;
	v2 =	vor.u32 v31, v10  }
0x138: {  	v19 =	vor.u32 v28, v1;
	v2 =	vand.u32 $0x7F, v2;
	v3 =	vmul.f32 $8.000000000e+00, v3  }
0x139: {  	v28 =	vmovc v11;
	v1 =	vor.u32 v33, v26;
	v11 =	vor.u32 v30, v2;
	v30 =	vmovc v13;
	v13 =	vmul.f32 $8.000000000e+00, v17  }
0x13a: {  	v17 =	vor.u32 v29, v8;
	[tilespmem:v9+s17+$0x0] =	vst.idx.msk $0xffff, v3;
	v3 =	vor.u32 v38, v26  }
0x13b: {  	v29 =	vld [tilespmem:$0x1FFB0];
	[tilespmem:v15+s17+$0x0] =	vst.idx.msk $0xffff, v13;
	v13 =	vor.u32 v23, v12;
	v9 =	vmul.f32 $8.000000000e+00, v22;
	v22 =	vor.u32 v25, v24  }
0x13c: {  	v20 =	vld.idx.msk [tilespmem:v20+s5+$0x0], $0xffff;
	v15 =	vmul.f32 $8.000000000e+00, v16;
	v16 =	vor.u32 v27, v6;
	v25 =	vor.u32 v25, v14  }
0x13d: {  	v18 =	vld.idx.msk [tilespmem:v18+s5+$0x0], $0xffff;
	v16 =	vand.u32 $0x5F, v16;
	[tilespmem:v19+s17+$0x0] =	vst.idx.msk $0xffff, v9;
	v9 =	vand.u32 $0x7F, v13;
	v19 =	vor.u32 v27, v5  }
0x13e: {  	v13 =	vshll.u32 v13, $0x1;
	[tilespmem:v11+s17+$0x0] =	vst.idx.msk $0xffff, v15;
	v11 =	vor.u32 v28, v16;
	v21 =	vld.idx.msk [tilespmem:v21+s5+$0x0], $0xffff;
	v15 =	vand.u32 $0x5F, v19  }
0x13f: {  	v13 =	vand.u32 $0xF00, v13;
	v16 =	vld.idx.msk [tilespmem:v17+s5+$0x0], $0xffff;
	v17 =	vor.u32 v23, v10;
	v15 =	vor.u32 v30, v15  }
0x140: {  	v19 =	vor.u32 v38, v4;
	v9 =	vor.u32 v9, v13;
	v13 =	vshll.u32 v17, $0x1  }
0x141: {  	v20 =	vmul.f32 $8.000000000e+00, v20;
	v17 =	vand.u32 $0x7F, v17;
	v13 =	vand.u32 $0xF00, v13  }
0x142: {  	v13 =	vor.u32 v17, v13;
	v17 =	vmul.f32 $8.000000000e+00, v18;
	v18 =	vor.u32 v29, v12  }
0x143: {  	v60 =	vld [tilespmem:$0x1FE70];
	[tilespmem:v11+s17+$0x0] =	vst.idx.msk $0xffff, v20;
	v11 =	vor.u32 v45, v6;
	v20 =	vmul.f32 $8.000000000e+00, v21;
	v21 =	vand.u32 $0x7F, v18  }
0x144: {  	v3 =	vld.idx.msk [tilespmem:v3+s5+$0x0], $0xffff;
	v27 =	vshll.u32 v11, $0x1;
	v16 =	vmul.f32 $8.000000000e+00, v16;
	v11 =	vand.u32 $0x5F, v11;
	[tilespmem:v15+s17+$0x0] =	vst.idx.msk $0xffff, v17  }
0x145: {  	v15 =	vshll.u32 v18, $0x1;
	v17 =	vand.u32 $0xF00, v27;
	v18 =	vld.idx.msk [tilespmem:v19+s5+$0x0], $0xffff;
	v19 =	vor.u32 v45, v5  }
0x146: {  	v31 =	vld [tilespmem:$0x1FF90];
	v2 =	vor.u32 v49, v26;
	[tilespmem:v9+s17+$0x0] =	vst.idx.msk $0xffff, v20;
	v9 =	vor.u32 v11, v17;
	v11 =	vshll.u32 v19, $0x1  }
0x147: {  	v23 =	vor.u32 v46, v44;
	v17 =	vld.idx.msk [tilespmem:v22+s5+$0x0], $0xffff;
	[tilespmem:v13+s17+$0x0] =	vst.idx.msk $0xffff, v16;
	v13 =	vand.u32 $0x5F, v19;
	v11 =	vand.u32 $0xF00, v11  }
0x148: {  	v15 =	vand.u32 $0x1700, v15;
	v19 =	vor.u32 v29, v10;
	v29 =	vld [tilespmem:$0x1FD00];
	v11 =	vor.u32 v13, v11  }
0x149: {  	v20 =	vor.u32 v46, v7;
	v13 =	vor.u32 v21, v15;
	v15 =	vshll.u32 v19, $0x1  }
0x14a: {  	v16 =	vld.idx.msk [tilespmem:v25+s5+$0x0], $0xffff;
	v19 =	vand.u32 $0x7F, v19;
	v3 =	vmul.f32 $8.000000000e+00, v3;
	v15 =	vand.u32 $0x1700, v15  }
0x14b: {  	v22 =	vor.u32 v60, v8;
	v15 =	vor.u32 v19, v15;
	v18 =	vmul.f32 $8.000000000e+00, v18  }
0x14c: {  	v19 =	vor.u32 v31, v12;
	[tilespmem:v9+s17+$0x0] =	vst.idx.msk $0xffff, v3;
	v3 =	vor.u32 v61, v6;
	v9 =	vmul.f32 $8.000000000e+00, v17  }
0x14d: {  	v21 =	vor.u32 v29, v24;
	v17 =	vand.u32 $0x7F, v19;
	v23 =	vld.idx.msk [tilespmem:v23+s5+$0x0], $0xffff;
	[tilespmem:v11+s17+$0x0] =	vst.idx.msk $0xffff, v18  }
0x14e: {  	v25 =	vshll.u32 v3, $0x1;
	v3 =	vand.u32 $0x5F, v3;
	v11 =	vshll.u32 v19, $0x1;
	[tilespmem:v13+s17+$0x0] =	vst.idx.msk $0xffff, v9;
	v19 =	vld.idx.msk [tilespmem:v20+s5+$0x0], $0xffff  }
0x14f: {  	v16 =	vmul.f32 $8.000000000e+00, v16;
	v18 =	vand.u32 $0x1700, v25;
	v20 =	vor.u32 v61, v5;
	v0 =	vld.idx.msk [tilespmem:v0+s5+$0x0], $0xffff  }
0x150: {  	v25 =	vld [tilespmem:$0x1FC70];
	v3 =	vor.u32 v3, v18;
	v11 =	vand.u32 $0x1F00, v11;
	v9 =	vshll.u32 v20, $0x1  }
0x151: {  	[tilespmem:v15+s17+$0x0] =	vst.idx.msk $0xffff, v16;
	v13 =	vand.u32 $0x5F, v20;
	v16 =	vor.u32 v31, v10;
	v11 =	vor.u32 v17, v11;
	v31 =	vld [tilespmem:$0x1FE80]  }
0x152: {  	v17 =	vor.u32 v49, v4;
	v9 =	vand.u32 $0x1700, v9;
	v18 =	vmul.f32 $8.000000000e+00, v23  }
0x153: {  	v15 =	vld.idx.msk [tilespmem:v22+s5+$0x0], $0xffff;
	v22 =	vor.u32 v29, v14;
	v9 =	vor.u32 v13, v9;
	v13 =	vshll.u32 v16, $0x1  }
0x154: {  	v35 =	vld [tilespmem:$0x1FC80];
	v16 =	vand.u32 $0x7F, v16;
	v13 =	vand.u32 $0x1F00, v13;
	v0 =	vmul.f32 $8.000000000e+00, v0  }
0x155: {  	v29 =	vld [tilespmem:$0x1FD20];
	v20 =	vor.u32 v25, v44;
	v13 =	vor.u32 v16, v13;
	v16 =	vmul.f32 $8.000000000e+00, v19;
	[tilespmem:v3+s17+$0x0] =	vst.idx.msk $0xffff, v18  }
0x156: {  	v3 =	vor.u32 v54, v6;
	v19 =	vor.u32 v31, v12;
	v2 =	vld.idx.msk [tilespmem:v2+s5+$0x0], $0xffff;
	[tilespmem:v11+s17+$0x0] =	vst.idx.msk $0xffff, v0  }
0x157: {  	v23 =	vshll.u32 v3, $0x1;
	v3 =	vand.u32 $0x5F, v3;
	v18 =	vand.u32 $0x7F, v19;
	v11 =	vld.idx.msk [tilespmem:v21+s5+$0x0], $0xffff  }
0x158: {  	v15 =	vmul.f32 $8.000000000e+00, v15;
	[tilespmem:v9+s17+$0x0] =	vst.idx.msk $0xffff, v16;
	v9 =	vshll.u32 v19, $0x1;
	v16 =	vand.u32 $0x1F00, v23;
	v23 =	vld [tilespmem:$0x1FD10]  }
0x159: {  	v19 =	vor.u32 v54, v5;
	v17 =	vld.idx.msk [tilespmem:v17+s5+$0x0], $0xffff;
	v0 =	vor.u32 v3, v16;
	v9 =	vand.u32 $0x2700, v9  }
0x15a: {  	v3 =	vshll.u32 v19, $0x1;
	v9 =	vor.u32 v18, v9;
	v18 =	vor.u32 v25, v7;
	v25 =	vld [tilespmem:$0x1FEA0]  }
0x15b: {  	v16 =	vor.u32 v31, v10;
	[tilespmem:v13+s17+$0x0] =	vst.idx.msk $0xffff, v15;
	v13 =	vand.u32 $0x5F, v19;
	v3 =	vand.u32 $0x1F00, v3  }
0x15c: {  	v15 =	vld.idx.msk [tilespmem:v22+s5+$0x0], $0xffff;
	v3 =	vor.u32 v13, v3;
	v13 =	vshll.u32 v16, $0x1;
	v2 =	vmul.f32 $8.000000000e+00, v2  }
0x15d: {  	v19 =	vor.u32 v29, v24;
	v16 =	vand.u32 $0x7F, v16;
	v13 =	vand.u32 $0x2700, v13  }
0x15e: {  	v13 =	vor.u32 v16, v13;
	v21 =	vor.u32 v23, v8;
	[tilespmem:v0+s17+$0x0] =	vst.idx.msk $0xffff, v2;
	v2 =	vmul.f32 $8.000000000e+00, v11  }
0x15f: {  	v34 =	vld [tilespmem:$0x1FCA0];
	v16 =	vmul.f32 $8.000000000e+00, v17;
	v0 =	vor.u32 v35, v6;
	v17 =	vor.u32 v25, v12  }
0x160: {  	v20 =	vld.idx.msk [tilespmem:v20+s5+$0x0], $0xffff;
	v22 =	vshll.u32 v0, $0x1;
	v0 =	vand.u32 $0x5F, v0;
	v11 =	vand.u32 $0x7F, v17;
	[tilespmem:v9+s17+$0x0] =	vst.idx.msk $0xffff, v2  }
0x161: {  	[tilespmem:v3+s17+$0x0] =	vst.idx.msk $0xffff, v16;
	v3 =	vshll.u32 v17, $0x1;
	v15 =	vmul.f32 $8.000000000e+00, v15;
	v16 =	vand.u32 $0x2700, v22;
	v9 =	vld.idx.msk [tilespmem:v42+s5+$0x0], $0xffff  }
0x162: {  	v17 =	vld.idx.msk [tilespmem:v18+s5+$0x0], $0xffff;
	v18 =	vor.u32 v35, v5;
	v0 =	vor.u32 v0, v16;
	v3 =	vand.u32 $0x2F00, v3  }
0x163: {  	v22 =	vld [tilespmem:$0x1FF20];
	v16 =	vor.u32 v25, v10;
	v2 =	vshll.u32 v18, $0x1;
	v3 =	vor.u32 v11, v3  }
0x164: {  	[tilespmem:v13+s17+$0x0] =	vst.idx.msk $0xffff, v15;
	v13 =	vand.u32 $0x5F, v18;
	v11 =	vshll.u32 v16, $0x1;
	v2 =	vand.u32 $0x2700, v2  }
0x165: {  	v16 =	vand.u32 $0x7F, v16;
	v15 =	vld.idx.msk [tilespmem:v21+s5+$0x0], $0xffff;
	v2 =	vor.u32 v13, v2;
	v18 =	vmul.f32 $8.000000000e+00, v20  }
0x166: {  	v11 =	vand.u32 $0x2F00, v11;
	v21 =	vor.u32 v29, v14;
	v14 =	vmovc v7;
	v7 =	vmul.f32 $8.000000000e+00, v9  }
0x167: {  	v13 =	vor.u32 v33, v4;
	v11 =	vor.u32 v16, v11;
	v16 =	vmul.f32 $8.000000000e+00, v17;
	[tilespmem:v0+s17+$0x0] =	vst.idx.msk $0xffff, v18  }
0x168: {  	v17 =	vor.u32 v22, v12;
	v0 =	vor.u32 v34, v6;
	v1 =	vld.idx.msk [tilespmem:v1+s5+$0x0], $0xffff;
	[tilespmem:v3+s17+$0x0] =	vst.idx.msk $0xffff, v7  }
0x169: {  	v9 =	vand.u32 $0x7F, v17;
	v18 =	vshll.u32 v0, $0x1;
	v0 =	vand.u32 $0x5F, v0;
	v7 =	vld.idx.msk [tilespmem:v19+s5+$0x0], $0xffff  }
0x16a: {  	v15 =	vmul.f32 $8.000000000e+00, v15;
	[tilespmem:v2+s17+$0x0] =	vst.idx.msk $0xffff, v16;
	v2 =	vshll.u32 v17, $0x1;
	v16 =	vand.u32 $0x2F00, v18;
	v19 =	vld [tilespmem:$0x1FD30]  }
0x16b: {  	v24 =	vmovc v44;
	v17 =	vor.u32 v34, v5;
	v0 =	vor.u32 v0, v16;
	v16 =	vor.u32 v22, v10;
	v22 =	vld [tilespmem:$0x1FEB0]  }
0x16c: {  	v20 =	vor.u32 v58, v24;
	v13 =	vld.idx.msk [tilespmem:v13+s5+$0x0], $0xffff;
	v3 =	vshll.u32 v17, $0x1;
	v2 =	vand.u32 $0x3700, v2  }
0x16d: {  	[tilespmem:v11+s17+$0x0] =	vst.idx.msk $0xffff, v15;
	v11 =	vand.u32 $0x5F, v17;
	v3 =	vand.u32 $0x2F00, v3;
	v2 =	vor.u32 v9, v2  }
0x16e: {  	v15 =	vld.idx.msk [tilespmem:v21+s5+$0x0], $0xffff;
	v9 =	vshll.u32 v16, $0x1;
	v16 =	vand.u32 $0x7F, v16;
	v3 =	vor.u32 v11, v3  }
0x16f: {  	v11 =	vor.u32 v58, v14;
	v9 =	vand.u32 $0x3700, v9;
	v1 =	vmul.f32 $8.000000000e+00, v1  }
0x170: {  	v9 =	vor.u32 v16, v9;
	v16 =	vor.u32 v22, v12;
	v12 =	vmov v6  }
0x171: {  	v18 =	vor.u32 v19, v8;
	v13 =	vmul.f32 $8.000000000e+00, v13;
	[tilespmem:v0+s17+$0x0] =	vst.idx.msk $0xffff, v1;
	v0 =	vor.u32 v63, v12  }
0x172: {  	v25 =	vld [tilespmem:$0x1FCD0];
	v8 =	vmovc v4;
	v1 =	vmul.f32 $8.000000000e+00, v7;
	v4 =	vand.u32 $0x7F, v16;
	v7 =	vshll.u32 v0, $0x1  }
0x173: {  	v6 =	vld.idx.msk [tilespmem:v20+s5+$0x0], $0xffff;
	[tilespmem:v3+s17+$0x0] =	vst.idx.msk $0xffff, v13;
	v3 =	vshll.u32 v16, $0x1;
	v13 =	vmul.f32 $8.000000000e+00, v15;
	v15 =	vor.u32 v63, v5  }
0x174: {  	v0 =	vand.u32 $0x5F, v0;
	[tilespmem:v2+s17+$0x0] =	vst.idx.msk $0xffff, v1;
	v7 =	vand.u32 $0x3700, v7;
	v11 =	vld.idx.msk [tilespmem:v11+s5+$0x0], $0xffff;
	v1 =	vshll.u32 v15, $0x1  }
0x175: {  	v2 =	vld.idx.msk [tilespmem:v40+s5+$0x0], $0xffff;
	v3 =	vand.u32 $0x3F00, v3;
	v0 =	vor.u32 v0, v7;
	v7 =	vand.u32 $0x5F, v15  }
0x176: {  	[tilespmem:v9+s17+$0x0] =	vst.idx.msk $0xffff, v13;
	v1 =	vand.u32 $0x3700, v1;
	v13 =	vor.u32 v22, v10;
	v3 =	vor.u32 v4, v3  }
0x177: {  	v1 =	vor.u32 v7, v1;
	v4 =	vshll.u32 v13, $0x1;
	v7 =	vand.u32 $0x7F, v13;
	v13 =	vld [tilespmem:$0x1FCE0]  }
0x178: {  	v17 =	vor.u32 v25, v26;
	v9 =	vld.idx.msk [tilespmem:v18+s5+$0x0], $0xffff  }
0x179: {  	v10 =	vmov v5;
	v5 =	vor.u32 v25, v8;
	v4 =	vand.u32 $0x3F00, v4  }
0x17a: {  	v6 =	vmul.f32 $8.000000000e+00, v6;
	v4 =	vor.u32 v7, v4  }
0x17b: {  	v7 =	vmul.f32 $8.000000000e+00, v11  }
0x17c: {  	[tilespmem:v0+s17+$0x0] =	vst.idx.msk $0xffff, v6;
	v0 =	vmul.f32 $8.000000000e+00, v2;
	v11 =	vor.u32 v13, v12  }
0x17d: {  	v6 =	vld.idx.msk [tilespmem:v17+s5+$0x0], $0xffff;
	[tilespmem:v1+s17+$0x0] =	vst.idx.msk $0xffff, v7;
	v1 =	vmul.f32 $8.000000000e+00, v9;
	v7 =	vshll.u32 v11, $0x1  }
0x17e: {  	v9 =	vor.u32 v13, v10;
	v5 =	vld.idx.msk [tilespmem:v5+s5+$0x0], $0xffff;
	[tilespmem:v3+s17+$0x0] =	vst.idx.msk $0xffff, v0;
	v0 =	vand.u32 $0x5F, v11;
	v3 =	vand.u32 $0x3F00, v7  }
0x17f: {  	v7 =	vshll.u32 v9, $0x1;
	[tilespmem:v4+s17+$0x0] =	vst.idx.msk $0xffff, v1;
	v1 =	vor.u32 v0, v3;
	v0 =	vand.u32 $0x5F, v9;
	v9 =	vld [tilespmem:$0x1FC10];
	_ =	sdelay $0x3  }
0x180: {  	v27 =	vlaneseq.u32;
	v3 =	vand.u32 $0x3F00, v7  }
0x181: {  	p2 =	slt.u32 s29, $0xE;
	v42 =	vor.u32 v23, v26;
	v7 =	vor.u32 v0, v3;
	v4 =	vor.u32 v9, v24  }
.Ltmp6:
0x182: {  	v40 =	vor.u32 v19, v26;
	v15 =	vor.u32 v56, v26;
	v2 =	vadd.s32 s29, v27;
	(pc) =	sbr.rel @p2 .LBB2_4-.Ltmp6, $4  }
0x183: {  	v17 =	vor.u32 v57, v26;
	v19 =	vor.u32 v62, v2;
	v6 =	vmul.f32 $8.000000000e+00, v6  }
0x184: {  	v32 =	vmovc v45;
	v21 =	vmovc v55;
	v16 =	vor.u32 v51, v2;
	v20 =	vor.u32 v48, v2;
	v5 =	vmul.f32 $8.000000000e+00, v5  }
0x185: {  	v44 =	vand.u32 $0xF, v2;
	v0 =	vor.u32 v60, v26;
	v3 =	vor.u32 v52, v26;
	[tilespmem:v1+s17+$0x0] =	vst.idx.msk $0xffff, v6  }
0x186: {  	s4 =	sadd.s32 $0x1, s29;
	s29 =	sadd.s32 $0x2, s29;
	v18 =	vor.u32 v9, v14;
	v9 =	vor.u32 v59, v26;
	[tilespmem:v7+s17+$0x0] =	vst.idx.msk $0xffff, v5;
	v1 =	vld.idx.msk [tilespmem:v4+s5+$0x0], $0xffff  }
0x187: {  	v5 =	vor.u32 v21, v44;
	v6 =	vadd.s32 s4, v27  }
0x188: {  	v7 =	vand.u32 $0xF, v6  }
0x189: {  	v13 =	vor.u32 v21, v7;
	_ =	sdelay $0x1  }
0x18a: {  	v4 =	vshll.u32 v44, $0x6  }
0x18b: {  	v11 =	vshll.u32 v2, $0x7;
	v21 =	vor.u32 v27, v4;
	v22 =	vld.idx.msk [tilespmem:v5+s5+$0x0], $0xffff  }
0x18c: {  	v11 =	vand.u32 $0x700, v11;
	v21 =	vand.u32 $0x4F, v21;
	v5 =	vshll.u32 v7, $0x6  }
0x18d: {  	v25 =	vshll.u32 v6, $0x7;
	v21 =	vor.u32 v11, v21;
	v23 =	vld.idx.msk [tilespmem:v13+s5+$0x0], $0xffff;
	v13 =	vor.u32 v27, v5  }
0x18e: {  	v27 =	vand.u32 $0x4F, v13;
	v13 =	vand.u32 $0x700, v25  }
0x18f: {  	v25 =	vor.u32 v13, v27  }
0x190: {  	v27 =	vor.u32 v48, v6;
	v22 =	vmul.f32 $8.000000000e+00, v22;
	_ =	sdelay $0x1  }
0x191: {  	v23 =	vmul.f32 $8.000000000e+00, v23;
	[tilespmem:v21+s17+$0x0] =	vst.idx.msk $0xffff, v22;
	v21 =	vor.u32 v43, v4  }
0x192: {  	v20 =	vld.idx.msk [tilespmem:v20+s5+$0x0], $0xffff;
	v22 =	vshll.u32 v21, $0x1  }
0x193: {  	v21 =	vand.u32 $0x4F, v21;
	[tilespmem:v25+s17+$0x0] =	vst.idx.msk $0xffff, v23;
	v22 =	vand.u32 $0xF00, v22;
	v23 =	vor.u32 v43, v5  }
0x194: {  	v25 =	vld.idx.msk [tilespmem:v27+s5+$0x0], $0xffff;
	v21 =	vor.u32 v21, v22;
	v22 =	vshll.u32 v23, $0x1  }
0x195: {  	v27 =	vor.u32 v50, v44;
	v23 =	vand.u32 $0x4F, v23;
	v22 =	vand.u32 $0xF00, v22  }
0x196: {  	v22 =	vor.u32 v23, v22  }
0x197: {  	v20 =	vmul.f32 $8.000000000e+00, v20;
	_ =	sdelay $0x1  }
0x198: {  	v23 =	vor.u32 v50, v7;
	v25 =	vmul.f32 $8.000000000e+00, v25;
	[tilespmem:v21+s17+$0x0] =	vst.idx.msk $0xffff, v20;
	v20 =	vor.u32 v47, v4  }
0x199: {  	v21 =	vld.idx.msk [tilespmem:v27+s5+$0x0], $0xffff;
	v27 =	vshll.u32 v20, $0x1  }
0x19a: {  	v20 =	vand.u32 $0x4F, v20;
	[tilespmem:v22+s17+$0x0] =	vst.idx.msk $0xffff, v25;
	v22 =	vand.u32 $0x1700, v27  }
0x19b: {  	v20 =	vor.u32 v20, v22  }
0x19c: {  	v25 =	vor.u32 v47, v5  }
0x19d: {  	v23 =	vld.idx.msk [tilespmem:v23+s5+$0x0], $0xffff;
	v22 =	vshll.u32 v25, $0x1  }
0x19e: {  	v25 =	vand.u32 $0x4F, v25;
	v22 =	vand.u32 $0x1700, v22;
	v21 =	vmul.f32 $8.000000000e+00, v21  }
0x19f: {  	v22 =	vor.u32 v25, v22  }
0x1a0: {  	[tilespmem:v20+s17+$0x0] =	vst.idx.msk $0xffff, v21;
	v20 =	vor.u32 v53, v4  }
0x1a1: {  	v19 =	vld.idx.msk [tilespmem:v19+s5+$0x0], $0xffff;
	v21 =	vshll.u32 v20, $0x1  }
0x1a2: {  	v23 =	vmul.f32 $8.000000000e+00, v23;
	v20 =	vand.u32 $0x4F, v20;
	v21 =	vand.u32 $0x1F00, v21  }
0x1a3: {  	v25 =	vor.u32 v62, v6;
	v20 =	vor.u32 v20, v21  }
0x1a4: {  	[tilespmem:v22+s17+$0x0] =	vst.idx.msk $0xffff, v23  }
0x1a5: {  	v50 =	vld [tilespmem:$0x1FD80]  }
0x1a6: {  	v19 =	vmul.f32 $8.000000000e+00, v19;
	_ =	sdelay $0x1  }
0x1a7: {  	v22 =	vor.u32 v53, v5;
	v23 =	vld.idx.msk [tilespmem:v25+s5+$0x0], $0xffff;
	[tilespmem:v20+s17+$0x0] =	vst.idx.msk $0xffff, v19  }
0x1a8: {  	v21 =	vshll.u32 v22, $0x1;
	v43 =	vld [tilespmem:$0x1FEF0]  }
0x1a9: {  	v22 =	vand.u32 $0x4F, v22;
	v21 =	vand.u32 $0x1F00, v21;
	v25 =	vor.u32 v50, v44  }
0x1aa: {  	v21 =	vor.u32 v22, v21;
	_ =	sdelay $0x2  }
0x1ab: {  	v23 =	vmul.f32 $8.000000000e+00, v23;
	v19 =	vor.u32 v43, v4  }
0x1ac: {  	v20 =	vld.idx.msk [tilespmem:v25+s5+$0x0], $0xffff;
	v25 =	vshll.u32 v19, $0x1  }
0x1ad: {  	[tilespmem:v21+s17+$0x0] =	vst.idx.msk $0xffff, v23;
	v19 =	vand.u32 $0x4F, v19;
	v21 =	vand.u32 $0x2700, v25  }
0x1ae: {  	v22 =	vor.u32 v50, v7;
	v19 =	vor.u32 v19, v21;
	_ =	sdelay $0x2  }
0x1af: {  	v52 =	vld [tilespmem:$0x1FD90];
	v20 =	vmul.f32 $8.000000000e+00, v20  }
0x1b0: {  	v23 =	vor.u32 v43, v5  }
0x1b1: {  	v22 =	vld.idx.msk [tilespmem:v22+s5+$0x0], $0xffff;
	v21 =	vshll.u32 v23, $0x1;
	[tilespmem:v19+s17+$0x0] =	vst.idx.msk $0xffff, v20  }
0x1b2: {  	v23 =	vand.u32 $0x4F, v23;
	v21 =	vand.u32 $0x2700, v21;
	v53 =	vld [tilespmem:$0x1FF00]  }
0x1b3: {  	v21 =	vor.u32 v23, v21  }
0x1b4: {  	v23 =	vor.u32 v52, v6;
	_ =	sdelay $0x1  }
0x1b5: {  	v22 =	vmul.f32 $8.000000000e+00, v22  }
0x1b6: {  	v19 =	vor.u32 v53, v4  }
0x1b7: {  	v16 =	vld.idx.msk [tilespmem:v16+s5+$0x0], $0xffff;
	[tilespmem:v21+s17+$0x0] =	vst.idx.msk $0xffff, v22;
	v20 =	vshll.u32 v19, $0x1  }
0x1b8: {  	v22 =	vld.idx.msk [tilespmem:v23+s5+$0x0], $0xffff;
	v21 =	vor.u32 v53, v5;
	v19 =	vand.u32 $0x4F, v19;
	v20 =	vand.u32 $0x2F00, v20  }
0x1b9: {  	v51 =	vld [tilespmem:$0x1FDA0];
	v19 =	vor.u32 v19, v20;
	v20 =	vshll.u32 v21, $0x1  }
0x1ba: {  	v21 =	vand.u32 $0x4F, v21;
	v20 =	vand.u32 $0x2F00, v20  }
0x1bb: {  	v20 =	vor.u32 v21, v20;
	_ =	sdelay $0x1  }
0x1bc: {  	v16 =	vmul.f32 $8.000000000e+00, v16  }
0x1bd: {  	v23 =	vor.u32 v51, v44;
	v22 =	vmul.f32 $8.000000000e+00, v22  }
0x1be: {  	[tilespmem:v19+s17+$0x0] =	vst.idx.msk $0xffff, v16  }
0x1bf: {  	v21 =	vor.u32 v51, v7;
	[tilespmem:v20+s17+$0x0] =	vst.idx.msk $0xffff, v22  }
0x1c0: {  	v60 =	vld [tilespmem:$0x1FDB0]  }
0x1c1: {  	v16 =	vor.u32 v39, v4  }
0x1c2: {  	v19 =	vld.idx.msk [tilespmem:v23+s5+$0x0], $0xffff;
	v23 =	vshll.u32 v16, $0x1  }
0x1c3: {  	v16 =	vand.u32 $0x4F, v16;
	v20 =	vand.u32 $0x3700, v23;
	v22 =	vor.u32 v39, v5  }
0x1c4: {  	v21 =	vld.idx.msk [tilespmem:v21+s5+$0x0], $0xffff;
	v16 =	vor.u32 v16, v20;
	v20 =	vshll.u32 v22, $0x1  }
0x1c5: {  	v22 =	vand.u32 $0x4F, v22;
	v20 =	vand.u32 $0x3700, v20;
	v23 =	vor.u32 v60, v2  }
0x1c6: {  	v20 =	vor.u32 v22, v20  }
0x1c7: {  	v19 =	vmul.f32 $8.000000000e+00, v19;
	_ =	sdelay $0x1  }
0x1c8: {  	v21 =	vmul.f32 $8.000000000e+00, v21;
	[tilespmem:v16+s17+$0x0] =	vst.idx.msk $0xffff, v19;
	v16 =	vor.u32 v36, v4  }
0x1c9: {  	v19 =	vld.idx.msk [tilespmem:v23+s5+$0x0], $0xffff;
	v23 =	vshll.u32 v16, $0x1  }
0x1ca: {  	[tilespmem:v20+s17+$0x0] =	vst.idx.msk $0xffff, v21;
	v16 =	vand.u32 $0x4F, v16;
	v21 =	vand.u32 $0x3F00, v23  }
0x1cb: {  	v22 =	vor.u32 v60, v6;
	v16 =	vor.u32 v16, v21  }
0x1cc: {  	v62 =	vld [tilespmem:$0x1FDC0];
	_ =	sdelay $0x1  }
0x1cd: {  	v19 =	vmul.f32 $8.000000000e+00, v19  }
0x1ce: {  	v20 =	vor.u32 v36, v5  }
0x1cf: {  	v22 =	vld.idx.msk [tilespmem:v22+s5+$0x0], $0xffff;
	v23 =	vshll.u32 v20, $0x1;
	[tilespmem:v16+s17+$0x0] =	vst.idx.msk $0xffff, v19  }
0x1d0: {  	v20 =	vand.u32 $0x4F, v20;
	v23 =	vand.u32 $0x3F00, v23;
	v21 =	vor.u32 v62, v44;
	v39 =	vld [tilespmem:$0x1FE10]  }
0x1d1: {  	v20 =	vor.u32 v20, v23  }
0x1d2: {  	v23 =	vor.u32 v62, v7;
	_ =	sdelay $0x1  }
0x1d3: {  	v22 =	vmul.f32 $8.000000000e+00, v22  }
0x1d4: {  	v16 =	vld.idx.msk [tilespmem:v21+s5+$0x0], $0xffff;
	v19 =	vor.u32 v39, v4  }
0x1d5: {  	[tilespmem:v20+s17+$0x0] =	vst.idx.msk $0xffff, v22;
	v19 =	vand.u32 $0x5F, v19  }
0x1d6: {  	v20 =	vld.idx.msk [tilespmem:v23+s5+$0x0], $0xffff;
	v21 =	vor.u32 v39, v5;
	v19 =	vor.u32 v11, v19  }
0x1d7: {  	v22 =	vor.u32 v38, v2;
	v21 =	vand.u32 $0x5F, v21  }
0x1d8: {  	v21 =	vor.u32 v13, v21  }
0x1d9: {  	v23 =	vor.u32 v38, v6;
	v16 =	vmul.f32 $8.000000000e+00, v16;
	_ =	sdelay $0x1  }
0x1da: {  	v20 =	vmul.f32 $8.000000000e+00, v20;
	[tilespmem:v19+s17+$0x0] =	vst.idx.msk $0xffff, v16;
	v16 =	vor.u32 v32, v4  }
0x1db: {  	v19 =	vld.idx.msk [tilespmem:v22+s5+$0x0], $0xffff;
	v22 =	vshll.u32 v16, $0x1  }
0x1dc: {  	[tilespmem:v21+s17+$0x0] =	vst.idx.msk $0xffff, v20;
	v21 =	vor.u32 v32, v5;
	v16 =	vand.u32 $0x5F, v16;
	v20 =	vand.u32 $0xF00, v22  }
0x1dd: {  	v22 =	vld.idx.msk [tilespmem:v23+s5+$0x0], $0xffff;
	v16 =	vor.u32 v16, v20;
	v20 =	vshll.u32 v21, $0x1  }
0x1de: {  	v23 =	vor.u32 v46, v44;
	v21 =	vand.u32 $0x5F, v21;
	v20 =	vand.u32 $0xF00, v20  }
0x1df: {  	v20 =	vor.u32 v21, v20  }
0x1e0: {  	v21 =	vor.u32 v46, v7;
	v19 =	vmul.f32 $8.000000000e+00, v19;
	_ =	sdelay $0x1  }
0x1e1: {  	v22 =	vmul.f32 $8.000000000e+00, v22;
	[tilespmem:v16+s17+$0x0] =	vst.idx.msk $0xffff, v19;
	v16 =	vor.u32 v61, v4  }
0x1e2: {  	v19 =	vld.idx.msk [tilespmem:v23+s5+$0x0], $0xffff;
	v23 =	vshll.u32 v16, $0x1  }
0x1e3: {  	v16 =	vand.u32 $0x5F, v16;
	[tilespmem:v20+s17+$0x0] =	vst.idx.msk $0xffff, v22;
	v20 =	vand.u32 $0x1700, v23;
	v22 =	vor.u32 v61, v5  }
0x1e4: {  	v21 =	vld.idx.msk [tilespmem:v21+s5+$0x0], $0xffff;
	v16 =	vor.u32 v16, v20;
	v20 =	vshll.u32 v22, $0x1  }
0x1e5: {  	v22 =	vand.u32 $0x5F, v22;
	v20 =	vand.u32 $0x1700, v20  }
0x1e6: {  	v23 =	vor.u32 v49, v2;
	v20 =	vor.u32 v22, v20;
	_ =	sdelay $0x1  }
0x1e7: {  	v19 =	vmul.f32 $8.000000000e+00, v19  }
0x1e8: {  	v22 =	vor.u32 v49, v6;
	v21 =	vmul.f32 $8.000000000e+00, v21  }
0x1e9: {  	[tilespmem:v16+s17+$0x0] =	vst.idx.msk $0xffff, v19  }
0x1ea: {  	v16 =	vor.u32 v54, v4;
	v19 =	vld.idx.msk [tilespmem:v23+s5+$0x0], $0xffff;
	[tilespmem:v20+s17+$0x0] =	vst.idx.msk $0xffff, v21  }
0x1eb: {  	v23 =	vshll.u32 v16, $0x1;
	v36 =	vld [tilespmem:$0x1FC70]  }
0x1ec: {  	v16 =	vand.u32 $0x5F, v16;
	v20 =	vand.u32 $0x1F00, v23;
	v21 =	vor.u32 v54, v5;
	v57 =	vld [tilespmem:$0x1FE90]  }
0x1ed: {  	v22 =	vld.idx.msk [tilespmem:v22+s5+$0x0], $0xffff;
	v16 =	vor.u32 v16, v20;
	v20 =	vshll.u32 v21, $0x1  }
0x1ee: {  	v21 =	vand.u32 $0x5F, v21;
	v20 =	vand.u32 $0x1F00, v20  }
0x1ef: {  	v20 =	vor.u32 v21, v20;
	_ =	sdelay $0x1  }
0x1f0: {  	v19 =	vmul.f32 $8.000000000e+00, v19;
	v23 =	vor.u32 v36, v44;
	v25 =	vor.u32 v57, v12  }
0x1f1: {  	v22 =	vmul.f32 $8.000000000e+00, v22;
	v21 =	vand.u32 $0x6F, v25;
	v25 =	vor.u32 v36, v7  }
0x1f2: {  	v18 =	vld.idx.msk [tilespmem:v18+s5+$0x0], $0xffff;
	[tilespmem:v16+s17+$0x0] =	vst.idx.msk $0xffff, v19  }
0x1f3: {  	v27 =	vor.u32 v57, v10;
	v16 =	vor.u32 v35, v4;
	v37 =	vld [tilespmem:$0x1FC20];
	[tilespmem:v20+s17+$0x0] =	vst.idx.msk $0xffff, v22  }
0x1f4: {  	v27 =	vand.u32 $0x6F, v27;
	v29 =	vshll.u32 v16, $0x1;
	v16 =	vand.u32 $0x5F, v16;
	v48 =	vld [tilespmem:$0x1FFE0]  }
0x1f5: {  	v21 =	vor.u32 v28, v21;
	v20 =	vand.u32 $0x2700, v29;
	v22 =	vor.u32 v35, v5;
	v23 =	vld.idx.msk [tilespmem:v23+s5+$0x0], $0xffff  }
0x1f6: {  	v19 =	vor.u32 v30, v27;
	v16 =	vor.u32 v16, v20;
	v20 =	vshll.u32 v22, $0x1;
	v25 =	vld.idx.msk [tilespmem:v25+s5+$0x0], $0xffff  }
0x1f7: {  	v22 =	vand.u32 $0x5F, v22;
	v20 =	vand.u32 $0x2700, v20  }
0x1f8: {  	v31 =	vor.u32 v33, v2;
	v1 =	vmul.f32 $8.000000000e+00, v1;
	v20 =	vor.u32 v22, v20  }
0x1f9: {  	v18 =	vmul.f32 $8.000000000e+00, v18;
	v29 =	vor.u32 v48, v12  }
0x1fa: {  	[tilespmem:v21+s17+$0x0] =	vst.idx.msk $0xffff, v1;
	v54 =	vand.u32 $0x6F, v29;
	v29 =	vshll.u32 v29, $0x1;
	v23 =	vmul.f32 $8.000000000e+00, v23  }
0x1fb: {  	[tilespmem:v19+s17+$0x0] =	vst.idx.msk $0xffff, v18;
	v22 =	vand.u32 $0xF00, v29;
	v29 =	vor.u32 v33, v6;
	v25 =	vmul.f32 $8.000000000e+00, v25  }
0x1fc: {  	v27 =	vor.u32 v37, v8;
	v56 =	vor.u32 v48, v10;
	v17 =	vld.idx.msk [tilespmem:v17+s5+$0x0], $0xffff;
	[tilespmem:v16+s17+$0x0] =	vst.idx.msk $0xffff, v23  }
0x1fd: {  	v1 =	vshll.u32 v56, $0x1;
	v16 =	vor.u32 v34, v4;
	v23 =	vld.idx.msk [tilespmem:v31+s5+$0x0], $0xffff;
	[tilespmem:v20+s17+$0x0] =	vst.idx.msk $0xffff, v25  }
0x1fe: {  	v21 =	vand.u32 $0x6F, v56;
	v1 =	vand.u32 $0xF00, v1;
	v31 =	vshll.u32 v16, $0x1;
	v41 =	vld [tilespmem:$0x1FFC0]  }
0x1ff: {  	v16 =	vand.u32 $0x5F, v16;
	v25 =	vor.u32 v34, v5;
	v20 =	vand.u32 $0x2F00, v31;
	v56 =	vld [tilespmem:$0x1FC30]  }
0x200: {  	v22 =	vor.u32 v54, v22;
	v19 =	vshll.u32 v25, $0x1;
	v18 =	vld.idx.msk [tilespmem:v29+s5+$0x0], $0xffff;
	v16 =	vor.u32 v16, v20  }
0x201: {  	v25 =	vand.u32 $0x5F, v25;
	v20 =	vld.idx.msk [tilespmem:v27+s5+$0x0], $0xffff;
	v27 =	vor.u32 v58, v44;
	v19 =	vand.u32 $0x2F00, v19  }
0x202: {  	v1 =	vor.u32 v21, v1;
	v19 =	vor.u32 v25, v19  }
0x203: {  	v17 =	vmul.f32 $8.000000000e+00, v17;
	v23 =	vmul.f32 $8.000000000e+00, v23;
	v21 =	vor.u32 v41, v12  }
0x204: {  	v25 =	vor.u32 v58, v7;
	v29 =	vor.u32 v56, v24;
	v59 =	vand.u32 $0x6F, v21  }
0x205: {  	[tilespmem:v16+s17+$0x0] =	vst.idx.msk $0xffff, v23;
	v16 =	vshll.u32 v21, $0x1;
	v18 =	vmul.f32 $8.000000000e+00, v18;
	v21 =	vor.u32 v63, v4  }
0x206: {  	[tilespmem:v22+s17+$0x0] =	vst.idx.msk $0xffff, v17;
	v17 =	vld.idx.msk [tilespmem:v27+s5+$0x0], $0xffff;
	v22 =	vshll.u32 v21, $0x1  }
0x207: {  	[tilespmem:v19+s17+$0x0] =	vst.idx.msk $0xffff, v18;
	v18 =	vand.u32 $0x5F, v21;
	v19 =	vand.u32 $0x3700, v22  }
0x208: {  	v18 =	vor.u32 v18, v19  }
0x209: {  	v20 =	vmul.f32 $8.000000000e+00, v20;
	v23 =	vld.idx.msk [tilespmem:v25+s5+$0x0], $0xffff  }
0x20a: {  	v25 =	vld.idx.msk [tilespmem:v29+s5+$0x0], $0xffff  }
0x20b: {  	v29 =	vld [tilespmem:$0x1FCD0];
	[tilespmem:v1+s17+$0x0] =	vst.idx.msk $0xffff, v20;
	v17 =	vmul.f32 $8.000000000e+00, v17  }
0x20c: {  	v38 =	vld [tilespmem:$0x1FFA0]  }
0x20d: {  	v21 =	vor.u32 v63, v5;
	v47 =	vld [tilespmem:$0x1FC40];
	[tilespmem:v18+s17+$0x0] =	vst.idx.msk $0xffff, v17  }
0x20e: {  	v19 =	vshll.u32 v21, $0x1;
	v49 =	vld [tilespmem:$0x1FCE0]  }
0x20f: {  	v31 =	vor.u32 v56, v14;
	v21 =	vand.u32 $0x5F, v21;
	v19 =	vand.u32 $0x3700, v19  }
0x210: {  	v16 =	vand.u32 $0x1700, v16;
	v19 =	vor.u32 v21, v19  }
0x211: {  	v22 =	vor.u32 v41, v10;
	v16 =	vor.u32 v59, v16;
	v27 =	vor.u32 v29, v2  }
0x212: {  	v21 =	vshll.u32 v22, $0x1  }
0x213: {  	v1 =	vand.u32 $0x1700, v21;
	v23 =	vmul.f32 $8.000000000e+00, v23;
	v17 =	vor.u32 v49, v4  }
0x214: {  	v21 =	vld.idx.msk [tilespmem:v31+s5+$0x0], $0xffff;
	v20 =	vor.u32 v29, v6;
	v18 =	vmul.f32 $8.000000000e+00, v25;
	v31 =	vshll.u32 v17, $0x1  }
0x215: {  	[tilespmem:v19+s17+$0x0] =	vst.idx.msk $0xffff, v23;
	v19 =	vor.u32 v49, v5;
	v17 =	vand.u32 $0x5F, v17;
	v23 =	vand.u32 $0x3F00, v31  }
0x216: {  	v22 =	vand.u32 $0x6F, v22;
	[tilespmem:v16+s17+$0x0] =	vst.idx.msk $0xffff, v18;
	v27 =	vld.idx.msk [tilespmem:v27+s5+$0x0], $0xffff;
	v17 =	vor.u32 v17, v23;
	v23 =	vshll.u32 v19, $0x1  }
0x217: {  	v1 =	vor.u32 v22, v1;
	v18 =	vand.u32 $0x3F00, v23;
	v23 =	vld [tilespmem:$0x1FC10];
	_ =	sdelay $0x1  }
0x218: {  	v22 =	vor.u32 v38, v12;
	v29 =	vor.u32 v47, v8;
	v15 =	vld.idx.msk [tilespmem:v15+s5+$0x0], $0xffff  }
0x219: {  	v25 =	vand.u32 $0x6F, v22;
	v22 =	vshll.u32 v22, $0x1;
	v21 =	vmul.f32 $8.000000000e+00, v21;
	v20 =	vld.idx.msk [tilespmem:v20+s5+$0x0], $0xffff  }
0x21a: {  	v22 =	vand.u32 $0x1F00, v22;
	v16 =	vand.u32 $0x5F, v19  }
0x21b: {  	[tilespmem:v1+s17+$0x0] =	vst.idx.msk $0xffff, v21;
	v21 =	vor.u32 v25, v22;
	v27 =	vmul.f32 $8.000000000e+00, v27;
	v19 =	vor.u32 v23, v44  }
0x21c: {  	v16 =	vor.u32 v16, v18;
	v46 =	vld [tilespmem:$0x1FE20]  }
0x21d: {  	v18 =	vor.u32 v38, v10;
	v25 =	vld.idx.msk [tilespmem:v29+s5+$0x0], $0xffff;
	[tilespmem:v17+s17+$0x0] =	vst.idx.msk $0xffff, v27;
	v23 =	vor.u32 v23, v7  }
0x21e: {  	v15 =	vmul.f32 $8.000000000e+00, v15;
	v20 =	vmul.f32 $8.000000000e+00, v20;
	v22 =	vshll.u32 v18, $0x1;
	v61 =	vld [tilespmem:$0x1FF70]  }
0x21f: {  	v29 =	vor.u32 v37, v2;
	v18 =	vand.u32 $0x6F, v18;
	v22 =	vand.u32 $0x1F00, v22  }
0x220: {  	v17 =	vor.u32 v18, v22;
	v22 =	vor.u32 v57, v4;
	[tilespmem:v21+s17+$0x0] =	vst.idx.msk $0xffff, v15;
	v19 =	vld.idx.msk [tilespmem:v19+s5+$0x0], $0xffff  }
0x221: {  	v21 =	vor.u32 v37, v6;
	v1 =	vor.u32 v46, v24;
	[tilespmem:v16+s17+$0x0] =	vst.idx.msk $0xffff, v20;
	v16 =	vand.u32 $0x6F, v22  }
0x222: {  	v27 =	vor.u32 v46, v14;
	v16 =	vor.u32 v11, v16;
	v22 =	vld.idx.msk [tilespmem:v23+s5+$0x0], $0xffff;
	v23 =	vor.u32 v57, v5  }
0x223: {  	v25 =	vmul.f32 $8.000000000e+00, v25;
	v18 =	vor.u32 v61, v12;
	v23 =	vand.u32 $0x6F, v23  }
0x224: {  	v20 =	vand.u32 $0x6F, v18;
	v18 =	vshll.u32 v18, $0x1;
	v23 =	vor.u32 v13, v23  }
0x225: {  	v15 =	vor.u32 v61, v10;
	v18 =	vand.u32 $0x2700, v18;
	v19 =	vmul.f32 $8.000000000e+00, v19  }
0x226: {  	[tilespmem:v17+s17+$0x0] =	vst.idx.msk $0xffff, v25;
	v1 =	vld.idx.msk [tilespmem:v1+s5+$0x0], $0xffff;
	v17 =	vor.u32 v20, v18;
	v18 =	vshll.u32 v15, $0x1;
	v15 =	vand.u32 $0x6F, v15  }
0x227: {  	v25 =	vld.idx.msk [tilespmem:v27+s5+$0x0], $0xffff;
	v20 =	vor.u32 v48, v4;
	v18 =	vand.u32 $0x2700, v18;
	v22 =	vmul.f32 $8.000000000e+00, v22;
	[tilespmem:v16+s17+$0x0] =	vst.idx.msk $0xffff, v19  }
0x228: {  	v15 =	vor.u32 v15, v18;
	v18 =	vshll.u32 v20, $0x1;
	v19 =	vld.idx.msk [tilespmem:v29+s5+$0x0], $0xffff  }
0x229: {  	v20 =	vand.u32 $0x6F, v20;
	v18 =	vand.u32 $0xF00, v18;
	v31 =	vld [tilespmem:$0x1FF50];
	[tilespmem:v23+s17+$0x0] =	vst.idx.msk $0xffff, v22;
	v22 =	vor.u32 v48, v5  }
0x22a: {  	v18 =	vor.u32 v20, v18;
	v21 =	vld.idx.msk [tilespmem:v21+s5+$0x0], $0xffff;
	v20 =	vshll.u32 v22, $0x1  }
0x22b: {  	v37 =	vld [tilespmem:$0x1FE30];
	v22 =	vand.u32 $0x6F, v22;
	v20 =	vand.u32 $0xF00, v20  }
0x22c: {  	v27 =	vor.u32 v56, v44;
	v1 =	vmul.f32 $8.000000000e+00, v1;
	v20 =	vor.u32 v22, v20  }
0x22d: {  	v22 =	vor.u32 v56, v7;
	v19 =	vmul.f32 $8.000000000e+00, v19  }
0x22e: {  	[tilespmem:v17+s17+$0x0] =	vst.idx.msk $0xffff, v1;
	v16 =	vor.u32 v31, v12  }
0x22f: {  	v29 =	vand.u32 $0x6F, v16;
	v16 =	vshll.u32 v16, $0x1;
	[tilespmem:v18+s17+$0x0] =	vst.idx.msk $0xffff, v19;
	v19 =	vmul.f32 $8.000000000e+00, v21  }
0x230: {  	v25 =	vmul.f32 $8.000000000e+00, v25;
	v9 =	vld.idx.msk [tilespmem:v9+s5+$0x0], $0xffff;
	v23 =	vor.u32 v37, v8;
	v16 =	vand.u32 $0x2F00, v16  }
0x231: {  	v18 =	vor.u32 v41, v4;
	v16 =	vor.u32 v29, v16;
	v27 =	vld.idx.msk [tilespmem:v27+s5+$0x0], $0xffff;
	[tilespmem:v20+s17+$0x0] =	vst.idx.msk $0xffff, v19  }
0x232: {  	[tilespmem:v15+s17+$0x0] =	vst.idx.msk $0xffff, v25;
	v29 =	vor.u32 v31, v10;
	v21 =	vshll.u32 v18, $0x1;
	v18 =	vand.u32 $0x6F, v18;
	v15 =	vld.idx.msk [tilespmem:v22+s5+$0x0], $0xffff  }
0x233: {  	v1 =	vshll.u32 v29, $0x1;
	v17 =	vand.u32 $0x6F, v29;
	v19 =	vor.u32 v41, v5;
	v63 =	vld [tilespmem:$0x1FE40]  }
0x234: {  	v21 =	vand.u32 $0x1700, v21;
	v1 =	vand.u32 $0x2F00, v1;
	v20 =	vshll.u32 v19, $0x1;
	v57 =	vld [tilespmem:$0x1FF80]  }
0x235: {  	v18 =	vor.u32 v18, v21;
	v19 =	vand.u32 $0x6F, v19;
	v21 =	vld.idx.msk [tilespmem:v23+s5+$0x0], $0xffff;
	v20 =	vand.u32 $0x1700, v20  }
0x236: {  	v22 =	vor.u32 v47, v2;
	v1 =	vor.u32 v17, v1;
	v17 =	vor.u32 v19, v20  }
0x237: {  	v9 =	vmul.f32 $8.000000000e+00, v9;
	v20 =	vor.u32 v47, v6  }
0x238: {  	v25 =	vmul.f32 $8.000000000e+00, v27  }
0x239: {  	[tilespmem:v16+s17+$0x0] =	vst.idx.msk $0xffff, v9;
	v23 =	vor.u32 v63, v24;
	v19 =	vor.u32 v57, v12;
	v15 =	vmul.f32 $8.000000000e+00, v15  }
0x23a: {  	v27 =	vor.u32 v63, v14;
	[tilespmem:v18+s17+$0x0] =	vst.idx.msk $0xffff, v25;
	v18 =	vshll.u32 v19, $0x1;
	v21 =	vmul.f32 $8.000000000e+00, v21  }
0x23b: {  	v29 =	vand.u32 $0x6F, v19;
	v19 =	vor.u32 v38, v4;
	v9 =	vand.u32 $0x3700, v18;
	v18 =	vld.idx.msk [tilespmem:v22+s5+$0x0], $0xffff;
	[tilespmem:v17+s17+$0x0] =	vst.idx.msk $0xffff, v15  }
0x23c: {  	v16 =	vshll.u32 v19, $0x1;
	v20 =	vld.idx.msk [tilespmem:v20+s5+$0x0], $0xffff;
	[tilespmem:v1+s17+$0x0] =	vst.idx.msk $0xffff, v21  }
0x23d: {  	v19 =	vand.u32 $0x6F, v19;
	v16 =	vand.u32 $0x1F00, v16;
	v56 =	vld [tilespmem:$0x1FF60]  }
0x23e: {  	v15 =	vor.u32 v38, v5;
	v17 =	vor.u32 v57, v10;
	v16 =	vor.u32 v19, v16;
	v58 =	vld [tilespmem:$0x1FCF0]  }
0x23f: {  	v9 =	vor.u32 v29, v9;
	v19 =	vshll.u32 v15, $0x1;
	v22 =	vld.idx.msk [tilespmem:v23+s5+$0x0], $0xffff;
	v23 =	vor.u32 v46, v44  }
0x240: {  	v15 =	vand.u32 $0x6F, v15;
	v19 =	vand.u32 $0x1F00, v19;
	v21 =	vld.idx.msk [tilespmem:v27+s5+$0x0], $0xffff;
	v27 =	vor.u32 v61, v4  }
0x241: {  	v15 =	vor.u32 v15, v19;
	v19 =	vshll.u32 v17, $0x1;
	v18 =	vmul.f32 $8.000000000e+00, v18  }
0x242: {  	v17 =	vand.u32 $0x6F, v17;
	v1 =	vand.u32 $0x3700, v19;
	v19 =	vor.u32 v46, v7  }
0x243: {  	v1 =	vor.u32 v17, v1;
	v20 =	vmul.f32 $8.000000000e+00, v20;
	v17 =	vor.u32 v56, v12;
	[tilespmem:v16+s17+$0x0] =	vst.idx.msk $0xffff, v18  }
0x244: {  	v25 =	vor.u32 v58, v8;
	v16 =	vmul.f32 $8.000000000e+00, v22;
	v22 =	vshll.u32 v27, $0x1;
	v23 =	vld.idx.msk [tilespmem:v23+s5+$0x0], $0xffff  }
0x245: {  	v18 =	vand.u32 $0x6F, v17;
	v27 =	vand.u32 $0x6F, v27;
	v22 =	vand.u32 $0x2700, v22  }
0x246: {  	v17 =	vshll.u32 v17, $0x1;
	[tilespmem:v15+s17+$0x0] =	vst.idx.msk $0xffff, v20;
	v15 =	vor.u32 v61, v5;
	v20 =	vor.u32 v27, v22  }
0x247: {  	v19 =	vld.idx.msk [tilespmem:v19+s5+$0x0], $0xffff;
	v22 =	vshll.u32 v15, $0x1;
	v27 =	vor.u32 v37, v2;
	v15 =	vand.u32 $0x6F, v15;
	[tilespmem:v9+s17+$0x0] =	vst.idx.msk $0xffff, v16  }
0x248: {  	v9 =	vmul.f32 $8.000000000e+00, v21;
	v16 =	vand.u32 $0x3F00, v17;
	v22 =	vand.u32 $0x2700, v22;
	v3 =	vld.idx.msk [tilespmem:v3+s5+$0x0], $0xffff  }
0x249: {  	v17 =	vor.u32 v56, v10;
	v15 =	vor.u32 v15, v22;
	v22 =	vmul.f32 $8.000000000e+00, v23  }
0x24a: {  	v21 =	vor.u32 v37, v6;
	[tilespmem:v1+s17+$0x0] =	vst.idx.msk $0xffff, v9;
	v1 =	vor.u32 v18, v16  }
0x24b: {  	v9 =	vshll.u32 v17, $0x1;
	v16 =	vand.u32 $0x6F, v17;
	[tilespmem:v20+s17+$0x0] =	vst.idx.msk $0xffff, v22  }
0x24c: {  	v17 =	vor.u32 v31, v4;
	v9 =	vand.u32 $0x3F00, v9;
	v18 =	vmul.f32 $8.000000000e+00, v19;
	v59 =	vld [tilespmem:$0x1FC50]  }
0x24d: {  	v9 =	vor.u32 v16, v9;
	v16 =	vshll.u32 v17, $0x1;
	v20 =	vld.idx.msk [tilespmem:v27+s5+$0x0], $0xffff;
	v3 =	vmul.f32 $8.000000000e+00, v3  }
0x24e: {  	v17 =	vand.u32 $0x6F, v17;
	v22 =	vld.idx.msk [tilespmem:v25+s5+$0x0], $0xffff;
	v16 =	vand.u32 $0x2F00, v16;
	[tilespmem:v15+s17+$0x0] =	vst.idx.msk $0xffff, v18  }
0x24f: {  	v16 =	vor.u32 v17, v16;
	v15 =	vor.u32 v31, v5;
	v18 =	vld.idx.msk [tilespmem:v21+s5+$0x0], $0xffff;
	[tilespmem:v1+s17+$0x0] =	vst.idx.msk $0xffff, v3  }
0x250: {  	v17 =	vshll.u32 v15, $0x1;
	v21 =	vor.u32 v63, v44;
	v29 =	vld [tilespmem:$0x1FC60]  }
0x251: {  	v15 =	vand.u32 $0x6F, v15;
	v17 =	vand.u32 $0x2F00, v17;
	v19 =	vor.u32 v59, v24  }
0x252: {  	v15 =	vor.u32 v15, v17;
	v17 =	vor.u32 v59, v14;
	v20 =	vmul.f32 $8.000000000e+00, v20  }
0x253: {  	v3 =	vor.u32 v63, v7;
	v22 =	vmul.f32 $8.000000000e+00, v22  }
0x254: {  	v47 =	vmov v61;
	v61 =	vld [tilespmem:$0x1FE50];
	[tilespmem:v16+s17+$0x0] =	vst.idx.msk $0xffff, v20  }
0x255: {  	[tilespmem:v9+s17+$0x0] =	vst.idx.msk $0xffff, v22;
	v18 =	vmul.f32 $8.000000000e+00, v18;
	v1 =	vor.u32 v29, v12;
	v21 =	vld.idx.msk [tilespmem:v21+s5+$0x0], $0xffff  }
0x256: {  	v20 =	vor.u32 v57, v4;
	v16 =	vor.u32 v29, v10;
	v1 =	vand.u32 $0x7F, v1;
	v19 =	vld.idx.msk [tilespmem:v19+s5+$0x0], $0xffff  }
0x257: {  	v9 =	vand.u32 $0x7F, v16;
	v16 =	vshll.u32 v20, $0x1;
	v20 =	vand.u32 $0x6F, v20;
	[tilespmem:v15+s17+$0x0] =	vst.idx.msk $0xffff, v18;
	v17 =	vld.idx.msk [tilespmem:v17+s5+$0x0], $0xffff  }
0x258: {  	v15 =	vor.u32 v57, v5;
	v1 =	vor.u32 v28, v1;
	v16 =	vand.u32 $0x3700, v16;
	v3 =	vld.idx.msk [tilespmem:v3+s5+$0x0], $0xffff  }
0x259: {  	v27 =	vmov v31;
	v18 =	vshll.u32 v15, $0x1;
	v31 =	vld [tilespmem:$0x1FFD0];
	v16 =	vor.u32 v20, v16  }
0x25a: {  	v9 =	vor.u32 v30, v9;
	v15 =	vand.u32 $0x6F, v15;
	v18 =	vand.u32 $0x3700, v18  }
0x25b: {  	v23 =	vor.u32 v61, v26;
	v15 =	vor.u32 v15, v18;
	v19 =	vmul.f32 $8.000000000e+00, v19  }
0x25c: {  	v20 =	vor.u32 v58, v2;
	v21 =	vmul.f32 $8.000000000e+00, v21  }
0x25d: {  	v25 =	vor.u32 v58, v6;
	v17 =	vmul.f32 $8.000000000e+00, v17;
	[tilespmem:v1+s17+$0x0] =	vst.idx.msk $0xffff, v19  }
0x25e: {  	v22 =	vor.u32 v61, v8;
	v18 =	vor.u32 v31, v12;
	v3 =	vmul.f32 $8.000000000e+00, v3;
	v28 =	vld [tilespmem:$0x1FE60];
	[tilespmem:v16+s17+$0x0] =	vst.idx.msk $0xffff, v21  }
0x25f: {  	v19 =	vand.u32 $0x7F, v18;
	v16 =	vshll.u32 v18, $0x1;
	v18 =	vor.u32 v56, v4;
	[tilespmem:v9+s17+$0x0] =	vst.idx.msk $0xffff, v17  }
0x260: {  	v9 =	vor.u32 v31, v10;
	v21 =	vld.idx.msk [tilespmem:v23+s5+$0x0], $0xffff;
	[tilespmem:v15+s17+$0x0] =	vst.idx.msk $0xffff, v3;
	v3 =	vor.u32 v56, v5  }
0x261: {  	v16 =	vand.u32 $0xF00, v16;
	v17 =	vshll.u32 v18, $0x1;
	v20 =	vld.idx.msk [tilespmem:v20+s5+$0x0], $0xffff;
	v18 =	vand.u32 $0x6F, v18  }
0x262: {  	v32 =	vmovc v41;
	v23 =	vshll.u32 v9, $0x1;
	v9 =	vand.u32 $0x7F, v9;
	v41 =	vld [tilespmem:$0x1FFB0];
	v17 =	vand.u32 $0x3F00, v17  }
0x263: {  	v15 =	vor.u32 v19, v16;
	v16 =	vld.idx.msk [tilespmem:v25+s5+$0x0], $0xffff;
	v17 =	vor.u32 v18, v17;
	v18 =	vshll.u32 v3, $0x1  }
0x264: {  	v19 =	vld.idx.msk [tilespmem:v22+s5+$0x0], $0xffff;
	v22 =	vor.u32 v59, v44;
	v3 =	vand.u32 $0x6F, v3;
	v18 =	vand.u32 $0x3F00, v18  }
0x265: {  	v1 =	vor.u32 v28, v24;
	v3 =	vor.u32 v3, v18;
	v18 =	vand.u32 $0xF00, v23  }
0x266: {  	v23 =	vor.u32 v59, v7;
	v20 =	vmul.f32 $8.000000000e+00, v20;
	v9 =	vor.u32 v9, v18  }
0x267: {  	v21 =	vmul.f32 $8.000000000e+00, v21  }
0x268: {  	v18 =	vor.u32 v41, v12;
	v16 =	vmul.f32 $8.000000000e+00, v16;
	[tilespmem:v17+s17+$0x0] =	vst.idx.msk $0xffff, v20  }
0x269: {  	v19 =	vmul.f32 $8.000000000e+00, v19;
	[tilespmem:v15+s17+$0x0] =	vst.idx.msk $0xffff, v21;
	v15 =	vor.u32 v29, v4;
	v21 =	vld.idx.msk [tilespmem:v22+s5+$0x0], $0xffff  }
0x26a: {  	v17 =	vor.u32 v28, v14;
	v20 =	vand.u32 $0x7F, v18;
	v18 =	vshll.u32 v18, $0x1;
	v1 =	vld.idx.msk [tilespmem:v1+s5+$0x0], $0xffff;
	[tilespmem:v3+s17+$0x0] =	vst.idx.msk $0xffff, v16  }
0x26b: {  	v18 =	vand.u32 $0x1700, v18;
	v3 =	vand.u32 $0x7F, v15;
	v16 =	vld.idx.msk [tilespmem:v23+s5+$0x0], $0xffff;
	[tilespmem:v9+s17+$0x0] =	vst.idx.msk $0xffff, v19  }
0x26c: {  	v15 =	vor.u32 v20, v18;
	v18 =	vor.u32 v29, v5;
	v3 =	vor.u32 v11, v3;
	v59 =	vld [tilespmem:$0x1FF90]  }
0x26d: {  	v22 =	vor.u32 v41, v10;
	v20 =	vor.u32 v61, v2;
	v18 =	vand.u32 $0x7F, v18;
	v46 =	vld [tilespmem:$0x1FE70]  }
0x26e: {  	v11 =	vshll.u32 v22, $0x1;
	v9 =	vand.u32 $0x7F, v22;
	v13 =	vor.u32 v13, v18  }
0x26f: {  	v19 =	vor.u32 v61, v6;
	v11 =	vand.u32 $0x1700, v11;
	v17 =	vld.idx.msk [tilespmem:v17+s5+$0x0], $0xffff;
	v21 =	vmul.f32 $8.000000000e+00, v21  }
0x270: {  	v23 =	vor.u32 v31, v4;
	v9 =	vor.u32 v9, v11;
	v1 =	vmul.f32 $8.000000000e+00, v1  }
0x271: {  	v25 =	vld [tilespmem:$0x1FD00];
	v16 =	vmul.f32 $8.000000000e+00, v16;
	[tilespmem:v3+s17+$0x0] =	vst.idx.msk $0xffff, v21;
	v21 =	vshll.u32 v23, $0x1;
	v23 =	vand.u32 $0x7F, v23  }
0x272: {  	v11 =	vor.u32 v59, v12;
	v22 =	vor.u32 v46, v8;
	v21 =	vand.u32 $0xF00, v21  }
0x273: {  	v20 =	vld.idx.msk [tilespmem:v20+s5+$0x0], $0xffff;
	v3 =	vand.u32 $0x7F, v11;
	v11 =	vshll.u32 v11, $0x1;
	[tilespmem:v13+s17+$0x0] =	vst.idx.msk $0xffff, v16;
	v13 =	vor.u32 v31, v5  }
0x274: {  	v16 =	vmul.f32 $8.000000000e+00, v17;
	v17 =	vld.idx.msk [tilespmem:v19+s5+$0x0], $0xffff;
	v19 =	vor.u32 v23, v21;
	v21 =	vshll.u32 v13, $0x1  }
0x275: {  	[tilespmem:v15+s17+$0x0] =	vst.idx.msk $0xffff, v1;
	v23 =	vor.u32 v28, v44;
	v1 =	vand.u32 $0x1F00, v11;
	v11 =	vor.u32 v59, v10  }
0x276: {  	v13 =	vand.u32 $0x7F, v13;
	v21 =	vand.u32 $0xF00, v21;
	v15 =	vshll.u32 v11, $0x1  }
0x277: {  	v1 =	vor.u32 v3, v1;
	v3 =	vand.u32 $0x7F, v11;
	v13 =	vor.u32 v13, v21  }
0x278: {  	[tilespmem:v9+s17+$0x0] =	vst.idx.msk $0xffff, v16;
	v21 =	vor.u32 v28, v7;
	v9 =	vand.u32 $0x1F00, v15;
	v20 =	vmul.f32 $8.000000000e+00, v20  }
0x279: {  	v0 =	vld.idx.msk [tilespmem:v0+s5+$0x0], $0xffff;
	v3 =	vor.u32 v3, v9  }
0x27a: {  	v9 =	vor.u32 v41, v4;
	v11 =	vmul.f32 $8.000000000e+00, v17;
	[tilespmem:v19+s17+$0x0] =	vst.idx.msk $0xffff, v20;
	v20 =	vld.idx.msk [tilespmem:v22+s5+$0x0], $0xffff  }
0x27b: {  	v18 =	vor.u32 v25, v24;
	v17 =	vshll.u32 v9, $0x1;
	v30 =	vld [tilespmem:$0x1FE80]  }
0x27c: {  	v9 =	vand.u32 $0x7F, v9;
	v19 =	vld.idx.msk [tilespmem:v23+s5+$0x0], $0xffff;
	v17 =	vand.u32 $0x1700, v17;
	[tilespmem:v13+s17+$0x0] =	vst.idx.msk $0xffff, v11;
	v11 =	vor.u32 v41, v5  }
0x27d: {  	v16 =	vor.u32 v25, v14;
	v9 =	vor.u32 v9, v17;
	v13 =	vld.idx.msk [tilespmem:v21+s5+$0x0], $0xffff;
	v17 =	vshll.u32 v11, $0x1  }
0x27e: {  	v0 =	vmul.f32 $8.000000000e+00, v0;
	v11 =	vand.u32 $0x7F, v11;
	v17 =	vand.u32 $0x1700, v17  }
0x27f: {  	v21 =	vor.u32 v46, v2;
	v11 =	vor.u32 v11, v17  }
0x280: {  	[tilespmem:v1+s17+$0x0] =	vst.idx.msk $0xffff, v0;
	v0 =	vmul.f32 $8.000000000e+00, v20  }
0x281: {  	v17 =	vor.u32 v46, v6;
	v19 =	vmul.f32 $8.000000000e+00, v19  }
0x282: {  	v18 =	vld.idx.msk [tilespmem:v18+s5+$0x0], $0xffff;
	v15 =	vor.u32 v30, v12;
	[tilespmem:v3+s17+$0x0] =	vst.idx.msk $0xffff, v0;
	v13 =	vmul.f32 $8.000000000e+00, v13  }
0x283: {  	v1 =	vor.u32 v30, v10;
	[tilespmem:v9+s17+$0x0] =	vst.idx.msk $0xffff, v19;
	v9 =	vor.u32 v59, v4;
	v16 =	vld.idx.msk [tilespmem:v16+s5+$0x0], $0xffff  }
0x284: {  	v22 =	vand.u32 $0x7F, v15;
	v15 =	vshll.u32 v15, $0x1;
	v3 =	vshll.u32 v9, $0x1;
	v19 =	vld.idx.msk [tilespmem:v21+s5+$0x0], $0xffff;
	[tilespmem:v11+s17+$0x0] =	vst.idx.msk $0xffff, v13  }
0x285: {  	v9 =	vand.u32 $0x7F, v9;
	v3 =	vand.u32 $0x1F00, v3;
	v11 =	vor.u32 v59, v5;
	v63 =	vld [tilespmem:$0x1FD20]  }
0x286: {  	v15 =	vand.u32 $0x2700, v15;
	v17 =	vld.idx.msk [tilespmem:v17+s5+$0x0], $0xffff;
	v3 =	vor.u32 v9, v3;
	v9 =	vshll.u32 v11, $0x1  }
0x287: {  	v15 =	vor.u32 v22, v15;
	v11 =	vand.u32 $0x7F, v11;
	v9 =	vand.u32 $0x1F00, v9  }
0x288: {  	v20 =	vshll.u32 v1, $0x1;
	v0 =	vand.u32 $0x7F, v1;
	v9 =	vor.u32 v11, v9  }
0x289: {  	v1 =	vand.u32 $0x2700, v20;
	v20 =	vor.u32 v25, v44;
	v23 =	vld [tilespmem:$0x1FD10];
	v19 =	vmul.f32 $8.000000000e+00, v19  }
0x28a: {  	v18 =	vmul.f32 $8.000000000e+00, v18;
	v21 =	vor.u32 v25, v7;
	v13 =	vor.u32 v63, v24;
	v24 =	vld [tilespmem:$0x1FEA0]  }
0x28b: {  	[tilespmem:v3+s17+$0x0] =	vst.idx.msk $0xffff, v19;
	v3 =	vmul.f32 $8.000000000e+00, v16;
	v16 =	vor.u32 v30, v4;
	v17 =	vmul.f32 $8.000000000e+00, v17  }
0x28c: {  	v0 =	vor.u32 v0, v1;
	[tilespmem:v15+s17+$0x0] =	vst.idx.msk $0xffff, v18;
	v18 =	vshll.u32 v16, $0x1  }
0x28d: {  	v16 =	vand.u32 $0x7F, v16;
	[tilespmem:v9+s17+$0x0] =	vst.idx.msk $0xffff, v17;
	v17 =	vand.u32 $0x2700, v18  }
0x28e: {  	v11 =	vor.u32 v23, v8;
	v19 =	vld.idx.msk [tilespmem:v20+s5+$0x0], $0xffff;
	v18 =	vor.u32 v30, v5;
	v16 =	vor.u32 v16, v17  }
0x28f: {  	v20 =	vld.idx.msk [tilespmem:v21+s5+$0x0], $0xffff;
	v17 =	vshll.u32 v18, $0x1;
	v18 =	vand.u32 $0x7F, v18;
	v1 =	vor.u32 v24, v12  }
0x290: {  	v17 =	vand.u32 $0x2700, v17;
	v22 =	vand.u32 $0x7F, v1;
	v1 =	vshll.u32 v1, $0x1  }
0x291: {  	[tilespmem:v0+s17+$0x0] =	vst.idx.msk $0xffff, v3;
	v15 =	vor.u32 v24, v10;
	v17 =	vor.u32 v18, v17;
	v1 =	vand.u32 $0x2F00, v1  }
0x292: {  	v21 =	vor.u32 v23, v2;
	v18 =	vshll.u32 v15, $0x1;
	v1 =	vor.u32 v22, v1;
	v22 =	vld [tilespmem:$0x1FF20]  }
0x293: {  	v3 =	vor.u32 v23, v6;
	v0 =	vand.u32 $0x2F00, v18;
	v18 =	vmul.f32 $8.000000000e+00, v19  }
0x294: {  	v19 =	vor.u32 v24, v4;
	v20 =	vmul.f32 $8.000000000e+00, v20  }
0x295: {  	v9 =	vld.idx.msk [tilespmem:v42+s5+$0x0], $0xffff;
	v15 =	vand.u32 $0x7F, v15;
	[tilespmem:v16+s17+$0x0] =	vst.idx.msk $0xffff, v18;
	v18 =	vshll.u32 v19, $0x1  }
0x296: {  	v11 =	vld.idx.msk [tilespmem:v11+s5+$0x0], $0xffff;
	v0 =	vor.u32 v15, v0;
	[tilespmem:v17+s17+$0x0] =	vst.idx.msk $0xffff, v20;
	v17 =	vand.u32 $0x7F, v19;
	v18 =	vand.u32 $0x2F00, v18  }
0x297: {  	v21 =	vld.idx.msk [tilespmem:v21+s5+$0x0], $0xffff;
	v19 =	vor.u32 v24, v5;
	v17 =	vor.u32 v17, v18;
	v15 =	vor.u32 v22, v12  }
0x298: {  	v3 =	vld.idx.msk [tilespmem:v3+s5+$0x0], $0xffff;
	v18 =	vshll.u32 v19, $0x1;
	v16 =	vand.u32 $0x7F, v15;
	v15 =	vshll.u32 v15, $0x1  }
0x299: {  	v19 =	vand.u32 $0x7F, v19;
	v18 =	vand.u32 $0x2F00, v18;
	v15 =	vand.u32 $0x3700, v15  }
0x29a: {  	v9 =	vmul.f32 $8.000000000e+00, v9;
	v15 =	vor.u32 v16, v15;
	v16 =	vor.u32 v19, v18  }
0x29b: {  	v11 =	vmul.f32 $8.000000000e+00, v11  }
0x29c: {  	[tilespmem:v1+s17+$0x0] =	vst.idx.msk $0xffff, v9;
	v9 =	vmul.f32 $8.000000000e+00, v21  }
0x29d: {  	v14 =	vor.u32 v63, v14;
	[tilespmem:v0+s17+$0x0] =	vst.idx.msk $0xffff, v11;
	v3 =	vmul.f32 $8.000000000e+00, v3  }
0x29e: {  	v20 =	vor.u32 v63, v44;
	[tilespmem:v17+s17+$0x0] =	vst.idx.msk $0xffff, v9  }
0x29f: {  	v13 =	vld.idx.msk [tilespmem:v13+s5+$0x0], $0xffff;
	[tilespmem:v16+s17+$0x0] =	vst.idx.msk $0xffff, v3  }
0x2a0: {  	v7 =	vor.u32 v63, v7;
	v1 =	vor.u32 v22, v10;
	v19 =	vld [tilespmem:$0x1FEB0]  }
0x2a1: {  	v0 =	vshll.u32 v1, $0x1;
	v16 =	vld [tilespmem:$0x1FD30]  }
0x2a2: {  	v11 =	vor.u32 v22, v4;
	v1 =	vand.u32 $0x7F, v1;
	v14 =	vld.idx.msk [tilespmem:v14+s5+$0x0], $0xffff;
	v0 =	vand.u32 $0x3700, v0  }
0x2a3: {  	v18 =	vor.u32 v22, v5;
	v0 =	vor.u32 v1, v0;
	v9 =	vshll.u32 v11, $0x1;
	v17 =	vld.idx.msk [tilespmem:v20+s5+$0x0], $0xffff  }
0x2a4: {  	v11 =	vand.u32 $0x7F, v11;
	v9 =	vand.u32 $0x3700, v9;
	v3 =	vshll.u32 v18, $0x1  }
0x2a5: {  	v1 =	vor.u32 v11, v9;
	v11 =	vand.u32 $0x7F, v18;
	v7 =	vld.idx.msk [tilespmem:v7+s5+$0x0], $0xffff;
	v3 =	vand.u32 $0x3700, v3  }
0x2a6: {  	v9 =	vor.u32 v19, v12;
	v8 =	vor.u32 v16, v8;
	v12 =	vmul.f32 $8.000000000e+00, v13  }
0x2a7: {  	v3 =	vor.u32 v11, v3;
	v13 =	vmul.f32 $8.000000000e+00, v14;
	v2 =	vor.u32 v16, v2  }
0x2a8: {  	v10 =	vor.u32 v19, v10;
	[tilespmem:v15+s17+$0x0] =	vst.idx.msk $0xffff, v12;
	v12 =	vmul.f32 $8.000000000e+00, v17  }
0x2a9: {  	v6 =	vor.u32 v16, v6;
	v4 =	vor.u32 v19, v4;
	[tilespmem:v0+s17+$0x0] =	vst.idx.msk $0xffff, v13  }
0x2aa: {  	v7 =	vmul.f32 $8.000000000e+00, v7;
	v5 =	vor.u32 v19, v5;
	v11 =	vshll.u32 v9, $0x1;
	[tilespmem:v1+s17+$0x0] =	vst.idx.msk $0xffff, v12;
	v1 =	vld.idx.msk [tilespmem:v40+s5+$0x0], $0xffff  }
0x2ab: {  	v0 =	vand.u32 $0x7F, v9;
	v9 =	vand.u32 $0x3F00, v11;
	v11 =	vshll.u32 v10, $0x1;
	v8 =	vld.idx.msk [tilespmem:v8+s5+$0x0], $0xffff  }
0x2ac: {  	v10 =	vand.u32 $0x7F, v10;
	[tilespmem:v3+s17+$0x0] =	vst.idx.msk $0xffff, v7;
	v3 =	vshll.u32 v4, $0x1;
	v0 =	vor.u32 v0, v9;
	v2 =	vld.idx.msk [tilespmem:v2+s5+$0x0], $0xffff  }
0x2ad: {  	v4 =	vand.u32 $0x7F, v4;
	v11 =	vand.u32 $0x3F00, v11;
	v3 =	vand.u32 $0x3F00, v3  }
0x2ae: {  	v7 =	vshll.u32 v5, $0x1;
	v9 =	vor.u32 v10, v11;
	v3 =	vor.u32 v4, v3;
	v6 =	vld.idx.msk [tilespmem:v6+s5+$0x0], $0xffff  }
0x2af: {  	v4 =	vand.u32 $0x7F, v5;
	v5 =	vand.u32 $0x3F00, v7;
	v1 =	vmul.f32 $8.000000000e+00, v1  }
0x2b0: {  	v4 =	vor.u32 v4, v5  }
0x2b1: {  	v26 =	vmovc v56;
	v56 =	vmov v52;
	v5 =	vmul.f32 $8.000000000e+00, v8;
	[tilespmem:v0+s17+$0x0] =	vst.idx.msk $0xffff, v1;
	v0 =	vmul.f32 $8.000000000e+00, v2  }
0x2b2: {  	v29 =	vmovc v49;
	v49 =	vmovc v57;
	v20 =	vmov v50;
	v15 =	vmov v37;
	v13 =	vmov v16  }
0x2b3: {  	s3 =	sshll.u32 s28, $0xA;
	v10 =	vmovc v61;
	v7 =	vmovc v30;
	v11 =	vmov v23;
	v23 =	vmov v60;
	v1 =	vmul.f32 $8.000000000e+00, v6;
	[tilespmem:v9+s17+$0x0] =	vst.idx.msk $0xffff, v5  }
0x2b4: {  	s30 =	simm.s32 $0x4000;
	s29 =	sadd.s32 s2, s3;
	v8 =	vmovc v24;
	v6 =	vmovc v48;
	v48 =	vmov v41;
	v41 =	vmov v43;
	v9 =	vmov v36;
	[tilespmem:v3+s17+$0x0] =	vst.idx.msk $0xffff, v0  }
0x2b5: {  	s31 =	simm.s32 $0x10;
	s4 =	simm.s32 $0x4100;
	s3 =	sadd.s32 $0x0, s29;
	[tilespmem:v4+s17+$0x0] =	vst.idx.msk $0xffff, v1;
	v4 =	vmovc v31;
	v31 =	vmovc v46;
	v5 =	vmov v59;
	v59 =	vmov v51;
	v0 =	vmov v38  }
.LBB2_6:
0x2b6: {  	[hbm4b:s3+s5] =	stream.linear.scatter [tilespmem:s30], [sflag:$0x3], $0x80, $0x38;
	[tilespmem:$0xB000] =	vst v63  }
0x2b7: {  	s3 =	smov.u32 s31;
	s30 =	smov.u32 s4;
	p2 =	sne.s32 s31, $0x3F0  }
.Ltmp7:
0x2b8: {  	s31 =	sadd.s32 $0x10, s31;
	(pc) =	sbr.rel @p2 .LBB2_6-.Ltmp7, $2  }
0x2b9: {  	_ =	sdelay $0x2  }
0x2ba: {  	s4 =	sadd.s32 $0x100, s4;
	s3 =	sadd.s32 s3, s29  }
0x2bb: {  	v58 =	vld [tilespmem:$0x1FCB0]  }
0x2bc: {  	v63 =	vld [tilespmem:$0x1FCC0]  }
0x2bd: {  	v54 =	vld [tilespmem:$0x1FCD0]  }
0x2be: {  	v18 =	vld [tilespmem:$0x1FE90]  }
0x2bf: {  	v17 =	vld [tilespmem:$0x1FCF0]  }
0x2c0: {  	v43 =	vld [tilespmem:$0x1FEC0]  }
0x2c1: {  	v52 =	vmov v47;
	v47 =	vld [tilespmem:$0x1FED0]  }
0x2c2: {  	v42 =	vld [tilespmem:$0x1FEE0]  }
0x2c3: {  	v21 =	vmov v55;
	v55 =	vld [tilespmem:$0x1FF10]  }
0x2c4: {  	v60 =	vmov v32;
	v32 =	vmov v45;
	v45 =	vld [tilespmem:$0x1FD50]  }
0x2c5: {  	v50 =	vld [tilespmem:$0x1FD60]  }
0x2c6: {  	v44 =	vld [tilespmem:$0x1FD70]  }
0x2c7: {  	[hbm4b:s3+s5] =	stream.linear.scatter [tilespmem:s30], [sflag:$0x3], $0x80, $0x38;
	v38 =	vld [tilespmem:$0x1FDD0]  }
0x2c8: {  	s3 =	sadd.s32 s9, s26;
	v57 =	vld [tilespmem:$0x1FF30]  }
0x2c9: {  	v46 =	vld [tilespmem:$0x1FF40];
	p2 =	sgt.u32 s3, $0x1E83  }
0x2ca: {  	v36 =	vld [tilespmem:$0x1FDF0];
	s3 =	sshll.u32 @!p2 s3, $0x7;
	s4 =	simm.s32 @!p2 $0x400  }
0x2cb: {  	v40 =	vld [tilespmem:$0x1FE00];
	s29 =	simm.s32 @!p2 $0x7A1400;
	s30 =	simm.s32 @!p2 $0x0;
	s3 =	sadd.s32 @!p2 s0, s3  }
0x2cc: {  	v19 =	vmovc v27;
	v61 =	vmov v26;
	v27 =	vlaneseq.u32;
	v37 =	vld [tilespmem:$0x1FDE0];
	v51 =	vmov v0;
	[tilespmem:s30], [sflag:$0x1] =	stream.strided.gather @!p2 [hbm4b:s3+s4], $0x2000, s29, s4, $0x38  }
.LBB2_8:
0x2cd: {  	s28 =	sor.u32 $0x20, s28  }
0x2ce: {  	p2 =	sgt.u32 s28, $0x1E83  }
.Ltmp8:
0x2cf: {  	_ = 	snop;
	(pc) =	sbr.rel @p2 .LBB2_14-.Ltmp8, $1  }
0x2d0: {  	_ =	sdelay $0x3  }
0x2d1: {  	s3 =	simm.s32 $0x1  }
0x2d2: {  	v23 =	vmov v8;
	_ =	swait.ge [sflag:s18], $0x2000;
	v8 =	vadd.s32 s3, v27  }
0x2d3: {  	s4 =	simm.s32 $0x0;
	v1 =	vor.u32 $0x2000, v21;
	[sflag:s18] =	ssyncset.done $0x0;
	v14 =	vand.u32 $0xF, v8  }
0x2d4: {  	v10 =	vadd.s32 s4, v27;
	s3 =	simm.s32 @!p1 $0x4;
	[sflag:s18] =	ssyncadd.s32 $0xFFFFE000;
	v0 =	vor.u32 v1, v14  }
0x2d5: {  	v26 =	vand.u32 $0xF, v10;
	_ =	swait.ge @!p1 [sflag:s3], $0x2000  }
0x2d6: {  	[tilespmem:$0x1F9F0] =	vst v1;
	v1 =	vor.u32 v1, v26  }
0x2d7: {  	[sflag:s3] =	ssyncset.done @!p1 $0x0  }
0x2d8: {  	v24 =	vshll.u32 v14, $0x6;
	[sflag:s3] =	ssyncadd.s32 @!p1 $0xFFFFE000  }
0x2d9: {  	v58 =	vmovc v52;
	v52 =	vmovc v5;
	v5 =	vor.u32 $0x2010, v21;
	v3 =	vshll.u32 v14, $0x7;
	v2 =	vor.u32 v27, v24;
	v0 =	vld.idx.msk [tilespmem:v0+s5+$0x0], $0xffff  }
0x2da: {  	v12 =	vshll.u32 v26, $0x6;
	v50 =	vor.u32 $0x80, v3;
	v2 =	vand.u32 $0x4F, v2  }
0x2db: {  	v59 =	vmovc v4;
	v4 =	vshll.u32 v26, $0x7;
	v3 =	vor.u32 v27, v12;
	v2 =	vor.u32 v50, v2;
	v1 =	vld.idx.msk [tilespmem:v1+s5+$0x0], $0xffff  }
0x2dc: {  	v38 =	vor.u32 $0x80, v4;
	v4 =	vor.u32 v5, v8;
	v3 =	vand.u32 $0x4F, v3  }
0x2dd: {  	v3 =	vor.u32 v38, v3  }
0x2de: {  	[tilespmem:$0x1FA00] =	vst v5;
	v5 =	vor.u32 v5, v10;
	v0 =	vmul.f32 $8.000000000e+00, v0  }
0x2df: {  	v54 =	vmov v6;
	v6 =	vor.u32 v43, v24  }
0x2e0: {  	[tilespmem:v2+s17+$0x0] =	vst.idx.msk $0xffff, v0;
	v0 =	vmul.f32 $8.000000000e+00, v1;
	v1 =	vshll.u32 v6, $0x1  }
0x2e1: {  	v2 =	vor.u32 v43, v12;
	v6 =	vand.u32 $0x4F, v6;
	v4 =	vld.idx.msk [tilespmem:v4+s5+$0x0], $0xffff;
	v1 =	vand.u32 $0xF00, v1  }
0x2e2: {  	v33 =	vmovc v7;
	v7 =	vand.u32 $0x4F, v2;
	v2 =	vshll.u32 v2, $0x1;
	[tilespmem:v3+s17+$0x0] =	vst.idx.msk $0xffff, v0;
	v0 =	vor.u32 v1, v6  }
0x2e3: {  	v1 =	vand.u32 $0xF00, v2;
	v6 =	vor.u32 $0x2020, v21;
	v2 =	vld.idx.msk [tilespmem:v5+s5+$0x0], $0xffff;
	v0 =	vor.u32 $0x80, v0  }
0x2e4: {  	v1 =	vor.u32 v1, v7;
	v3 =	vor.u32 v6, v14  }
0x2e5: {  	v1 =	vor.u32 $0x80, v1  }
0x2e6: {  	v5 =	vor.u32 v6, v26;
	v4 =	vmul.f32 $8.000000000e+00, v4  }
0x2e7: {  	[tilespmem:$0x1FA10] =	vst v6;
	v6 =	vor.u32 v47, v24  }
0x2e8: {  	[tilespmem:v0+s17+$0x0] =	vst.idx.msk $0xffff, v4;
	v0 =	vmul.f32 $8.000000000e+00, v2;
	v2 =	vshll.u32 v6, $0x1  }
0x2e9: {  	v4 =	vor.u32 v47, v12;
	v6 =	vand.u32 $0x4F, v6;
	v3 =	vld.idx.msk [tilespmem:v3+s5+$0x0], $0xffff;
	v2 =	vand.u32 $0x1700, v2  }
0x2ea: {  	v7 =	vand.u32 $0x4F, v4;
	v4 =	vshll.u32 v4, $0x1;
	[tilespmem:v1+s17+$0x0] =	vst.idx.msk $0xffff, v0;
	v0 =	vor.u32 v2, v6  }
0x2eb: {  	v1 =	vand.u32 $0x1700, v4;
	v6 =	vor.u32 $0x2030, v21;
	v2 =	vld.idx.msk [tilespmem:v5+s5+$0x0], $0xffff;
	v0 =	vor.u32 $0x80, v0  }
0x2ec: {  	v1 =	vor.u32 v1, v7;
	v4 =	vor.u32 v6, v8  }
0x2ed: {  	v1 =	vor.u32 $0x80, v1  }
0x2ee: {  	v5 =	vor.u32 v6, v10;
	v3 =	vmul.f32 $8.000000000e+00, v3  }
0x2ef: {  	[tilespmem:$0x1FA20] =	vst v6;
	v6 =	vor.u32 v42, v24  }
0x2f0: {  	[tilespmem:v0+s17+$0x0] =	vst.idx.msk $0xffff, v3;
	v0 =	vmul.f32 $8.000000000e+00, v2;
	v2 =	vshll.u32 v6, $0x1  }
0x2f1: {  	v3 =	vor.u32 v42, v12;
	v6 =	vand.u32 $0x4F, v6;
	v4 =	vld.idx.msk [tilespmem:v4+s5+$0x0], $0xffff;
	v2 =	vand.u32 $0x1F00, v2  }
0x2f2: {  	v7 =	vand.u32 $0x4F, v3;
	v3 =	vshll.u32 v3, $0x1;
	[tilespmem:v1+s17+$0x0] =	vst.idx.msk $0xffff, v0;
	v0 =	vor.u32 v2, v6  }
0x2f3: {  	v1 =	vand.u32 $0x1F00, v3;
	v6 =	vor.u32 $0x2040, v21;
	v2 =	vld.idx.msk [tilespmem:v5+s5+$0x0], $0xffff;
	v0 =	vor.u32 $0x80, v0  }
0x2f4: {  	v1 =	vor.u32 v1, v7;
	v3 =	vor.u32 v6, v14  }
0x2f5: {  	v1 =	vor.u32 $0x80, v1  }
0x2f6: {  	v5 =	vor.u32 v6, v26;
	v4 =	vmul.f32 $8.000000000e+00, v4  }
0x2f7: {  	[tilespmem:$0x1FA30] =	vst v6;
	v6 =	vor.u32 v41, v24  }
0x2f8: {  	[tilespmem:v0+s17+$0x0] =	vst.idx.msk $0xffff, v4;
	v0 =	vmul.f32 $8.000000000e+00, v2;
	v2 =	vshll.u32 v6, $0x1  }
0x2f9: {  	v4 =	vor.u32 v41, v12;
	v6 =	vand.u32 $0x4F, v6;
	v3 =	vld.idx.msk [tilespmem:v3+s5+$0x0], $0xffff;
	v2 =	vand.u32 $0x2700, v2  }
0x2fa: {  	v7 =	vand.u32 $0x4F, v4;
	v4 =	vshll.u32 v4, $0x1;
	[tilespmem:v1+s17+$0x0] =	vst.idx.msk $0xffff, v0;
	v0 =	vor.u32 v2, v6  }
0x2fb: {  	v1 =	vand.u32 $0x2700, v4;
	v2 =	vld.idx.msk [tilespmem:v5+s5+$0x0], $0xffff;
	v5 =	vor.u32 $0x2050, v21;
	v0 =	vor.u32 $0x80, v0  }
0x2fc: {  	v1 =	vor.u32 v1, v7;
	v4 =	vor.u32 v5, v8  }
0x2fd: {  	v1 =	vor.u32 $0x80, v1  }
0x2fe: {  	[tilespmem:$0x1FA40] =	vst v5;
	v5 =	vor.u32 v5, v10;
	v3 =	vmul.f32 $8.000000000e+00, v3  }
0x2ff: {  	v6 =	vor.u32 v53, v24  }
0x300: {  	[tilespmem:v0+s17+$0x0] =	vst.idx.msk $0xffff, v3;
	v0 =	vmul.f32 $8.000000000e+00, v2;
	v2 =	vshll.u32 v6, $0x1  }
0x301: {  	v3 =	vor.u32 v53, v12;
	v6 =	vand.u32 $0x4F, v6;
	v4 =	vld.idx.msk [tilespmem:v4+s5+$0x0], $0xffff;
	v2 =	vand.u32 $0x2F00, v2  }
0x302: {  	v7 =	vand.u32 $0x4F, v3;
	v3 =	vshll.u32 v3, $0x1;
	[tilespmem:v1+s17+$0x0] =	vst.idx.msk $0xffff, v0;
	v0 =	vor.u32 v2, v6  }
0x303: {  	v1 =	vand.u32 $0x2F00, v3;
	v6 =	vor.u32 $0x2060, v21;
	v2 =	vld.idx.msk [tilespmem:v5+s5+$0x0], $0xffff;
	v0 =	vor.u32 $0x80, v0  }
0x304: {  	v1 =	vor.u32 v1, v7;
	v3 =	vor.u32 v6, v14  }
0x305: {  	v1 =	vor.u32 $0x80, v1  }
0x306: {  	v5 =	vor.u32 v6, v26;
	v4 =	vmul.f32 $8.000000000e+00, v4  }
0x307: {  	[tilespmem:$0x1FA50] =	vst v6;
	v6 =	vor.u32 v55, v24  }
0x308: {  	[tilespmem:v0+s17+$0x0] =	vst.idx.msk $0xffff, v4;
	v0 =	vmul.f32 $8.000000000e+00, v2;
	v2 =	vshll.u32 v6, $0x1  }
0x309: {  	v4 =	vor.u32 v55, v12;
	v6 =	vand.u32 $0x4F, v6;
	v3 =	vld.idx.msk [tilespmem:v3+s5+$0x0], $0xffff;
	v2 =	vand.u32 $0x3700, v2  }
0x30a: {  	v7 =	vand.u32 $0x4F, v4;
	v4 =	vshll.u32 v4, $0x1;
	[tilespmem:v1+s17+$0x0] =	vst.idx.msk $0xffff, v0;
	v0 =	vor.u32 v2, v6  }
0x30b: {  	v1 =	vand.u32 $0x3700, v4;
	v6 =	vor.u32 $0x2070, v21;
	v2 =	vld.idx.msk [tilespmem:v5+s5+$0x0], $0xffff;
	v0 =	vor.u32 $0x80, v0  }
0x30c: {  	v1 =	vor.u32 v1, v7;
	v4 =	vor.u32 v6, v8  }
0x30d: {  	v1 =	vor.u32 $0x80, v1  }
0x30e: {  	v5 =	vor.u32 v6, v10;
	v3 =	vmul.f32 $8.000000000e+00, v3  }
0x30f: {  	[tilespmem:$0x1FA60] =	vst v6;
	v6 =	vor.u32 v36, v24  }
0x310: {  	[tilespmem:v0+s17+$0x0] =	vst.idx.msk $0xffff, v3;
	v0 =	vmul.f32 $8.000000000e+00, v2;
	v2 =	vshll.u32 v6, $0x1  }
0x311: {  	v3 =	vor.u32 v36, v12;
	v6 =	vand.u32 $0x4F, v6;
	v4 =	vld.idx.msk [tilespmem:v4+s5+$0x0], $0xffff;
	v2 =	vand.u32 $0x3F00, v2  }
0x312: {  	v7 =	vand.u32 $0x4F, v3;
	v3 =	vshll.u32 v3, $0x1;
	[tilespmem:v1+s17+$0x0] =	vst.idx.msk $0xffff, v0;
	v0 =	vor.u32 v2, v6  }
0x313: {  	v1 =	vand.u32 $0x3F00, v3;
	v6 =	vor.u32 $0x2800, v21;
	v2 =	vld.idx.msk [tilespmem:v5+s5+$0x0], $0xffff;
	v0 =	vor.u32 $0x80, v0  }
0x314: {  	v1 =	vor.u32 v1, v7;
	v3 =	vor.u32 v6, v14  }
0x315: {  	v1 =	vor.u32 $0x80, v1  }
0x316: {  	v5 =	vor.u32 v6, v26;
	v4 =	vmul.f32 $8.000000000e+00, v4  }
0x317: {  	[tilespmem:$0x1FA70] =	vst v6  }
0x318: {  	[tilespmem:v0+s17+$0x0] =	vst.idx.msk $0xffff, v4;
	v0 =	vmul.f32 $8.000000000e+00, v2  }
0x319: {  	v2 =	vld.idx.msk [tilespmem:v3+s5+$0x0], $0xffff;
	v3 =	vor.u32 v39, v24  }
0x31a: {  	[tilespmem:v1+s17+$0x0] =	vst.idx.msk $0xffff, v0;
	v0 =	vand.u32 $0x5F, v3  }
0x31b: {  	v6 =	vor.u32 $0x2810, v21;
	v1 =	vor.u32 v39, v12;
	v3 =	vld.idx.msk [tilespmem:v5+s5+$0x0], $0xffff;
	v0 =	vor.u32 v50, v0  }
0x31c: {  	v4 =	vor.u32 v6, v8;
	v1 =	vand.u32 $0x5F, v1  }
0x31d: {  	v1 =	vor.u32 v38, v1  }
0x31e: {  	v5 =	vor.u32 v6, v10;
	v2 =	vmul.f32 $8.000000000e+00, v2  }
0x31f: {  	[tilespmem:$0x1FA80] =	vst v6;
	v6 =	vor.u32 v32, v24  }
0x320: {  	[tilespmem:v0+s17+$0x0] =	vst.idx.msk $0xffff, v2;
	v0 =	vmul.f32 $8.000000000e+00, v3;
	v2 =	vshll.u32 v6, $0x1  }
0x321: {  	v3 =	vor.u32 v32, v12;
	v6 =	vand.u32 $0x5F, v6;
	v4 =	vld.idx.msk [tilespmem:v4+s5+$0x0], $0xffff;
	v2 =	vand.u32 $0xF00, v2  }
0x322: {  	v7 =	vand.u32 $0x5F, v3;
	v3 =	vshll.u32 v3, $0x1;
	[tilespmem:v1+s17+$0x0] =	vst.idx.msk $0xffff, v0;
	v0 =	vor.u32 v2, v6  }
0x323: {  	v1 =	vand.u32 $0xF00, v3;
	v6 =	vor.u32 $0x2820, v21;
	v2 =	vld.idx.msk [tilespmem:v5+s5+$0x0], $0xffff;
	v0 =	vor.u32 $0x80, v0  }
0x324: {  	v1 =	vor.u32 v1, v7;
	v3 =	vor.u32 v6, v14  }
0x325: {  	v1 =	vor.u32 $0x80, v1  }
0x326: {  	v5 =	vor.u32 v6, v26;
	v4 =	vmul.f32 $8.000000000e+00, v4  }
0x327: {  	[tilespmem:$0x1FA90] =	vst v6;
	v6 =	vor.u32 v46, v24  }
0x328: {  	[tilespmem:v0+s17+$0x0] =	vst.idx.msk $0xffff, v4;
	v0 =	vmul.f32 $8.000000000e+00, v2;
	v2 =	vshll.u32 v6, $0x1  }
0x329: {  	v4 =	vor.u32 v46, v12;
	v6 =	vand.u32 $0x5F, v6;
	v3 =	vld.idx.msk [tilespmem:v3+s5+$0x0], $0xffff;
	v2 =	vand.u32 $0x1700, v2  }
0x32a: {  	v7 =	vand.u32 $0x5F, v4;
	v4 =	vshll.u32 v4, $0x1;
	[tilespmem:v1+s17+$0x0] =	vst.idx.msk $0xffff, v0;
	v0 =	vor.u32 v2, v6  }
0x32b: {  	v1 =	vand.u32 $0x1700, v4;
	v6 =	vor.u32 $0x2830, v21;
	v2 =	vld.idx.msk [tilespmem:v5+s5+$0x0], $0xffff;
	v0 =	vor.u32 $0x80, v0  }
0x32c: {  	v1 =	vor.u32 v1, v7;
	v4 =	vor.u32 v6, v8  }
0x32d: {  	v1 =	vor.u32 $0x80, v1  }
0x32e: {  	v5 =	vor.u32 v6, v10;
	v3 =	vmul.f32 $8.000000000e+00, v3  }
0x32f: {  	[tilespmem:$0x1FAA0] =	vst v6;
	v6 =	vor.u32 v57, v24  }
0x330: {  	[tilespmem:v0+s17+$0x0] =	vst.idx.msk $0xffff, v3;
	v0 =	vmul.f32 $8.000000000e+00, v2;
	v2 =	vshll.u32 v6, $0x1  }
0x331: {  	v3 =	vor.u32 v57, v12;
	v6 =	vand.u32 $0x5F, v6;
	v4 =	vld.idx.msk [tilespmem:v4+s5+$0x0], $0xffff;
	v2 =	vand.u32 $0x1F00, v2  }
0x332: {  	v7 =	vand.u32 $0x5F, v3;
	v3 =	vshll.u32 v3, $0x1;
	[tilespmem:v1+s17+$0x0] =	vst.idx.msk $0xffff, v0;
	v0 =	vor.u32 v2, v6  }
0x333: {  	v1 =	vand.u32 $0x1F00, v3;
	v6 =	vor.u32 $0x2840, v21;
	v2 =	vld.idx.msk [tilespmem:v5+s5+$0x0], $0xffff;
	v0 =	vor.u32 $0x80, v0  }
0x334: {  	v3 =	vor.u32 v6, v14;
	v1 =	vor.u32 v1, v7  }
0x335: {  	v1 =	vor.u32 $0x80, v1  }
0x336: {  	v5 =	vor.u32 v6, v26;
	v4 =	vmul.f32 $8.000000000e+00, v4  }
0x337: {  	[tilespmem:$0x1FAB0] =	vst v6;
	v6 =	vor.u32 v35, v24  }
0x338: {  	[tilespmem:v0+s17+$0x0] =	vst.idx.msk $0xffff, v4;
	v0 =	vmul.f32 $8.000000000e+00, v2;
	v2 =	vshll.u32 v6, $0x1  }
0x339: {  	v4 =	vor.u32 v35, v12;
	v6 =	vand.u32 $0x5F, v6;
	v3 =	vld.idx.msk [tilespmem:v3+s5+$0x0], $0xffff;
	v2 =	vand.u32 $0x2700, v2  }
0x33a: {  	[tilespmem:v1+s17+$0x0] =	vst.idx.msk $0xffff, v0;
	v0 =	vand.u32 $0x5F, v4;
	v1 =	vor.u32 v2, v6;
	v2 =	vshll.u32 v4, $0x1  }
0x33b: {  	v6 =	vor.u32 $0x2850, v21;
	v4 =	vld.idx.msk [tilespmem:v5+s5+$0x0], $0xffff;
	v1 =	vor.u32 $0x80, v1;
	v2 =	vand.u32 $0x2700, v2  }
0x33c: {  	v5 =	vor.u32 v6, v8;
	v0 =	vor.u32 v2, v0  }
0x33d: {  	v0 =	vor.u32 $0x80, v0  }
0x33e: {  	v2 =	vor.u32 v6, v10;
	v3 =	vmul.f32 $8.000000000e+00, v3  }
0x33f: {  	[tilespmem:$0x1FAC0] =	vst v6;
	v6 =	vor.u32 v34, v24  }
0x340: {  	[tilespmem:v1+s17+$0x0] =	vst.idx.msk $0xffff, v3;
	v1 =	vmul.f32 $8.000000000e+00, v4;
	v3 =	vshll.u32 v6, $0x1  }
0x341: {  	v6 =	vand.u32 $0x5F, v6;
	v4 =	vld.idx.msk [tilespmem:v5+s5+$0x0], $0xffff;
	v5 =	vor.u32 v34, v12;
	v3 =	vand.u32 $0x2F00, v3  }
0x342: {  	v11 =	vor.u32 $0x2860, v21;
	[tilespmem:v0+s17+$0x0] =	vst.idx.msk $0xffff, v1;
	v1 =	vor.u32 v3, v6;
	v3 =	vshll.u32 v5, $0x1  }
0x343: {  	s31 =	simm.s32 $0x2;
	v0 =	vand.u32 $0x5F, v5;
	v2 =	vld.idx.msk [tilespmem:v2+s5+$0x0], $0xffff;
	v1 =	vor.u32 $0x80, v1;
	v3 =	vand.u32 $0x2F00, v3  }
0x344: {  	v40 =	vadd.s32 s31, v27;
	v5 =	vor.u32 v11, v14;
	v0 =	vor.u32 v3, v0  }
0x345: {  	v20 =	vor.u32 $0x2870, v21;
	v44 =	vand.u32 $0xF, v40;
	v0 =	vor.u32 $0x80, v0  }
0x346: {  	v9 =	vor.u32 v52, v12;
	[tilespmem:$0x1FAD0] =	vst v11;
	v11 =	vor.u32 v11, v26;
	v4 =	vmul.f32 $8.000000000e+00, v4  }
0x347: {  	v62 =	vmovc v61;
	v13 =	vor.u32 v59, v12;
	v15 =	vor.u32 v48, v12;
	v16 =	vor.u32 v63, v24  }
0x348: {  	v56 =	vmovc v18;
	v18 =	vor.u32 v62, v12;
	v17 =	vld [tilespmem:$0x1FC60];
	[tilespmem:v1+s17+$0x0] =	vst.idx.msk $0xffff, v4;
	v1 =	vmul.f32 $8.000000000e+00, v2;
	v2 =	vshll.u32 v16, $0x1  }
0x349: {  	v16 =	vand.u32 $0x5F, v16;
	v4 =	vld.idx.msk [tilespmem:v5+s5+$0x0], $0xffff;
	v5 =	vor.u32 v63, v12;
	v2 =	vand.u32 $0x3700, v2  }
0x34a: {  	v31 =	vmovc v42;
	v42 =	vshll.u32 v44, $0x6;
	[tilespmem:v0+s17+$0x0] =	vst.idx.msk $0xffff, v1;
	v1 =	vor.u32 v2, v16;
	v2 =	vshll.u32 v5, $0x1  }
0x34b: {  	v0 =	vand.u32 $0x5F, v5;
	v5 =	vld.idx.msk [tilespmem:v11+s5+$0x0], $0xffff;
	v1 =	vor.u32 $0x80, v1;
	v2 =	vand.u32 $0x3700, v2  }
0x34c: {  	v45 =	vmovc v32;
	v25 =	vor.u32 v60, v12;
	v28 =	vor.u32 v46, v42;
	v0 =	vor.u32 v2, v0  }
0x34d: {  	v62 =	vor.u32 v45, v42;
	v16 =	vor.u32 v20, v8;
	v0 =	vor.u32 $0x80, v0  }
0x34e: {  	v11 =	vor.u32 v19, v12;
	v19 =	vor.u32 v20, v10;
	v4 =	vmul.f32 $8.000000000e+00, v4  }
0x34f: {  	v7 =	vor.u32 v22, v12;
	v6 =	vor.u32 v33, v12;
	v3 =	vor.u32 v23, v12;
	[tilespmem:$0x1FAE0] =	vst v20  }
0x350: {  	v30 =	vlaneseq.u32;
	v63 =	vmovc v21;
	[tilespmem:v1+s17+$0x0] =	vst.idx.msk $0xffff, v4;
	v1 =	vor.u32 v29, v24;
	v4 =	vmul.f32 $8.000000000e+00, v5  }
0x351: {  	v23 =	vor.u32 v29, v12;
	v37 =	vor.u32 $0x3000, v63;
	v27 =	vshll.u32 v1, $0x1  }
0x352: {  	v16 =	vld.idx.msk [tilespmem:v16+s5+$0x0], $0xffff;
	v1 =	vand.u32 $0x5F, v1;
	v27 =	vand.u32 $0x3F00, v27;
	[tilespmem:v0+s17+$0x0] =	vst.idx.msk $0xffff, v4;
	v0 =	vand.u32 $0x5F, v23  }
0x353: {  	v1 =	vor.u32 v27, v1;
	v4 =	vld.idx.msk [tilespmem:v19+s5+$0x0], $0xffff;
	v19 =	vshll.u32 v23, $0x1;
	v23 =	vshll.u32 v44, $0x7  }
0x354: {  	[tilespmem:$0x1FAF0] =	vst v37;
	v1 =	vor.u32 $0x80, v1;
	v33 =	vor.u32 $0x80, v23;
	v23 =	vand.u32 $0x7F, v3  }
0x355: {  	v46 =	vmovc v39;
	v39 =	vand.u32 $0x6F, v18;
	v22 =	vor.u32 v51, v12;
	[tilespmem:$0x1FB00] =	vst v23;
	v23 =	vand.u32 $0x7F, v7  }
0x356: {  	v48 =	vand.u32 $0x6F, v22;
	v52 =	vshll.u32 v22, $0x1;
	v7 =	vshll.u32 v7, $0x1;
	[tilespmem:$0x1FB10] =	vst v23  }
0x357: {  	v35 =	vor.u32 v57, v42;
	v16 =	vmul.f32 $8.000000000e+00, v16;
	[tilespmem:$0x1FB20] =	vst v7;
	v7 =	vand.u32 $0x7F, v6  }
0x358: {  	v17 =	vor.u32 v17, v12;
	v27 =	vor.u32 v37, v14;
	v19 =	vand.u32 $0x3F00, v19;
	[tilespmem:$0x1FB30] =	vst v7  }
0x359: {  	v21 =	vor.u32 v58, v12;
	v0 =	vor.u32 v19, v0;
	[tilespmem:v1+s17+$0x0] =	vst.idx.msk $0xffff, v16;
	v1 =	vshll.u32 v3, $0x1  }
0x35a: {  	v58 =	vmovc v51;
	v51 =	vand.u32 $0x5F, v28;
	v0 =	vor.u32 $0x80, v0;
	[tilespmem:$0x1FB40] =	vst v1;
	v1 =	vand.u32 $0x7F, v9  }
0x35b: {  	v34 =	vshll.u32 v21, $0x1;
	v19 =	vor.u32 v37, v26;
	[tilespmem:$0x1FB50] =	vst v1;
	v1 =	vshll.u32 v6, $0x1  }
0x35c: {  	v58 =	vor.u32 v58, v24;
	v20 =	vor.u32 v56, v12;
	v6 =	vand.u32 $0x7F, v15;
	[tilespmem:$0x1FB60] =	vst v1  }
0x35d: {  	v2 =	vor.u32 v49, v12;
	v4 =	vmul.f32 $8.000000000e+00, v4;
	v1 =	vld.idx.msk [tilespmem:v27+s5+$0x0], $0xffff;
	[tilespmem:$0x1FB70] =	vst v6;
	v6 =	vshll.u32 v9, $0x1  }
0x35e: {  	v49 =	vshll.u32 v18, $0x1;
	v5 =	vor.u32 v54, v12;
	v37 =	vshll.u32 v15, $0x1;
	[tilespmem:$0x1FB80] =	vst v6  }
0x35f: {  	v23 =	vor.u32 $0x3020, v63;
	v7 =	vand.u32 $0x7F, v13;
	v3 =	vor.u32 v56, v24;
	[tilespmem:v0+s17+$0x0] =	vst.idx.msk $0xffff, v4  }
0x360: {  	v16 =	vor.u32 v55, v42;
	v55 =	vor.u32 v46, v42;
	v0 =	vand.u32 $0x6F, v3;
	v3 =	vld.idx.msk [tilespmem:v19+s5+$0x0], $0xffff;
	[tilespmem:$0x1FB90] =	vst v50  }
0x361: {  	v15 =	vor.u32 v36, v42;
	v6 =	vor.u32 $0x3010, v63;
	v0 =	vor.u32 v50, v0;
	[tilespmem:$0x1FBA0] =	vst v7  }
0x362: {  	v9 =	vand.u32 $0x7F, v17;
	v4 =	vor.u32 v6, v10;
	[tilespmem:$0x1FBB0] =	vst v6;
	v6 =	vor.u32 v6, v8  }
0x363: {  	v17 =	vmovc v53;
	v53 =	vand.u32 $0x6F, v2;
	v7 =	vand.u32 $0x6F, v20;
	[tilespmem:$0x1FBC0] =	vst v9;
	v9 =	vshll.u32 v13, $0x1  }
0x364: {  	[tilespmem:$0x1FBD0] =	vst v9;
	v7 =	vor.u32 v38, v7;
	v9 =	vshll.u32 v2, $0x1;
	v1 =	vmul.f32 $8.000000000e+00, v1  }
0x365: {  	[tilespmem:$0x1FBE0] =	vst v38;
	v2 =	vand.u32 $0x6F, v11;
	v38 =	vshll.u32 v11, $0x1;
	v11 =	vor.u32 v54, v24  }
0x366: {  	v36 =	vand.u32 $0x4F, v16;
	v18 =	vand.u32 $0x4F, v15;
	[tilespmem:v0+s17+$0x0] =	vst.idx.msk $0xffff, v1;
	v0 =	vshll.u32 v11, $0x1  }
0x367: {  	v22 =	vshll.u32 v15, $0x1;
	v1 =	vand.u32 $0x6F, v11;
	v6 =	vld.idx.msk [tilespmem:v6+s5+$0x0], $0xffff;
	v0 =	vand.u32 $0xF00, v0  }
0x368: {  	v15 =	vor.u32 v31, v42;
	v3 =	vmul.f32 $8.000000000e+00, v3;
	v0 =	vor.u32 v0, v1  }
0x369: {  	v20 =	vand.u32 $0x6F, v21;
	v50 =	vshll.u32 v16, $0x1;
	v0 =	vor.u32 $0x80, v0  }
0x36a: {  	v11 =	vand.u32 $0x6F, v5;
	v1 =	vshll.u32 v5, $0x1;
	v5 =	vor.u32 v23, v14;
	[tilespmem:v7+s17+$0x0] =	vst.idx.msk $0xffff, v3  }
0x36b: {  	v19 =	vmovc v41;
	v41 =	vshll.u32 v15, $0x1;
	v16 =	vor.u32 v43, v42;
	v1 =	vand.u32 $0xF00, v1;
	v4 =	vld.idx.msk [tilespmem:v4+s5+$0x0], $0xffff  }
0x36c: {  	v1 =	vor.u32 v1, v11;
	v11 =	vor.u32 v60, v24;
	v6 =	vmul.f32 $8.000000000e+00, v6  }
0x36d: {  	v3 =	vand.u32 $0x6F, v25;
	v7 =	vshll.u32 v25, $0x1;
	v13 =	vshll.u32 v11, $0x1  }
0x36e: {  	v60 =	vshll.u32 v28, $0x1;
	v11 =	vand.u32 $0x6F, v11;
	v13 =	vand.u32 $0x1700, v13;
	[tilespmem:v0+s17+$0x0] =	vst.idx.msk $0xffff, v6  }
0x36f: {  	v28 =	vshll.u32 v16, $0x1;
	v1 =	vor.u32 $0x80, v1;
	v0 =	vor.u32 v13, v11;
	v5 =	vld.idx.msk [tilespmem:v5+s5+$0x0], $0xffff  }
0x370: {  	v6 =	vand.u32 $0x1700, v7;
	v7 =	vmul.f32 $8.000000000e+00, v4;
	v4 =	vand.u32 $0x4F, v15  }
0x371: {  	v6 =	vor.u32 v6, v3;
	v3 =	vor.u32 v17, v42;
	v13 =	vor.u32 $0x80, v0  }
0x372: {  	v17 =	vor.u32 v23, v26;
	v54 =	vand.u32 $0x4F, v3;
	v11 =	vshll.u32 v3, $0x1  }
0x373: {  	[tilespmem:$0x1FBF0] =	vst v23;
	v3 =	vor.u32 v47, v42;
	v27 =	vor.u32 $0x80, v6;
	v6 =	vand.u32 $0x5F, v62  }
0x374: {  	[tilespmem:v1+s17+$0x0] =	vst.idx.msk $0xffff, v7;
	v7 =	vor.u32 $0x3030, v63;
	v15 =	vmul.f32 $8.000000000e+00, v5;
	v5 =	vor.u32 v30, v42  }
0x375: {  	v0 =	vand.u32 $0x4F, v3;
	v3 =	vshll.u32 v3, $0x1;
	v30 =	vand.u32 $0x4F, v5  }
0x376: {  	v5 =	vand.u32 $0x4F, v16;
	v16 =	vand.u32 $0x3700, v9;
	v9 =	vor.u32 v19, v42;
	[tilespmem:v13+s17+$0x0] =	vst.idx.msk $0xffff, v15  }
0x377: {  	s30 =	simm.s32 $0x3;
	s29 =	simm.s32 $0x4;
	v56 =	vor.u32 v7, v8;
	v1 =	vld.idx.msk [tilespmem:v17+s5+$0x0], $0xffff;
	v46 =	vand.u32 $0x4F, v9;
	v13 =	vor.u32 v7, v10;
	[tilespmem:$0x1FC00] =	vst v7  }
.LBB2_10:
0x378: {  	v21 =	vld [tilespmem:$0x1F9F0];
	_ =	sdelay $0x1  }
0x379: {  	v7 =	vlaneseq.u32  }
0x37a: {  	v23 =	vlaneseq.u32;
	v15 =	vshll.u32 v58, $0x1;
	v32 =	vadd.s32 s30, v7  }
0x37b: {  	v17 =	vand.u32 $0x6F, v58;
	v7 =	vld.idx.msk [tilespmem:v56+s5+$0x0], $0xffff;
	v15 =	vand.u32 $0x1F00, v15;
	v57 =	vand.u32 $0xF, v32  }
0x37c: {  	v17 =	vor.u32 v15, v17;
	v19 =	vor.u32 v21, v44;
	v21 =	vor.u32 v21, v57  }
0x37d: {  	v56 =	vld [tilespmem:$0x1FF70];
	v15 =	vor.u32 $0x3040, v63;
	v17 =	vor.u32 $0x80, v17;
	v1 =	vmul.f32 $8.000000000e+00, v1  }
0x37e: {  	v31 =	vand.u32 $0x2F00, v38;
	v28 =	vand.u32 $0xF00, v28;
	[tilespmem:$0x1F9A0] =	vst v15;
	v25 =	vor.u32 v15, v14  }
0x37f: {  	v30 =	vor.u32 v33, v30;
	v29 =	vor.u32 v15, v26;
	v15 =	vld [tilespmem:$0x1FA00];
	[tilespmem:v27+s17+$0x0] =	vst.idx.msk $0xffff, v1;
	v1 =	vand.u32 $0x1F00, v52  }
0x380: {  	v43 =	vshll.u32 v57, $0x7;
	v7 =	vmul.f32 $8.000000000e+00, v7;
	v13 =	vld.idx.msk [tilespmem:v13+s5+$0x0], $0xffff;
	v1 =	vor.u32 v1, v48  }
0x381: {  	v27 =	vand.u32 $0x2700, v34;
	v34 =	vshll.u32 v57, $0x6;
	v38 =	vor.u32 $0x80, v1;
	v21 =	vld.idx.msk [tilespmem:v21+s5+$0x0], $0xffff  }
0x382: {  	v1 =	vor.u32 v23, v34;
	[tilespmem:v17+s17+$0x0] =	vst.idx.msk $0xffff, v7;
	v7 =	vor.u32 v56, v24;
	v19 =	vld.idx.msk [tilespmem:v19+s5+$0x0], $0xffff  }
0x383: {  	v17 =	vand.u32 $0x4F, v1;
	v1 =	vor.u32 $0x80, v43;
	v43 =	vld.idx.msk [tilespmem:v25+s5+$0x0], $0xffff;
	v25 =	vshll.u32 v7, $0x1  }
0x384: {  	v59 =	vld [tilespmem:$0x1FEC0];
	v17 =	vor.u32 v1, v17;
	v7 =	vand.u32 $0x6F, v7;
	v25 =	vand.u32 $0x2700, v25  }
0x385: {  	v45 =	vor.u32 v15, v40;
	v47 =	vor.u32 v15, v32;
	v7 =	vor.u32 v25, v7  }
0x386: {  	v58 =	vld [tilespmem:$0x1FF50];
	v15 =	vor.u32 $0x3050, v63;
	v13 =	vmul.f32 $8.000000000e+00, v13;
	v7 =	vor.u32 $0x80, v7  }
0x387: {  	v5 =	vor.u32 v28, v5;
	[tilespmem:$0x1F9B0] =	vst v15;
	v21 =	vmul.f32 $8.000000000e+00, v21  }
0x388: {  	v2 =	vor.u32 v31, v2;
	v31 =	vld [tilespmem:$0x1FED0];
	v61 =	vor.u32 v15, v8;
	[tilespmem:v38+s17+$0x0] =	vst.idx.msk $0xffff, v13;
	v19 =	vmul.f32 $8.000000000e+00, v19  }
0x389: {  	v48 =	vor.u32 v15, v10;
	v15 =	vld [tilespmem:$0x1FA10];
	[tilespmem:v17+s17+$0x0] =	vst.idx.msk $0xffff, v21;
	v17 =	vor.u32 v59, v34;
	v21 =	vmul.f32 $8.000000000e+00, v43  }
0x38a: {  	v5 =	vor.u32 $0x80, v5;
	v13 =	vor.u32 v27, v20;
	v20 =	vld.idx.msk [tilespmem:v29+s5+$0x0], $0xffff;
	[tilespmem:v30+s17+$0x0] =	vst.idx.msk $0xffff, v19;
	v28 =	vshll.u32 v17, $0x1  }
0x38b: {  	v27 =	vld.idx.msk [tilespmem:v47+s5+$0x0], $0xffff;
	v17 =	vand.u32 $0x4F, v17;
	v28 =	vand.u32 $0xF00, v28;
	[tilespmem:v7+s17+$0x0] =	vst.idx.msk $0xffff, v21;
	v7 =	vor.u32 v58, v24  }
0x38c: {  	v13 =	vor.u32 $0x80, v13;
	v17 =	vor.u32 v28, v17;
	v21 =	vshll.u32 v7, $0x1;
	v28 =	vld.idx.msk [tilespmem:v45+s5+$0x0], $0xffff  }
0x38d: {  	v19 =	vld.idx.msk [tilespmem:v61+s5+$0x0], $0xffff;
	v7 =	vand.u32 $0x6F, v7;
	v17 =	vor.u32 $0x80, v17;
	v21 =	vand.u32 $0x2F00, v21  }
0x38e: {  	v52 =	vor.u32 v15, v57;
	v30 =	vor.u32 v15, v44;
	v7 =	vor.u32 v21, v7  }
0x38f: {  	v15 =	vor.u32 $0x3060, v63;
	v20 =	vmul.f32 $8.000000000e+00, v20;
	v7 =	vor.u32 $0x80, v7  }
0x390: {  	[tilespmem:$0x1F9C0] =	vst v15;
	v61 =	vor.u32 v15, v14;
	v45 =	vld [tilespmem:$0x1FF80];
	v21 =	vmul.f32 $8.000000000e+00, v27  }
0x391: {  	[tilespmem:v13+s17+$0x0] =	vst.idx.msk $0xffff, v20;
	v27 =	vor.u32 v15, v26;
	v15 =	vld [tilespmem:$0x1FA20];
	v20 =	vmul.f32 $8.000000000e+00, v28  }
0x392: {  	v3 =	vand.u32 $0x1700, v3;
	v13 =	vor.u32 v31, v34;
	v19 =	vmul.f32 $8.000000000e+00, v19;
	[tilespmem:v17+s17+$0x0] =	vst.idx.msk $0xffff, v21;
	v17 =	vld.idx.msk [tilespmem:v48+s5+$0x0], $0xffff  }
0x393: {  	v0 =	vor.u32 v3, v0;
	v3 =	vand.u32 $0x1F00, v41;
	v28 =	vshll.u32 v13, $0x1;
	v21 =	vld.idx.msk [tilespmem:v52+s5+$0x0], $0xffff;
	[tilespmem:v5+s17+$0x0] =	vst.idx.msk $0xffff, v20  }
0x394: {  	v2 =	vor.u32 $0x80, v2;
	v13 =	vand.u32 $0x4F, v13;
	v28 =	vand.u32 $0x1700, v28;
	[tilespmem:v7+s17+$0x0] =	vst.idx.msk $0xffff, v19;
	v20 =	vld.idx.msk [tilespmem:v30+s5+$0x0], $0xffff  }
0x395: {  	v0 =	vor.u32 $0x80, v0;
	v5 =	vor.u32 v28, v13;
	v7 =	vor.u32 v45, v24;
	v13 =	vld.idx.msk [tilespmem:v61+s5+$0x0], $0xffff  }
0x396: {  	v5 =	vor.u32 $0x80, v5;
	v28 =	vor.u32 v15, v40;
	v19 =	vshll.u32 v7, $0x1;
	v61 =	vld [tilespmem:$0x1FEE0]  }
0x397: {  	v30 =	vor.u32 v15, v32;
	v7 =	vand.u32 $0x6F, v7;
	v19 =	vand.u32 $0x3700, v19  }
0x398: {  	v15 =	vor.u32 $0x3070, v63;
	v7 =	vor.u32 v19, v7;
	v17 =	vmul.f32 $8.000000000e+00, v17  }
0x399: {  	v3 =	vor.u32 v3, v4;
	v29 =	vld [tilespmem:$0x1FF60];
	[tilespmem:$0x1F9D0] =	vst v15;
	v7 =	vor.u32 $0x80, v7;
	v19 =	vmul.f32 $8.000000000e+00, v21  }
0x39a: {  	v4 =	vshll.u32 v9, $0x1;
	v52 =	vor.u32 v15, v8;
	v21 =	vor.u32 v15, v10;
	v15 =	vld [tilespmem:$0x1FA30];
	[tilespmem:v2+s17+$0x0] =	vst.idx.msk $0xffff, v17  }
0x39b: {  	v2 =	vor.u32 v16, v53;
	v16 =	vmul.f32 $8.000000000e+00, v20;
	[tilespmem:v5+s17+$0x0] =	vst.idx.msk $0xffff, v19;
	v5 =	vor.u32 v61, v34  }
0x39c: {  	v3 =	vor.u32 $0x80, v3;
	v9 =	vld.idx.msk [tilespmem:v27+s5+$0x0], $0xffff;
	v13 =	vmul.f32 $8.000000000e+00, v13;
	v19 =	vshll.u32 v5, $0x1  }
0x39d: {  	v4 =	vand.u32 $0x2700, v4;
	v17 =	vld.idx.msk [tilespmem:v30+s5+$0x0], $0xffff;
	v5 =	vand.u32 $0x4F, v5;
	[tilespmem:v0+s17+$0x0] =	vst.idx.msk $0xffff, v16;
	v19 =	vand.u32 $0x1F00, v19  }
0x39e: {  	v53 =	vld [tilespmem:$0x1FEF0];
	v2 =	vor.u32 $0x80, v2;
	[tilespmem:v7+s17+$0x0] =	vst.idx.msk $0xffff, v13;
	v7 =	vor.u32 v29, v24;
	v0 =	vor.u32 v19, v5  }
0x39f: {  	v16 =	vld.idx.msk [tilespmem:v28+s5+$0x0], $0xffff;
	v20 =	vor.u32 v15, v57;
	v13 =	vshll.u32 v7, $0x1;
	v19 =	vor.u32 $0x80, v0  }
0x3a0: {  	v0 =	vand.u32 $0x6F, v7;
	v7 =	vand.u32 $0x3F00, v13;
	v13 =	vor.u32 v15, v44  }
0x3a1: {  	v15 =	vor.u32 $0x3800, v63;
	v0 =	vor.u32 v7, v0;
	v7 =	vmul.f32 $8.000000000e+00, v9  }
0x3a2: {  	v4 =	vor.u32 v4, v46;
	v5 =	vld.idx.msk [tilespmem:v52+s5+$0x0], $0xffff;
	v17 =	vmul.f32 $8.000000000e+00, v17;
	[tilespmem:$0x1F9E0] =	vst v15  }
0x3a3: {  	v27 =	vor.u32 v15, v26;
	v28 =	vor.u32 v15, v14;
	v15 =	vld [tilespmem:$0x1FA40];
	[tilespmem:v2+s17+$0x0] =	vst.idx.msk $0xffff, v7  }
0x3a4: {  	v16 =	vmul.f32 $8.000000000e+00, v16;
	v7 =	vor.u32 v53, v34;
	[tilespmem:v19+s17+$0x0] =	vst.idx.msk $0xffff, v17;
	v17 =	vld.idx.msk [tilespmem:v21+s5+$0x0], $0xffff  }
0x3a5: {  	v9 =	vor.u32 $0x80, v0;
	v2 =	vand.u32 $0x3F00, v49;
	v19 =	vld.idx.msk [tilespmem:v20+s5+$0x0], $0xffff;
	v20 =	vshll.u32 v7, $0x1  }
0x3a6: {  	v46 =	vld [tilespmem:$0x1FC60];
	v2 =	vor.u32 v2, v39;
	[tilespmem:v3+s17+$0x0] =	vst.idx.msk $0xffff, v16;
	v7 =	vand.u32 $0x4F, v7;
	v20 =	vand.u32 $0x2700, v20  }
0x3a7: {  	v3 =	vor.u32 $0x80, v4;
	v2 =	vor.u32 $0x80, v2;
	v4 =	vor.u32 v20, v7;
	v7 =	vld.idx.msk [tilespmem:v13+s5+$0x0], $0xffff  }
0x3a8: {  	v16 =	vor.u32 v15, v32;
	v13 =	vor.u32 v15, v40;
	v15 =	vld [tilespmem:$0x1FB90]  }
0x3a9: {  	v5 =	vmul.f32 $8.000000000e+00, v5  }
0x3aa: {  	v17 =	vmul.f32 $8.000000000e+00, v17  }
0x3ab: {  	[tilespmem:v9+s17+$0x0] =	vst.idx.msk $0xffff, v5;
	v9 =	vor.u32 v46, v24  }
0x3ac: {  	v4 =	vor.u32 $0x80, v4;
	v9 =	vand.u32 $0x7F, v9;
	[tilespmem:v2+s17+$0x0] =	vst.idx.msk $0xffff, v17;
	v2 =	vld [tilespmem:$0x1FBE0]  }
0x3ad: {  	v9 =	vor.u32 v15, v9;
	v15 =	vld [tilespmem:$0x1FBC0];
	_ =	sdelay $0x1  }
0x3ae: {  	v48 =	vmov v1;
	v52 =	vld [tilespmem:$0x1FF00];
	v1 =	vmul.f32 $8.000000000e+00, v19  }
0x3af: {  	v5 =	vld.idx.msk [tilespmem:v28+s5+$0x0], $0xffff  }
0x3b0: {  	[tilespmem:v4+s17+$0x0] =	vst.idx.msk $0xffff, v1;
	v4 =	vld.idx.msk [tilespmem:v27+s5+$0x0], $0xffff  }
0x3b1: {  	v2 =	vor.u32 v2, v15;
	v15 =	vld [tilespmem:$0x1FBD0];
	_ =	sdelay $0x2  }
0x3b2: {  	v41 =	vld [tilespmem:$0x1FFD0];
	v43 =	vor.u32 $0x3810, v63;
	v7 =	vmul.f32 $8.000000000e+00, v7  }
0x3b3: {  	v20 =	vor.u32 v43, v8;
	v1 =	vor.u32 v52, v34;
	v5 =	vmul.f32 $8.000000000e+00, v5;
	v16 =	vld.idx.msk [tilespmem:v16+s5+$0x0], $0xffff  }
0x3b4: {  	v27 =	vshll.u32 v1, $0x1;
	[tilespmem:v3+s17+$0x0] =	vst.idx.msk $0xffff, v7;
	v4 =	vmul.f32 $8.000000000e+00, v4;
	v17 =	vand.u32 $0xF00, v15;
	v15 =	vld [tilespmem:$0x1FA50]  }
0x3b5: {  	v19 =	vor.u32 v43, v10;
	v1 =	vand.u32 $0x4F, v1;
	v27 =	vand.u32 $0x2F00, v27;
	[tilespmem:v9+s17+$0x0] =	vst.idx.msk $0xffff, v5;
	v9 =	vld.idx.msk [tilespmem:v13+s5+$0x0], $0xffff  }
0x3b6: {  	v1 =	vor.u32 v27, v1;
	[tilespmem:v2+s17+$0x0] =	vst.idx.msk $0xffff, v4;
	v2 =	vld [tilespmem:$0x1FBA0]  }
0x3b7: {  	v11 =	vand.u32 $0x2F00, v11;
	v49 =	vld [tilespmem:$0x1FF10];
	v5 =	vor.u32 v41, v24;
	v1 =	vor.u32 $0x80, v1  }
0x3b8: {  	v11 =	vor.u32 v11, v54;
	v7 =	vshll.u32 v5, $0x1  }
0x3b9: {  	v3 =	vld.idx.msk [tilespmem:v20+s5+$0x0], $0xffff;
	v5 =	vand.u32 $0x7F, v5;
	v7 =	vand.u32 $0xF00, v7;
	v20 =	vor.u32 v15, v57  }
0x3ba: {  	v11 =	vor.u32 $0x80, v11;
	v5 =	vor.u32 v7, v5;
	v7 =	vmul.f32 $8.000000000e+00, v16;
	v4 =	vld.idx.msk [tilespmem:v19+s5+$0x0], $0xffff  }
0x3bb: {  	v39 =	vmovc v33;
	v33 =	vld [tilespmem:$0x1FFB0];
	v5 =	vor.u32 $0x80, v5;
	v13 =	vor.u32 v15, v44;
	v2 =	vor.u32 v17, v2  }
0x3bc: {  	v47 =	vor.u32 $0x3820, v63;
	[tilespmem:v1+s17+$0x0] =	vst.idx.msk $0xffff, v7;
	v1 =	vor.u32 v49, v34;
	v2 =	vor.u32 $0x80, v2  }
0x3bd: {  	v27 =	vor.u32 v47, v14;
	v7 =	vmul.f32 $8.000000000e+00, v9;
	v19 =	vshll.u32 v1, $0x1;
	v15 =	vld [tilespmem:$0x1FA60]  }
0x3be: {  	v3 =	vmul.f32 $8.000000000e+00, v3;
	v1 =	vand.u32 $0x4F, v1;
	v19 =	vand.u32 $0x3700, v19;
	v17 =	vld.idx.msk [tilespmem:v20+s5+$0x0], $0xffff  }
0x3bf: {  	v38 =	vld [tilespmem:$0x1FDF0];
	[tilespmem:v11+s17+$0x0] =	vst.idx.msk $0xffff, v7;
	v1 =	vor.u32 v19, v1;
	v4 =	vmul.f32 $8.000000000e+00, v4  }
0x3c0: {  	v1 =	vor.u32 $0x80, v1;
	[tilespmem:v5+s17+$0x0] =	vst.idx.msk $0xffff, v3;
	v3 =	vor.u32 v33, v24;
	v11 =	vld.idx.msk [tilespmem:v13+s5+$0x0], $0xffff  }
0x3c1: {  	v16 =	vor.u32 v47, v26;
	v7 =	vshll.u32 v3, $0x1;
	[tilespmem:v2+s17+$0x0] =	vst.idx.msk $0xffff, v4;
	v2 =	vld [tilespmem:$0x1FB70]  }
0x3c2: {  	v19 =	vor.u32 v15, v32;
	v5 =	vld.idx.msk [tilespmem:v27+s5+$0x0], $0xffff;
	v3 =	vand.u32 $0x7F, v3;
	v7 =	vand.u32 $0x1700, v7  }
0x3c3: {  	v21 =	vand.u32 $0x3700, v50;
	v3 =	vor.u32 v7, v3;
	v17 =	vmul.f32 $8.000000000e+00, v17  }
0x3c4: {  	v30 =	vld [tilespmem:$0x1FF90];
	v0 =	vand.u32 $0x1700, v37;
	v21 =	vor.u32 v21, v36;
	v3 =	vor.u32 $0x80, v3  }
0x3c5: {  	v9 =	vor.u32 $0x80, v21;
	v13 =	vor.u32 v15, v40;
	[tilespmem:v1+s17+$0x0] =	vst.idx.msk $0xffff, v17;
	v1 =	vor.u32 v38, v34  }
0x3c6: {  	v7 =	vor.u32 $0x3830, v63;
	v0 =	vor.u32 v0, v2;
	v2 =	vld.idx.msk [tilespmem:v16+s5+$0x0], $0xffff;
	v17 =	vshll.u32 v1, $0x1  }
0x3c7: {  	v4 =	vmul.f32 $8.000000000e+00, v5;
	v16 =	vld.idx.msk [tilespmem:v19+s5+$0x0], $0xffff;
	v1 =	vand.u32 $0x4F, v1;
	v17 =	vand.u32 $0x3F00, v17  }
0x3c8: {  	v21 =	vor.u32 v7, v8;
	v5 =	vmul.f32 $8.000000000e+00, v11;
	v1 =	vor.u32 v17, v1  }
0x3c9: {  	[tilespmem:v3+s17+$0x0] =	vst.idx.msk $0xffff, v4;
	v3 =	vor.u32 v30, v24;
	v1 =	vor.u32 $0x80, v1  }
0x3ca: {  	v15 =	vld [tilespmem:$0x1FA70];
	[tilespmem:v9+s17+$0x0] =	vst.idx.msk $0xffff, v5;
	v5 =	vshll.u32 v3, $0x1  }
0x3cb: {  	v3 =	vand.u32 $0x7F, v3;
	v5 =	vand.u32 $0x1F00, v5  }
0x3cc: {  	v9 =	vld.idx.msk [tilespmem:v13+s5+$0x0], $0xffff;
	v3 =	vor.u32 v5, v3;
	v5 =	vmul.f32 $8.000000000e+00, v16  }
0x3cd: {  	v22 =	vand.u32 $0x3F00, v22;
	v0 =	vor.u32 $0x80, v0;
	v4 =	vld.idx.msk [tilespmem:v21+s5+$0x0], $0xffff  }
0x3ce: {  	v18 =	vor.u32 v22, v18;
	v20 =	vor.u32 v7, v10;
	[tilespmem:v1+s17+$0x0] =	vst.idx.msk $0xffff, v5;
	v5 =	vld [tilespmem:$0x1FB80]  }
0x3cf: {  	v11 =	vor.u32 $0x80, v18;
	v18 =	vor.u32 v15, v57;
	v13 =	vor.u32 v15, v44;
	v15 =	vld [tilespmem:$0x1FB50]  }
0x3d0: {  	v2 =	vmul.f32 $8.000000000e+00, v2  }
0x3d1: {  	v50 =	vld [tilespmem:$0x1FE10]  }
0x3d2: {  	v36 =	vld [tilespmem:$0x1FE80];
	v3 =	vor.u32 $0x80, v3;
	[tilespmem:v0+s17+$0x0] =	vst.idx.msk $0xffff, v2  }
0x3d3: {  	v17 =	vor.u32 $0x3840, v63;
	v21 =	vand.u32 $0x5F, v55;
	v1 =	vld.idx.msk [tilespmem:v20+s5+$0x0], $0xffff;
	v5 =	vand.u32 $0x1F00, v5  }
0x3d4: {  	v55 =	vld [tilespmem:$0x1FFF0];
	v19 =	vor.u32 v17, v14;
	v9 =	vmul.f32 $8.000000000e+00, v9;
	v5 =	vor.u32 v5, v15  }
0x3d5: {  	v0 =	vld [tilespmem:$0x1FB60];
	v4 =	vmul.f32 $8.000000000e+00, v4;
	v5 =	vor.u32 $0x80, v5  }
0x3d6: {  	v16 =	vor.u32 v17, v26;
	v20 =	vor.u32 v39, v21;
	[tilespmem:v11+s17+$0x0] =	vst.idx.msk $0xffff, v9;
	v15 =	vld [tilespmem:$0x1FA80]  }
0x3d7: {  	v21 =	vor.u32 v50, v34;
	v18 =	vld.idx.msk [tilespmem:v18+s5+$0x0], $0xffff;
	[tilespmem:v3+s17+$0x0] =	vst.idx.msk $0xffff, v4;
	v3 =	vor.u32 v36, v24  }
0x3d8: {  	v13 =	vld.idx.msk [tilespmem:v13+s5+$0x0], $0xffff;
	v4 =	vand.u32 $0x5F, v21;
	v11 =	vshll.u32 v3, $0x1;
	v1 =	vmul.f32 $8.000000000e+00, v1  }
0x3d9: {  	v9 =	vld.idx.msk [tilespmem:v19+s5+$0x0], $0xffff;
	v4 =	vor.u32 v48, v4;
	v3 =	vand.u32 $0x7F, v3;
	v11 =	vand.u32 $0x2700, v11  }
0x3da: {  	v3 =	vor.u32 v11, v3;
	[tilespmem:v5+s17+$0x0] =	vst.idx.msk $0xffff, v1;
	v1 =	vld [tilespmem:$0x1FB30]  }
0x3db: {  	v28 =	vld [tilespmem:$0x1FEA0];
	v3 =	vor.u32 $0x80, v3;
	v23 =	vor.u32 v15, v32  }
0x3dc: {  	v22 =	vshll.u32 v62, $0x1;
	v19 =	vor.u32 $0x3850, v63;
	v11 =	vmul.f32 $8.000000000e+00, v18  }
0x3dd: {  	v22 =	vand.u32 $0xF00, v22;
	v25 =	vld [tilespmem:$0x1FF20];
	v27 =	vor.u32 v19, v8;
	v18 =	vor.u32 v19, v10  }
0x3de: {  	v0 =	vand.u32 $0x2700, v0;
	[tilespmem:v4+s17+$0x0] =	vst.idx.msk $0xffff, v11;
	v21 =	vor.u32 v15, v40;
	v5 =	vmul.f32 $8.000000000e+00, v9;
	v4 =	vld.idx.msk [tilespmem:v16+s5+$0x0], $0xffff  }
0x3df: {  	v15 =	vld [tilespmem:$0x1FA90];
	v9 =	vmul.f32 $8.000000000e+00, v13;
	v0 =	vor.u32 v0, v1;
	v1 =	vor.u32 v55, v34  }
0x3e0: {  	v11 =	vld.idx.msk [tilespmem:v23+s5+$0x0], $0xffff;
	[tilespmem:v3+s17+$0x0] =	vst.idx.msk $0xffff, v5;
	v3 =	vor.u32 v28, v24;
	v0 =	vor.u32 $0x80, v0;
	v13 =	vshll.u32 v1, $0x1  }
0x3e1: {  	v37 =	vld [tilespmem:$0x1FF40];
	[tilespmem:v20+s17+$0x0] =	vst.idx.msk $0xffff, v9;
	v9 =	vshll.u32 v3, $0x1;
	v1 =	vand.u32 $0x5F, v1;
	v13 =	vand.u32 $0xF00, v13  }
0x3e2: {  	v5 =	vld.idx.msk [tilespmem:v27+s5+$0x0], $0xffff;
	v3 =	vand.u32 $0x7F, v3;
	v9 =	vand.u32 $0x2F00, v9;
	v1 =	vor.u32 v13, v1  }
0x3e3: {  	v2 =	vld [tilespmem:$0x1FB40];
	v4 =	vmul.f32 $8.000000000e+00, v4;
	v3 =	vor.u32 v9, v3;
	v1 =	vor.u32 $0x80, v1  }
0x3e4: {  	v20 =	vor.u32 v15, v57;
	v13 =	vld.idx.msk [tilespmem:v21+s5+$0x0], $0xffff;
	v21 =	vor.u32 $0x3860, v63;
	v3 =	vor.u32 $0x80, v3  }
0x3e5: {  	v6 =	vor.u32 v22, v6;
	v23 =	vor.u32 v21, v14;
	[tilespmem:v0+s17+$0x0] =	vst.idx.msk $0xffff, v4;
	v0 =	vld [tilespmem:$0x1FB00]  }
0x3e6: {  	v22 =	vand.u32 $0x1700, v60;
	v6 =	vor.u32 $0x80, v6;
	v9 =	vmul.f32 $8.000000000e+00, v11  }
0x3e7: {  	v22 =	vor.u32 v22, v51;
	v16 =	vor.u32 v15, v44;
	v15 =	vld [tilespmem:$0x1FAA0];
	v5 =	vmul.f32 $8.000000000e+00, v5  }
0x3e8: {  	v2 =	vand.u32 $0x2F00, v2;
	v27 =	vshll.u32 v35, $0x1;
	v4 =	vld.idx.msk [tilespmem:v18+s5+$0x0], $0xffff;
	[tilespmem:v1+s17+$0x0] =	vst.idx.msk $0xffff, v9;
	v1 =	vor.u32 v37, v34  }
0x3e9: {  	v9 =	vmul.f32 $8.000000000e+00, v13;
	v18 =	vld.idx.msk [tilespmem:v20+s5+$0x0], $0xffff;
	v20 =	vshll.u32 v1, $0x1;
	v1 =	vand.u32 $0x5F, v1;
	[tilespmem:v3+s17+$0x0] =	vst.idx.msk $0xffff, v5  }
0x3ea: {  	v3 =	vor.u32 v25, v24;
	v0 =	vor.u32 v2, v0;
	v20 =	vand.u32 $0x1700, v20;
	v5 =	vld.idx.msk [tilespmem:v23+s5+$0x0], $0xffff  }
0x3eb: {  	[tilespmem:v6+s17+$0x0] =	vst.idx.msk $0xffff, v9;
	v23 =	vand.u32 $0x5F, v35;
	v35 =	vld [tilespmem:$0x1FF30];
	v0 =	vor.u32 $0x80, v0;
	v1 =	vor.u32 v20, v1  }
0x3ec: {  	v11 =	vor.u32 v21, v26;
	v6 =	vshll.u32 v3, $0x1;
	v9 =	vld.idx.msk [tilespmem:v16+s5+$0x0], $0xffff;
	v1 =	vor.u32 $0x80, v1  }
0x3ed: {  	v13 =	vor.u32 $0x80, v22;
	v3 =	vand.u32 $0x7F, v3;
	v6 =	vand.u32 $0x3700, v6  }
0x3ee: {  	v20 =	vor.u32 v15, v32;
	v4 =	vmul.f32 $8.000000000e+00, v4;
	v3 =	vor.u32 v6, v3  }
0x3ef: {  	v16 =	vor.u32 v15, v40;
	v15 =	vld [tilespmem:$0x1FEB0];
	v3 =	vor.u32 $0x80, v3;
	v6 =	vmul.f32 $8.000000000e+00, v18  }
0x3f0: {  	v2 =	vld [tilespmem:$0x1FB20];
	[tilespmem:v0+s17+$0x0] =	vst.idx.msk $0xffff, v4  }
0x3f1: {  	v0 =	vld [tilespmem:$0x1FB10];
	[tilespmem:v1+s17+$0x0] =	vst.idx.msk $0xffff, v6;
	v1 =	vor.u32 v35, v34;
	v6 =	vmul.f32 $8.000000000e+00, v9  }
0x3f2: {  	v14 =	vmovc v57;
	v57 =	vor.u32 $0x3870, v63;
	v5 =	vmul.f32 $8.000000000e+00, v5;
	v4 =	vld.idx.msk [tilespmem:v11+s5+$0x0], $0xffff;
	v11 =	vshll.u32 v1, $0x1  }
0x3f3: {  	v22 =	vor.u32 v57, v8;
	v9 =	vld.idx.msk [tilespmem:v20+s5+$0x0], $0xffff;
	v1 =	vand.u32 $0x5F, v1;
	v11 =	vand.u32 $0x1F00, v11;
	[tilespmem:v13+s17+$0x0] =	vst.idx.msk $0xffff, v6  }
0x3f4: {  	[tilespmem:v3+s17+$0x0] =	vst.idx.msk $0xffff, v5;
	v3 =	vor.u32 v15, v24;
	v1 =	vor.u32 v11, v1;
	v11 =	vld.idx.msk [tilespmem:v16+s5+$0x0], $0xffff  }
0x3f5: {  	v2 =	vand.u32 $0x3700, v2;
	v6 =	vshll.u32 v3, $0x1;
	v16 =	vld [tilespmem:$0x1FAB0]  }
0x3f6: {  	v3 =	vand.u32 $0x7F, v3;
	v0 =	vor.u32 v2, v0;
	v1 =	vor.u32 $0x80, v1  }
0x3f7: {  	v6 =	vand.u32 $0x3F00, v6;
	v2 =	vand.u32 $0x1F00, v27;
	v0 =	vor.u32 $0x80, v0  }
0x3f8: {  	v18 =	vor.u32 v57, v10;
	v5 =	vld.idx.msk [tilespmem:v22+s5+$0x0], $0xffff;
	v3 =	vor.u32 v6, v3;
	v2 =	vor.u32 v2, v23  }
0x3f9: {  	v26 =	vmovc v44;
	v2 =	vor.u32 $0x80, v2;
	v6 =	vmul.f32 $8.000000000e+00, v9;
	v9 =	vor.u32 v15, v12;
	v15 =	vld [tilespmem:$0x1FC80]  }
0x3fa: {  	v4 =	vmul.f32 $8.000000000e+00, v4;
	v13 =	vor.u32 v16, v26;
	v16 =	vor.u32 v16, v14  }
0x3fb: {  	v3 =	vor.u32 $0x80, v3;
	[tilespmem:v1+s17+$0x0] =	vst.idx.msk $0xffff, v6  }
0x3fc: {  	v6 =	vshll.u32 v9, $0x1;
	[tilespmem:v0+s17+$0x0] =	vst.idx.msk $0xffff, v4;
	v0 =	vand.u32 $0x7F, v9;
	v9 =	vmul.f32 $8.000000000e+00, v11  }
0x3fd: {  	v24 =	vmov v34;
	v4 =	vld.idx.msk [tilespmem:v18+s5+$0x0], $0xffff  }
0x3fe: {  	v12 =	vmov v42;
	v5 =	vmul.f32 $8.000000000e+00, v5;
	v1 =	vor.u32 v15, v24;
	[tilespmem:v2+s17+$0x0] =	vst.idx.msk $0xffff, v9;
	v9 =	vld [tilespmem:$0x1FAC0]  }
0x3ff: {  	v6 =	vand.u32 $0x3F00, v6;
	v20 =	vor.u32 v15, v12;
	v11 =	vld.idx.msk [tilespmem:v16+s5+$0x0], $0xffff;
	v16 =	vshll.u32 v1, $0x1  }
0x400: {  	v0 =	vor.u32 v6, v0;
	v1 =	vand.u32 $0x5F, v1;
	v16 =	vand.u32 $0x2700, v16  }
0x401: {  	v0 =	vor.u32 $0x80, v0;
	[tilespmem:v3+s17+$0x0] =	vst.idx.msk $0xffff, v5;
	v3 =	vld.idx.msk [tilespmem:v13+s5+$0x0], $0xffff;
	v1 =	vor.u32 v16, v1  }
0x402: {  	v8 =	vmovc v32;
	v10 =	vmovc v40;
	v2 =	vand.u32 $0x5F, v20;
	v5 =	vshll.u32 v20, $0x1;
	v13 =	vld [tilespmem:$0x1FCA0];
	v1 =	vor.u32 $0x80, v1  }
0x403: {  	v5 =	vand.u32 $0x2700, v5;
	v6 =	vor.u32 v9, v10;
	v9 =	vor.u32 v9, v8  }
0x404: {  	v2 =	vor.u32 v5, v2;
	v4 =	vmul.f32 $8.000000000e+00, v4  }
0x405: {  	v15 =	vld [tilespmem:$0x1FAD0];
	v2 =	vor.u32 $0x80, v2;
	v5 =	vmul.f32 $8.000000000e+00, v11  }
0x406: {  	[tilespmem:v0+s17+$0x0] =	vst.idx.msk $0xffff, v4  }
0x407: {  	v0 =	vor.u32 v13, v24;
	[tilespmem:v1+s17+$0x0] =	vst.idx.msk $0xffff, v5  }
0x408: {  	v1 =	vmul.f32 $8.000000000e+00, v3;
	v5 =	vld.idx.msk [tilespmem:v9+s5+$0x0], $0xffff;
	v9 =	vshll.u32 v0, $0x1  }
0x409: {  	v13 =	vor.u32 v13, v12;
	v0 =	vand.u32 $0x5F, v0;
	v9 =	vand.u32 $0x2F00, v9  }
0x40a: {  	v16 =	vor.u32 v15, v14;
	[tilespmem:v2+s17+$0x0] =	vst.idx.msk $0xffff, v1;
	v1 =	vand.u32 $0x5F, v13;
	v0 =	vor.u32 v9, v0  }
0x40b: {  	v9 =	vshll.u32 v13, $0x1;
	v13 =	vor.u32 v15, v26;
	v15 =	vld [tilespmem:$0x1FCC0];
	v0 =	vor.u32 $0x80, v0  }
0x40c: {  	v6 =	vld.idx.msk [tilespmem:v6+s5+$0x0], $0xffff;
	v9 =	vand.u32 $0x2F00, v9  }
0x40d: {  	v1 =	vor.u32 v9, v1  }
0x40e: {  	v1 =	vor.u32 $0x80, v1;
	v5 =	vmul.f32 $8.000000000e+00, v5;
	_ =	sdelay $0x1  }
0x40f: {  	v23 =	vor.u32 v15, v12;
	[tilespmem:v0+s17+$0x0] =	vst.idx.msk $0xffff, v5;
	v5 =	vor.u32 v15, v24;
	v15 =	vld [tilespmem:$0x1FAE0]  }
0x410: {  	v6 =	vmul.f32 $8.000000000e+00, v6;
	v9 =	vld.idx.msk [tilespmem:v16+s5+$0x0], $0xffff;
	v16 =	vshll.u32 v5, $0x1  }
0x411: {  	v60 =	vlaneseq.u32;
	v5 =	vand.u32 $0x5F, v5;
	v16 =	vand.u32 $0x3700, v16  }
0x412: {  	v40 =	vadd.s32 s29, v60;
	v27 =	vor.u32 v58, v12;
	[tilespmem:v1+s17+$0x0] =	vst.idx.msk $0xffff, v6;
	v5 =	vor.u32 v16, v5  }
0x413: {  	v6 =	vand.u32 $0x5F, v23;
	v13 =	vld.idx.msk [tilespmem:v13+s5+$0x0], $0xffff;
	v16 =	vshll.u32 v23, $0x1;
	v5 =	vor.u32 $0x80, v5  }
0x414: {  	v16 =	vand.u32 $0x3700, v16;
	v23 =	vor.u32 v15, v10;
	v58 =	vor.u32 v15, v8;
	v15 =	vld [tilespmem:$0x1FCE0]  }
0x415: {  	v44 =	vand.u32 $0xF, v40;
	v6 =	vor.u32 v16, v6  }
0x416: {  	v42 =	vshll.u32 v44, $0x6;
	v6 =	vor.u32 $0x80, v6  }
0x417: {  	v22 =	vor.u32 v46, v12;
	v46 =	vor.u32 v38, v42;
	v9 =	vmul.f32 $8.000000000e+00, v9  }
0x418: {  	v20 =	vor.u32 v33, v12;
	v11 =	vor.u32 v25, v12;
	v4 =	vor.u32 v28, v12  }
0x419: {  	v3 =	vor.u32 v36, v12;
	[tilespmem:v5+s17+$0x0] =	vst.idx.msk $0xffff, v9;
	v9 =	vmul.f32 $8.000000000e+00, v13;
	v5 =	vor.u32 v15, v24  }
0x41a: {  	v34 =	vor.u32 v15, v12;
	v13 =	vld.idx.msk [tilespmem:v58+s5+$0x0], $0xffff;
	v58 =	vor.u32 v61, v42;
	v38 =	vshll.u32 v5, $0x1  }
0x41b: {  	v61 =	vor.u32 v31, v42;
	v5 =	vand.u32 $0x5F, v5;
	[tilespmem:v6+s17+$0x0] =	vst.idx.msk $0xffff, v9;
	v33 =	vand.u32 $0x3F00, v38  }
0x41c: {  	v31 =	vand.u32 $0x7F, v4;
	v9 =	vshll.u32 v34, $0x1;
	v23 =	vld.idx.msk [tilespmem:v23+s5+$0x0], $0xffff;
	v5 =	vor.u32 v33, v5  }
0x41d: {  	v6 =	vand.u32 $0x5F, v34;
	v33 =	vand.u32 $0x3F00, v9;
	v9 =	vld [tilespmem:$0x1FAF0];
	v5 =	vor.u32 $0x80, v5  }
0x41e: {  	v51 =	vld [tilespmem:$0x1FE90];
	[tilespmem:$0x1FB00] =	vst v31;
	v31 =	vand.u32 $0x7F, v11;
	v11 =	vshll.u32 v11, $0x1;
	v6 =	vor.u32 v33, v6  }
0x41f: {  	v32 =	vor.u32 v56, v12;
	[tilespmem:$0x1FB20] =	vst v11;
	v11 =	vand.u32 $0x7F, v3;
	v6 =	vor.u32 $0x80, v6  }
0x420: {  	v2 =	vor.u32 v30, v12;
	v3 =	vshll.u32 v3, $0x1;
	[tilespmem:$0x1FB30] =	vst v11;
	v13 =	vmul.f32 $8.000000000e+00, v13  }
0x421: {  	v54 =	vld [tilespmem:$0x1FFC0];
	v56 =	vor.u32 v52, v42;
	v28 =	vor.u32 v45, v12;
	v11 =	vand.u32 $0x7F, v2;
	[tilespmem:$0x1FB60] =	vst v3  }
0x422: {  	v45 =	vld [tilespmem:$0x1FFE0];
	v2 =	vshll.u32 v2, $0x1;
	v52 =	vor.u32 v9, v14;
	[tilespmem:v5+s17+$0x0] =	vst.idx.msk $0xffff, v13;
	v5 =	vmul.f32 $8.000000000e+00, v23  }
0x423: {  	v62 =	vor.u32 v55, v42;
	v30 =	vor.u32 v29, v12;
	v29 =	vld [tilespmem:$0x1FFA0];
	v3 =	vor.u32 v51, v24;
	[tilespmem:$0x1FB80] =	vst v2  }
0x424: {  	v55 =	vor.u32 v50, v42;
	v2 =	vand.u32 $0x6F, v3;
	[tilespmem:v6+s17+$0x0] =	vst.idx.msk $0xffff, v5;
	v5 =	vand.u32 $0x7F, v20  }
0x425: {  	v50 =	vor.u32 v49, v42;
	v49 =	vor.u32 v9, v26;
	[tilespmem:$0x1FB70] =	vst v5;
	v5 =	vor.u32 v48, v2;
	v2 =	vld [tilespmem:$0x1FBB0]  }
0x426: {  	v35 =	vor.u32 v35, v42;
	v18 =	vor.u32 v41, v12;
	v4 =	vshll.u32 v4, $0x1  }
0x427: {  	v41 =	vor.u32 v37, v42;
	v37 =	vshll.u32 v44, $0x7;
	v25 =	vor.u32 v59, v42;
	[tilespmem:$0x1FB40] =	vst v4;
	v4 =	vld.idx.msk [tilespmem:v52+s5+$0x0], $0xffff  }
0x428: {  	v36 =	vor.u32 v45, v12;
	v0 =	vor.u32 v29, v12;
	v1 =	vor.u32 v54, v12  }
0x429: {  	v16 =	vor.u32 v51, v12;
	v15 =	vor.u32 v60, v42;
	[tilespmem:$0x1FB50] =	vst v11;
	v11 =	vand.u32 $0x7F, v18  }
0x42a: {  	v60 =	vshll.u32 v41, $0x1;
	[tilespmem:$0x1FBA0] =	vst v11;
	v13 =	vand.u32 $0x7F, v22;
	v3 =	vld.idx.msk [tilespmem:v49+s5+$0x0], $0xffff;
	v11 =	vor.u32 v2, v8  }
0x42b: {  	[tilespmem:$0x1FBC0] =	vst v13;
	v13 =	vshll.u32 v18, $0x1;
	v6 =	vor.u32 v2, v10;
	v2 =	vand.u32 $0x6F, v16  }
0x42c: {  	v34 =	vshll.u32 v32, $0x1;
	[tilespmem:$0x1FBD0] =	vst v13;
	v13 =	vor.u32 v39, v2;
	v4 =	vmul.f32 $8.000000000e+00, v4  }
0x42d: {  	v38 =	vshll.u32 v27, $0x1;
	v51 =	vand.u32 $0x5F, v41;
	v33 =	vor.u32 $0x80, v37  }
0x42e: {  	v37 =	vshll.u32 v20, $0x1;
	v9 =	vor.u32 v53, v42;
	v18 =	vld [tilespmem:$0x1FBF0];
	[tilespmem:v5+s17+$0x0] =	vst.idx.msk $0xffff, v4;
	v4 =	vor.u32 v45, v24  }
0x42f: {  	v53 =	vand.u32 $0x6F, v28;
	v3 =	vmul.f32 $8.000000000e+00, v3;
	v5 =	vld.idx.msk [tilespmem:v11+s5+$0x0], $0xffff;
	v11 =	vshll.u32 v4, $0x1  }
0x430: {  	[tilespmem:$0x1FB90] =	vst v48;
	v20 =	vand.u32 $0x6F, v32;
	v4 =	vand.u32 $0x6F, v4;
	v11 =	vand.u32 $0xF00, v11  }
0x431: {  	v32 =	vand.u32 $0x6F, v1;
	v48 =	vand.u32 $0x6F, v0;
	[tilespmem:v13+s17+$0x0] =	vst.idx.msk $0xffff, v3;
	v4 =	vor.u32 v11, v4  }
0x432: {  	v52 =	vshll.u32 v0, $0x1;
	v11 =	vld.idx.msk [tilespmem:v6+s5+$0x0], $0xffff;
	v6 =	vshll.u32 v36, $0x1;
	v4 =	vor.u32 $0x80, v4  }
0x433: {  	v16 =	vshll.u32 v28, $0x1;
	v3 =	vand.u32 $0x6F, v36;
	v6 =	vand.u32 $0xF00, v6  }
0x434: {  	v2 =	vand.u32 $0x6F, v27;
	v27 =	vor.u32 v18, v14;
	v3 =	vor.u32 v6, v3  }
0x435: {  	v28 =	vshll.u32 v1, $0x1;
	v0 =	vor.u32 $0x80, v3;
	v1 =	vmul.f32 $8.000000000e+00, v5  }
0x436: {  	[tilespmem:$0x1FBE0] =	vst v39;
	v41 =	vshll.u32 v58, $0x1;
	v22 =	vshll.u32 v46, $0x1;
	v49 =	vshll.u32 v30, $0x1  }
0x437: {  	v39 =	vand.u32 $0x6F, v30;
	v30 =	vand.u32 $0x4F, v15;
	[tilespmem:v4+s17+$0x0] =	vst.idx.msk $0xffff, v1;
	v1 =	vor.u32 v54, v24  }
0x438: {  	v16 =	vand.u32 $0x3700, v16;
	v3 =	vmul.f32 $8.000000000e+00, v11;
	v4 =	vshll.u32 v1, $0x1  }
0x439: {  	v45 =	vand.u32 $0x1700, v28;
	v27 =	vld.idx.msk [tilespmem:v27+s5+$0x0], $0xffff;
	v1 =	vand.u32 $0x6F, v1;
	v4 =	vand.u32 $0x1700, v4  }
0x43a: {  	v28 =	vshll.u32 v25, $0x1;
	v13 =	vor.u32 v18, v26;
	[tilespmem:v0+s17+$0x0] =	vst.idx.msk $0xffff, v3;
	v0 =	vor.u32 v4, v1  }
0x43b: {  	p1 =	slt.u32 s29, $0xE;
	v15 =	vor.u32 v45, v32;
	v18 =	vand.u32 $0x4F, v46;
	v23 =	vor.u32 $0x80, v0;
	v0 =	vld [tilespmem:$0x1FC00]  }
.Ltmp9:
0x43c: {  	v46 =	vand.u32 $0x4F, v9;
	v36 =	vand.u32 $0x4F, v50;
	v50 =	vshll.u32 v50, $0x1;
	(pc) =	sbr.rel @p1 .LBB2_10-.Ltmp9, $4  }
0x43d: {  	v6 =	vand.u32 $0x5F, v62;
	v5 =	vand.u32 $0x4F, v25;
	v11 =	vshll.u32 v56, $0x1  }
0x43e: {  	v54 =	vand.u32 $0x4F, v56;
	v3 =	vshll.u32 v61, $0x1;
	v59 =	vmul.f32 $8.000000000e+00, v27  }
0x43f: {  	[tilespmem:$0x1FB10] =	vst v31;
	v1 =	vld.idx.msk [tilespmem:v13+s5+$0x0], $0xffff;
	v4 =	vand.u32 $0x4F, v58;
	v58 =	vor.u32 v29, v24;
	v27 =	vor.u32 $0x80, v15  }
0x440: {  	s30 =	sadd.s32 $0x1, s29;
	s29 =	sadd.s32 $0x2, s29;
	v13 =	vor.u32 v0, v10;
	v56 =	vor.u32 v0, v8;
	v0 =	vand.u32 $0x4F, v61;
	[tilespmem:v23+s17+$0x0] =	vst.idx.msk $0xffff, v59  }
0x441: {  	v23 =	vld [tilespmem:$0x1F9F0];
	_ =	sdelay $0x1  }
0x442: {  	v25 =	vlaneseq.u32  }
0x443: {  	v59 =	vadd.s32 s30, v25  }
0x444: {  	v63 =	vand.u32 $0xF, v59  }
0x445: {  	v15 =	vor.u32 v23, v63  }
0x446: {  	v23 =	vor.u32 v23, v44;
	_ =	sdelay $0x3  }
0x447: {  	v15 =	vld.idx.msk [tilespmem:v15+s5+$0x0], $0xffff  }
0x448: {  	v61 =	vld.idx.msk [tilespmem:v23+s5+$0x0], $0xffff  }
0x449: {  	v23 =	vld [tilespmem:$0x1FA00]  }
0x44a: {  	v31 =	vshll.u32 v63, $0x6  }
0x44b: {  	v32 =	vshll.u32 v63, $0x7;
	v25 =	vor.u32 v25, v31  }
0x44c: {  	v45 =	vor.u32 $0x80, v32;
	v25 =	vand.u32 $0x4F, v25  }
0x44d: {  	v25 =	vor.u32 v45, v25  }
0x44e: {  	v32 =	vor.u32 v23, v59;
	v29 =	vor.u32 v23, v40;
	v23 =	vmul.f32 $8.000000000e+00, v15;
	v15 =	vld [tilespmem:$0x1FEC0];
	_ =	sdelay $0x1  }
0x44f: {  	v30 =	vor.u32 v33, v30;
	_ =	sdelay $0x2  }
0x450: {  	[tilespmem:v25+s17+$0x0] =	vst.idx.msk $0xffff, v23;
	v23 =	vmul.f32 $8.000000000e+00, v61;
	v15 =	vor.u32 v15, v31  }
0x451: {  	v61 =	vshll.u32 v15, $0x1  }
0x452: {  	[tilespmem:v30+s17+$0x0] =	vst.idx.msk $0xffff, v23;
	v32 =	vld.idx.msk [tilespmem:v32+s5+$0x0], $0xffff;
	v15 =	vand.u32 $0x4F, v15;
	v25 =	vand.u32 $0xF00, v61  }
0x453: {  	v23 =	vand.u32 $0xF00, v28;
	v28 =	vld [tilespmem:$0x1FA10];
	v15 =	vor.u32 v25, v15  }
0x454: {  	v61 =	vld.idx.msk [tilespmem:v29+s5+$0x0], $0xffff;
	v15 =	vor.u32 $0x80, v15  }
0x455: {  	v5 =	vor.u32 v23, v5  }
0x456: {  	v5 =	vor.u32 $0x80, v5;
	v29 =	vld [tilespmem:$0x1FED0]  }
0x457: {  	v30 =	vmul.f32 $8.000000000e+00, v32  }
0x458: {  	v23 =	vor.u32 v28, v63  }
0x459: {  	[tilespmem:v15+s17+$0x0] =	vst.idx.msk $0xffff, v30;
	v15 =	vmul.f32 $8.000000000e+00, v61  }
0x45a: {  	v28 =	vor.u32 v28, v44  }
0x45b: {  	v32 =	vor.u32 v29, v31;
	[tilespmem:v5+s17+$0x0] =	vst.idx.msk $0xffff, v15  }
0x45c: {  	v61 =	vshll.u32 v32, $0x1;
	v30 =	vand.u32 $0x4F, v32;
	v32 =	vld [tilespmem:$0x1FA20]  }
0x45d: {  	v23 =	vld.idx.msk [tilespmem:v23+s5+$0x0], $0xffff;
	v25 =	vand.u32 $0x1700, v61  }
0x45e: {  	v5 =	vor.u32 v25, v30  }
0x45f: {  	v3 =	vand.u32 $0x1700, v3;
	v15 =	vld.idx.msk [tilespmem:v28+s5+$0x0], $0xffff;
	v5 =	vor.u32 $0x80, v5  }
0x460: {  	v0 =	vor.u32 v3, v0  }
0x461: {  	v0 =	vor.u32 $0x80, v0;
	v3 =	vor.u32 v32, v59;
	v25 =	vor.u32 v32, v40;
	v32 =	vld [tilespmem:$0x1FEE0]  }
0x462: {  	v23 =	vmul.f32 $8.000000000e+00, v23;
	_ =	sdelay $0x1  }
0x463: {  	[tilespmem:v5+s17+$0x0] =	vst.idx.msk $0xffff, v23;
	v5 =	vmul.f32 $8.000000000e+00, v15;
	_ =	sdelay $0x1  }
0x464: {  	[tilespmem:v0+s17+$0x0] =	vst.idx.msk $0xffff, v5;
	v28 =	vor.u32 v32, v31  }
0x465: {  	v5 =	vand.u32 $0x1F00, v41;
	v41 =	vld [tilespmem:$0x1FEF0];
	v61 =	vshll.u32 v28, $0x1  }
0x466: {  	v3 =	vld.idx.msk [tilespmem:v3+s5+$0x0], $0xffff;
	v23 =	vand.u32 $0x4F, v28;
	v15 =	vand.u32 $0x1F00, v61  }
0x467: {  	v61 =	vor.u32 v15, v23;
	v23 =	vld [tilespmem:$0x1FA30]  }
0x468: {  	v15 =	vld.idx.msk [tilespmem:v25+s5+$0x0], $0xffff;
	v0 =	vor.u32 $0x80, v61  }
0x469: {  	v4 =	vor.u32 v5, v4  }
0x46a: {  	v4 =	vor.u32 $0x80, v4  }
0x46b: {  	v3 =	vmul.f32 $8.000000000e+00, v3  }
0x46c: {  	v5 =	vor.u32 v23, v63  }
0x46d: {  	v61 =	vor.u32 v41, v31;
	v23 =	vor.u32 v23, v44;
	[tilespmem:v0+s17+$0x0] =	vst.idx.msk $0xffff, v3;
	v0 =	vmul.f32 $8.000000000e+00, v15  }
0x46e: {  	v3 =	vshll.u32 v61, $0x1  }
0x46f: {  	v61 =	vand.u32 $0x4F, v61;
	v3 =	vand.u32 $0x2700, v3;
	[tilespmem:v4+s17+$0x0] =	vst.idx.msk $0xffff, v0  }
0x470: {  	v25 =	vor.u32 v3, v61;
	v61 =	vld [tilespmem:$0x1FA40]  }
0x471: {  	v3 =	vshll.u32 v9, $0x1;
	v5 =	vld.idx.msk [tilespmem:v5+s5+$0x0], $0xffff  }
0x472: {  	v3 =	vand.u32 $0x2700, v3;
	v4 =	vld.idx.msk [tilespmem:v23+s5+$0x0], $0xffff  }
0x473: {  	v0 =	vor.u32 $0x80, v25;
	v3 =	vor.u32 v3, v46  }
0x474: {  	v30 =	vld [tilespmem:$0x1FF00];
	v3 =	vor.u32 $0x80, v3;
	_ =	sdelay $0x1  }
0x475: {  	v9 =	vor.u32 v61, v59;
	v5 =	vmul.f32 $8.000000000e+00, v5  }
0x476: {  	v15 =	vor.u32 v61, v40;
	v25 =	vmul.f32 $8.000000000e+00, v4  }
0x477: {  	[tilespmem:v0+s17+$0x0] =	vst.idx.msk $0xffff, v5  }
0x478: {  	v23 =	vor.u32 v30, v31;
	[tilespmem:v3+s17+$0x0] =	vst.idx.msk $0xffff, v25  }
0x479: {  	v4 =	vshll.u32 v23, $0x1;
	v3 =	vand.u32 $0x2F00, v11;
	v11 =	vld [tilespmem:$0x1FA50]  }
0x47a: {  	v4 =	vand.u32 $0x2F00, v4;
	v5 =	vld.idx.msk [tilespmem:v9+s5+$0x0], $0xffff;
	v9 =	vand.u32 $0x4F, v23  }
0x47b: {  	v46 =	vor.u32 v4, v9;
	v4 =	vld.idx.msk [tilespmem:v15+s5+$0x0], $0xffff  }
0x47c: {  	v0 =	vor.u32 $0x80, v46;
	v46 =	vld [tilespmem:$0x1FF10]  }
0x47d: {  	v3 =	vor.u32 v3, v54  }
0x47e: {  	v3 =	vor.u32 $0x80, v3;
	v9 =	vor.u32 v11, v63  }
0x47f: {  	v11 =	vor.u32 v11, v44  }
0x480: {  	v5 =	vmul.f32 $8.000000000e+00, v5  }
0x481: {  	v61 =	vmul.f32 $8.000000000e+00, v4;
	v54 =	vor.u32 v46, v31  }
0x482: {  	[tilespmem:v0+s17+$0x0] =	vst.idx.msk $0xffff, v5;
	v4 =	vshll.u32 v54, $0x1  }
0x483: {  	[tilespmem:v3+s17+$0x0] =	vst.idx.msk $0xffff, v61;
	v5 =	vld.idx.msk [tilespmem:v9+s5+$0x0], $0xffff;
	v9 =	vand.u32 $0x4F, v54;
	v4 =	vand.u32 $0x3700, v4  }
0x484: {  	v25 =	vor.u32 v4, v9;
	v4 =	vld.idx.msk [tilespmem:v11+s5+$0x0], $0xffff  }
0x485: {  	v11 =	vld [tilespmem:$0x1FA60];
	_ =	sdelay $0x1  }
0x486: {  	v3 =	vand.u32 $0x3700, v50  }
0x487: {  	v3 =	vor.u32 v3, v36;
	v36 =	vld [tilespmem:$0x1FDF0]  }
0x488: {  	v0 =	vor.u32 $0x80, v25  }
0x489: {  	v3 =	vor.u32 $0x80, v3;
	v9 =	vor.u32 v11, v59  }
0x48a: {  	v11 =	vor.u32 v11, v40  }
0x48b: {  	v5 =	vmul.f32 $8.000000000e+00, v5  }
0x48c: {  	v54 =	vor.u32 v36, v31;
	v61 =	vmul.f32 $8.000000000e+00, v4  }
0x48d: {  	v4 =	vshll.u32 v54, $0x1;
	[tilespmem:v0+s17+$0x0] =	vst.idx.msk $0xffff, v5  }
0x48e: {  	v4 =	vand.u32 $0x3F00, v4;
	[tilespmem:v3+s17+$0x0] =	vst.idx.msk $0xffff, v61;
	v5 =	vld.idx.msk [tilespmem:v9+s5+$0x0], $0xffff;
	v9 =	vand.u32 $0x4F, v54  }
0x48f: {  	v25 =	vor.u32 v4, v9;
	v4 =	vld.idx.msk [tilespmem:v11+s5+$0x0], $0xffff  }
0x490: {  	v11 =	vld [tilespmem:$0x1FA70];
	_ =	sdelay $0x1  }
0x491: {  	v3 =	vand.u32 $0x3F00, v22;
	v0 =	vor.u32 $0x80, v25  }
0x492: {  	v3 =	vor.u32 v3, v18  }
0x493: {  	v3 =	vor.u32 $0x80, v3  }
0x494: {  	v5 =	vmul.f32 $8.000000000e+00, v5;
	v9 =	vor.u32 v11, v63;
	v11 =	vor.u32 v11, v44;
	_ =	sdelay $0x1  }
0x495: {  	v50 =	vmul.f32 $8.000000000e+00, v4;
	[tilespmem:v0+s17+$0x0] =	vst.idx.msk $0xffff, v5  }
0x496: {  	v5 =	vld [tilespmem:$0x1FE10]  }
0x497: {  	[tilespmem:v3+s17+$0x0] =	vst.idx.msk $0xffff, v50  }
0x498: {  	v3 =	vld.idx.msk [tilespmem:v11+s5+$0x0], $0xffff  }
0x499: {  	v11 =	vld [tilespmem:$0x1FA80];
	_ =	sdelay $0x1  }
0x49a: {  	v4 =	vld.idx.msk [tilespmem:v9+s5+$0x0], $0xffff;
	v5 =	vor.u32 v5, v31  }
0x49b: {  	v61 =	vld [tilespmem:$0x1FFF0];
	v54 =	vand.u32 $0x5F, v5  }
0x49c: {  	v5 =	vand.u32 $0x5F, v55;
	v0 =	vor.u32 v45, v54  }
0x49d: {  	v5 =	vor.u32 v33, v5;
	v9 =	vor.u32 v11, v59;
	_ =	sdelay $0x1  }
0x49e: {  	v4 =	vmul.f32 $8.000000000e+00, v4  }
0x49f: {  	v15 =	vor.u32 v61, v31;
	v11 =	vor.u32 v11, v40;
	v25 =	vmul.f32 $8.000000000e+00, v3  }
0x4a0: {  	v3 =	vshll.u32 v15, $0x1;
	[tilespmem:v0+s17+$0x0] =	vst.idx.msk $0xffff, v4  }
0x4a1: {  	v3 =	vand.u32 $0xF00, v3;
	[tilespmem:v5+s17+$0x0] =	vst.idx.msk $0xffff, v25;
	v4 =	vld.idx.msk [tilespmem:v9+s5+$0x0], $0xffff;
	v9 =	vand.u32 $0x5F, v15  }
0x4a2: {  	v50 =	vor.u32 v3, v9;
	v9 =	vld [tilespmem:$0x1FA90];
	_ =	sdelay $0x1  }
0x4a3: {  	v5 =	vld.idx.msk [tilespmem:v11+s5+$0x0], $0xffff;
	v3 =	vshll.u32 v62, $0x1  }
0x4a4: {  	v3 =	vand.u32 $0xF00, v3;
	v0 =	vor.u32 $0x80, v50;
	v50 =	vld [tilespmem:$0x1FF40]  }
0x4a5: {  	v3 =	vor.u32 v3, v6  }
0x4a6: {  	v3 =	vor.u32 $0x80, v3;
	v6 =	vor.u32 v9, v63  }
0x4a7: {  	v9 =	vor.u32 v9, v44  }
0x4a8: {  	v4 =	vmul.f32 $8.000000000e+00, v4  }
0x4a9: {  	v54 =	vmul.f32 $8.000000000e+00, v5;
	v11 =	vor.u32 v50, v31  }
0x4aa: {  	[tilespmem:v0+s17+$0x0] =	vst.idx.msk $0xffff, v4;
	v4 =	vshll.u32 v11, $0x1  }
0x4ab: {  	v4 =	vand.u32 $0x1700, v4;
	[tilespmem:v3+s17+$0x0] =	vst.idx.msk $0xffff, v54;
	v5 =	vld.idx.msk [tilespmem:v6+s5+$0x0], $0xffff;
	v6 =	vand.u32 $0x5F, v11  }
0x4ac: {  	v55 =	vor.u32 v4, v6;
	v4 =	vld.idx.msk [tilespmem:v9+s5+$0x0], $0xffff  }
0x4ad: {  	v9 =	vld [tilespmem:$0x1FAA0];
	_ =	sdelay $0x2  }
0x4ae: {  	v3 =	vand.u32 $0x1700, v60;
	v11 =	vld [tilespmem:$0x1FF30]  }
0x4af: {  	v3 =	vor.u32 v3, v51;
	v0 =	vor.u32 $0x80, v55  }
0x4b0: {  	v3 =	vor.u32 $0x80, v3;
	v6 =	vor.u32 v9, v59  }
0x4b1: {  	v9 =	vor.u32 v9, v40  }
0x4b2: {  	v5 =	vmul.f32 $8.000000000e+00, v5  }
0x4b3: {  	v11 =	vor.u32 v11, v31;
	v61 =	vmul.f32 $8.000000000e+00, v4  }
0x4b4: {  	v4 =	vshll.u32 v11, $0x1;
	[tilespmem:v0+s17+$0x0] =	vst.idx.msk $0xffff, v5  }
0x4b5: {  	v4 =	vand.u32 $0x1F00, v4;
	[tilespmem:v3+s17+$0x0] =	vst.idx.msk $0xffff, v61;
	v5 =	vld.idx.msk [tilespmem:v6+s5+$0x0], $0xffff;
	v6 =	vand.u32 $0x5F, v11  }
0x4b6: {  	v62 =	vor.u32 v4, v6;
	v6 =	vld.idx.msk [tilespmem:v9+s5+$0x0], $0xffff  }
0x4b7: {  	v9 =	vld [tilespmem:$0x1FAB0]  }
0x4b8: {  	v3 =	vshll.u32 v35, $0x1  }
0x4b9: {  	v3 =	vand.u32 $0x1F00, v3;
	v4 =	vand.u32 $0x5F, v35;
	v35 =	vld [tilespmem:$0x1FC80]  }
0x4ba: {  	v0 =	vor.u32 $0x80, v62;
	v3 =	vor.u32 v3, v4  }
0x4bb: {  	v3 =	vor.u32 $0x80, v3  }
0x4bc: {  	v4 =	vor.u32 v9, v63;
	v9 =	vor.u32 v9, v44  }
0x4bd: {  	v5 =	vmul.f32 $8.000000000e+00, v5  }
0x4be: {  	v11 =	vor.u32 v35, v31;
	v15 =	vmul.f32 $8.000000000e+00, v6  }
0x4bf: {  	[tilespmem:v0+s17+$0x0] =	vst.idx.msk $0xffff, v5;
	v5 =	vshll.u32 v11, $0x1  }
0x4c0: {  	v6 =	vand.u32 $0x5F, v11;
	v5 =	vand.u32 $0x2700, v5;
	[tilespmem:v3+s17+$0x0] =	vst.idx.msk $0xffff, v15  }
0x4c1: {  	v25 =	vor.u32 v5, v6;
	v6 =	vld.idx.msk [tilespmem:v9+s5+$0x0], $0xffff  }
0x4c2: {  	v9 =	vld [tilespmem:$0x1FAC0]  }
0x4c3: {  	v11 =	vor.u32 v35, v42  }
0x4c4: {  	v3 =	vshll.u32 v11, $0x1;
	v4 =	vld.idx.msk [tilespmem:v4+s5+$0x0], $0xffff  }
0x4c5: {  	v5 =	vand.u32 $0x5F, v11;
	v3 =	vand.u32 $0x2700, v3;
	v51 =	vld [tilespmem:$0x1FCA0]  }
0x4c6: {  	v0 =	vor.u32 $0x80, v25;
	v3 =	vor.u32 v3, v5  }
0x4c7: {  	v3 =	vor.u32 $0x80, v3;
	v5 =	vor.u32 v9, v59  }
0x4c8: {  	v9 =	vor.u32 v9, v40  }
0x4c9: {  	v4 =	vmul.f32 $8.000000000e+00, v4  }
0x4ca: {  	v11 =	vor.u32 v51, v31;
	v54 =	vmul.f32 $8.000000000e+00, v6  }
0x4cb: {  	[tilespmem:v0+s17+$0x0] =	vst.idx.msk $0xffff, v4;
	v4 =	vshll.u32 v11, $0x1  }
0x4cc: {  	v6 =	vand.u32 $0x5F, v11;
	v11 =	vor.u32 v51, v42;
	[tilespmem:v3+s17+$0x0] =	vst.idx.msk $0xffff, v54;
	v4 =	vand.u32 $0x2F00, v4;
	v5 =	vld.idx.msk [tilespmem:v5+s5+$0x0], $0xffff  }
0x4cd: {  	v3 =	vshll.u32 v11, $0x1;
	v55 =	vor.u32 v4, v6;
	v6 =	vld.idx.msk [tilespmem:v9+s5+$0x0], $0xffff  }
0x4ce: {  	v4 =	vand.u32 $0x5F, v11;
	v3 =	vand.u32 $0x2F00, v3;
	v9 =	vld [tilespmem:$0x1FAD0]  }
0x4cf: {  	v0 =	vor.u32 $0x80, v55;
	v3 =	vor.u32 v3, v4  }
0x4d0: {  	v60 =	vld [tilespmem:$0x1FCC0];
	v3 =	vor.u32 $0x80, v3;
	_ =	sdelay $0x1  }
0x4d1: {  	v5 =	vmul.f32 $8.000000000e+00, v5  }
0x4d2: {  	v4 =	vor.u32 v9, v63;
	v61 =	vmul.f32 $8.000000000e+00, v6  }
0x4d3: {  	v9 =	vor.u32 v9, v44;
	[tilespmem:v0+s17+$0x0] =	vst.idx.msk $0xffff, v5  }
0x4d4: {  	v11 =	vor.u32 v60, v31;
	[tilespmem:v3+s17+$0x0] =	vst.idx.msk $0xffff, v61  }
0x4d5: {  	v6 =	vor.u32 v60, v42;
	v5 =	vshll.u32 v11, $0x1;
	v18 =	vld [tilespmem:$0x1FAE0]  }
0x4d6: {  	v15 =	vshll.u32 v6, $0x1;
	v11 =	vand.u32 $0x5F, v11;
	v5 =	vand.u32 $0x3700, v5  }
0x4d7: {  	v3 =	vand.u32 $0x5F, v6;
	v62 =	vor.u32 v5, v11;
	v5 =	vand.u32 $0x3700, v15;
	v4 =	vld.idx.msk [tilespmem:v4+s5+$0x0], $0xffff  }
0x4d8: {  	v3 =	vor.u32 v5, v3;
	v5 =	vld.idx.msk [tilespmem:v9+s5+$0x0], $0xffff  }
0x4d9: {  	v23 =	vld [tilespmem:$0x1FCE0];
	v0 =	vor.u32 $0x80, v62  }
0x4da: {  	v3 =	vor.u32 $0x80, v3;
	v11 =	vor.u32 v18, v59;
	_ =	sdelay $0x1  }
0x4db: {  	v6 =	vshll.u32 v58, $0x1;
	v18 =	vor.u32 v18, v40;
	v4 =	vmul.f32 $8.000000000e+00, v4  }
0x4dc: {  	v6 =	vand.u32 $0x1F00, v6;
	v9 =	vand.u32 $0x6F, v58;
	v5 =	vmul.f32 $8.000000000e+00, v5  }
0x4dd: {  	v6 =	vor.u32 v6, v9;
	v25 =	vor.u32 v23, v31;
	[tilespmem:v0+s17+$0x0] =	vst.idx.msk $0xffff, v4;
	v4 =	vld.idx.msk [tilespmem:v56+s5+$0x0], $0xffff  }
0x4de: {  	v1 =	vmul.f32 $8.000000000e+00, v1;
	v55 =	vor.u32 v23, v42;
	v22 =	vshll.u32 v25, $0x1;
	[tilespmem:v3+s17+$0x0] =	vst.idx.msk $0xffff, v5;
	v11 =	vld.idx.msk [tilespmem:v11+s5+$0x0], $0xffff  }
0x4df: {  	v9 =	vand.u32 $0x5F, v25;
	v51 =	vand.u32 $0x3F00, v22;
	v22 =	vshll.u32 v55, $0x1;
	v29 =	vld [tilespmem:$0x1F9A0]  }
0x4e0: {  	v54 =	vor.u32 v51, v9;
	v56 =	vand.u32 $0x5F, v55;
	[tilespmem:v27+s17+$0x0] =	vst.idx.msk $0xffff, v1;
	v58 =	vld.idx.msk [tilespmem:v18+s5+$0x0], $0xffff;
	v18 =	vand.u32 $0x3F00, v22  }
0x4e1: {  	v0 =	vor.u32 $0x80, v54;
	v1 =	vor.u32 v18, v56;
	v60 =	vld [tilespmem:$0x1FAF0]  }
0x4e2: {  	v3 =	vand.u32 $0x1F00, v52;
	v52 =	vld [tilespmem:$0x1FF70];
	v1 =	vor.u32 $0x80, v1  }
0x4e3: {  	v6 =	vor.u32 $0x80, v6  }
0x4e4: {  	v11 =	vmul.f32 $8.000000000e+00, v11  }
0x4e5: {  	v13 =	vld.idx.msk [tilespmem:v13+s5+$0x0], $0xffff;
	v15 =	vmul.f32 $8.000000000e+00, v58  }
0x4e6: {  	v3 =	vor.u32 v3, v48;
	v4 =	vmul.f32 $8.000000000e+00, v4;
	v27 =	vor.u32 v29, v14;
	[tilespmem:v0+s17+$0x0] =	vst.idx.msk $0xffff, v11  }
0x4e7: {  	v3 =	vor.u32 $0x80, v3;
	v18 =	vor.u32 v60, v63;
	v23 =	vor.u32 v52, v24;
	v48 =	vld [tilespmem:$0x1FE90];
	[tilespmem:v1+s17+$0x0] =	vst.idx.msk $0xffff, v15  }
0x4e8: {  	v9 =	vand.u32 $0x2F00, v38;
	v22 =	vand.u32 $0x2700, v34;
	v28 =	vshll.u32 v23, $0x1;
	v34 =	vld [tilespmem:$0x1F9B0];
	[tilespmem:v6+s17+$0x0] =	vst.idx.msk $0xffff, v4  }
0x4e9: {  	v25 =	vor.u32 v60, v44;
	v61 =	vand.u32 $0x6F, v23;
	v11 =	vand.u32 $0x2700, v28;
	v38 =	vld [tilespmem:$0x1FF50]  }
0x4ea: {  	v0 =	vor.u32 v11, v61;
	v11 =	vmul.f32 $8.000000000e+00, v13;
	v28 =	vld [tilespmem:$0x1FBB0]  }
0x4eb: {  	v23 =	vld.idx.msk [tilespmem:v27+s5+$0x0], $0xffff  }
0x4ec: {  	v62 =	vld.idx.msk [tilespmem:v18+s5+$0x0], $0xffff;
	[tilespmem:v3+s17+$0x0] =	vst.idx.msk $0xffff, v11;
	v18 =	vor.u32 v48, v31  }
0x4ed: {  	v5 =	vor.u32 v29, v26;
	v27 =	vld [tilespmem:$0x1FFE0];
	v58 =	vand.u32 $0x6F, v18  }
0x4ee: {  	v18 =	vor.u32 v22, v20;
	v20 =	vor.u32 v48, v42;
	v22 =	vld.idx.msk [tilespmem:v25+s5+$0x0], $0xffff;
	v15 =	vor.u32 v45, v58  }
0x4ef: {  	v4 =	vor.u32 v38, v24;
	v6 =	vor.u32 v28, v59;
	v20 =	vand.u32 $0x6F, v20  }
0x4f0: {  	v11 =	vor.u32 v28, v40;
	v60 =	vshll.u32 v4, $0x1;
	v20 =	vor.u32 v33, v20  }
0x4f1: {  	v4 =	vand.u32 $0x6F, v4;
	v13 =	vmul.f32 $8.000000000e+00, v62;
	v3 =	vand.u32 $0x2F00, v60  }
0x4f2: {  	v0 =	vor.u32 $0x80, v0;
	v3 =	vor.u32 v3, v4;
	v4 =	vor.u32 v27, v31  }
0x4f3: {  	v55 =	vmov v45;
	v62 =	vmul.f32 $8.000000000e+00, v22;
	v45 =	vshll.u32 v4, $0x1;
	[tilespmem:v15+s17+$0x0] =	vst.idx.msk $0xffff, v13  }
0x4f4: {  	v22 =	vor.u32 v27, v42;
	v4 =	vand.u32 $0x6F, v4;
	v15 =	vand.u32 $0xF00, v45;
	v6 =	vld.idx.msk [tilespmem:v6+s5+$0x0], $0xffff  }
0x4f5: {  	v5 =	vld.idx.msk [tilespmem:v5+s5+$0x0], $0xffff;
	v51 =	vmul.f32 $8.000000000e+00, v23;
	v54 =	vshll.u32 v22, $0x1;
	[tilespmem:v20+s17+$0x0] =	vst.idx.msk $0xffff, v62;
	v4 =	vor.u32 v15, v4  }
0x4f6: {  	v20 =	vand.u32 $0x6F, v22;
	v15 =	vand.u32 $0xF00, v54;
	v11 =	vld.idx.msk [tilespmem:v11+s5+$0x0], $0xffff;
	v4 =	vor.u32 $0x80, v4  }
0x4f7: {  	v61 =	vor.u32 v34, v8;
	v18 =	vor.u32 $0x80, v18;
	[tilespmem:v0+s17+$0x0] =	vst.idx.msk $0xffff, v51;
	v15 =	vor.u32 v15, v20  }
0x4f8: {  	v22 =	vld [tilespmem:$0x1FBF0];
	v15 =	vor.u32 $0x80, v15  }
0x4f9: {  	v6 =	vmul.f32 $8.000000000e+00, v6  }
0x4fa: {  	v5 =	vmul.f32 $8.000000000e+00, v5;
	v60 =	vld [tilespmem:$0x1FFC0]  }
0x4fb: {  	v1 =	vor.u32 v34, v10;
	v45 =	vld [tilespmem:$0x1F9C0];
	[tilespmem:v4+s17+$0x0] =	vst.idx.msk $0xffff, v6;
	v4 =	vmul.f32 $8.000000000e+00, v11  }
0x4fc: {  	v20 =	vld.idx.msk [tilespmem:v61+s5+$0x0], $0xffff;
	[tilespmem:v18+s17+$0x0] =	vst.idx.msk $0xffff, v5  }
0x4fd: {  	v56 =	vor.u32 v22, v63;
	[tilespmem:v15+s17+$0x0] =	vst.idx.msk $0xffff, v4  }
0x4fe: {  	v28 =	vmov v27;
	v3 =	vor.u32 $0x80, v3;
	v22 =	vor.u32 v22, v44;
	v27 =	vld [tilespmem:$0x1FF80]  }
0x4ff: {  	v2 =	vor.u32 v9, v2;
	v23 =	vor.u32 v60, v31  }
0x500: {  	v2 =	vor.u32 $0x80, v2;
	v1 =	vld.idx.msk [tilespmem:v1+s5+$0x0], $0xffff;
	v5 =	vor.u32 v60, v42;
	v9 =	vshll.u32 v23, $0x1  }
0x501: {  	v58 =	vmul.f32 $8.000000000e+00, v20;
	v6 =	vand.u32 $0x6F, v23;
	v9 =	vand.u32 $0x1700, v9;
	v20 =	vld [tilespmem:$0x1FC00]  }
0x502: {  	v0 =	vor.u32 v45, v26;
	v6 =	vor.u32 v9, v6;
	v9 =	vshll.u32 v5, $0x1;
	v13 =	vld.idx.msk [tilespmem:v56+s5+$0x0], $0xffff  }
0x503: {  	v5 =	vand.u32 $0x6F, v5;
	v9 =	vand.u32 $0x1700, v9;
	[tilespmem:v3+s17+$0x0] =	vst.idx.msk $0xffff, v58;
	v18 =	vld.idx.msk [tilespmem:v22+s5+$0x0], $0xffff;
	v4 =	vor.u32 v27, v24  }
0x504: {  	v11 =	vor.u32 v45, v14;
	v5 =	vor.u32 v9, v5;
	v51 =	vld [tilespmem:$0x1FFA0];
	v9 =	vshll.u32 v4, $0x1  }
0x505: {  	v6 =	vor.u32 $0x80, v6;
	v4 =	vand.u32 $0x6F, v4;
	v9 =	vand.u32 $0x3700, v9  }
0x506: {  	v5 =	vor.u32 $0x80, v5;
	v4 =	vor.u32 v9, v4;
	v9 =	vor.u32 v20, v59  }
0x507: {  	v1 =	vmul.f32 $8.000000000e+00, v1;
	v20 =	vor.u32 v20, v40  }
0x508: {  	v61 =	vor.u32 v16, v53;
	v54 =	vld [tilespmem:$0x1F9D0];
	v13 =	vmul.f32 $8.000000000e+00, v13  }
0x509: {  	[tilespmem:v2+s17+$0x0] =	vst.idx.msk $0xffff, v1;
	v11 =	vld.idx.msk [tilespmem:v11+s5+$0x0], $0xffff;
	v16 =	vor.u32 v51, v31;
	v18 =	vmul.f32 $8.000000000e+00, v18  }
0x50a: {  	v0 =	vld.idx.msk [tilespmem:v0+s5+$0x0], $0xffff;
	v62 =	vshll.u32 v16, $0x1;
	v16 =	vand.u32 $0x6F, v16;
	[tilespmem:v6+s17+$0x0] =	vst.idx.msk $0xffff, v13;
	v6 =	vor.u32 v51, v42  }
0x50b: {  	[tilespmem:v5+s17+$0x0] =	vst.idx.msk $0xffff, v18;
	v13 =	vand.u32 $0x1F00, v62;
	v3 =	vor.u32 $0x80, v4;
	v5 =	vshll.u32 v6, $0x1;
	v9 =	vld.idx.msk [tilespmem:v9+s5+$0x0], $0xffff  }
0x50c: {  	v25 =	vand.u32 $0x6F, v6;
	v53 =	vor.u32 v13, v16;
	v5 =	vand.u32 $0x1F00, v5;
	v6 =	vld.idx.msk [tilespmem:v20+s5+$0x0], $0xffff  }
0x50d: {  	v56 =	vor.u32 $0x80, v61;
	v61 =	vld [tilespmem:$0x1FF60];
	v2 =	vor.u32 $0x80, v53;
	v1 =	vor.u32 v5, v25  }
0x50e: {  	v22 =	vor.u32 v54, v8;
	v1 =	vor.u32 $0x80, v1  }
0x50f: {  	v5 =	vmul.f32 $8.000000000e+00, v11  }
0x510: {  	v16 =	vor.u32 v29, v63;
	v9 =	vmul.f32 $8.000000000e+00, v9  }
0x511: {  	v18 =	vor.u32 v29, v44;
	v25 =	vor.u32 v52, v42;
	[tilespmem:v3+s17+$0x0] =	vst.idx.msk $0xffff, v5;
	v6 =	vmul.f32 $8.000000000e+00, v6  }
0x512: {  	v0 =	vmul.f32 $8.000000000e+00, v0;
	v11 =	vor.u32 v61, v24;
	v5 =	vor.u32 v52, v31;
	[tilespmem:v2+s17+$0x0] =	vst.idx.msk $0xffff, v9  }
0x513: {  	v58 =	vshll.u32 v11, $0x1;
	v11 =	vand.u32 $0x6F, v11;
	v62 =	vld.idx.msk [tilespmem:v22+s5+$0x0], $0xffff;
	v9 =	vshll.u32 v5, $0x1;
	[tilespmem:v1+s17+$0x0] =	vst.idx.msk $0xffff, v6  }
0x514: {  	v15 =	vand.u32 $0x3F00, v58;
	v5 =	vand.u32 $0x6F, v5;
	v6 =	vand.u32 $0x2700, v9;
	v29 =	vld [tilespmem:$0x1F9E0]  }
0x515: {  	v3 =	vor.u32 v15, v11;
	v11 =	vld.idx.msk [tilespmem:v16+s5+$0x0], $0xffff;
	v5 =	vor.u32 v6, v5;
	v6 =	vshll.u32 v25, $0x1  }
0x516: {  	v3 =	vor.u32 $0x80, v3;
	v1 =	vand.u32 $0x6F, v25;
	[tilespmem:v56+s17+$0x0] =	vst.idx.msk $0xffff, v0;
	v56 =	vld.idx.msk [tilespmem:v18+s5+$0x0], $0xffff;
	v6 =	vand.u32 $0x2700, v6  }
0x517: {  	v5 =	vor.u32 $0x80, v5;
	v1 =	vor.u32 v6, v1  }
0x518: {  	v1 =	vor.u32 $0x80, v1  }
0x519: {  	v2 =	vmul.f32 $8.000000000e+00, v62;
	v25 =	vld [tilespmem:$0x1FC60]  }
0x51a: {  	v11 =	vmul.f32 $8.000000000e+00, v11  }
0x51b: {  	v4 =	vor.u32 v54, v10;
	v22 =	vld [tilespmem:$0x1FB90];
	[tilespmem:v3+s17+$0x0] =	vst.idx.msk $0xffff, v2;
	v13 =	vmul.f32 $8.000000000e+00, v56  }
0x51c: {  	[tilespmem:v5+s17+$0x0] =	vst.idx.msk $0xffff, v11  }
0x51d: {  	v58 =	vand.u32 $0x3F00, v49;
	v18 =	vor.u32 v34, v59;
	[tilespmem:v1+s17+$0x0] =	vst.idx.msk $0xffff, v13  }
0x51e: {  	v20 =	vor.u32 v34, v40;
	v15 =	vor.u32 v58, v39;
	v16 =	vor.u32 v25, v24;
	v2 =	vld [tilespmem:$0x1FBE0]  }
0x51f: {  	v53 =	vor.u32 v29, v14;
	v16 =	vand.u32 $0x7F, v16;
	v11 =	vor.u32 v38, v42;
	v3 =	vld [tilespmem:$0x1FBC0]  }
0x520: {  	v4 =	vld.idx.msk [tilespmem:v4+s5+$0x0], $0xffff;
	v16 =	vor.u32 v22, v16;
	v22 =	vor.u32 v38, v31;
	v34 =	vshll.u32 v11, $0x1  }
0x521: {  	v15 =	vor.u32 $0x80, v15;
	v5 =	vshll.u32 v22, $0x1;
	v13 =	vand.u32 $0x2F00, v34;
	v34 =	vld [tilespmem:$0x1FFD0]  }
0x522: {  	v6 =	vand.u32 $0x1700, v37;
	v18 =	vld.idx.msk [tilespmem:v18+s5+$0x0], $0xffff;
	v22 =	vand.u32 $0x6F, v22;
	v5 =	vand.u32 $0x2F00, v5  }
0x523: {  	v9 =	vor.u32 v29, v26;
	v11 =	vand.u32 $0x6F, v11;
	v20 =	vld.idx.msk [tilespmem:v20+s5+$0x0], $0xffff;
	v5 =	vor.u32 v5, v22  }
0x524: {  	v0 =	vld.idx.msk [tilespmem:v53+s5+$0x0], $0xffff;
	v2 =	vor.u32 v2, v3;
	v3 =	vor.u32 $0x80, v5;
	v5 =	vor.u32 v13, v11  }
0x525: {  	v37 =	vor.u32 v45, v63;
	v4 =	vmul.f32 $8.000000000e+00, v4;
	v5 =	vor.u32 $0x80, v5  }
0x526: {  	v23 =	vor.u32 v27, v31;
	v39 =	vor.u32 v45, v44;
	v11 =	vor.u32 v34, v24  }
0x527: {  	v62 =	vor.u32 v43, v10;
	[tilespmem:v15+s17+$0x0] =	vst.idx.msk $0xffff, v4;
	v18 =	vmul.f32 $8.000000000e+00, v18;
	v4 =	vshll.u32 v11, $0x1  }
0x528: {  	v9 =	vld.idx.msk [tilespmem:v9+s5+$0x0], $0xffff;
	v20 =	vmul.f32 $8.000000000e+00, v20;
	v11 =	vand.u32 $0x7F, v11;
	v4 =	vand.u32 $0xF00, v4  }
0x529: {  	v0 =	vmul.f32 $8.000000000e+00, v0;
	v4 =	vor.u32 v4, v11;
	v11 =	vshll.u32 v23, $0x1;
	[tilespmem:v3+s17+$0x0] =	vst.idx.msk $0xffff, v18  }
0x52a: {  	v22 =	vor.u32 v43, v8;
	v11 =	vand.u32 $0x3700, v11;
	v18 =	vand.u32 $0x6F, v23;
	[tilespmem:v5+s17+$0x0] =	vst.idx.msk $0xffff, v20;
	v13 =	vld.idx.msk [tilespmem:v37+s5+$0x0], $0xffff  }
0x52b: {  	v3 =	vor.u32 v27, v42;
	v5 =	vor.u32 v11, v18;
	v18 =	vld [tilespmem:$0x1FBD0];
	[tilespmem:v16+s17+$0x0] =	vst.idx.msk $0xffff, v0  }
0x52c: {  	v11 =	vshll.u32 v3, $0x1;
	v23 =	vld [tilespmem:$0x1FBA0]  }
0x52d: {  	v45 =	vmul.f32 $8.000000000e+00, v9;
	v3 =	vand.u32 $0x6F, v3;
	v11 =	vand.u32 $0x3700, v11;
	v15 =	vld.idx.msk [tilespmem:v39+s5+$0x0], $0xffff  }
0x52e: {  	v5 =	vor.u32 $0x80, v5;
	v3 =	vor.u32 v11, v3  }
0x52f: {  	v9 =	vld.idx.msk [tilespmem:v22+s5+$0x0], $0xffff;
	[tilespmem:v2+s17+$0x0] =	vst.idx.msk $0xffff, v45;
	v3 =	vor.u32 $0x80, v3  }
0x530: {  	v11 =	vor.u32 v54, v59;
	v1 =	vld.idx.msk [tilespmem:v62+s5+$0x0], $0xffff;
	v18 =	vand.u32 $0xF00, v18  }
0x531: {  	v4 =	vor.u32 $0x80, v4;
	v13 =	vmul.f32 $8.000000000e+00, v13;
	v18 =	vor.u32 v18, v23  }
0x532: {  	v22 =	vor.u32 v54, v40;
	v15 =	vmul.f32 $8.000000000e+00, v15;
	v53 =	vor.u32 $0x80, v18  }
0x533: {  	v23 =	vor.u32 v61, v31;
	[tilespmem:v5+s17+$0x0] =	vst.idx.msk $0xffff, v13  }
0x534: {  	v54 =	vshll.u32 v23, $0x1;
	[tilespmem:v3+s17+$0x0] =	vst.idx.msk $0xffff, v15;
	v3 =	vmul.f32 $8.000000000e+00, v9  }
0x535: {  	v56 =	vand.u32 $0x6F, v23;
	v11 =	vld.idx.msk [tilespmem:v11+s5+$0x0], $0xffff;
	v1 =	vmul.f32 $8.000000000e+00, v1;
	v2 =	vand.u32 $0x3F00, v54  }
0x536: {  	v5 =	vor.u32 v61, v42;
	v37 =	vld [tilespmem:$0x1FFB0];
	v2 =	vor.u32 v2, v56;
	[tilespmem:v4+s17+$0x0] =	vst.idx.msk $0xffff, v3  }
0x537: {  	v20 =	vor.u32 v47, v14;
	v9 =	vshll.u32 v5, $0x1;
	v15 =	vld.idx.msk [tilespmem:v22+s5+$0x0], $0xffff;
	v2 =	vor.u32 $0x80, v2;
	[tilespmem:v53+s17+$0x0] =	vst.idx.msk $0xffff, v1  }
0x538: {  	v5 =	vand.u32 $0x6F, v5;
	v9 =	vand.u32 $0x3F00, v9;
	v0 =	vld [tilespmem:$0x1FB70]  }
0x539: {  	v16 =	vor.u32 v47, v26;
	v4 =	vor.u32 v9, v5  }
0x53a: {  	v62 =	vor.u32 v29, v63;
	v4 =	vor.u32 $0x80, v4;
	v11 =	vmul.f32 $8.000000000e+00, v11  }
0x53b: {  	v18 =	vor.u32 v29, v44;
	v58 =	vor.u32 v37, v24  }
0x53c: {  	v5 =	vld.idx.msk [tilespmem:v20+s5+$0x0], $0xffff;
	v3 =	vshll.u32 v58, $0x1;
	v9 =	vand.u32 $0x7F, v58;
	[tilespmem:v2+s17+$0x0] =	vst.idx.msk $0xffff, v11  }
0x53d: {  	v3 =	vand.u32 $0x1700, v3;
	v29 =	vld [tilespmem:$0x1FF90];
	v0 =	vor.u32 v6, v0;
	v6 =	vmul.f32 $8.000000000e+00, v15  }
0x53e: {  	v45 =	vld.idx.msk [tilespmem:v16+s5+$0x0], $0xffff;
	v3 =	vor.u32 v3, v9  }
0x53f: {  	v13 =	vld.idx.msk [tilespmem:v62+s5+$0x0], $0xffff;
	v3 =	vor.u32 $0x80, v3;
	[tilespmem:v4+s17+$0x0] =	vst.idx.msk $0xffff, v6;
	v4 =	vor.u32 v25, v31  }
0x540: {  	v6 =	vor.u32 v25, v42;
	v4 =	vand.u32 $0x7F, v4;
	v16 =	vld.idx.msk [tilespmem:v18+s5+$0x0], $0xffff  }
0x541: {  	v6 =	vand.u32 $0x7F, v6;
	v4 =	vor.u32 v55, v4  }
0x542: {  	v5 =	vmul.f32 $8.000000000e+00, v5;
	v53 =	vor.u32 v29, v24;
	v6 =	vor.u32 v33, v6  }
0x543: {  	v11 =	vshll.u32 v53, $0x1  }
0x544: {  	v13 =	vmul.f32 $8.000000000e+00, v13;
	v2 =	vand.u32 $0x7F, v53;
	[tilespmem:v3+s17+$0x0] =	vst.idx.msk $0xffff, v5;
	v11 =	vand.u32 $0x1F00, v11  }
0x545: {  	v39 =	vor.u32 v7, v8;
	v3 =	vld [tilespmem:$0x1FB60];
	v2 =	vor.u32 v11, v2;
	v16 =	vmul.f32 $8.000000000e+00, v16  }
0x546: {  	v23 =	vld [tilespmem:$0x1FB40];
	v11 =	vor.u32 v43, v59;
	[tilespmem:v4+s17+$0x0] =	vst.idx.msk $0xffff, v13;
	v4 =	vor.u32 v34, v42  }
0x547: {  	v0 =	vor.u32 $0x80, v0;
	v18 =	vor.u32 v43, v40;
	[tilespmem:v6+s17+$0x0] =	vst.idx.msk $0xffff, v16;
	v6 =	vshll.u32 v4, $0x1  }
0x548: {  	v9 =	vor.u32 v7, v10;
	v4 =	vand.u32 $0x7F, v4;
	v6 =	vand.u32 $0xF00, v6;
	v16 =	vld [tilespmem:$0x1FB80]  }
0x549: {  	v5 =	vor.u32 v34, v31;
	v4 =	vor.u32 v6, v4;
	v6 =	vld [tilespmem:$0x1FB50]  }
0x54a: {  	v15 =	vmul.f32 $8.000000000e+00, v45;
	v1 =	vld.idx.msk [tilespmem:v39+s5+$0x0], $0xffff;
	v54 =	vshll.u32 v5, $0x1  }
0x54b: {  	v5 =	vand.u32 $0x7F, v5;
	v13 =	vand.u32 $0xF00, v54;
	v11 =	vld.idx.msk [tilespmem:v11+s5+$0x0], $0xffff  }
0x54c: {  	v2 =	vor.u32 $0x80, v2;
	v5 =	vor.u32 v13, v5;
	v55 =	vld.idx.msk [tilespmem:v18+s5+$0x0], $0xffff;
	[tilespmem:v0+s17+$0x0] =	vst.idx.msk $0xffff, v15  }
0x54d: {  	v22 =	vor.u32 v17, v14;
	v5 =	vor.u32 $0x80, v5;
	v9 =	vld.idx.msk [tilespmem:v9+s5+$0x0], $0xffff;
	v16 =	vand.u32 $0x1F00, v16  }
0x54e: {  	v4 =	vor.u32 $0x80, v4;
	v6 =	vor.u32 v16, v6;
	v16 =	vor.u32 v47, v63  }
0x54f: {  	v58 =	vor.u32 v37, v31;
	v1 =	vmul.f32 $8.000000000e+00, v1;
	v18 =	vor.u32 v47, v44  }
0x550: {  	v49 =	vmov v27;
	v27 =	vshll.u32 v58, $0x1;
	v11 =	vmul.f32 $8.000000000e+00, v11  }
0x551: {  	v39 =	vand.u32 $0x1700, v27;
	v33 =	vld [tilespmem:$0x1FE80];
	[tilespmem:v2+s17+$0x0] =	vst.idx.msk $0xffff, v1;
	v13 =	vmul.f32 $8.000000000e+00, v55  }
0x552: {  	[tilespmem:v5+s17+$0x0] =	vst.idx.msk $0xffff, v11;
	v5 =	vor.u32 v37, v42;
	v11 =	vand.u32 $0x7F, v58;
	v47 =	vmul.f32 $8.000000000e+00, v9;
	v9 =	vld.idx.msk [tilespmem:v22+s5+$0x0], $0xffff  }
0x553: {  	[tilespmem:v4+s17+$0x0] =	vst.idx.msk $0xffff, v13;
	v4 =	vor.u32 v39, v11;
	v11 =	vshll.u32 v5, $0x1;
	v43 =	vld.idx.msk [tilespmem:v16+s5+$0x0], $0xffff  }
0x554: {  	v5 =	vand.u32 $0x7F, v5;
	v11 =	vand.u32 $0x1700, v11;
	v16 =	vld.idx.msk [tilespmem:v18+s5+$0x0], $0xffff  }
0x555: {  	v22 =	vld [tilespmem:$0x1FB30];
	v4 =	vor.u32 $0x80, v4;
	v5 =	vor.u32 v11, v5  }
0x556: {  	v20 =	vor.u32 v17, v26;
	v53 =	vor.u32 v7, v59;
	v5 =	vor.u32 $0x80, v5  }
0x557: {  	v7 =	vor.u32 v7, v40;
	v3 =	vand.u32 $0x2700, v3;
	v56 =	vor.u32 v33, v24  }
0x558: {  	v6 =	vor.u32 $0x80, v6;
	v62 =	vshll.u32 v56, $0x1;
	v13 =	vmul.f32 $8.000000000e+00, v43  }
0x559: {  	v0 =	vand.u32 $0x7F, v56;
	v18 =	vor.u32 v29, v31;
	v16 =	vmul.f32 $8.000000000e+00, v16  }
0x55a: {  	v3 =	vor.u32 v3, v22;
	v22 =	vshll.u32 v18, $0x1;
	[tilespmem:v4+s17+$0x0] =	vst.idx.msk $0xffff, v13;
	v4 =	vor.u32 v29, v42  }
0x55b: {  	v55 =	vand.u32 $0x7F, v18;
	v18 =	vand.u32 $0x1F00, v22;
	[tilespmem:v5+s17+$0x0] =	vst.idx.msk $0xffff, v16;
	v56 =	vshll.u32 v4, $0x1;
	v2 =	vld.idx.msk [tilespmem:v53+s5+$0x0], $0xffff  }
0x55c: {  	v5 =	vor.u32 v18, v55;
	v4 =	vand.u32 $0x7F, v4;
	v7 =	vld.idx.msk [tilespmem:v7+s5+$0x0], $0xffff;
	v13 =	vand.u32 $0x1F00, v56  }
0x55d: {  	v5 =	vor.u32 $0x80, v5;
	v4 =	vor.u32 v13, v4  }
0x55e: {  	[tilespmem:v6+s17+$0x0] =	vst.idx.msk $0xffff, v47;
	v16 =	vor.u32 v17, v63;
	v4 =	vor.u32 $0x80, v4  }
0x55f: {  	v17 =	vor.u32 v17, v44;
	v25 =	vld [tilespmem:$0x1FEA0]  }
0x560: {  	v45 =	vand.u32 $0x2700, v62;
	v6 =	vld.idx.msk [tilespmem:v20+s5+$0x0], $0xffff;
	v2 =	vmul.f32 $8.000000000e+00, v2  }
0x561: {  	v54 =	vor.u32 v19, v8;
	v0 =	vor.u32 v45, v0;
	v7 =	vmul.f32 $8.000000000e+00, v7  }
0x562: {  	v39 =	vor.u32 v33, v31;
	v11 =	vor.u32 v19, v10;
	v0 =	vor.u32 $0x80, v0;
	v18 =	vld [tilespmem:$0x1FB00];
	[tilespmem:v5+s17+$0x0] =	vst.idx.msk $0xffff, v2  }
0x563: {  	v9 =	vmul.f32 $8.000000000e+00, v9;
	v20 =	vshll.u32 v39, $0x1;
	v3 =	vor.u32 $0x80, v3;
	[tilespmem:v4+s17+$0x0] =	vst.idx.msk $0xffff, v7;
	v7 =	vld.idx.msk [tilespmem:v16+s5+$0x0], $0xffff  }
0x564: {  	v45 =	vand.u32 $0x2700, v20;
	v43 =	vor.u32 v33, v42;
	v58 =	vor.u32 v25, v24;
	v47 =	vld.idx.msk [tilespmem:v17+s5+$0x0], $0xffff  }
0x565: {  	v5 =	vand.u32 $0x7F, v39;
	v4 =	vmul.f32 $8.000000000e+00, v6;
	v6 =	vshll.u32 v43, $0x1;
	v22 =	vld [tilespmem:$0x1FF20]  }
0x566: {  	v2 =	vand.u32 $0x7F, v43;
	v5 =	vor.u32 v45, v5;
	v6 =	vand.u32 $0x2700, v6  }
0x567: {  	v62 =	vshll.u32 v58, $0x1;
	v5 =	vor.u32 $0x80, v5;
	v2 =	vor.u32 v6, v2  }
0x568: {  	v1 =	vand.u32 $0x7F, v58;
	v13 =	vand.u32 $0x2F00, v62;
	v2 =	vor.u32 $0x80, v2  }
0x569: {  	v23 =	vand.u32 $0x2F00, v23;
	v1 =	vor.u32 v13, v1;
	v16 =	vor.u32 v25, v31  }
0x56a: {  	[tilespmem:v0+s17+$0x0] =	vst.idx.msk $0xffff, v9;
	v7 =	vmul.f32 $8.000000000e+00, v7;
	v6 =	vor.u32 v22, v24;
	v13 =	vmul.f32 $8.000000000e+00, v47  }
0x56b: {  	[tilespmem:v3+s17+$0x0] =	vst.idx.msk $0xffff, v4;
	v9 =	vshll.u32 v6, $0x1;
	v3 =	vand.u32 $0x7F, v6;
	v6 =	vor.u32 v19, v59  }
0x56c: {  	v1 =	vor.u32 $0x80, v1;
	[tilespmem:v5+s17+$0x0] =	vst.idx.msk $0xffff, v7;
	v4 =	vand.u32 $0x3700, v9;
	v9 =	vld.idx.msk [tilespmem:v54+s5+$0x0], $0xffff;
	v54 =	vor.u32 v25, v42  }
0x56d: {  	v55 =	vshll.u32 v16, $0x1;
	v11 =	vld.idx.msk [tilespmem:v11+s5+$0x0], $0xffff;
	[tilespmem:v2+s17+$0x0] =	vst.idx.msk $0xffff, v13;
	v3 =	vor.u32 v4, v3;
	v7 =	vshll.u32 v54, $0x1  }
0x56e: {  	v4 =	vor.u32 v19, v40;
	v56 =	vand.u32 $0x2F00, v7;
	v7 =	vand.u32 $0x7F, v16;
	v16 =	vld [tilespmem:$0x1FEB0]  }
0x56f: {  	v18 =	vor.u32 v23, v18  }
0x570: {  	v8 =	vor.u32 v57, v8;
	v53 =	vor.u32 $0x80, v18;
	v62 =	vor.u32 v21, v26  }
0x571: {  	v58 =	vand.u32 $0x2F00, v55;
	v5 =	vand.u32 $0x7F, v54;
	v6 =	vld.idx.msk [tilespmem:v6+s5+$0x0], $0xffff;
	v9 =	vmul.f32 $8.000000000e+00, v9  }
0x572: {  	v26 =	vld [tilespmem:$0x1FB20];
	v7 =	vor.u32 v58, v7;
	v2 =	vor.u32 v56, v5;
	v5 =	vor.u32 v21, v14  }
0x573: {  	v11 =	vmul.f32 $8.000000000e+00, v11;
	v7 =	vor.u32 $0x80, v7;
	v4 =	vld.idx.msk [tilespmem:v4+s5+$0x0], $0xffff;
	v39 =	vor.u32 v16, v24;
	[tilespmem:v1+s17+$0x0] =	vst.idx.msk $0xffff, v9  }
0x574: {  	v45 =	vor.u32 v22, v42;
	v2 =	vor.u32 $0x80, v2;
	v1 =	vld [tilespmem:$0x1FB10];
	v9 =	vshll.u32 v39, $0x1  }
0x575: {  	[tilespmem:v53+s17+$0x0] =	vst.idx.msk $0xffff, v11;
	v43 =	vand.u32 $0x7F, v39;
	v11 =	vor.u32 v21, v63;
	v9 =	vand.u32 $0x3F00, v9  }
0x576: {  	v6 =	vmul.f32 $8.000000000e+00, v6;
	v0 =	vor.u32 v9, v43;
	v9 =	vor.u32 v21, v44  }
0x577: {  	v47 =	vor.u32 v22, v31;
	v3 =	vor.u32 $0x80, v3;
	v14 =	vand.u32 $0x3700, v26  }
0x578: {  	v5 =	vld.idx.msk [tilespmem:v5+s5+$0x0], $0xffff;
	v53 =	vshll.u32 v47, $0x1;
	v4 =	vmul.f32 $8.000000000e+00, v4;
	[tilespmem:v7+s17+$0x0] =	vst.idx.msk $0xffff, v6;
	v7 =	vshll.u32 v45, $0x1  }
0x579: {  	v13 =	vld.idx.msk [tilespmem:v62+s5+$0x0], $0xffff;
	v6 =	vand.u32 $0x7F, v45;
	v54 =	vand.u32 $0x3700, v7;
	v1 =	vor.u32 v14, v1  }
0x57a: {  	v7 =	vand.u32 $0x3700, v53;
	[tilespmem:v2+s17+$0x0] =	vst.idx.msk $0xffff, v4;
	v4 =	vand.u32 $0x7F, v47;
	v2 =	vor.u32 v54, v6;
	v6 =	vld.idx.msk [tilespmem:v11+s5+$0x0], $0xffff  }
0x57b: {  	v55 =	vor.u32 v57, v59;
	v4 =	vor.u32 v7, v4;
	v1 =	vor.u32 $0x80, v1;
	v9 =	vld.idx.msk [tilespmem:v9+s5+$0x0], $0xffff  }
0x57c: {  	v56 =	vor.u32 v57, v40;
	v7 =	vor.u32 v57, v10;
	v4 =	vor.u32 $0x80, v4  }
0x57d: {  	v5 =	vmul.f32 $8.000000000e+00, v5;
	v11 =	vor.u32 v16, v12;
	v2 =	vor.u32 $0x80, v2  }
0x57e: {  	v10 =	vmul.f32 $8.000000000e+00, v13;
	v57 =	vand.u32 $0x7F, v11;
	v11 =	vshll.u32 v11, $0x1  }
0x57f: {  	[tilespmem:v3+s17+$0x0] =	vst.idx.msk $0xffff, v5;
	v3 =	vand.u32 $0x3F00, v11;
	v5 =	vmul.f32 $8.000000000e+00, v6;
	v6 =	vor.u32 v16, v31  }
0x580: {  	v58 =	vld.idx.msk [tilespmem:v8+s5+$0x0], $0xffff;
	v3 =	vor.u32 v3, v57;
	[tilespmem:v1+s17+$0x0] =	vst.idx.msk $0xffff, v10;
	v8 =	vshll.u32 v6, $0x1;
	v9 =	vmul.f32 $8.000000000e+00, v9  }
0x581: {  	[tilespmem:v4+s17+$0x0] =	vst.idx.msk $0xffff, v5;
	v4 =	vld.idx.msk [tilespmem:v7+s5+$0x0], $0xffff;
	v5 =	vand.u32 $0x7F, v6;
	v6 =	vand.u32 $0x3F00, v8;
	v7 =	vor.u32 v16, v42  }
0x582: {  	v0 =	vor.u32 $0x80, v0;
	v59 =	vld.idx.msk [tilespmem:v55+s5+$0x0], $0xffff;
	v5 =	vor.u32 v6, v5;
	v6 =	vshll.u32 v7, $0x1;
	[tilespmem:v2+s17+$0x0] =	vst.idx.msk $0xffff, v9  }
0x583: {  	v3 =	vor.u32 $0x80, v3;
	v7 =	vand.u32 $0x7F, v7;
	v6 =	vand.u32 $0x3F00, v6;
	v8 =	vld.idx.msk [tilespmem:v56+s5+$0x0], $0xffff  }
0x584: {  	v5 =	vor.u32 $0x80, v5;
	v6 =	vor.u32 v6, v7  }
0x585: {  	v1 =	vmul.f32 $8.000000000e+00, v58;
	v6 =	vor.u32 $0x80, v6  }
0x586: {  	v4 =	vmul.f32 $8.000000000e+00, v4  }
0x587: {  	[tilespmem:v0+s17+$0x0] =	vst.idx.msk $0xffff, v1;
	v62 =	vmul.f32 $8.000000000e+00, v59  }
0x588: {  	[tilespmem:v3+s17+$0x0] =	vst.idx.msk $0xffff, v4;
	v63 =	vmul.f32 $8.000000000e+00, v8  }
0x589: {  	[tilespmem:v5+s17+$0x0] =	vst.idx.msk $0xffff, v62  }
0x58a: {  	s3 =	sshll.u32 s28, $0xA;
	v18 =	vmov v48;
	[tilespmem:v6+s17+$0x0] =	vst.idx.msk $0xffff, v63  }
0x58b: {  	s29 =	simm.s32 $0x4080;
	s28 =	sadd.s32 s2, s3;
	v48 =	vmovc v37;
	v19 =	vmovc v38;
	v53 =	vmov v30;
	v42 =	vmov v32;
	v55 =	vmov v46;
	v43 =	vld [tilespmem:$0x1FEC0]  }
0x58c: {  	s4 =	simm.s32 $0x4180;
	s30 =	simm.s32 $0x10;
	s3 =	sadd.s32 $0x0, s28;
	v46 =	vmovc v50;
	v7 =	vmovc v33;
	v5 =	vmov v29;
	v8 =	vmov v25;
	v4 =	vmov v34;
	v47 =	vld [tilespmem:$0x1FED0]  }
.LBB2_12:
0x58d: {  	[hbm4b:s3+s5] =	stream.linear.scatter [tilespmem:s29], [sflag:$0x4], $0x80, $0x38;
	[tilespmem:$0xB000] =	vst v63  }
0x58e: {  	s3 =	smov.u32 s30;
	s29 =	smov.u32 s4;
	p1 =	sne.s32 s30, $0x3F0  }
.Ltmp10:
0x58f: {  	s30 =	sadd.s32 $0x10, s30;
	(pc) =	sbr.rel @p1 .LBB2_12-.Ltmp10, $2  }
0x590: {  	_ =	sdelay $0x2  }
0x591: {  	s4 =	sadd.s32 $0x100, s4;
	s3 =	sadd.s32 s3, s28  }
0x592: {  	v21 =	vld [tilespmem:$0x1FD40]  }
0x593: {  	v45 =	vld [tilespmem:$0x1FD50]  }
0x594: {  	v50 =	vld [tilespmem:$0x1FD60]  }
0x595: {  	v44 =	vld [tilespmem:$0x1FD70]  }
0x596: {  	v20 =	vld [tilespmem:$0x1FD80]  }
0x597: {  	v56 =	vld [tilespmem:$0x1FD90]  }
0x598: {  	v59 =	vld [tilespmem:$0x1FDA0]  }
0x599: {  	v23 =	vld [tilespmem:$0x1FDB0]  }
0x59a: {  	v62 =	vld [tilespmem:$0x1FDC0]  }
0x59b: {  	v39 =	vld [tilespmem:$0x1FE10]  }
0x59c: {  	v38 =	vld [tilespmem:$0x1FDD0]  }
0x59d: {  	v32 =	vld [tilespmem:$0x1FFF0]  }
0x59e: {  	v37 =	vld [tilespmem:$0x1FDE0]  }
0x59f: {  	v40 =	vld [tilespmem:$0x1FE00]  }
0x5a0: {  	v57 =	vld [tilespmem:$0x1FF30]  }
0x5a1: {  	v9 =	vld [tilespmem:$0x1FC70]  }
0x5a2: {  	v33 =	vld [tilespmem:$0x1FC90]  }
0x5a3: {  	v34 =	vld [tilespmem:$0x1FCA0]  }
0x5a4: {  	v58 =	vld [tilespmem:$0x1FCB0]  }
0x5a5: {  	v63 =	vld [tilespmem:$0x1FCC0]  }
0x5a6: {  	v54 =	vld [tilespmem:$0x1FCD0]  }
0x5a7: {  	v29 =	vld [tilespmem:$0x1FCE0]  }
0x5a8: {  	v15 =	vld [tilespmem:$0x1FE30]  }
0x5a9: {  	[hbm4b:s3+s5] =	stream.linear.scatter [tilespmem:s29], [sflag:$0x4], $0x80, $0x38;
	v17 =	vld [tilespmem:$0x1FCF0]  }
.Ltmp11:
0x5aa: {  	s3 =	sadd.s32 s10, s26;
	v10 =	vld [tilespmem:$0x1FE50];
	(pc) =	sbr.rel .LBB2_14-.Ltmp11, $4  }
0x5ab: {  	v6 =	vmov v28;
	v28 =	vld [tilespmem:$0x1FE60];
	p1 =	sgt.u32 s3, $0x1E83  }
0x5ac: {  	v31 =	vld [tilespmem:$0x1FE70];
	s3 =	sshll.u32 @!p1 s3, $0x7;
	s4 =	simm.s32 @!p1 $0x400  }
0x5ad: {  	v11 =	vld [tilespmem:$0x1FD10];
	s26 =	simm.s32 @!p1 $0x7A1400;
	s28 =	simm.s32 @!p1 $0x2000;
	s3 =	sadd.s32 @!p1 s0, s3  }
0x5ae: {  	v27 =	vlaneseq.u32;
	v13 =	vld [tilespmem:$0x1FD30];
	[tilespmem:s28], [sflag:$0x2] =	stream.strided.gather @!p1 [hbm4b:s3+s4], $0x2000, s26, s4, $0x38  }
.LBB2_16:
0x5af: {  	s3 =	simm.s32 $0x0  }
0x5b0: {  	v3 =	vadd.s32 s3, v27  }
0x5b1: {  	v1 =	vand.u32 $0xF, v3  }
0x5b2: {  	s4 =	simm.s32 $0x1;
	v2 =	vor.u32 v21, v1  }
0x5b3: {  	[tilespmem:s21], [sflag:$0x5] =	stream.linear.gather [hbm4b:s1+s3], $0x2000, $0x38;
	v4 =	vadd.s32 s4, v27;
	[tilespmem:$0xB000] =	vst v63  }
0x5b4: {  	_ =	swait.ge [sflag:s22], $0x2000;
	v49 =	vand.u32 $0xF, v4  }
0x5b5: {  	[sflag:s22] =	ssyncset.done $0x0;
	v5 =	vor.u32 v21, v49  }
0x5b6: {  	v0 =	vshll.u32 v1, $0x6;
	[sflag:s22] =	ssyncadd.s32 $0xFFFFE000  }
0x5b7: {  	v52 =	vmov v6;
	v7 =	vshll.u32 v3, $0x6;
	v6 =	vld.idx.msk [tilespmem:v2+s21+$0x0], $0xffff;
	v2 =	vor.u32 v27, v0  }
0x5b8: {  	v19 =	vand.u32 $0x380, v7;
	v2 =	vand.u32 $0x4F, v2  }
0x5b9: {  	v7 =	vor.u32 v19, v2  }
0x5ba: {  	v8 =	vor.u32 v45, v3;
	v5 =	vld.idx.msk [tilespmem:v5+s21+$0x0], $0xffff  }
0x5bb: {  	v2 =	vshll.u32 v49, $0x6  }
0x5bc: {  	v9 =	vor.u32 v27, v2;
	v6 =	vmul.f32 $8.000000000e+00, v6  }
0x5bd: {  	v63 =	vmov v10;
	v10 =	vor.u32 v45, v4  }
0x5be: {  	[tilespmem:v7+s23+$0x0] =	vst.idx.msk $0xffff, v6  }
0x5bf: {  	v5 =	vmul.f32 $8.000000000e+00, v5;
	v6 =	vld.idx.msk [tilespmem:v8+s21+$0x0], $0xffff;
	_ =	sdelay $0x1  }
0x5c0: {  	v7 =	vor.u32 v43, v0;
	[tilespmem:v9+s23+$0x0] =	vst.idx.msk $0xffff, v5  }
0x5c1: {  	v5 =	vor.u32 v50, v1;
	v8 =	vld.idx.msk [tilespmem:v10+s21+$0x0], $0xffff;
	_ =	sdelay $0x1  }
0x5c2: {  	v9 =	vor.u32 v43, v2;
	v6 =	vmul.f32 $8.000000000e+00, v6  }
0x5c3: {  	v10 =	vor.u32 v50, v49  }
0x5c4: {  	[tilespmem:v7+s23+$0x0] =	vst.idx.msk $0xffff, v6  }
0x5c5: {  	v6 =	vmul.f32 $8.000000000e+00, v8;
	v5 =	vld.idx.msk [tilespmem:v5+s21+$0x0], $0xffff;
	_ =	sdelay $0x1  }
0x5c6: {  	v7 =	vor.u32 v47, v0;
	[tilespmem:v9+s23+$0x0] =	vst.idx.msk $0xffff, v6  }
0x5c7: {  	v6 =	vor.u32 v44, v3;
	v8 =	vld.idx.msk [tilespmem:v10+s21+$0x0], $0xffff;
	_ =	sdelay $0x1  }
0x5c8: {  	v9 =	vor.u32 v47, v2;
	v5 =	vmul.f32 $8.000000000e+00, v5  }
0x5c9: {  	v10 =	vor.u32 v44, v4  }
0x5ca: {  	[tilespmem:v7+s23+$0x0] =	vst.idx.msk $0xffff, v5  }
0x5cb: {  	v5 =	vld.idx.msk [tilespmem:v6+s21+$0x0], $0xffff;
	v6 =	vmul.f32 $8.000000000e+00, v8;
	_ =	sdelay $0x1  }
0x5cc: {  	v7 =	vor.u32 v42, v0;
	[tilespmem:v9+s23+$0x0] =	vst.idx.msk $0xffff, v6  }
0x5cd: {  	v8 =	vor.u32 v62, v1;
	v9 =	vld.idx.msk [tilespmem:v10+s21+$0x0], $0xffff;
	_ =	sdelay $0x1  }
0x5ce: {  	v10 =	vor.u32 v42, v2;
	v5 =	vmul.f32 $8.000000000e+00, v5  }
0x5cf: {  	v11 =	vor.u32 v62, v49  }
0x5d0: {  	s26 =	simm.s32 $0x2;
	[tilespmem:v7+s23+$0x0] =	vst.idx.msk $0xffff, v5  }
0x5d1: {  	v6 =	vadd.s32 s26, v27;
	v5 =	vor.u32 v39, v0;
	v7 =	vld.idx.msk [tilespmem:v8+s21+$0x0], $0xffff;
	v8 =	vmul.f32 $8.000000000e+00, v9  }
0x5d2: {  	v9 =	vand.u32 $0xF, v6;
	v5 =	vand.u32 $0x5F, v5  }
0x5d3: {  	s28 =	simm.s32 $0x3;
	v12 =	vor.u32 v21, v9;
	v13 =	vor.u32 v19, v5;
	[tilespmem:v10+s23+$0x0] =	vst.idx.msk $0xffff, v8  }
0x5d4: {  	v14 =	vor.u32 v38, v3;
	v8 =	vadd.s32 s28, v27;
	v11 =	vld.idx.msk [tilespmem:v11+s21+$0x0], $0xffff  }
0x5d5: {  	v10 =	vand.u32 $0xF, v8  }
0x5d6: {  	v17 =	vor.u32 v39, v2;
	v16 =	vor.u32 v21, v10;
	v7 =	vmul.f32 $8.000000000e+00, v7  }
0x5d7: {  	v36 =	vmov v18;
	v18 =	vor.u32 v38, v4;
	v5 =	vshll.u32 v9, $0x6  }
0x5d8: {  	v20 =	vshll.u32 v6, $0x6;
	v15 =	vor.u32 v27, v5;
	v12 =	vld.idx.msk [tilespmem:v12+s21+$0x0], $0xffff;
	[tilespmem:v13+s23+$0x0] =	vst.idx.msk $0xffff, v7  }
0x5d9: {  	v7 =	vand.u32 $0x4F, v15;
	v15 =	vand.u32 $0x380, v20;
	v13 =	vld.idx.msk [tilespmem:v14+s21+$0x0], $0xffff;
	v11 =	vmul.f32 $8.000000000e+00, v11  }
0x5da: {  	v23 =	vmov v60;
	v60 =	vmov v21;
	v14 =	vor.u32 v15, v7  }
0x5db: {  	v21 =	vor.u32 v32, v0;
	v20 =	vor.u32 v45, v6;
	v16 =	vld.idx.msk [tilespmem:v16+s21+$0x0], $0xffff;
	[tilespmem:v17+s23+$0x0] =	vst.idx.msk $0xffff, v11  }
0x5dc: {  	v7 =	vshll.u32 v10, $0x6;
	v11 =	vor.u32 v37, v1;
	v17 =	vld.idx.msk [tilespmem:v18+s21+$0x0], $0xffff  }
0x5dd: {  	v12 =	vmul.f32 $8.000000000e+00, v12;
	v18 =	vor.u32 v27, v7  }
0x5de: {  	v24 =	vor.u32 v32, v2;
	v22 =	vor.u32 v45, v8;
	v13 =	vmul.f32 $8.000000000e+00, v13  }
0x5df: {  	[tilespmem:v14+s23+$0x0] =	vst.idx.msk $0xffff, v12;
	v12 =	vor.u32 v37, v49  }
0x5e0: {  	v14 =	vld.idx.msk [tilespmem:v20+s21+$0x0], $0xffff;
	[tilespmem:v21+s23+$0x0] =	vst.idx.msk $0xffff, v13;
	v13 =	vmul.f32 $8.000000000e+00, v16  }
0x5e1: {  	v11 =	vld.idx.msk [tilespmem:v11+s21+$0x0], $0xffff;
	v16 =	vmul.f32 $8.000000000e+00, v17  }
0x5e2: {  	v17 =	vor.u32 v43, v5;
	[tilespmem:v18+s23+$0x0] =	vst.idx.msk $0xffff, v13  }
0x5e3: {  	v20 =	vor.u32 v46, v0;
	v18 =	vld.idx.msk [tilespmem:v22+s21+$0x0], $0xffff;
	[tilespmem:v24+s23+$0x0] =	vst.idx.msk $0xffff, v16  }
0x5e4: {  	v13 =	vor.u32 v50, v9;
	v12 =	vld.idx.msk [tilespmem:v12+s21+$0x0], $0xffff  }
0x5e5: {  	v21 =	vor.u32 v43, v7;
	v16 =	vor.u32 v40, v3;
	v14 =	vmul.f32 $8.000000000e+00, v14  }
0x5e6: {  	v22 =	vor.u32 v50, v10;
	v24 =	vor.u32 v46, v2;
	v11 =	vmul.f32 $8.000000000e+00, v11  }
0x5e7: {  	[tilespmem:v17+s23+$0x0] =	vst.idx.msk $0xffff, v14  }
0x5e8: {  	v14 =	vor.u32 v40, v4;
	[tilespmem:v20+s23+$0x0] =	vst.idx.msk $0xffff, v11;
	v11 =	vmul.f32 $8.000000000e+00, v18  }
0x5e9: {  	v13 =	vld.idx.msk [tilespmem:v13+s21+$0x0], $0xffff;
	v12 =	vmul.f32 $8.000000000e+00, v12  }
0x5ea: {  	v16 =	vld.idx.msk [tilespmem:v16+s21+$0x0], $0xffff;
	[tilespmem:v21+s23+$0x0] =	vst.idx.msk $0xffff, v11  }
0x5eb: {  	v18 =	vld.idx.msk [tilespmem:v22+s21+$0x0], $0xffff;
	[tilespmem:v24+s23+$0x0] =	vst.idx.msk $0xffff, v12  }
0x5ec: {  	v20 =	vor.u32 v57, v0;
	v54 =	vld [tilespmem:$0x1FC10]  }
0x5ed: {  	v17 =	vor.u32 v47, v5;
	v14 =	vld.idx.msk [tilespmem:v14+s21+$0x0], $0xffff  }
0x5ee: {  	v21 =	vor.u32 v47, v7  }
0x5ef: {  	v11 =	vor.u32 v44, v6;
	v24 =	vor.u32 v57, v2;
	v16 =	vmul.f32 $8.000000000e+00, v16  }
0x5f0: {  	v13 =	vmul.f32 $8.000000000e+00, v13  }
0x5f1: {  	[tilespmem:v20+s23+$0x0] =	vst.idx.msk $0xffff, v16;
	v16 =	vmul.f32 $8.000000000e+00, v18  }
0x5f2: {  	[tilespmem:v17+s23+$0x0] =	vst.idx.msk $0xffff, v13;
	v12 =	vor.u32 v54, v1;
	v14 =	vmul.f32 $8.000000000e+00, v14  }
0x5f3: {  	v13 =	vor.u32 v54, v49;
	[tilespmem:v21+s23+$0x0] =	vst.idx.msk $0xffff, v16  }
0x5f4: {  	v22 =	vor.u32 v44, v8;
	v11 =	vld.idx.msk [tilespmem:v11+s21+$0x0], $0xffff;
	[tilespmem:v24+s23+$0x0] =	vst.idx.msk $0xffff, v14  }
0x5f5: {  	v56 =	vmov v47;
	v47 =	vld [tilespmem:$0x1FC20]  }
0x5f6: {  	v18 =	vor.u32 v42, v5  }
0x5f7: {  	v17 =	vld.idx.msk [tilespmem:v12+s21+$0x0], $0xffff;
	v12 =	vor.u32 v36, v0  }
0x5f8: {  	v13 =	vld.idx.msk [tilespmem:v13+s21+$0x0], $0xffff;
	v12 =	vand.u32 $0x6F, v12  }
0x5f9: {  	v20 =	vor.u32 v62, v9;
	v21 =	vld.idx.msk [tilespmem:v22+s21+$0x0], $0xffff;
	v11 =	vmul.f32 $8.000000000e+00, v11;
	v22 =	vor.u32 v19, v12  }
0x5fa: {  	v26 =	vor.u32 v36, v2;
	v14 =	vor.u32 v47, v3  }
0x5fb: {  	v24 =	vor.u32 v42, v7;
	[tilespmem:v18+s23+$0x0] =	vst.idx.msk $0xffff, v11;
	v18 =	vor.u32 v47, v4  }
0x5fc: {  	v25 =	vor.u32 v62, v10;
	v17 =	vmul.f32 $8.000000000e+00, v17  }
0x5fd: {  	v13 =	vmul.f32 $8.000000000e+00, v13  }
0x5fe: {  	v20 =	vld.idx.msk [tilespmem:v20+s21+$0x0], $0xffff;
	[tilespmem:v22+s23+$0x0] =	vst.idx.msk $0xffff, v17;
	v17 =	vmul.f32 $8.000000000e+00, v21  }
0x5ff: {  	v53 =	vmov v28;
	v28 =	vor.u32 v39, v5;
	[tilespmem:v26+s23+$0x0] =	vst.idx.msk $0xffff, v13;
	v14 =	vld.idx.msk [tilespmem:v14+s21+$0x0], $0xffff  }
0x600: {  	v22 =	vand.u32 $0x5F, v28;
	v30 =	vld.idx.msk [tilespmem:v18+s21+$0x0], $0xffff;
	[tilespmem:v24+s23+$0x0] =	vst.idx.msk $0xffff, v17  }
0x601: {  	s29 =	simm.s32 $0x4;
	v22 =	vor.u32 v15, v22;
	v24 =	vld.idx.msk [tilespmem:v25+s21+$0x0], $0xffff  }
0x602: {  	v12 =	vadd.s32 s29, v27;
	v25 =	vor.u32 v52, v0;
	v58 =	vld [tilespmem:$0x1FC30]  }
0x603: {  	v34 =	vor.u32 v52, v2;
	v59 =	vor.u32 v39, v7;
	v16 =	vand.u32 $0xF, v12  }
0x604: {  	v41 =	vmovc v57;
	v57 =	vlaneseq.u32;
	v27 =	vor.u32 v60, v16;
	v20 =	vmul.f32 $8.000000000e+00, v20  }
0x605: {  	s30 =	simm.s32 $0x5;
	v28 =	vor.u32 v38, v6;
	v26 =	vshll.u32 v12, $0x6;
	v14 =	vmul.f32 $8.000000000e+00, v14  }
0x606: {  	v13 =	vadd.s32 s30, v57;
	v18 =	vand.u32 $0x380, v26;
	[tilespmem:v22+s23+$0x0] =	vst.idx.msk $0xffff, v20;
	v26 =	vmul.f32 $8.000000000e+00, v30  }
0x607: {  	v17 =	vand.u32 $0xF, v13;
	v29 =	vor.u32 v58, v1;
	[tilespmem:v25+s23+$0x0] =	vst.idx.msk $0xffff, v14;
	v14 =	vmul.f32 $8.000000000e+00, v24  }
0x608: {  	v61 =	vmov v38;
	v11 =	vshll.u32 v16, $0x6;
	v35 =	vor.u32 v60, v17;
	[tilespmem:v34+s23+$0x0] =	vst.idx.msk $0xffff, v26  }
0x609: {  	v33 =	vor.u32 v61, v8;
	v21 =	vor.u32 v57, v11;
	v27 =	vld.idx.msk [tilespmem:v27+s21+$0x0], $0xffff;
	[tilespmem:v59+s23+$0x0] =	vst.idx.msk $0xffff, v14  }
0x60a: {  	v55 =	vmovc v45;
	v45 =	vmov v50;
	v21 =	vand.u32 $0x4F, v21;
	v20 =	vor.u32 v58, v49;
	v50 =	vld [tilespmem:$0x1FC40]  }
0x60b: {  	v21 =	vor.u32 v18, v21;
	v22 =	vld.idx.msk [tilespmem:v28+s21+$0x0], $0xffff  }
0x60c: {  	v38 =	vmov v32;
	v24 =	vor.u32 v55, v12;
	v25 =	vld.idx.msk [tilespmem:v29+s21+$0x0], $0xffff  }
0x60d: {  	v32 =	vor.u32 v23, v0;
	v28 =	vor.u32 v38, v5;
	v29 =	vld.idx.msk [tilespmem:v35+s21+$0x0], $0xffff  }
0x60e: {  	v30 =	vor.u32 v37, v9;
	v27 =	vmul.f32 $8.000000000e+00, v27;
	v59 =	vmovc v39;
	v14 =	vshll.u32 v17, $0x6;
	v39 =	vld.idx.msk [tilespmem:v33+s21+$0x0], $0xffff  }
0x60f: {  	v48 =	vor.u32 v57, v14;
	v20 =	vld.idx.msk [tilespmem:v20+s21+$0x0], $0xffff;
	v26 =	vor.u32 v50, v3  }
0x610: {  	[tilespmem:v21+s23+$0x0] =	vst.idx.msk $0xffff, v27;
	v27 =	vor.u32 v38, v7;
	v21 =	vmul.f32 $8.000000000e+00, v22  }
0x611: {  	v22 =	vor.u32 v55, v13;
	v24 =	vld.idx.msk [tilespmem:v24+s21+$0x0], $0xffff;
	v35 =	vor.u32 v23, v2;
	v25 =	vmul.f32 $8.000000000e+00, v25  }
0x612: {  	v34 =	vor.u32 v37, v10;
	[tilespmem:v28+s23+$0x0] =	vst.idx.msk $0xffff, v21;
	v21 =	vmul.f32 $8.000000000e+00, v29  }
0x613: {  	v29 =	vld.idx.msk [tilespmem:v30+s21+$0x0], $0xffff;
	v30 =	vmul.f32 $8.000000000e+00, v39;
	[tilespmem:v32+s23+$0x0] =	vst.idx.msk $0xffff, v25;
	v25 =	vor.u32 v43, v11  }
0x614: {  	v28 =	vor.u32 v50, v4;
	v20 =	vmul.f32 $8.000000000e+00, v20;
	[tilespmem:v48+s23+$0x0] =	vst.idx.msk $0xffff, v21;
	v26 =	vld.idx.msk [tilespmem:v26+s21+$0x0], $0xffff  }
0x615: {  	v39 =	vor.u32 v45, v16;
	v48 =	vor.u32 v46, v5;
	[tilespmem:v27+s23+$0x0] =	vst.idx.msk $0xffff, v30  }
0x616: {  	v24 =	vmul.f32 $8.000000000e+00, v24;
	v30 =	vor.u32 v51, v0;
	[tilespmem:v35+s23+$0x0] =	vst.idx.msk $0xffff, v20;
	v22 =	vld.idx.msk [tilespmem:v22+s21+$0x0], $0xffff  }
0x617: {  	v35 =	vmov v62;
	v62 =	vld [tilespmem:$0x1FC50]  }
0x618: {  	v23 =	vor.u32 v47, v6;
	v27 =	vld.idx.msk [tilespmem:v34+s21+$0x0], $0xffff;
	[tilespmem:v25+s23+$0x0] =	vst.idx.msk $0xffff, v24;
	v25 =	vmul.f32 $8.000000000e+00, v29  }
0x619: {  	v28 =	vld.idx.msk [tilespmem:v28+s21+$0x0], $0xffff;
	[tilespmem:$0x1F990] =	vst v23;
	v26 =	vmul.f32 $8.000000000e+00, v26  }
0x61a: {  	v21 =	vor.u32 v40, v6;
	[tilespmem:v48+s23+$0x0] =	vst.idx.msk $0xffff, v25  }
0x61b: {  	v33 =	vor.u32 v63, v3;
	v29 =	vld.idx.msk [tilespmem:v39+s21+$0x0], $0xffff;
	[tilespmem:v30+s23+$0x0] =	vst.idx.msk $0xffff, v26  }
0x61c: {  	v24 =	vor.u32 v43, v14;
	v20 =	vor.u32 v62, v1;
	v39 =	vor.u32 v45, v17;
	v45 =	vmovc v63;
	v63 =	vld [tilespmem:$0x1FC60];
	_ =	sdelay $0x1  }
0x61d: {  	v34 =	vor.u32 v46, v7  }
0x61e: {  	v22 =	vmul.f32 $8.000000000e+00, v22;
	v25 =	vor.u32 v40, v8;
	v40 =	vor.u32 v51, v2;
	v21 =	vld.idx.msk [tilespmem:v21+s21+$0x0], $0xffff  }
0x61f: {  	v27 =	vmul.f32 $8.000000000e+00, v27;
	v28 =	vmul.f32 $8.000000000e+00, v28;
	v51 =	vmovc v52;
	v26 =	vor.u32 v62, v49;
	v46 =	vld [tilespmem:$0x1FFD0]  }
0x620: {  	v30 =	vor.u32 v56, v11;
	[tilespmem:v24+s23+$0x0] =	vst.idx.msk $0xffff, v22;
	v37 =	vld.idx.msk [tilespmem:v20+s21+$0x0], $0xffff;
	v20 =	vor.u32 v63, v0  }
0x621: {  	v48 =	vmovc v36;
	v36 =	vor.u32 v44, v12;
	v24 =	vor.u32 v41, v5;
	v31 =	vld.idx.msk [tilespmem:v39+s21+$0x0], $0xffff;
	v52 =	vand.u32 $0x7F, v20  }
0x622: {  	[tilespmem:v34+s23+$0x0] =	vst.idx.msk $0xffff, v27;
	v22 =	vor.u32 v54, v9;
	v27 =	vor.u32 v19, v52  }
0x623: {  	v29 =	vmul.f32 $8.000000000e+00, v29;
	[tilespmem:v40+s23+$0x0] =	vst.idx.msk $0xffff, v28;
	v28 =	vor.u32 v53, v1;
	v1 =	vor.u32 v56, v14  }
0x624: {  	v25 =	vld.idx.msk [tilespmem:v25+s21+$0x0], $0xffff;
	v21 =	vmul.f32 $8.000000000e+00, v21  }
0x625: {  	v26 =	vld.idx.msk [tilespmem:v26+s21+$0x0], $0xffff;
	[tilespmem:v30+s23+$0x0] =	vst.idx.msk $0xffff, v29;
	v29 =	vmul.f32 $8.000000000e+00, v37  }
0x626: {  	v23 =	vmov v53;
	v53 =	vor.u32 v41, v7;
	v30 =	vld.idx.msk [tilespmem:v36+s21+$0x0], $0xffff;
	[tilespmem:v24+s23+$0x0] =	vst.idx.msk $0xffff, v21;
	v21 =	vmul.f32 $8.000000000e+00, v31  }
0x627: {  	v56 =	vor.u32 v63, v2;
	[tilespmem:v27+s23+$0x0] =	vst.idx.msk $0xffff, v29;
	v27 =	vld.idx.msk [tilespmem:v22+s21+$0x0], $0xffff;
	v22 =	vor.u32 v48, v5  }
0x628: {  	v31 =	vor.u32 v42, v11;
	[tilespmem:v1+s23+$0x0] =	vst.idx.msk $0xffff, v21;
	v33 =	vld.idx.msk [tilespmem:v33+s21+$0x0], $0xffff;
	v1 =	vand.u32 $0x6F, v22  }
0x629: {  	s31 =	simm.s32 $0x6;
	v25 =	vmul.f32 $8.000000000e+00, v25;
	v1 =	vor.u32 v15, v1  }
0x62a: {  	v39 =	vor.u32 v46, v0;
	v20 =	vadd.s32 s31, v57;
	v22 =	vmul.f32 $8.000000000e+00, v26  }
0x62b: {  	[tilespmem:v53+s23+$0x0] =	vst.idx.msk $0xffff, v25;
	v30 =	vmul.f32 $8.000000000e+00, v30;
	v26 =	vshll.u32 v20, $0x6  }
0x62c: {  	v36 =	vor.u32 v44, v13;
	[tilespmem:v56+s23+$0x0] =	vst.idx.msk $0xffff, v22;
	v22 =	vand.u32 $0x380, v26;
	v26 =	vmul.f32 $8.000000000e+00, v27  }
0x62d: {  	v24 =	vor.u32 v54, v10;
	v19 =	vand.u32 $0xF, v20;
	[tilespmem:v31+s23+$0x0] =	vst.idx.msk $0xffff, v30;
	v27 =	vmul.f32 $8.000000000e+00, v33  }
0x62e: {  	v40 =	vor.u32 v60, v19;
	[tilespmem:v1+s23+$0x0] =	vst.idx.msk $0xffff, v26  }
0x62f: {  	[tilespmem:v39+s23+$0x0] =	vst.idx.msk $0xffff, v27  }
0x630: {  	v29 =	vor.u32 v45, v4;
	v1 =	vor.u32 v23, v49;
	v23 =	vld [tilespmem:$0x1F990]  }
0x631: {  	v21 =	vshll.u32 v19, $0x6;
	v36 =	vld.idx.msk [tilespmem:v36+s21+$0x0], $0xffff  }
0x632: {  	v34 =	vor.u32 v35, v16;
	v25 =	vor.u32 v57, v21;
	v24 =	vld.idx.msk [tilespmem:v24+s21+$0x0], $0xffff  }
0x633: {  	v25 =	vand.u32 $0x4F, v25;
	v32 =	vld.idx.msk [tilespmem:v40+s21+$0x0], $0xffff  }
0x634: {  	v37 =	vor.u32 v22, v25;
	v25 =	vor.u32 v42, v14  }
0x635: {  	v38 =	vor.u32 v59, v11;
	v45 =	vor.u32 v35, v17;
	v48 =	vor.u32 v48, v7;
	v40 =	vld.idx.msk [tilespmem:v29+s21+$0x0], $0xffff  }
0x636: {  	v59 =	vmovc v61;
	v52 =	vmovc v60;
	v30 =	vmul.f32 $8.000000000e+00, v36;
	v29 =	vor.u32 v47, v8;
	v33 =	vor.u32 v61, v12  }
0x637: {  	v60 =	vmovc v41;
	v34 =	vld.idx.msk [tilespmem:v34+s21+$0x0], $0xffff;
	v26 =	vor.u32 v46, v2;
	v27 =	vand.u32 $0x5F, v38;
	v38 =	vor.u32 v55, v20  }
0x638: {  	v53 =	vmovc v35;
	v56 =	vmovc v42;
	v39 =	vmul.f32 $8.000000000e+00, v32;
	v32 =	vor.u32 v51, v5;
	v31 =	vld.idx.msk [tilespmem:v23+s21+$0x0], $0xffff;
	v23 =	vmul.f32 $8.000000000e+00, v24  }
0x639: {  	v61 =	vmov v55;
	v51 =	vmov v44;
	v35 =	vor.u32 v18, v27;
	v27 =	vld.idx.msk [tilespmem:v28+s21+$0x0], $0xffff;
	[tilespmem:v25+s23+$0x0] =	vst.idx.msk $0xffff, v30  }
0x63a: {  	s25 =	simm.s32 $0x8;
	s4 =	simm.s32 $0x7;
	v44 =	vmov v60;
	v30 =	vor.u32 v58, v9;
	v28 =	vmul.f32 $8.000000000e+00, v40;
	v36 =	vld.idx.msk [tilespmem:v45+s21+$0x0], $0xffff;
	[tilespmem:v48+s23+$0x0] =	vst.idx.msk $0xffff, v23  }
.LBB2_17:
0x63b: {  	_ = 	snop  }
0x63c: {  	v29 =	vld.idx.msk [tilespmem:v29+s21+$0x0], $0xffff  }
0x63d: {  	v40 =	vld [tilespmem:$0x1FFB0]  }
0x63e: {  	v42 =	vld [tilespmem:$0x1FE10]  }
0x63f: {  	v41 =	vld [tilespmem:$0x1FE70]  }
0x640: {  	v24 =	vadd.s32 s4, v57;
	v45 =	vld [tilespmem:$0x1FFE0]  }
0x641: {  	v55 =	vld [tilespmem:$0x1FFF0];
	v25 =	vmul.f32 $8.000000000e+00, v34;
	[tilespmem:v26+s23+$0x0] =	vst.idx.msk $0xffff, v28;
	v23 =	vand.u32 $0xF, v24  }
0x642: {  	v46 =	vld [tilespmem:$0x1FDE0];
	[tilespmem:v37+s23+$0x0] =	vst.idx.msk $0xffff, v39;
	v28 =	vor.u32 v52, v23;
	v60 =	vor.u32 v40, v0  }
0x643: {  	v1 =	vld.idx.msk [tilespmem:v1+s21+$0x0], $0xffff;
	v31 =	vmul.f32 $8.000000000e+00, v31;
	[tilespmem:v35+s23+$0x0] =	vst.idx.msk $0xffff, v25;
	v25 =	vor.u32 v42, v14  }
0x644: {  	v48 =	vor.u32 v59, v13;
	v33 =	vld.idx.msk [tilespmem:v33+s21+$0x0], $0xffff  }
0x645: {  	v27 =	vmul.f32 $8.000000000e+00, v27;
	v38 =	vld.idx.msk [tilespmem:v38+s21+$0x0], $0xffff;
	[tilespmem:v32+s23+$0x0] =	vst.idx.msk $0xffff, v31  }
0x646: {  	v36 =	vmul.f32 $8.000000000e+00, v36;
	v26 =	vor.u32 v41, v3;
	v30 =	vld.idx.msk [tilespmem:v30+s21+$0x0], $0xffff  }
0x647: {  	v3 =	vmov v6;
	v6 =	vmov v12;
	v12 =	vmov v20;
	v20 =	vld.idx.msk [tilespmem:v28+s21+$0x0], $0xffff;
	[tilespmem:v60+s23+$0x0] =	vst.idx.msk $0xffff, v27  }
0x648: {  	v27 =	vor.u32 v41, v4;
	[tilespmem:v25+s23+$0x0] =	vst.idx.msk $0xffff, v36;
	v41 =	vld [tilespmem:$0x1FFC0]  }
0x649: {  	v25 =	vld.idx.msk [tilespmem:v48+s21+$0x0], $0xffff  }
0x64a: {  	v49 =	vor.u32 v45, v7;
	v48 =	vld [tilespmem:$0x1FF90]  }
0x64b: {  	v31 =	vor.u32 v58, v10;
	v60 =	vor.u32 v55, v11  }
0x64c: {  	v32 =	vor.u32 v40, v2;
	v4 =	vmovc v8;
	v8 =	vmovc v13;
	v13 =	vmov v24;
	v24 =	vor.u32 v46, v16  }
0x64d: {  	v29 =	vmul.f32 $8.000000000e+00, v29;
	v26 =	vld.idx.msk [tilespmem:v26+s21+$0x0], $0xffff;
	v28 =	vor.u32 v41, v5  }
0x64e: {  	v35 =	vor.u32 v50, v3;
	v33 =	vmul.f32 $8.000000000e+00, v33  }
0x64f: {  	v1 =	vmul.f32 $8.000000000e+00, v1;
	[tilespmem:v49+s23+$0x0] =	vst.idx.msk $0xffff, v29;
	v49 =	vor.u32 v48, v0  }
0x650: {  	v30 =	vmul.f32 $8.000000000e+00, v30;
	v31 =	vld.idx.msk [tilespmem:v31+s21+$0x0], $0xffff;
	[tilespmem:v60+s23+$0x0] =	vst.idx.msk $0xffff, v33  }
0x651: {  	v29 =	vshll.u32 v23, $0x6;
	[tilespmem:v32+s23+$0x0] =	vst.idx.msk $0xffff, v1;
	v24 =	vld.idx.msk [tilespmem:v24+s21+$0x0], $0xffff  }
0x652: {  	v1 =	vor.u32 v57, v29;
	v26 =	vmul.f32 $8.000000000e+00, v26;
	[tilespmem:v28+s23+$0x0] =	vst.idx.msk $0xffff, v30;
	v30 =	vor.u32 v48, v2;
	v48 =	vld [tilespmem:$0x1FD60]  }
0x653: {  	v0 =	vmovc v5;
	v5 =	vmov v11;
	v11 =	vmov v21;
	v21 =	vor.u32 v61, v13;
	v35 =	vld.idx.msk [tilespmem:v35+s21+$0x0], $0xffff  }
0x654: {  	v55 =	vor.u32 v55, v14;
	[tilespmem:v49+s23+$0x0] =	vst.idx.msk $0xffff, v26;
	v49 =	vld [tilespmem:$0x1FF40]  }
0x655: {  	v20 =	vmul.f32 $8.000000000e+00, v20;
	v27 =	vld.idx.msk [tilespmem:v27+s21+$0x0], $0xffff  }
0x656: {  	v60 =	vor.u32 v46, v17;
	v34 =	vor.u32 v41, v7  }
0x657: {  	v25 =	vmul.f32 $8.000000000e+00, v25;
	v37 =	vor.u32 v43, v11;
	[tilespmem:v1+s23+$0x0] =	vst.idx.msk $0xffff, v20;
	v28 =	vor.u32 v50, v4  }
0x658: {  	v21 =	vld.idx.msk [tilespmem:v21+s21+$0x0], $0xffff;
	v26 =	vor.u32 v48, v19  }
0x659: {  	v20 =	vmul.f32 $8.000000000e+00, v31;
	[tilespmem:v55+s23+$0x0] =	vst.idx.msk $0xffff, v25;
	v55 =	vld [tilespmem:$0x1FFA0];
	v31 =	vor.u32 v49, v5  }
0x65a: {  	v41 =	vld [tilespmem:$0x1FE00];
	v25 =	vmul.f32 $8.000000000e+00, v27;
	v27 =	vmul.f32 $8.000000000e+00, v38  }
0x65b: {  	v32 =	vld.idx.msk [tilespmem:v60+s21+$0x0], $0xffff;
	[tilespmem:v34+s23+$0x0] =	vst.idx.msk $0xffff, v20  }
0x65c: {  	v2 =	vmovc v7;
	v7 =	vmov v14;
	v14 =	vmov v29;
	v24 =	vmul.f32 $8.000000000e+00, v24;
	[tilespmem:v37+s23+$0x0] =	vst.idx.msk $0xffff, v27;
	v28 =	vld.idx.msk [tilespmem:v28+s21+$0x0], $0xffff  }
0x65d: {  	[tilespmem:v30+s23+$0x0] =	vst.idx.msk $0xffff, v25;
	v25 =	vor.u32 v43, v14;
	v30 =	vor.u32 v48, v23;
	v26 =	vld.idx.msk [tilespmem:v26+s21+$0x0], $0xffff  }
0x65e: {  	v60 =	vor.u32 v55, v0;
	[tilespmem:v31+s23+$0x0] =	vst.idx.msk $0xffff, v24;
	v31 =	vor.u32 v55, v2;
	v55 =	vld [tilespmem:$0x1FED0]  }
0x65f: {  	v1 =	vor.u32 v41, v6  }
0x660: {  	v21 =	vmul.f32 $8.000000000e+00, v21  }
0x661: {  	v20 =	vor.u32 v62, v9;
	v48 =	vor.u32 v49, v7  }
0x662: {  	v40 =	vld [tilespmem:$0x1FE50];
	v35 =	vmul.f32 $8.000000000e+00, v35;
	[tilespmem:v25+s23+$0x0] =	vst.idx.msk $0xffff, v21;
	v24 =	vor.u32 v41, v8  }
0x663: {  	v49 =	vor.u32 v62, v10;
	v25 =	vmul.f32 $8.000000000e+00, v28;
	v28 =	vld.idx.msk [tilespmem:v30+s21+$0x0], $0xffff;
	v41 =	vor.u32 v55, v11  }
0x664: {  	v46 =	vor.u32 v51, v12;
	v32 =	vmul.f32 $8.000000000e+00, v32;
	v1 =	vld.idx.msk [tilespmem:v1+s21+$0x0], $0xffff  }
0x665: {  	v36 =	vor.u32 v51, v13;
	[tilespmem:v60+s23+$0x0] =	vst.idx.msk $0xffff, v35;
	v60 =	vld [tilespmem:$0x1FE60]  }
0x666: {  	v21 =	vor.u32 v54, v16;
	[tilespmem:v48+s23+$0x0] =	vst.idx.msk $0xffff, v32;
	v37 =	vld.idx.msk [tilespmem:v20+s21+$0x0], $0xffff;
	v26 =	vmul.f32 $8.000000000e+00, v26  }
0x667: {  	v30 =	vor.u32 v44, v5;
	v20 =	vor.u32 v63, v0;
	v24 =	vld.idx.msk [tilespmem:v24+s21+$0x0], $0xffff;
	[tilespmem:v31+s23+$0x0] =	vst.idx.msk $0xffff, v25  }
0x668: {  	v48 =	vand.u32 $0x7F, v20;
	v20 =	vadd.s32 s25, v57;
	v33 =	vld.idx.msk [tilespmem:v49+s21+$0x0], $0xffff;
	[tilespmem:v41+s23+$0x0] =	vst.idx.msk $0xffff, v26;
	v26 =	vor.u32 v55, v14  }
0x669: {  	v15 =	vor.u32 v15, v48;
	v25 =	vand.u32 $0xF, v20;
	v31 =	vor.u32 v53, v19;
	v35 =	vld.idx.msk [tilespmem:v46+s21+$0x0], $0xffff  }
0x66a: {  	v32 =	vor.u32 v60, v9;
	v1 =	vmul.f32 $8.000000000e+00, v1;
	v49 =	vor.u32 v44, v7;
	v46 =	vld [tilespmem:$0x1FE90]  }
0x66b: {  	v9 =	vmovc v16;
	v34 =	vor.u32 v52, v25;
	v16 =	vmovc v19;
	v19 =	vmov v25;
	v25 =	vmul.f32 $8.000000000e+00, v28  }
0x66c: {  	v29 =	vor.u32 v40, v3;
	v37 =	vmul.f32 $8.000000000e+00, v37;
	v24 =	vmul.f32 $8.000000000e+00, v24;
	[tilespmem:v30+s23+$0x0] =	vst.idx.msk $0xffff, v1  }
0x66d: {  	v1 =	vor.u32 v54, v17;
	v30 =	vor.u32 v63, v2;
	v28 =	vld.idx.msk [tilespmem:v21+s21+$0x0], $0xffff;
	[tilespmem:v26+s23+$0x0] =	vst.idx.msk $0xffff, v25  }
0x66e: {  	v27 =	vor.u32 v47, v6;
	[tilespmem:v15+s23+$0x0] =	vst.idx.msk $0xffff, v37;
	v25 =	vmul.f32 $8.000000000e+00, v33;
	v33 =	vld.idx.msk [tilespmem:v36+s21+$0x0], $0xffff  }
0x66f: {  	v37 =	vor.u32 v40, v4;
	v48 =	vor.u32 v46, v5;
	[tilespmem:v49+s23+$0x0] =	vst.idx.msk $0xffff, v24;
	v49 =	vld [tilespmem:$0x1FFD0]  }
0x670: {  	v55 =	vor.u32 v56, v11;
	v15 =	vmovc v18;
	v18 =	vmovc v22;
	v21 =	vshll.u32 v19, $0x6;
	v22 =	vand.u32 $0x6F, v48  }
0x671: {  	v40 =	vshll.u32 v20, $0x6;
	v29 =	vld.idx.msk [tilespmem:v29+s21+$0x0], $0xffff;
	v35 =	vmul.f32 $8.000000000e+00, v35;
	v26 =	vor.u32 v15, v22  }
0x672: {  	v36 =	vld.idx.msk [tilespmem:v1+s21+$0x0], $0xffff;
	[tilespmem:v30+s23+$0x0] =	vst.idx.msk $0xffff, v25;
	v25 =	vor.u32 v42, v11;
	v22 =	vor.u32 v57, v21  }
0x673: {  	v41 =	vld.idx.msk [tilespmem:v34+s21+$0x0], $0xffff;
	v30 =	vor.u32 v56, v14;
	v1 =	vand.u32 $0x4F, v22;
	v22 =	vand.u32 $0x380, v40  }
0x674: {  	v40 =	vld.idx.msk [tilespmem:v37+s21+$0x0], $0xffff;
	v37 =	vor.u32 v22, v1;
	v1 =	vmul.f32 $8.000000000e+00, v28;
	v24 =	vor.u32 v49, v0  }
0x675: {  	v42 =	vor.u32 v53, v23;
	v48 =	vor.u32 v46, v7;
	[tilespmem:v55+s23+$0x0] =	vst.idx.msk $0xffff, v35  }
0x676: {  	p1 =	slt.u32 s25, $0xE;
	v34 =	vld.idx.msk [tilespmem:v31+s21+$0x0], $0xffff;
	[tilespmem:v26+s23+$0x0] =	vst.idx.msk $0xffff, v1;
	v26 =	vor.u32 v49, v2;
	v49 =	vmul.f32 $8.000000000e+00, v33  }
.Ltmp12:
0x677: {  	v38 =	vor.u32 v61, v20;
	v25 =	vand.u32 $0x5F, v25;
	v28 =	vmul.f32 $8.000000000e+00, v29;
	(pc) =	sbr.rel @p1 .LBB2_17-.Ltmp12, $4  }
0x678: {  	v55 =	vmov v43;
	v35 =	vor.u32 v18, v25;
	v29 =	vor.u32 v47, v8;
	[tilespmem:v30+s23+$0x0] =	vst.idx.msk $0xffff, v49  }
0x679: {  	v39 =	vmul.f32 $8.000000000e+00, v41;
	v1 =	vor.u32 v60, v10;
	v31 =	vld.idx.msk [tilespmem:v27+s21+$0x0], $0xffff;
	[tilespmem:v24+s23+$0x0] =	vst.idx.msk $0xffff, v28;
	v24 =	vmul.f32 $8.000000000e+00, v36  }
0x67a: {  	v43 =	vmovc v55;
	v33 =	vor.u32 v59, v12;
	v10 =	vmov v17;
	v30 =	vor.u32 v58, v9;
	v36 =	vld.idx.msk [tilespmem:v42+s21+$0x0], $0xffff  }
0x67b: {  	s4 =	sadd.s32 $0x1, s25;
	s25 =	sadd.s32 $0x2, s25;
	v17 =	vmov v23;
	v28 =	vmul.f32 $8.000000000e+00, v40;
	v27 =	vld.idx.msk [tilespmem:v32+s21+$0x0], $0xffff;
	v32 =	vor.u32 v45, v5;
	[tilespmem:v48+s23+$0x0] =	vst.idx.msk $0xffff, v24  }
0x67c: {  	v48 =	vadd.s32 s4, v57  }
0x67d: {  	v25 =	vand.u32 $0xF, v48  }
0x67e: {  	v23 =	vor.u32 v52, v25;
	_ =	sdelay $0x4  }
0x67f: {  	v40 =	vld.idx.msk [tilespmem:v23+s21+$0x0], $0xffff  }
0x680: {  	v23 =	vshll.u32 v25, $0x6  }
0x681: {  	v41 =	vor.u32 v57, v23  }
0x682: {  	v42 =	vor.u32 v61, v48;
	_ =	sdelay $0x1  }
0x683: {  	v49 =	vmul.f32 $8.000000000e+00, v40  }
0x684: {  	[tilespmem:v37+s23+$0x0] =	vst.idx.msk $0xffff, v39  }
0x685: {  	v38 =	vld.idx.msk [tilespmem:v38+s21+$0x0], $0xffff;
	[tilespmem:v41+s23+$0x0] =	vst.idx.msk $0xffff, v49  }
0x686: {  	v57 =	vld.idx.msk [tilespmem:v42+s21+$0x0], $0xffff  }
0x687: {  	v52 =	vor.u32 v43, v21;
	v24 =	vld [tilespmem:$0x1FD60]  }
0x688: {  	v61 =	vor.u32 v43, v23;
	_ =	sdelay $0x1  }
0x689: {  	v38 =	vmul.f32 $8.000000000e+00, v38  }
0x68a: {  	v46 =	vmul.f32 $8.000000000e+00, v57  }
0x68b: {  	[tilespmem:v52+s23+$0x0] =	vst.idx.msk $0xffff, v38;
	v60 =	vor.u32 v24, v19  }
0x68c: {  	[tilespmem:v61+s23+$0x0] =	vst.idx.msk $0xffff, v46  }
0x68d: {  	v45 =	vor.u32 v24, v25;
	v24 =	vld [tilespmem:$0x1FED0];
	_ =	sdelay $0x2  }
0x68e: {  	v38 =	vld.idx.msk [tilespmem:v60+s21+$0x0], $0xffff;
	_ =	sdelay $0x1  }
0x68f: {  	v49 =	vor.u32 v24, v21  }
0x690: {  	v57 =	vor.u32 v51, v20;
	v52 =	vld.idx.msk [tilespmem:v45+s21+$0x0], $0xffff;
	_ =	sdelay $0x1  }
0x691: {  	v60 =	vor.u32 v24, v23;
	v38 =	vmul.f32 $8.000000000e+00, v38  }
0x692: {  	v61 =	vor.u32 v51, v48  }
0x693: {  	[tilespmem:v49+s23+$0x0] =	vst.idx.msk $0xffff, v38  }
0x694: {  	v43 =	vmul.f32 $8.000000000e+00, v52;
	v38 =	vld.idx.msk [tilespmem:v57+s21+$0x0], $0xffff;
	_ =	sdelay $0x1  }
0x695: {  	v45 =	vor.u32 v56, v21;
	[tilespmem:v60+s23+$0x0] =	vst.idx.msk $0xffff, v43  }
0x696: {  	v46 =	vld.idx.msk [tilespmem:v61+s21+$0x0], $0xffff;
	_ =	sdelay $0x1  }
0x697: {  	v38 =	vmul.f32 $8.000000000e+00, v38;
	_ =	sdelay $0x1  }
0x698: {  	[tilespmem:v45+s23+$0x0] =	vst.idx.msk $0xffff, v38  }
0x699: {  	v49 =	vor.u32 v53, v19;
	v61 =	vmul.f32 $8.000000000e+00, v46;
	v46 =	vld [tilespmem:$0x1FE10];
	_ =	sdelay $0x2  }
0x69a: {  	v52 =	vor.u32 v56, v23  }
0x69b: {  	v53 =	vor.u32 v53, v25  }
0x69c: {  	v49 =	vld.idx.msk [tilespmem:v49+s21+$0x0], $0xffff;
	v45 =	vor.u32 v46, v21  }
0x69d: {  	v57 =	vor.u32 v46, v14;
	v38 =	vand.u32 $0x5F, v45  }
0x69e: {  	v38 =	vor.u32 v22, v38  }
0x69f: {  	v34 =	vmul.f32 $8.000000000e+00, v34;
	[tilespmem:v52+s23+$0x0] =	vst.idx.msk $0xffff, v61  }
0x6a0: {  	v36 =	vmul.f32 $8.000000000e+00, v36;
	v41 =	vld.idx.msk [tilespmem:v53+s21+$0x0], $0xffff;
	v53 =	vor.u32 v59, v20  }
0x6a1: {  	[tilespmem:v35+s23+$0x0] =	vst.idx.msk $0xffff, v34;
	v45 =	vmul.f32 $8.000000000e+00, v49  }
0x6a2: {  	[tilespmem:v57+s23+$0x0] =	vst.idx.msk $0xffff, v36  }
0x6a3: {  	v52 =	vor.u32 v59, v13;
	[tilespmem:v38+s23+$0x0] =	vst.idx.msk $0xffff, v45  }
0x6a4: {  	v45 =	vld [tilespmem:$0x1FFF0]  }
0x6a5: {  	v38 =	vld.idx.msk [tilespmem:v53+s21+$0x0], $0xffff  }
0x6a6: {  	v60 =	vor.u32 v46, v23;
	v53 =	vld [tilespmem:$0x1FDE0]  }
0x6a7: {  	v33 =	vld.idx.msk [tilespmem:v33+s21+$0x0], $0xffff  }
0x6a8: {  	v36 =	vld.idx.msk [tilespmem:v52+s21+$0x0], $0xffff  }
0x6a9: {  	v61 =	vmovc v59;
	v49 =	vor.u32 v59, v48;
	v57 =	vmul.f32 $8.000000000e+00, v41;
	v59 =	vor.u32 v45, v11  }
0x6aa: {  	v40 =	vor.u32 v45, v14  }
0x6ab: {  	[tilespmem:v60+s23+$0x0] =	vst.idx.msk $0xffff, v57;
	v57 =	vor.u32 v53, v17;
	v60 =	vor.u32 v45, v21  }
0x6ac: {  	v33 =	vmul.f32 $8.000000000e+00, v33  }
0x6ad: {  	v36 =	vmul.f32 $8.000000000e+00, v36  }
0x6ae: {  	[tilespmem:v59+s23+$0x0] =	vst.idx.msk $0xffff, v33;
	v59 =	vmul.f32 $8.000000000e+00, v38  }
0x6af: {  	v35 =	vld.idx.msk [tilespmem:v49+s21+$0x0], $0xffff;
	v39 =	vor.u32 v53, v16;
	[tilespmem:v40+s23+$0x0] =	vst.idx.msk $0xffff, v36  }
0x6b0: {  	v34 =	vld.idx.msk [tilespmem:v57+s21+$0x0], $0xffff;
	[tilespmem:v60+s23+$0x0] =	vst.idx.msk $0xffff, v59  }
0x6b1: {  	v59 =	vld [tilespmem:$0x1FF40]  }
0x6b2: {  	v49 =	vor.u32 v53, v19;
	v57 =	vld [tilespmem:$0x1FE00];
	_ =	sdelay $0x1  }
0x6b3: {  	v52 =	vor.u32 v45, v23;
	v38 =	vld.idx.msk [tilespmem:v39+s21+$0x0], $0xffff;
	_ =	sdelay $0x1  }
0x6b4: {  	v37 =	vor.u32 v53, v25;
	v60 =	vmul.f32 $8.000000000e+00, v35;
	v35 =	vor.u32 v59, v11  }
0x6b5: {  	v49 =	vld.idx.msk [tilespmem:v49+s21+$0x0], $0xffff;
	v39 =	vor.u32 v57, v12;
	_ =	sdelay $0x1  }
0x6b6: {  	[tilespmem:v52+s23+$0x0] =	vst.idx.msk $0xffff, v60;
	v38 =	vmul.f32 $8.000000000e+00, v38;
	v52 =	vor.u32 v59, v21  }
0x6b7: {  	v60 =	vor.u32 v57, v20  }
0x6b8: {  	v37 =	vld.idx.msk [tilespmem:v37+s21+$0x0], $0xffff;
	v40 =	vor.u32 v59, v14;
	[tilespmem:v35+s23+$0x0] =	vst.idx.msk $0xffff, v38  }
0x6b9: {  	v49 =	vmul.f32 $8.000000000e+00, v49;
	v38 =	vld.idx.msk [tilespmem:v39+s21+$0x0], $0xffff  }
0x6ba: {  	v33 =	vor.u32 v57, v13;
	v43 =	vor.u32 v59, v23  }
0x6bb: {  	v34 =	vmul.f32 $8.000000000e+00, v34;
	[tilespmem:v52+s23+$0x0] =	vst.idx.msk $0xffff, v49;
	v35 =	vor.u32 v44, v11  }
0x6bc: {  	v52 =	vld.idx.msk [tilespmem:v60+s21+$0x0], $0xffff  }
0x6bd: {  	[tilespmem:v40+s23+$0x0] =	vst.idx.msk $0xffff, v34;
	v34 =	vmul.f32 $8.000000000e+00, v37  }
0x6be: {  	v38 =	vmul.f32 $8.000000000e+00, v38  }
0x6bf: {  	v33 =	vld.idx.msk [tilespmem:v33+s21+$0x0], $0xffff;
	[tilespmem:v43+s23+$0x0] =	vst.idx.msk $0xffff, v34  }
0x6c0: {  	v36 =	vor.u32 v57, v48;
	[tilespmem:v35+s23+$0x0] =	vst.idx.msk $0xffff, v38  }
0x6c1: {  	v49 =	vor.u32 v44, v14;
	v60 =	vor.u32 v54, v16;
	v35 =	vmul.f32 $8.000000000e+00, v52;
	v52 =	vld [tilespmem:$0x1FE90]  }
0x6c2: {  	v34 =	vor.u32 v54, v17;
	_ =	sdelay $0x1  }
0x6c3: {  	v41 =	vor.u32 v44, v21;
	v33 =	vmul.f32 $8.000000000e+00, v33  }
0x6c4: {  	v36 =	vld.idx.msk [tilespmem:v36+s21+$0x0], $0xffff  }
0x6c5: {  	v38 =	vld.idx.msk [tilespmem:v60+s21+$0x0], $0xffff;
	[tilespmem:v49+s23+$0x0] =	vst.idx.msk $0xffff, v33;
	v60 =	vor.u32 v52, v11  }
0x6c6: {  	v43 =	vor.u32 v44, v23;
	v34 =	vld.idx.msk [tilespmem:v34+s21+$0x0], $0xffff;
	v49 =	vand.u32 $0x6F, v60  }
0x6c7: {  	v42 =	vor.u32 v54, v19;
	v33 =	vor.u32 v18, v49  }
0x6c8: {  	v31 =	vmul.f32 $8.000000000e+00, v31;
	[tilespmem:v41+s23+$0x0] =	vst.idx.msk $0xffff, v35;
	v41 =	vor.u32 v52, v14  }
0x6c9: {  	v37 =	vor.u32 v54, v25;
	v54 =	vmul.f32 $8.000000000e+00, v36  }
0x6ca: {  	[tilespmem:v32+s23+$0x0] =	vst.idx.msk $0xffff, v31;
	v38 =	vmul.f32 $8.000000000e+00, v38  }
0x6cb: {  	[tilespmem:v43+s23+$0x0] =	vst.idx.msk $0xffff, v54;
	v31 =	vmul.f32 $8.000000000e+00, v34  }
0x6cc: {  	v60 =	vld.idx.msk [tilespmem:v42+s21+$0x0], $0xffff;
	v49 =	vor.u32 v52, v21;
	[tilespmem:v33+s23+$0x0] =	vst.idx.msk $0xffff, v38  }
0x6cd: {  	v40 =	vor.u32 v47, v12;
	v39 =	vand.u32 $0x6F, v49;
	v49 =	vld [tilespmem:$0x1FFE0];
	[tilespmem:v41+s23+$0x0] =	vst.idx.msk $0xffff, v31  }
0x6ce: {  	v54 =	vor.u32 v47, v13;
	v24 =	vld [tilespmem:$0x1FFC0]  }
0x6cf: {  	v37 =	vld.idx.msk [tilespmem:v37+s21+$0x0], $0xffff;
	v39 =	vor.u32 v22, v39  }
0x6d0: {  	v29 =	vld.idx.msk [tilespmem:v29+s21+$0x0], $0xffff  }
0x6d1: {  	v30 =	vld.idx.msk [tilespmem:v30+s21+$0x0], $0xffff;
	v32 =	vor.u32 v52, v23  }
0x6d2: {  	v60 =	vmul.f32 $8.000000000e+00, v60;
	v40 =	vld.idx.msk [tilespmem:v40+s21+$0x0], $0xffff;
	v36 =	vor.u32 v49, v7  }
0x6d3: {  	v42 =	vor.u32 v47, v20;
	v35 =	vld.idx.msk [tilespmem:v54+s21+$0x0], $0xffff;
	v31 =	vor.u32 v24, v5  }
0x6d4: {  	[tilespmem:v39+s23+$0x0] =	vst.idx.msk $0xffff, v60;
	v54 =	vmul.f32 $8.000000000e+00, v37;
	v39 =	vor.u32 v49, v11  }
0x6d5: {  	v29 =	vmul.f32 $8.000000000e+00, v29;
	v34 =	vor.u32 v47, v48;
	v60 =	vor.u32 v49, v14  }
0x6d6: {  	v30 =	vmul.f32 $8.000000000e+00, v30;
	[tilespmem:v32+s23+$0x0] =	vst.idx.msk $0xffff, v54  }
0x6d7: {  	v38 =	vor.u32 v58, v10;
	[tilespmem:v36+s23+$0x0] =	vst.idx.msk $0xffff, v29;
	v29 =	vmul.f32 $8.000000000e+00, v40  }
0x6d8: {  	v47 =	vor.u32 v58, v16;
	v41 =	vld.idx.msk [tilespmem:v42+s21+$0x0], $0xffff;
	[tilespmem:v31+s23+$0x0] =	vst.idx.msk $0xffff, v30;
	v30 =	vmul.f32 $8.000000000e+00, v35  }
0x6d9: {  	v37 =	vor.u32 v50, v6;
	[tilespmem:v39+s23+$0x0] =	vst.idx.msk $0xffff, v29  }
0x6da: {  	v34 =	vld.idx.msk [tilespmem:v34+s21+$0x0], $0xffff;
	v54 =	vor.u32 v49, v21;
	[tilespmem:v60+s23+$0x0] =	vst.idx.msk $0xffff, v30  }
0x6db: {  	v60 =	vld [tilespmem:$0x1FFA0]  }
0x6dc: {  	v32 =	vor.u32 v58, v17;
	v38 =	vld.idx.msk [tilespmem:v38+s21+$0x0], $0xffff  }
0x6dd: {  	v31 =	vor.u32 v49, v23;
	v29 =	vmul.f32 $8.000000000e+00, v41;
	v47 =	vld.idx.msk [tilespmem:v47+s21+$0x0], $0xffff  }
0x6de: {  	v36 =	vor.u32 v58, v19;
	v35 =	vld.idx.msk [tilespmem:v37+s21+$0x0], $0xffff;
	v39 =	vor.u32 v24, v7  }
0x6df: {  	v37 =	vor.u32 v58, v25;
	[tilespmem:v54+s23+$0x0] =	vst.idx.msk $0xffff, v29;
	v54 =	vor.u32 v24, v11  }
0x6e0: {  	v40 =	vor.u32 v50, v8;
	v29 =	vmul.f32 $8.000000000e+00, v34;
	v30 =	vor.u32 v60, v5  }
0x6e1: {  	v32 =	vld.idx.msk [tilespmem:v32+s21+$0x0], $0xffff;
	v38 =	vmul.f32 $8.000000000e+00, v38  }
0x6e2: {  	v42 =	vor.u32 v50, v12;
	[tilespmem:v31+s23+$0x0] =	vst.idx.msk $0xffff, v29;
	v47 =	vmul.f32 $8.000000000e+00, v47  }
0x6e3: {  	v58 =	vor.u32 v24, v14;
	v36 =	vld.idx.msk [tilespmem:v36+s21+$0x0], $0xffff;
	v29 =	vmul.f32 $8.000000000e+00, v35;
	[tilespmem:v39+s23+$0x0] =	vst.idx.msk $0xffff, v38  }
0x6e4: {  	v37 =	vld.idx.msk [tilespmem:v37+s21+$0x0], $0xffff;
	[tilespmem:v54+s23+$0x0] =	vst.idx.msk $0xffff, v47  }
0x6e5: {  	v31 =	vor.u32 v50, v13;
	[tilespmem:v30+s23+$0x0] =	vst.idx.msk $0xffff, v29;
	v29 =	vld.idx.msk [tilespmem:v40+s21+$0x0], $0xffff  }
0x6e6: {  	v35 =	vor.u32 v24, v21;
	v30 =	vmul.f32 $8.000000000e+00, v32;
	v47 =	vld [tilespmem:$0x1FFB0]  }
0x6e7: {  	v39 =	vor.u32 v50, v20;
	v32 =	vor.u32 v24, v23  }
0x6e8: {  	[tilespmem:v58+s23+$0x0] =	vst.idx.msk $0xffff, v30;
	v30 =	vor.u32 v60, v7;
	v58 =	vld.idx.msk [tilespmem:v42+s21+$0x0], $0xffff  }
0x6e9: {  	v33 =	vor.u32 v62, v9;
	v54 =	vmul.f32 $8.000000000e+00, v36;
	v36 =	vor.u32 v50, v48  }
0x6ea: {  	v50 =	vmul.f32 $8.000000000e+00, v37;
	[tilespmem:v26+s23+$0x0] =	vst.idx.msk $0xffff, v28;
	v26 =	vmul.f32 $8.000000000e+00, v27;
	v27 =	vor.u32 v60, v11;
	v31 =	vld.idx.msk [tilespmem:v31+s21+$0x0], $0xffff  }
0x6eb: {  	v41 =	vor.u32 v62, v10;
	[tilespmem:v35+s23+$0x0] =	vst.idx.msk $0xffff, v54;
	v29 =	vmul.f32 $8.000000000e+00, v29;
	v38 =	vor.u32 v47, v0  }
0x6ec: {  	v37 =	vor.u32 v60, v14;
	v28 =	vld.idx.msk [tilespmem:v39+s21+$0x0], $0xffff;
	[tilespmem:v32+s23+$0x0] =	vst.idx.msk $0xffff, v50  }
0x6ed: {  	v35 =	vor.u32 v62, v16;
	v42 =	vld [tilespmem:$0x1FE50];
	[tilespmem:v30+s23+$0x0] =	vst.idx.msk $0xffff, v29;
	v30 =	vmul.f32 $8.000000000e+00, v58  }
0x6ee: {  	v43 =	vmov v55;
	v55 =	vor.u32 v60, v21;
	v33 =	vld.idx.msk [tilespmem:v33+s21+$0x0], $0xffff;
	v54 =	vor.u32 v62, v17  }
0x6ef: {  	v36 =	vld.idx.msk [tilespmem:v36+s21+$0x0], $0xffff;
	v29 =	vor.u32 v63, v5;
	v31 =	vmul.f32 $8.000000000e+00, v31;
	[tilespmem:v27+s23+$0x0] =	vst.idx.msk $0xffff, v30  }
0x6f0: {  	v58 =	vor.u32 v62, v19;
	[tilespmem:v38+s23+$0x0] =	vst.idx.msk $0xffff, v26;
	v26 =	vand.u32 $0x7F, v29;
	v29 =	vld.idx.msk [tilespmem:v41+s21+$0x0], $0xffff  }
0x6f1: {  	v50 =	vor.u32 v60, v23;
	[tilespmem:v37+s23+$0x0] =	vst.idx.msk $0xffff, v31;
	v31 =	vor.u32 v63, v11  }
0x6f2: {  	v30 =	vld.idx.msk [tilespmem:v35+s21+$0x0], $0xffff;
	v15 =	vor.u32 v15, v26;
	v26 =	vmul.f32 $8.000000000e+00, v28;
	v28 =	vor.u32 v63, v7  }
0x6f3: {  	v31 =	vand.u32 $0x7F, v31  }
0x6f4: {  	v34 =	vld.idx.msk [tilespmem:v54+s21+$0x0], $0xffff;
	v54 =	vmul.f32 $8.000000000e+00, v36;
	v18 =	vor.u32 v18, v31;
	[tilespmem:v55+s23+$0x0] =	vst.idx.msk $0xffff, v26  }
0x6f5: {  	v33 =	vmul.f32 $8.000000000e+00, v33;
	v55 =	vor.u32 v63, v21;
	v31 =	vld.idx.msk [tilespmem:v58+s21+$0x0], $0xffff;
	v29 =	vmul.f32 $8.000000000e+00, v29  }
0x6f6: {  	v27 =	vor.u32 v62, v25;
	[tilespmem:v50+s23+$0x0] =	vst.idx.msk $0xffff, v54;
	v58 =	vor.u32 v63, v14;
	v36 =	vand.u32 $0x7F, v55  }
0x6f7: {  	v32 =	vor.u32 v42, v6;
	v22 =	vor.u32 v22, v36;
	[tilespmem:v28+s23+$0x0] =	vst.idx.msk $0xffff, v29;
	v28 =	vmul.f32 $8.000000000e+00, v30  }
0x6f8: {  	[tilespmem:v15+s23+$0x0] =	vst.idx.msk $0xffff, v33  }
0x6f9: {  	v26 =	vor.u32 v42, v8;
	v30 =	vmul.f32 $8.000000000e+00, v34;
	[tilespmem:v18+s23+$0x0] =	vst.idx.msk $0xffff, v28  }
0x6fa: {  	v28 =	vmul.f32 $8.000000000e+00, v31;
	v39 =	vld [tilespmem:$0x1FFD0]  }
0x6fb: {  	v27 =	vld.idx.msk [tilespmem:v27+s21+$0x0], $0xffff;
	[tilespmem:v58+s23+$0x0] =	vst.idx.msk $0xffff, v30  }
0x6fc: {  	v15 =	vor.u32 v42, v12;
	v32 =	vld.idx.msk [tilespmem:v32+s21+$0x0], $0xffff;
	[tilespmem:v22+s23+$0x0] =	vst.idx.msk $0xffff, v28  }
0x6fd: {  	v29 =	vor.u32 v42, v13;
	v38 =	vld [tilespmem:$0x1FE60]  }
0x6fe: {  	v63 =	vor.u32 v63, v23;
	v26 =	vld.idx.msk [tilespmem:v26+s21+$0x0], $0xffff  }
0x6ff: {  	v18 =	vor.u32 v39, v5  }
0x700: {  	v1 =	vld.idx.msk [tilespmem:v1+s21+$0x0], $0xffff;
	v62 =	vor.u32 v42, v20  }
0x701: {  	v31 =	vor.u32 v42, v48;
	v15 =	vld.idx.msk [tilespmem:v15+s21+$0x0], $0xffff;
	v22 =	vmul.f32 $8.000000000e+00, v27;
	v30 =	vor.u32 v39, v7  }
0x702: {  	v27 =	vor.u32 v47, v2;
	v28 =	vmul.f32 $8.000000000e+00, v32;
	v29 =	vld.idx.msk [tilespmem:v29+s21+$0x0], $0xffff;
	v10 =	vor.u32 v38, v10  }
0x703: {  	[tilespmem:v63+s23+$0x0] =	vst.idx.msk $0xffff, v22;
	v22 =	vmul.f32 $8.000000000e+00, v26;
	v26 =	vor.u32 v39, v11;
	v9 =	vor.u32 v38, v9  }
0x704: {  	[tilespmem:v18+s23+$0x0] =	vst.idx.msk $0xffff, v28;
	v18 =	vor.u32 v39, v14  }
0x705: {  	v1 =	vmul.f32 $8.000000000e+00, v1;
	v36 =	vld.idx.msk [tilespmem:v62+s21+$0x0], $0xffff  }
0x706: {  	v15 =	vmul.f32 $8.000000000e+00, v15;
	v28 =	vld.idx.msk [tilespmem:v31+s21+$0x0], $0xffff;
	[tilespmem:v30+s23+$0x0] =	vst.idx.msk $0xffff, v22  }
0x707: {  	[tilespmem:v27+s23+$0x0] =	vst.idx.msk $0xffff, v1;
	v37 =	vld.idx.msk [tilespmem:v10+s21+$0x0], $0xffff;
	v10 =	vmul.f32 $8.000000000e+00, v29  }
0x708: {  	v22 =	vor.u32 v39, v21;
	[tilespmem:v26+s23+$0x0] =	vst.idx.msk $0xffff, v15;
	v9 =	vld.idx.msk [tilespmem:v9+s21+$0x0], $0xffff  }
0x709: {  	v16 =	vor.u32 v38, v16;
	v30 =	vor.u32 v39, v23;
	[tilespmem:v18+s23+$0x0] =	vst.idx.msk $0xffff, v10  }
0x70a: {  	v17 =	vor.u32 v38, v17;
	v15 =	vor.u32 v47, v5;
	v31 =	vld [tilespmem:$0x1FE70]  }
0x70b: {  	v25 =	vor.u32 v38, v25;
	v26 =	vmul.f32 $8.000000000e+00, v36;
	v10 =	vor.u32 v47, v7  }
0x70c: {  	v18 =	vmul.f32 $8.000000000e+00, v28  }
0x70d: {  	v19 =	vor.u32 v38, v19;
	[tilespmem:v22+s23+$0x0] =	vst.idx.msk $0xffff, v26;
	v9 =	vmul.f32 $8.000000000e+00, v9  }
0x70e: {  	v16 =	vld.idx.msk [tilespmem:v16+s21+$0x0], $0xffff;
	[tilespmem:v30+s23+$0x0] =	vst.idx.msk $0xffff, v18;
	v1 =	vmul.f32 $8.000000000e+00, v37  }
0x70f: {  	v17 =	vld.idx.msk [tilespmem:v17+s21+$0x0], $0xffff;
	[tilespmem:v15+s23+$0x0] =	vst.idx.msk $0xffff, v9;
	v3 =	vor.u32 v31, v3  }
0x710: {  	v15 =	vld.idx.msk [tilespmem:v25+s21+$0x0], $0xffff;
	[tilespmem:v10+s23+$0x0] =	vst.idx.msk $0xffff, v1;
	v4 =	vor.u32 v31, v4  }
0x711: {  	v6 =	vor.u32 v31, v6;
	v25 =	vld [tilespmem:$0x1FF90]  }
0x712: {  	v18 =	vor.u32 v47, v11;
	v19 =	vld.idx.msk [tilespmem:v19+s21+$0x0], $0xffff;
	v8 =	vor.u32 v31, v8  }
0x713: {  	v9 =	vor.u32 v31, v12;
	v12 =	vor.u32 v47, v14  }
0x714: {  	v10 =	vor.u32 v47, v21;
	v40 =	vor.u32 v31, v13;
	v3 =	vld.idx.msk [tilespmem:v3+s21+$0x0], $0xffff  }
0x715: {  	v13 =	vmul.f32 $8.000000000e+00, v16;
	v16 =	vor.u32 v31, v20;
	v20 =	vor.u32 v47, v23;
	v4 =	vld.idx.msk [tilespmem:v4+s21+$0x0], $0xffff  }
0x716: {  	v17 =	vmul.f32 $8.000000000e+00, v17;
	v22 =	vor.u32 v31, v48;
	v41 =	vor.u32 v25, v0;
	v6 =	vld.idx.msk [tilespmem:v6+s21+$0x0], $0xffff  }
0x717: {  	[tilespmem:v18+s23+$0x0] =	vst.idx.msk $0xffff, v13;
	v13 =	vmul.f32 $8.000000000e+00, v19;
	v50 =	vor.u32 v25, v2;
	v8 =	vld.idx.msk [tilespmem:v8+s21+$0x0], $0xffff  }
0x718: {  	[tilespmem:v12+s23+$0x0] =	vst.idx.msk $0xffff, v17;
	v5 =	vor.u32 v25, v5;
	v9 =	vld.idx.msk [tilespmem:v9+s21+$0x0], $0xffff;
	v12 =	vmul.f32 $8.000000000e+00, v15  }
0x719: {  	[tilespmem:v10+s23+$0x0] =	vst.idx.msk $0xffff, v13;
	v7 =	vor.u32 v25, v7;
	v1 =	vld.idx.msk [tilespmem:v40+s21+$0x0], $0xffff;
	v3 =	vmul.f32 $8.000000000e+00, v3  }
0x71a: {  	v10 =	vor.u32 v25, v11;
	v11 =	vld.idx.msk [tilespmem:v16+s21+$0x0], $0xffff;
	[tilespmem:v20+s23+$0x0] =	vst.idx.msk $0xffff, v12;
	v4 =	vmul.f32 $8.000000000e+00, v4  }
0x71b: {  	v54 =	vmul.f32 $8.000000000e+00, v6;
	v6 =	vld.idx.msk [tilespmem:v22+s21+$0x0], $0xffff;
	[tilespmem:v41+s23+$0x0] =	vst.idx.msk $0xffff, v3;
	v3 =	vor.u32 v25, v14  }
0x71c: {  	v55 =	vmul.f32 $8.000000000e+00, v8;
	[tilespmem:v50+s23+$0x0] =	vst.idx.msk $0xffff, v4;
	v4 =	vor.u32 v25, v21  }
0x71d: {  	v58 =	vmul.f32 $8.000000000e+00, v9;
	[tilespmem:v5+s23+$0x0] =	vst.idx.msk $0xffff, v54;
	v5 =	vor.u32 v25, v23  }
0x71e: {  	v1 =	vmul.f32 $8.000000000e+00, v1;
	[tilespmem:v7+s23+$0x0] =	vst.idx.msk $0xffff, v55  }
0x71f: {  	v62 =	vmul.f32 $8.000000000e+00, v11;
	[tilespmem:v10+s23+$0x0] =	vst.idx.msk $0xffff, v58  }
0x720: {  	v63 =	vmul.f32 $8.000000000e+00, v6;
	[tilespmem:v3+s23+$0x0] =	vst.idx.msk $0xffff, v1  }
0x721: {  	[tilespmem:v4+s23+$0x0] =	vst.idx.msk $0xffff, v62  }
0x722: {  	[tilespmem:v5+s23+$0x0] =	vst.idx.msk $0xffff, v63  }
0x723: {  	[hbm4b:s11+s5] =	stream.linear.scatter [tilespmem:s23], [sflag:$0x5], $0x1000, $0x38;
	[tilespmem:$0xB000] =	vst v63  }
0x724: {  	_ =	swait.ge [sflag:s22], $0x1000  }
0x725: {  	v36 =	vld [tilespmem:$0x1FDF0]  }
0x726: {  	v9 =	vld [tilespmem:$0x1FC70]  }
0x727: {  	v35 =	vld [tilespmem:$0x1FC80]  }
0x728: {  	v33 =	vld [tilespmem:$0x1FC90]  }
0x729: {  	v34 =	vld [tilespmem:$0x1FCA0]  }
0x72a: {  	v58 =	vld [tilespmem:$0x1FCB0]  }
0x72b: {  	v63 =	vld [tilespmem:$0x1FCC0]  }
0x72c: {  	v54 =	vld [tilespmem:$0x1FCD0]  }
0x72d: {  	v29 =	vld [tilespmem:$0x1FCE0]  }
0x72e: {  	v7 =	vld [tilespmem:$0x1FE80]  }
0x72f: {  	v11 =	vld [tilespmem:$0x1FD10]  }
0x730: {  	v8 =	vld [tilespmem:$0x1FEA0]  }
0x731: {  	v22 =	vld [tilespmem:$0x1FF20]  }
0x732: {  	v13 =	vld [tilespmem:$0x1FD30]  }
0x733: {  	v1 =	vmov v47;
	v47 =	vld [tilespmem:$0x1FED0]  }
0x734: {  	v41 =	vld [tilespmem:$0x1FEF0]  }
0x735: {  	v37 =	vmov v53;
	v53 =	vld [tilespmem:$0x1FF00]  }
0x736: {  	v21 =	vld [tilespmem:$0x1FD40]  }
0x737: {  	v55 =	vld [tilespmem:$0x1FF10]  }
0x738: {  	v32 =	vmov v45;
	v45 =	vld [tilespmem:$0x1FD50]  }
0x739: {  	v50 =	vld [tilespmem:$0x1FD60]  }
0x73a: {  	v20 =	vld [tilespmem:$0x1FD80]  }
0x73b: {  	v10 =	vmov v42;
	v42 =	vmov v56;
	v56 =	vld [tilespmem:$0x1FD90]  }
0x73c: {  	v4 =	vmov v39;
	v39 =	vmov v46;
	v46 =	vmov v59;
	v59 =	vld [tilespmem:$0x1FDA0]  }
0x73d: {  	v23 =	vld [tilespmem:$0x1FDB0]  }
0x73e: {  	v62 =	vld [tilespmem:$0x1FDC0]  }
0x73f: {  	v19 =	vld [tilespmem:$0x1FF50]  }
.Ltmp13:
0x740: {  	v28 =	vmov v38;
	v38 =	vmov v61;
	v61 =	vld [tilespmem:$0x1FF60];
	(pc) =	sbr.rel .LBB2_19-.Ltmp13, $4  }
0x741: {  	v18 =	vmov v52;
	v52 =	vld [tilespmem:$0x1FF70]  }
0x742: {  	v6 =	vmov v49;
	v49 =	vld [tilespmem:$0x1FF80]  }
0x743: {  	v27 =	vlaneseq.u32;
	v40 =	vmov v57;
	v57 =	vmov v44;
	[sflag:s22] =	ssyncset.done $0x0;
	v15 =	vld [tilespmem:$0x1FE30]  }
0x744: {  	v44 =	vmovc v51;
	v51 =	vmovc v60;
	v60 =	vmov v24;
	v5 =	vmov v25;
	v48 =	vmov v1;
	v17 =	vld [tilespmem:$0x1FCF0];
	[sflag:s22] =	ssyncadd.s32 $0xFFFFF000  }
.LBB2_20:
0x745: {  	_ =	sfence.sel $0x180000  }
0x746: {  	[bflag:$0x0] =	sbarrier.arrive $0xFFFF  }
0x747: {  	_ =	strace $0x90000047  }
0x748: {  	s0 =	stileid.u32;
	[bflag:$0x2] =	sbarrier.arrive $0xFFFF  }
0x749: {  	p0 =	sne.s32 s0, $0x0;
	s0 =	rddreg [dreg:$0x3]  }
0x74a: {  	s0 =	sadd.s32 @!p0 $0x100000, s0  }
0x74b: {  	[sflag:s0] =	ssyncadd.tile.s32 @!p0 $0x1;
	_ =	shalt  }
.Lfunc_end2:
_tile_overlayer_lowered:
.L_overlay_start_2:
0x74c: {  	(tag) =	ssettag $0x2  }
0x74d: {  	s0 =	rddreg [dreg:$0x0];
	s2 =	stileid.u32  }
0x74e: {  	s1 =	rddreg [dreg:$0x1];
	p0 =	sne.s32 s2, $0x0  }
0x74f: {  	s3 =	rddreg [dreg:$0x2];
	[bflag:$0x3] =	sbarrier.arrive $0xFFFF;
	s2 =	simm.s32 @!p0 $0x1C05  }
0x750: {  	[timem:s3], [sflag:s2] =	dma.local @!p0 [hbm:s0], s1  }
0x751: {  	s0 =	simm.s32 @!p0 $0x5  }
0x752: {  	_ =	swait.ge @!p0 [sflag:s0], s1  }
0x753: {  	s1 =	ssub.s32 @!p0 $0x0, s1;
	[sflag:s0] =	ssyncset.done @!p0 $0x0  }
0x754: {  	[sflag:s0] =	ssyncadd.s32 @!p0 s1  }
0x755: {  	[bflag:$0x3] =	sbarrier.arrive $0xFFFF  }
0x756: {  	_ =	shalt  }

</sc_bundles>
